<compile_context>
chip_gen: v7x
topology: tpu7x:2x2x1
jax: 0.10.2.dev20260603
libtpu: 0.0.44.dev20260713+nightly
codegen_flags: <defaults>
</compile_context>

<pallas_src>
import functools

import jax
import jax.numpy as jnp
from jax import lax
from jax.experimental import pallas as pl
from jax.experimental.pallas import tpu as pltpu
from jax.experimental.pallas import tpu_sc as plsc

N_TOTAL = 32 * 512 * 512
NC, NS, L = 2, 16, 16
NW = NC * NS
PER_TILE = N_TOTAL // NW
CHUNK = 8192
NROW = 16384
NCOL = 512
TROWS = NROW // NW
RCHUNK = 16
NCHUNK = TROWS // RCHUNK
VPC = CHUNK // L
UNROLL = 8

BIN_SHIFT = 19
NBINS = 2176
NROWS_B = NBINS // L
ROWS = 384
ROW_POS_SUM = 2 * NROWS_B
ROW_POS_CNT = 2 * NROWS_B + 1
RPT = ROWS // NS

LN2 = 0.6931471805599453
_NLN_COEFFS = (
    -0.10774685617806666, 0.720358864984173, -2.0998742812324274,
    89.51705148190622,
)


def _hist_kernel(pred_hbm, gt_hbm, out_hbm, pred_buf, gt_buf,
                 cnt_hist, sum_hist, compact,
                 sp0, sg0, sp1, sg1):
    wid = lax.axis_index("c") * NS + lax.axis_index("s")
    base = wid * TROWS
    lane = lax.iota(jnp.int32, L)
    zeros = jnp.zeros((L,), jnp.float32)
    ones = jnp.ones((L,), jnp.float32)
    sems_p = (sp0, sp1)
    sems_g = (sg0, sg1)

    for b in range(2):
        row0 = base + b * RCHUNK
        pltpu.async_copy(pred_hbm.at[pl.ds(row0, RCHUNK)], pred_buf.at[b],
                         sems_p[b])
        pltpu.async_copy(gt_hbm.at[pl.ds(row0, RCHUNK)], gt_buf.at[b],
                         sems_g[b])

    def _zero(i, _):
        for u in range(8):
            cnt_hist[pl.ds((i * 8 + u) * L, L)] = zeros
            sum_hist[pl.ds((i * 8 + u) * L, L)] = zeros
        return _
    lax.fori_loop(0, NBINS // 8, _zero, 0)

    def _step(s, carry):
        pos, cnt = carry
        for b in range(2):
            ci = s * 2 + b
            row = base + ci * RCHUNK
            pltpu.make_async_copy(pred_hbm.at[pl.ds(row, RCHUNK)],
                                  pred_buf.at[b], sems_p[b]).wait()
            pltpu.make_async_copy(gt_hbm.at[pl.ds(row, RCHUNK)],
                                  gt_buf.at[b], sems_g[b]).wait()

            def _vec(j, pc):
                tot_a, cnt_a = pc
                U = range(UNROLL)
                ri = j >> 2
                c0 = (j & 3) * (UNROLL * L)
                ps = [pred_buf[b, ri, pl.ds(c0 + u * L, L)] for u in U]
                gs = [gt_buf[b, ri, pl.ds(c0 + u * L, L)] for u in U]
                omp = [1.0 - ps[u] for u in U]
                xs = [jnp.where(gs[u] > 0.5, ps[u], omp[u]) for u in U]
                bits = [lax.bitcast_convert_type(xs[u], jnp.int32) for u in U]
                ms = [lax.bitcast_convert_type(
                    (bits[u] & 0x7FFFFF) | 0x3F800000, jnp.float32) for u in U]
                t = [jnp.full((L,), _NLN_COEFFS[0], jnp.float32)] * UNROLL
                for c in _NLN_COEFFS[1:]:
                    t = [t[u] * ms[u] + jnp.float32(c) for u in U]
                es = [(bits[u] >> 23).astype(jnp.float32) for u in U]
                nln = [t[u] + es[u] * jnp.float32(-LN2) for u in U]
                loss = nln
                vs = [jnp.where(gs[u] > 0.5, zeros, loss[u]) for u in U]
                idx = [(((lax.bitcast_convert_type(vs[u], jnp.int32)
                          >> BIN_SHIFT) << 4) | lane) for u in U]
                for u in U:
                    plsc.addupdate_scatter(cnt_hist, [idx[u]], ones)
                    plsc.addupdate_scatter(sum_hist, [idx[u]], vs[u])
                tot_a = tot_a + (((loss[0] + loss[1]) + (loss[2] + loss[3]))
                                 + ((loss[4] + loss[5]) + (loss[6] + loss[7])))
                cnt_a = cnt_a + (((gs[0] + gs[1]) + (gs[2] + gs[3]))
                                 + ((gs[4] + gs[5]) + (gs[6] + gs[7])))
                return tot_a, cnt_a
            pos, cnt = lax.fori_loop(0, VPC // UNROLL, _vec, (pos, cnt))

            @pl.when(ci + 2 < NCHUNK)
            def _():
                row2 = base + (ci + 2) * RCHUNK
                pltpu.async_copy(pred_hbm.at[pl.ds(row2, RCHUNK)],
                                 pred_buf.at[b], sems_p[b])
                pltpu.async_copy(gt_hbm.at[pl.ds(row2, RCHUNK)],
                                 gt_buf.at[b], sems_g[b])
        return pos, cnt
    pos, cnt = lax.fori_loop(0, NCHUNK // 2, _step, (zeros, zeros))

    def _reduce(rb, _):
        bin0 = rb * L
        acc_c = jnp.zeros((L,), jnp.float32)
        acc_s = jnp.zeros((L,), jnp.float32)
        for ln in range(L):
            gidx = (lax.iota(jnp.int32, L) + bin0) * L + ln
            acc_c = acc_c + plsc.load_gather(cnt_hist, [gidx])
            acc_s = acc_s + plsc.load_gather(sum_hist, [gidx])
        compact[pl.ds(rb * L, L)] = acc_c
        compact[pl.ds((NROWS_B + rb) * L, L)] = acc_s
        return _
    lax.fori_loop(0, NROWS_B, _reduce, 0)

    compact[pl.ds(ROW_POS_SUM * L, L)] = pos
    compact[pl.ds(ROW_POS_CNT * L, L)] = cnt
    for r in range(ROW_POS_CNT + 1, ROWS):
        compact[pl.ds(r * L, L)] = zeros
    pltpu.sync_copy(compact, out_hbm.at[pl.ds(wid * ROWS * L, ROWS * L)])


def _merge_kernel(parts_hbm, out_hbm, pbuf, acc, full, shared, out_buf, sem):
    cid = lax.axis_index("c")
    sid = lax.axis_index("s")
    r0 = sid * RPT

    for p in range(NW):
        pltpu.async_copy(parts_hbm.at[pl.ds(p * ROWS * L + r0 * L, RPT * L)],
                         pbuf.at[p], sem)
    for p in range(NW):
        pltpu.make_async_copy(
            parts_hbm.at[pl.ds(p * ROWS * L + r0 * L, RPT * L)],
            pbuf.at[p], sem).wait()

    def _acc(p, rows):
        return tuple(rows[r] + pbuf[p, pl.ds(r * L, L)] for r in range(RPT))
    rows = lax.fori_loop(
        0, NW, _acc, tuple(jnp.zeros((L,), jnp.float32) for _ in range(RPT)))
    for r in range(RPT):
        acc[pl.ds(r * L, L)] = rows[r]

    pltpu.sync_copy(acc, shared.at[pl.ds(r0 * L, RPT * L)])
    plsc.subcore_barrier()

    @pl.when(jnp.logical_and(cid == 0, sid == 0))
    def _():
        pltpu.sync_copy(shared, full)
        tot_sum = lax.reduce_sum_p.bind(full[pl.ds(ROW_POS_SUM * L, L)],
                                        axes=(0,))
        pos_cnt = lax.reduce_sum_p.bind(full[pl.ds(ROW_POS_CNT * L, L)],
                                        axes=(0,))
        neg_cnt = jnp.float32(N_TOTAL) - pos_cnt
        k = jnp.minimum(neg_cnt, pos_cnt)

        def _scan(i, st):
            carry, topk, negsum = st
            r = NROWS_B - 1 - i
            cnt_v = full[pl.ds(r * L, L)]
            sum_v = full[pl.ds((NROWS_B + r) * L, L)]
            s_inc = jnp.flip(plsc.cumsum(jnp.flip(cnt_v))) + carry
            m = jnp.clip(k - (s_inc - cnt_v), 0.0, cnt_v)
            take = sum_v * (m / jnp.maximum(cnt_v, 1.0))
            topk = topk + lax.reduce_sum_p.bind(take, axes=(0,))
            carry = carry + lax.reduce_sum_p.bind(cnt_v, axes=(0,))
            negsum = negsum + lax.reduce_sum_p.bind(sum_v, axes=(0,))
            return carry, topk, negsum
        _, topk, negsum = lax.fori_loop(
            0, NROWS_B, _scan,
            (jnp.float32(0.0), jnp.float32(0.0), jnp.float32(0.0)))
        pos_sum = tot_sum - negsum

        num = jnp.full((L,), 1.0, jnp.float32) * (pos_sum + topk)
        den = jnp.full((L,), 1.0, jnp.float32) * (pos_cnt + k
                                                  + jnp.float32(1e-5))
        out_buf[...] = num / den
        pltpu.sync_copy(out_buf, out_hbm)


@jax.jit
def kernel(pred, gt):
    pred_flat = pred.reshape(NROW, NCOL)
    gt_flat = gt.reshape(NROW, NCOL)
    mesh = plsc.VectorSubcoreMesh(core_axis_name="c", subcore_axis_name="s")

    hist = functools.partial(
        pl.kernel, mesh=mesh,
        compiler_params=pltpu.CompilerParams(needs_layout_passes=False,
                                             use_tc_tiling_on_sc=True),
        out_type=jax.ShapeDtypeStruct((NW * ROWS * L,), jnp.float32),
        scratch_types=[
            pltpu.VMEM((2, RCHUNK, NCOL), jnp.float32),
            pltpu.VMEM((2, RCHUNK, NCOL), jnp.float32),
            pltpu.VMEM((NBINS * L,), jnp.float32),
            pltpu.VMEM((NBINS * L,), jnp.float32),
            pltpu.VMEM((ROWS * L,), jnp.float32),
            pltpu.SemaphoreType.DMA,
            pltpu.SemaphoreType.DMA,
            pltpu.SemaphoreType.DMA,
            pltpu.SemaphoreType.DMA,
        ],
    )(_hist_kernel)
    parts = hist(pred_flat, gt_flat)

    merge = functools.partial(
        pl.kernel, mesh=mesh,
        compiler_params=pltpu.CompilerParams(needs_layout_passes=False),
        out_type=jax.ShapeDtypeStruct((L,), jnp.float32),
        scratch_types=[
            pltpu.VMEM((NW, RPT * L), jnp.float32),
            pltpu.VMEM((RPT * L,), jnp.float32),
            pltpu.VMEM((ROWS * L,), jnp.float32),
            pltpu.VMEM_SHARED((ROWS * L,), jnp.float32),
            pltpu.VMEM((L,), jnp.float32),
            pltpu.SemaphoreType.DMA,
        ],
    )(_merge_kernel)
    out = merge(parts)
    return out[0]

# --- scband reference (transcript-rebuilt; emitter-appended) ---
"""Pipeline reference for scband-balance-bceloss-75024488727218 (READ-ONLY COPY).

The authoritative reference and input builder live on the scoring server;
editing this copy changes nothing except your own understanding.
"""

import jax, jax.numpy as jnp
import numpy as np

NEGATIVE_RATIO = 1.0
EPS = 1e-05


def setup_inputs(seed: int = 0) -> dict:
    key = jax.random.key(seed)
    k1, k2 = jax.random.split(key)
    shape = (32, 1, 512, 512)
    pred = jax.random.uniform(k1, shape, dtype=jnp.float32)
    gt = jax.random.randint(k2, shape, 0, 2).astype(jnp.float32)
    return {"pred": pred, "gt": gt}


def reference(pred, gt):
    positive = gt
    negative = 1.0 - gt
    positive_count = jnp.floor(jnp.sum(positive))
    negative_count = jnp.minimum(jnp.floor(jnp.sum(negative)), jnp.floor(positive_count * NEGATIVE_RATIO))
    # binary_cross_entropy with reduction='none'; torch clamps log terms at -100
    log_p = jnp.clip(jnp.log(pred), -100.0, None)
    log_1p = jnp.clip(jnp.log(1.0 - pred), -100.0, None)
    loss = -(gt * log_p + (1.0 - gt) * log_1p)
    positive_loss = loss * positive
    negative_loss = loss * negative
    neg_flat = negative_loss.reshape(-1)
    neg_sorted = -jnp.sort(-neg_flat)
    mask = jnp.arange(neg_flat.shape[0], dtype=jnp.float32) < negative_count
    neg_topk = jnp.where(mask, neg_sorted, 0.0)
    balance_loss = (jnp.sum(positive_loss) + jnp.sum(neg_topk)) / (positive_count + negative_count + EPS)
    return balance_loss

if __name__ == "__main__":
    import jax
    _d = setup_inputs()
    print(jax.jit(kernel)(*tuple(_d.values())))

</pallas_src>

<mosaic_0001>
#map = affine_map<(d0, d1) -> (0, 0)>
#map1 = affine_map<(d0, d1) -> (0)>
module attributes {stable_mosaic.version = 14 : i64} {
  func.func @_hist_kernel(%arg0: i32, %arg1: i32, %arg2: memref<16384x512xf32, #tpu.memory_space<hbm>>, %arg3: memref<16384x512xf32, #tpu.memory_space<hbm>>, %arg4: memref<196608xf32, #tpu.memory_space<hbm>>, %arg5: memref<2x16x512xf32, #tpu.memory_space<vmem>>, %arg6: memref<2x16x512xf32, #tpu.memory_space<vmem>>, %arg7: memref<34816xf32, #tpu.memory_space<vmem>>, %arg8: memref<34816xf32, #tpu.memory_space<vmem>>, %arg9: memref<6144xf32, #tpu.memory_space<vmem>>, %arg10: memref<!tpu.dma_semaphore, #tpu.memory_space<semaphore_mem>>, %arg11: memref<!tpu.dma_semaphore, #tpu.memory_space<semaphore_mem>>, %arg12: memref<!tpu.dma_semaphore, #tpu.memory_space<semaphore_mem>>, %arg13: memref<!tpu.dma_semaphore, #tpu.memory_space<semaphore_mem>>) attributes {dimension_semantics = [#tpu.dimension_semantics<core_parallel>, #tpu.dimension_semantics<subcore_parallel>], iteration_bounds = array<i64: 2, 16>, scalar_prefetch = 0 : i64, scratch_operands = 9 : i64, tpu.core_type = #tpu.core_type<sc_vector_subcore>, window_params = [{transform_indices = #map}, {transform_indices = #map}, {transform_indices = #map1}]} {
    %mul3A = arith.constant 16 : i32
    %mul3A_0 = arith.muli %arg0, %mul3A : i32
    %add3A = arith.addi %mul3A_0, %arg1 : i32
    %mul3A_1 = arith.constant 512 : i32
    %mul3A_2 = arith.muli %add3A, %mul3A_1 : i32
    %iota3A = tpu.iota {dimensions = array<i32: 0>} : vector<16xi32>
    %broadcast_in_dim3A = arith.constant 0.000000e+00 : f32
    %broadcast_in_dim3A_3 = vector.broadcast %broadcast_in_dim3A : f32 to vector<16xf32>
    %broadcast_in_dim3A_4 = arith.constant 1.000000e+00 : f32
    %broadcast_in_dim3A_5 = vector.broadcast %broadcast_in_dim3A_4 : f32 to vector<16xf32>
    %add3A_6 = arith.constant 0 : i32
    %add3A_7 = arith.addi %mul3A_2, %add3A_6 : i32
    %dma_start3A = arith.constant 0 : i32
    %dma_start3A_8 = arith.constant 0 : i32
    %dma_start3A_9 = arith.constant 0 : i32
    %dma_start3A_10 = tpu.memref_slice %arg5[%dma_start3A, %dma_start3A_8, %dma_start3A_9] : memref<2x16x512xf32, #tpu.memory_space<vmem>> -> memref<1x16x512xf32, #tpu.memory_space<vmem>>
    %dma_start3A_11 = tpu.memref_squeeze %dma_start3A_10 : memref<1x16x512xf32, #tpu.memory_space<vmem>> -> memref<16x512xf32, #tpu.memory_space<vmem>>
    %dma_start3A_12 = arith.constant 0 : i32
    %dma_start3A_13 = tpu.memref_slice %arg2[%add3A_7, %dma_start3A_12] : memref<16384x512xf32, #tpu.memory_space<hbm>> -> memref<16x512xf32, #tpu.memory_space<hbm>>
    %dma_start3A_14 = arith.constant 0 : i32
    %dma_start3A_15 = arith.constant 0 : i32
    %dma_start3A_16 = tpu.memref_slice %arg5[%dma_start3A, %dma_start3A_14, %dma_start3A_15] : memref<2x16x512xf32, #tpu.memory_space<vmem>> -> memref<1x16x512xf32, #tpu.memory_space<vmem>>
    %dma_start3A_17 = tpu.memref_squeeze %dma_start3A_16 : memref<1x16x512xf32, #tpu.memory_space<vmem>> -> memref<16x512xf32, #tpu.memory_space<vmem>>
    %dma_start3A_18 = arith.constant 0 : i32
    %dma_start3A_19 = tpu.memref_slice %arg2[%add3A_7, %dma_start3A_18] : memref<16384x512xf32, #tpu.memory_space<hbm>> -> memref<16x512xf32, #tpu.memory_space<hbm>>
    tpu.enqueue_dma source(%dma_start3A_19 : memref<16x512xf32, #tpu.memory_space<hbm>>) target(%dma_start3A_17 : memref<16x512xf32, #tpu.memory_space<vmem>>) target_semaphore(%arg10 : memref<!tpu.dma_semaphore, #tpu.memory_space<semaphore_mem>>)
    %dma_start3A_20 = arith.constant 0 : i32
    %dma_start3A_21 = arith.constant 0 : i32
    %dma_start3A_22 = arith.constant 0 : i32
    %dma_start3A_23 = tpu.memref_slice %arg6[%dma_start3A_20, %dma_start3A_21, %dma_start3A_22] : memref<2x16x512xf32, #tpu.memory_space<vmem>> -> memref<1x16x512xf32, #tpu.memory_space<vmem>>
    %dma_start3A_24 = tpu.memref_squeeze %dma_start3A_23 : memref<1x16x512xf32, #tpu.memory_space<vmem>> -> memref<16x512xf32, #tpu.memory_space<vmem>>
    %dma_start3A_25 = arith.constant 0 : i32
    %dma_start3A_26 = tpu.memref_slice %arg3[%add3A_7, %dma_start3A_25] : memref<16384x512xf32, #tpu.memory_space<hbm>> -> memref<16x512xf32, #tpu.memory_space<hbm>>
    %dma_start3A_27 = arith.constant 0 : i32
    %dma_start3A_28 = arith.constant 0 : i32
    %dma_start3A_29 = tpu.memref_slice %arg6[%dma_start3A_20, %dma_start3A_27, %dma_start3A_28] : memref<2x16x512xf32, #tpu.memory_space<vmem>> -> memref<1x16x512xf32, #tpu.memory_space<vmem>>
    %dma_start3A_30 = tpu.memref_squeeze %dma_start3A_29 : memref<1x16x512xf32, #tpu.memory_space<vmem>> -> memref<16x512xf32, #tpu.memory_space<vmem>>
    %dma_start3A_31 = arith.constant 0 : i32
    %dma_start3A_32 = tpu.memref_slice %arg3[%add3A_7, %dma_start3A_31] : memref<16384x512xf32, #tpu.memory_space<hbm>> -> memref<16x512xf32, #tpu.memory_space<hbm>>
    tpu.enqueue_dma source(%dma_start3A_32 : memref<16x512xf32, #tpu.memory_space<hbm>>) target(%dma_start3A_30 : memref<16x512xf32, #tpu.memory_space<vmem>>) target_semaphore(%arg11 : memref<!tpu.dma_semaphore, #tpu.memory_space<semaphore_mem>>)
    %add3A_33 = arith.constant 16 : i32
    %add3A_34 = arith.addi %mul3A_2, %add3A_33 : i32
    %dma_start3A_35 = arith.constant 1 : i32
    %dma_start3A_36 = arith.constant 0 : i32
    %dma_start3A_37 = arith.constant 0 : i32
    %dma_start3A_38 = tpu.memref_slice %arg5[%dma_start3A_35, %dma_start3A_36, %dma_start3A_37] : memref<2x16x512xf32, #tpu.memory_space<vmem>> -> memref<1x16x512xf32, #tpu.memory_space<vmem>>
    %dma_start3A_39 = tpu.memref_squeeze %dma_start3A_38 : memref<1x16x512xf32, #tpu.memory_space<vmem>> -> memref<16x512xf32, #tpu.memory_space<vmem>>
    %dma_start3A_40 = arith.constant 0 : i32
    %dma_start3A_41 = tpu.memref_slice %arg2[%add3A_34, %dma_start3A_40] : memref<16384x512xf32, #tpu.memory_space<hbm>> -> memref<16x512xf32, #tpu.memory_space<hbm>>
    %dma_start3A_42 = arith.constant 0 : i32
    %dma_start3A_43 = arith.constant 0 : i32
    %dma_start3A_44 = tpu.memref_slice %arg5[%dma_start3A_35, %dma_start3A_42, %dma_start3A_43] : memref<2x16x512xf32, #tpu.memory_space<vmem>> -> memref<1x16x512xf32, #tpu.memory_space<vmem>>
    %dma_start3A_45 = tpu.memref_squeeze %dma_start3A_44 : memref<1x16x512xf32, #tpu.memory_space<vmem>> -> memref<16x512xf32, #tpu.memory_space<vmem>>
    %dma_start3A_46 = arith.constant 0 : i32
    %dma_start3A_47 = tpu.memref_slice %arg2[%add3A_34, %dma_start3A_46] : memref<16384x512xf32, #tpu.memory_space<hbm>> -> memref<16x512xf32, #tpu.memory_space<hbm>>
    tpu.enqueue_dma source(%dma_start3A_47 : memref<16x512xf32, #tpu.memory_space<hbm>>) target(%dma_start3A_45 : memref<16x512xf32, #tpu.memory_space<vmem>>) target_semaphore(%arg12 : memref<!tpu.dma_semaphore, #tpu.memory_space<semaphore_mem>>)
    %dma_start3A_48 = arith.constant 1 : i32
    %dma_start3A_49 = arith.constant 0 : i32
    %dma_start3A_50 = arith.constant 0 : i32
    %dma_start3A_51 = tpu.memref_slice %arg6[%dma_start3A_48, %dma_start3A_49, %dma_start3A_50] : memref<2x16x512xf32, #tpu.memory_space<vmem>> -> memref<1x16x512xf32, #tpu.memory_space<vmem>>
    %dma_start3A_52 = tpu.memref_squeeze %dma_start3A_51 : memref<1x16x512xf32, #tpu.memory_space<vmem>> -> memref<16x512xf32, #tpu.memory_space<vmem>>
    %dma_start3A_53 = arith.constant 0 : i32
    %dma_start3A_54 = tpu.memref_slice %arg3[%add3A_34, %dma_start3A_53] : memref<16384x512xf32, #tpu.memory_space<hbm>> -> memref<16x512xf32, #tpu.memory_space<hbm>>
    %dma_start3A_55 = arith.constant 0 : i32
    %dma_start3A_56 = arith.constant 0 : i32
    %dma_start3A_57 = tpu.memref_slice %arg6[%dma_start3A_48, %dma_start3A_55, %dma_start3A_56] : memref<2x16x512xf32, #tpu.memory_space<vmem>> -> memref<1x16x512xf32, #tpu.memory_space<vmem>>
    %dma_start3A_58 = tpu.memref_squeeze %dma_start3A_57 : memref<1x16x512xf32, #tpu.memory_space<vmem>> -> memref<16x512xf32, #tpu.memory_space<vmem>>
    %dma_start3A_59 = arith.constant 0 : i32
    %dma_start3A_60 = tpu.memref_slice %arg3[%add3A_34, %dma_start3A_59] : memref<16384x512xf32, #tpu.memory_space<hbm>> -> memref<16x512xf32, #tpu.memory_space<hbm>>
    tpu.enqueue_dma source(%dma_start3A_60 : memref<16x512xf32, #tpu.memory_space<hbm>>) target(%dma_start3A_58 : memref<16x512xf32, #tpu.memory_space<vmem>>) target_semaphore(%arg13 : memref<!tpu.dma_semaphore, #tpu.memory_space<semaphore_mem>>)
    %scan3A = arith.constant 0 : i32
    %scan3A_61 = arith.constant 0 : i32
    %scan3A_62 = arith.constant 272 : i32
    %scan3A_63 = arith.addi %scan3A_61, %scan3A_62 : i32
    %scan3A_64 = arith.constant 1 : i32
    scf.for %scan3A_305 = %scan3A_61 to %scan3A_63 step %scan3A_64  : i32 {
      %mul3A_306 = arith.constant 8 : i32
      %mul3A_307 = arith.muli %scan3A_305, %mul3A_306 : i32
      %add3A_308 = arith.constant 0 : i32
      %add3A_309 = arith.addi %mul3A_307, %add3A_308 : i32
      %mul3A_310 = arith.constant 16 : i32
      %mul3A_311 = arith.muli %add3A_309, %mul3A_310 : i32
      %swap3A_312 = arith.index_cast %mul3A_311 : i32 to index
      %swap3A_313 = tpu.vector_load %arg7[%swap3A_312] {strides = array<i32>} : memref<34816xf32, #tpu.memory_space<vmem>>, vector<16xf32>,
      tpu.vector_store %arg7[%swap3A_312], %broadcast_in_dim3A_3 {strides = array<i32>} : memref<34816xf32, #tpu.memory_space<vmem>>, vector<16xf32>,
      %mul3A_314 = arith.constant 8 : i32
      %mul3A_315 = arith.muli %scan3A_305, %mul3A_314 : i32
      %add3A_316 = arith.constant 0 : i32
      %add3A_317 = arith.addi %mul3A_315, %add3A_316 : i32
      %mul3A_318 = arith.constant 16 : i32
      %mul3A_319 = arith.muli %add3A_317, %mul3A_318 : i32
      %swap3A_320 = arith.index_cast %mul3A_319 : i32 to index
      %swap3A_321 = tpu.vector_load %arg8[%swap3A_320] {strides = array<i32>} : memref<34816xf32, #tpu.memory_space<vmem>>, vector<16xf32>,
      tpu.vector_store %arg8[%swap3A_320], %broadcast_in_dim3A_3 {strides = array<i32>} : memref<34816xf32, #tpu.memory_space<vmem>>, vector<16xf32>,
      %mul3A_322 = arith.constant 8 : i32
      %mul3A_323 = arith.muli %scan3A_305, %mul3A_322 : i32
      %add3A_324 = arith.constant 1 : i32
      %add3A_325 = arith.addi %mul3A_323, %add3A_324 : i32
      %mul3A_326 = arith.constant 16 : i32
      %mul3A_327 = arith.muli %add3A_325, %mul3A_326 : i32
      %swap3A_328 = arith.index_cast %mul3A_327 : i32 to index
      %swap3A_329 = tpu.vector_load %arg7[%swap3A_328] {strides = array<i32>} : memref<34816xf32, #tpu.memory_space<vmem>>, vector<16xf32>,
      tpu.vector_store %arg7[%swap3A_328], %broadcast_in_dim3A_3 {strides = array<i32>} : memref<34816xf32, #tpu.memory_space<vmem>>, vector<16xf32>,
      %mul3A_330 = arith.constant 8 : i32
      %mul3A_331 = arith.muli %scan3A_305, %mul3A_330 : i32
      %add3A_332 = arith.constant 1 : i32
      %add3A_333 = arith.addi %mul3A_331, %add3A_332 : i32
      %mul3A_334 = arith.constant 16 : i32
      %mul3A_335 = arith.muli %add3A_333, %mul3A_334 : i32
      %swap3A_336 = arith.index_cast %mul3A_335 : i32 to index
      %swap3A_337 = tpu.vector_load %arg8[%swap3A_336] {strides = array<i32>} : memref<34816xf32, #tpu.memory_space<vmem>>, vector<16xf32>,
      tpu.vector_store %arg8[%swap3A_336], %broadcast_in_dim3A_3 {strides = array<i32>} : memref<34816xf32, #tpu.memory_space<vmem>>, vector<16xf32>,
      %mul3A_338 = arith.constant 8 : i32
      %mul3A_339 = arith.muli %scan3A_305, %mul3A_338 : i32
      %add3A_340 = arith.constant 2 : i32
      %add3A_341 = arith.addi %mul3A_339, %add3A_340 : i32
      %mul3A_342 = arith.constant 16 : i32
      %mul3A_343 = arith.muli %add3A_341, %mul3A_342 : i32
      %swap3A_344 = arith.index_cast %mul3A_343 : i32 to index
      %swap3A_345 = tpu.vector_load %arg7[%swap3A_344] {strides = array<i32>} : memref<34816xf32, #tpu.memory_space<vmem>>, vector<16xf32>,
      tpu.vector_store %arg7[%swap3A_344], %broadcast_in_dim3A_3 {strides = array<i32>} : memref<34816xf32, #tpu.memory_space<vmem>>, vector<16xf32>,
      %mul3A_346 = arith.constant 8 : i32
      %mul3A_347 = arith.muli %scan3A_305, %mul3A_346 : i32
      %add3A_348 = arith.constant 2 : i32
      %add3A_349 = arith.addi %mul3A_347, %add3A_348 : i32
      %mul3A_350 = arith.constant 16 : i32
      %mul3A_351 = arith.muli %add3A_349, %mul3A_350 : i32
      %swap3A_352 = arith.index_cast %mul3A_351 : i32 to index
      %swap3A_353 = tpu.vector_load %arg8[%swap3A_352] {strides = array<i32>} : memref<34816xf32, #tpu.memory_space<vmem>>, vector<16xf32>,
      tpu.vector_store %arg8[%swap3A_352], %broadcast_in_dim3A_3 {strides = array<i32>} : memref<34816xf32, #tpu.memory_space<vmem>>, vector<16xf32>,
      %mul3A_354 = arith.constant 8 : i32
      %mul3A_355 = arith.muli %scan3A_305, %mul3A_354 : i32
      %add3A_356 = arith.constant 3 : i32
      %add3A_357 = arith.addi %mul3A_355, %add3A_356 : i32
      %mul3A_358 = arith.constant 16 : i32
      %mul3A_359 = arith.muli %add3A_357, %mul3A_358 : i32
      %swap3A_360 = arith.index_cast %mul3A_359 : i32 to index
      %swap3A_361 = tpu.vector_load %arg7[%swap3A_360] {strides = array<i32>} : memref<34816xf32, #tpu.memory_space<vmem>>, vector<16xf32>,
      tpu.vector_store %arg7[%swap3A_360], %broadcast_in_dim3A_3 {strides = array<i32>} : memref<34816xf32, #tpu.memory_space<vmem>>, vector<16xf32>,
      %mul3A_362 = arith.constant 8 : i32
      %mul3A_363 = arith.muli %scan3A_305, %mul3A_362 : i32
      %add3A_364 = arith.constant 3 : i32
      %add3A_365 = arith.addi %mul3A_363, %add3A_364 : i32
      %mul3A_366 = arith.constant 16 : i32
      %mul3A_367 = arith.muli %add3A_365, %mul3A_366 : i32
      %swap3A_368 = arith.index_cast %mul3A_367 : i32 to index
      %swap3A_369 = tpu.vector_load %arg8[%swap3A_368] {strides = array<i32>} : memref<34816xf32, #tpu.memory_space<vmem>>, vector<16xf32>,
      tpu.vector_store %arg8[%swap3A_368], %broadcast_in_dim3A_3 {strides = array<i32>} : memref<34816xf32, #tpu.memory_space<vmem>>, vector<16xf32>,
      %mul3A_370 = arith.constant 8 : i32
      %mul3A_371 = arith.muli %scan3A_305, %mul3A_370 : i32
      %add3A_372 = arith.constant 4 : i32
      %add3A_373 = arith.addi %mul3A_371, %add3A_372 : i32
      %mul3A_374 = arith.constant 16 : i32
      %mul3A_375 = arith.muli %add3A_373, %mul3A_374 : i32
      %swap3A_376 = arith.index_cast %mul3A_375 : i32 to index
      %swap3A_377 = tpu.vector_load %arg7[%swap3A_376] {strides = array<i32>} : memref<34816xf32, #tpu.memory_space<vmem>>, vector<16xf32>,
      tpu.vector_store %arg7[%swap3A_376], %broadcast_in_dim3A_3 {strides = array<i32>} : memref<34816xf32, #tpu.memory_space<vmem>>, vector<16xf32>,
      %mul3A_378 = arith.constant 8 : i32
      %mul3A_379 = arith.muli %scan3A_305, %mul3A_378 : i32
      %add3A_380 = arith.constant 4 : i32
      %add3A_381 = arith.addi %mul3A_379, %add3A_380 : i32
      %mul3A_382 = arith.constant 16 : i32
      %mul3A_383 = arith.muli %add3A_381, %mul3A_382 : i32
      %swap3A_384 = arith.index_cast %mul3A_383 : i32 to index
      %swap3A_385 = tpu.vector_load %arg8[%swap3A_384] {strides = array<i32>} : memref<34816xf32, #tpu.memory_space<vmem>>, vector<16xf32>,
      tpu.vector_store %arg8[%swap3A_384], %broadcast_in_dim3A_3 {strides = array<i32>} : memref<34816xf32, #tpu.memory_space<vmem>>, vector<16xf32>,
      %mul3A_386 = arith.constant 8 : i32
      %mul3A_387 = arith.muli %scan3A_305, %mul3A_386 : i32
      %add3A_388 = arith.constant 5 : i32
      %add3A_389 = arith.addi %mul3A_387, %add3A_388 : i32
      %mul3A_390 = arith.constant 16 : i32
      %mul3A_391 = arith.muli %add3A_389, %mul3A_390 : i32
      %swap3A_392 = arith.index_cast %mul3A_391 : i32 to index
      %swap3A_393 = tpu.vector_load %arg7[%swap3A_392] {strides = array<i32>} : memref<34816xf32, #tpu.memory_space<vmem>>, vector<16xf32>,
      tpu.vector_store %arg7[%swap3A_392], %broadcast_in_dim3A_3 {strides = array<i32>} : memref<34816xf32, #tpu.memory_space<vmem>>, vector<16xf32>,
      %mul3A_394 = arith.constant 8 : i32
      %mul3A_395 = arith.muli %scan3A_305, %mul3A_394 : i32
      %add3A_396 = arith.constant 5 : i32
      %add3A_397 = arith.addi %mul3A_395, %add3A_396 : i32
      %mul3A_398 = arith.constant 16 : i32
      %mul3A_399 = arith.muli %add3A_397, %mul3A_398 : i32
      %swap3A_400 = arith.index_cast %mul3A_399 : i32 to index
      %swap3A_401 = tpu.vector_load %arg8[%swap3A_400] {strides = array<i32>} : memref<34816xf32, #tpu.memory_space<vmem>>, vector<16xf32>,
      tpu.vector_store %arg8[%swap3A_400], %broadcast_in_dim3A_3 {strides = array<i32>} : memref<34816xf32, #tpu.memory_space<vmem>>, vector<16xf32>,
      %mul3A_402 = arith.constant 8 : i32
      %mul3A_403 = arith.muli %scan3A_305, %mul3A_402 : i32
      %add3A_404 = arith.constant 6 : i32
      %add3A_405 = arith.addi %mul3A_403, %add3A_404 : i32
      %mul3A_406 = arith.constant 16 : i32
      %mul3A_407 = arith.muli %add3A_405, %mul3A_406 : i32
      %swap3A_408 = arith.index_cast %mul3A_407 : i32 to index
      %swap3A_409 = tpu.vector_load %arg7[%swap3A_408] {strides = array<i32>} : memref<34816xf32, #tpu.memory_space<vmem>>, vector<16xf32>,
      tpu.vector_store %arg7[%swap3A_408], %broadcast_in_dim3A_3 {strides = array<i32>} : memref<34816xf32, #tpu.memory_space<vmem>>, vector<16xf32>,
      %mul3A_410 = arith.constant 8 : i32
      %mul3A_411 = arith.muli %scan3A_305, %mul3A_410 : i32
      %add3A_412 = arith.constant 6 : i32
      %add3A_413 = arith.addi %mul3A_411, %add3A_412 : i32
      %mul3A_414 = arith.constant 16 : i32
      %mul3A_415 = arith.muli %add3A_413, %mul3A_414 : i32
      %swap3A_416 = arith.index_cast %mul3A_415 : i32 to index
      %swap3A_417 = tpu.vector_load %arg8[%swap3A_416] {strides = array<i32>} : memref<34816xf32, #tpu.memory_space<vmem>>, vector<16xf32>,
      tpu.vector_store %arg8[%swap3A_416], %broadcast_in_dim3A_3 {strides = array<i32>} : memref<34816xf32, #tpu.memory_space<vmem>>, vector<16xf32>,
      %mul3A_418 = arith.constant 8 : i32
      %mul3A_419 = arith.muli %scan3A_305, %mul3A_418 : i32
      %add3A_420 = arith.constant 7 : i32
      %add3A_421 = arith.addi %mul3A_419, %add3A_420 : i32
      %mul3A_422 = arith.constant 16 : i32
      %mul3A_423 = arith.muli %add3A_421, %mul3A_422 : i32
      %swap3A_424 = arith.index_cast %mul3A_423 : i32 to index
      %swap3A_425 = tpu.vector_load %arg7[%swap3A_424] {strides = array<i32>} : memref<34816xf32, #tpu.memory_space<vmem>>, vector<16xf32>,
      tpu.vector_store %arg7[%swap3A_424], %broadcast_in_dim3A_3 {strides = array<i32>} : memref<34816xf32, #tpu.memory_space<vmem>>, vector<16xf32>,
      %mul3A_426 = arith.constant 8 : i32
      %mul3A_427 = arith.muli %scan3A_305, %mul3A_426 : i32
      %add3A_428 = arith.constant 7 : i32
      %add3A_429 = arith.addi %mul3A_427, %add3A_428 : i32
      %mul3A_430 = arith.constant 16 : i32
      %mul3A_431 = arith.muli %add3A_429, %mul3A_430 : i32
      %swap3A_432 = arith.index_cast %mul3A_431 : i32 to index
      %swap3A_433 = tpu.vector_load %arg8[%swap3A_432] {strides = array<i32>} : memref<34816xf32, #tpu.memory_space<vmem>>, vector<16xf32>,
      tpu.vector_store %arg8[%swap3A_432], %broadcast_in_dim3A_3 {strides = array<i32>} : memref<34816xf32, #tpu.memory_space<vmem>>, vector<16xf32>,
    }
    %scan3A_65 = arith.constant 272 : i32
    %scan3A_66 = arith.constant 0 : i32
    %scan3A_67 = arith.constant 16 : i32
    %scan3A_68 = arith.addi %scan3A_66, %scan3A_67 : i32
    %scan3A_69 = arith.constant 1 : i32
    %scan3A_70:2 = scf.for %scan3A_305 = %scan3A_66 to %scan3A_68 step %scan3A_69 iter_args(%scan3A_306 = %broadcast_in_dim3A_3, %scan3A_307 = %broadcast_in_dim3A_3) -> (vector<16xf32>, vector<16xf32>)  : i32 {
      %mul3A_308 = arith.constant 2 : i32
      %mul3A_309 = arith.muli %scan3A_305, %mul3A_308 : i32
      %add3A_310 = arith.constant 0 : i32
      %add3A_311 = arith.addi %mul3A_309, %add3A_310 : i32
      %mul3A_312 = arith.constant 16 : i32
      %mul3A_313 = arith.muli %add3A_311, %mul3A_312 : i32
      %add3A_314 = arith.addi %mul3A_2, %mul3A_313 : i32
      %dma_wait3A = arith.constant 0 : i32
      %dma_wait3A_315 = arith.constant 0 : i32
      %dma_wait3A_316 = arith.constant 0 : i32
      %dma_wait3A_317 = tpu.memref_slice %arg5[%dma_wait3A, %dma_wait3A_315, %dma_wait3A_316] : memref<2x16x512xf32, #tpu.memory_space<vmem>> -> memref<1x16x512xf32, #tpu.memory_space<vmem>>
      %dma_wait3A_318 = tpu.memref_squeeze %dma_wait3A_317 : memref<1x16x512xf32, #tpu.memory_space<vmem>> -> memref<16x512xf32, #tpu.memory_space<vmem>>
      %dma_wait3A_319 = arith.constant 0 : i32
      %dma_wait3A_320 = tpu.memref_slice %arg2[%add3A_314, %dma_wait3A_319] : memref<16384x512xf32, #tpu.memory_space<hbm>> -> memref<16x512xf32, #tpu.memory_space<hbm>>
      %dma_wait3A_321 = arith.constant 0 : i32
      %dma_wait3A_322 = arith.constant 0 : i32
      %dma_wait3A_323 = tpu.memref_slice %arg5[%dma_wait3A, %dma_wait3A_321, %dma_wait3A_322] : memref<2x16x512xf32, #tpu.memory_space<vmem>> -> memref<1x16x512xf32, #tpu.memory_space<vmem>>
      %dma_wait3A_324 = tpu.memref_squeeze %dma_wait3A_323 : memref<1x16x512xf32, #tpu.memory_space<vmem>> -> memref<16x512xf32, #tpu.memory_space<vmem>>
      %dma_wait3A_325 = arith.constant 0 : i32
      %dma_wait3A_326 = tpu.memref_slice %arg2[%add3A_314, %dma_wait3A_325] : memref<16384x512xf32, #tpu.memory_space<hbm>> -> memref<16x512xf32, #tpu.memory_space<hbm>>
      tpu.wait_dma2 semaphore(%arg10 : memref<!tpu.dma_semaphore, #tpu.memory_space<semaphore_mem>>) src(%dma_wait3A_326 : memref<16x512xf32, #tpu.memory_space<hbm>>) dst(%dma_wait3A_324 : memref<16x512xf32, #tpu.memory_space<vmem>>)
      %dma_wait3A_327 = arith.constant 0 : i32
      %dma_wait3A_328 = arith.constant 0 : i32
      %dma_wait3A_329 = arith.constant 0 : i32
      %dma_wait3A_330 = tpu.memref_slice %arg6[%dma_wait3A_327, %dma_wait3A_328, %dma_wait3A_329] : memref<2x16x512xf32, #tpu.memory_space<vmem>> -> memref<1x16x512xf32, #tpu.memory_space<vmem>>
      %dma_wait3A_331 = tpu.memref_squeeze %dma_wait3A_330 : memref<1x16x512xf32, #tpu.memory_space<vmem>> -> memref<16x512xf32, #tpu.memory_space<vmem>>
      %dma_wait3A_332 = arith.constant 0 : i32
      %dma_wait3A_333 = tpu.memref_slice %arg3[%add3A_314, %dma_wait3A_332] : memref<16384x512xf32, #tpu.memory_space<hbm>> -> memref<16x512xf32, #tpu.memory_space<hbm>>
      %dma_wait3A_334 = arith.constant 0 : i32
      %dma_wait3A_335 = arith.constant 0 : i32
      %dma_wait3A_336 = tpu.memref_slice %arg6[%dma_wait3A_327, %dma_wait3A_334, %dma_wait3A_335] : memref<2x16x512xf32, #tpu.memory_space<vmem>> -> memref<1x16x512xf32, #tpu.memory_space<vmem>>
      %dma_wait3A_337 = tpu.memref_squeeze %dma_wait3A_336 : memref<1x16x512xf32, #tpu.memory_space<vmem>> -> memref<16x512xf32, #tpu.memory_space<vmem>>
      %dma_wait3A_338 = arith.constant 0 : i32
      %dma_wait3A_339 = tpu.memref_slice %arg3[%add3A_314, %dma_wait3A_338] : memref<16384x512xf32, #tpu.memory_space<hbm>> -> memref<16x512xf32, #tpu.memory_space<hbm>>
      tpu.wait_dma2 semaphore(%arg11 : memref<!tpu.dma_semaphore, #tpu.memory_space<semaphore_mem>>) src(%dma_wait3A_339 : memref<16x512xf32, #tpu.memory_space<hbm>>) dst(%dma_wait3A_337 : memref<16x512xf32, #tpu.memory_space<vmem>>)
      %scan3A_340 = arith.constant 0 : i32
      %scan3A_341 = arith.constant 64 : i32
      %scan3A_342 = arith.addi %scan3A_340, %scan3A_341 : i32
      %scan3A_343 = arith.constant 1 : i32
      %scan3A_344:2 = scf.for %scan3A_396 = %scan3A_340 to %scan3A_342 step %scan3A_343 iter_args(%scan3A_397 = %scan3A_306, %scan3A_398 = %scan3A_307) -> (vector<16xf32>, vector<16xf32>)  : i32 {
        %shift_right_arithmetic3A = arith.constant 2 : i32
        %shift_right_arithmetic3A_399 = arith.shrsi %scan3A_396, %shift_right_arithmetic3A : i32
        %and3A = arith.constant 3 : i32
        %and3A_400 = arith.andi %scan3A_396, %and3A : i32
        %mul3A_401 = arith.constant 128 : i32
        %mul3A_402 = arith.muli %and3A_400, %mul3A_401 : i32
        %add3A_403 = arith.constant 0 : i32
        %add3A_404 = arith.addi %mul3A_402, %add3A_403 : i32
        %get3A = arith.constant 0 : i32
        %get3A_405 = arith.index_cast %get3A : i32 to index
        %get3A_406 = arith.index_cast %shift_right_arithmetic3A_399 : i32 to index
        %get3A_407 = arith.index_cast %add3A_404 : i32 to index
        %get3A_408 = tpu.vector_load %arg5[%get3A_405, %get3A_406, %get3A_407] {strides = array<i32>} : memref<2x16x512xf32, #tpu.memory_space<vmem>>, vector<16xf32>,
        %add3A_409 = arith.constant 16 : i32
        %add3A_410 = arith.addi %mul3A_402, %add3A_409 : i32
        %get3A_411 = arith.constant 0 : i32
        %get3A_412 = arith.index_cast %get3A_411 : i32 to index
        %get3A_413 = arith.index_cast %shift_right_arithmetic3A_399 : i32 to index
        %get3A_414 = arith.index_cast %add3A_410 : i32 to index
        %get3A_415 = tpu.vector_load %arg5[%get3A_412, %get3A_413, %get3A_414] {strides = array<i32>} : memref<2x16x512xf32, #tpu.memory_space<vmem>>, vector<16xf32>,
        %add3A_416 = arith.constant 32 : i32
        %add3A_417 = arith.addi %mul3A_402, %add3A_416 : i32
        %get3A_418 = arith.constant 0 : i32
        %get3A_419 = arith.index_cast %get3A_418 : i32 to index
        %get3A_420 = arith.index_cast %shift_right_arithmetic3A_399 : i32 to index
        %get3A_421 = arith.index_cast %add3A_417 : i32 to index
        %get3A_422 = tpu.vector_load %arg5[%get3A_419, %get3A_420, %get3A_421] {strides = array<i32>} : memref<2x16x512xf32, #tpu.memory_space<vmem>>, vector<16xf32>,
        %add3A_423 = arith.constant 48 : i32
        %add3A_424 = arith.addi %mul3A_402, %add3A_423 : i32
        %get3A_425 = arith.constant 0 : i32
        %get3A_426 = arith.index_cast %get3A_425 : i32 to index
        %get3A_427 = arith.index_cast %shift_right_arithmetic3A_399 : i32 to index
        %get3A_428 = arith.index_cast %add3A_424 : i32 to index
        %get3A_429 = tpu.vector_load %arg5[%get3A_426, %get3A_427, %get3A_428] {strides = array<i32>} : memref<2x16x512xf32, #tpu.memory_space<vmem>>, vector<16xf32>,
        %add3A_430 = arith.constant 64 : i32
        %add3A_431 = arith.addi %mul3A_402, %add3A_430 : i32
        %get3A_432 = arith.constant 0 : i32
        %get3A_433 = arith.index_cast %get3A_432 : i32 to index
        %get3A_434 = arith.index_cast %shift_right_arithmetic3A_399 : i32 to index
        %get3A_435 = arith.index_cast %add3A_431 : i32 to index
        %get3A_436 = tpu.vector_load %arg5[%get3A_433, %get3A_434, %get3A_435] {strides = array<i32>} : memref<2x16x512xf32, #tpu.memory_space<vmem>>, vector<16xf32>,
        %add3A_437 = arith.constant 80 : i32
        %add3A_438 = arith.addi %mul3A_402, %add3A_437 : i32
        %get3A_439 = arith.constant 0 : i32
        %get3A_440 = arith.index_cast %get3A_439 : i32 to index
        %get3A_441 = arith.index_cast %shift_right_arithmetic3A_399 : i32 to index
        %get3A_442 = arith.index_cast %add3A_438 : i32 to index
        %get3A_443 = tpu.vector_load %arg5[%get3A_440, %get3A_441, %get3A_442] {strides = array<i32>} : memref<2x16x512xf32, #tpu.memory_space<vmem>>, vector<16xf32>,
        %add3A_444 = arith.constant 96 : i32
        %add3A_445 = arith.addi %mul3A_402, %add3A_444 : i32
        %get3A_446 = arith.constant 0 : i32
        %get3A_447 = arith.index_cast %get3A_446 : i32 to index
        %get3A_448 = arith.index_cast %shift_right_arithmetic3A_399 : i32 to index
        %get3A_449 = arith.index_cast %add3A_445 : i32 to index
        %get3A_450 = tpu.vector_load %arg5[%get3A_447, %get3A_448, %get3A_449] {strides = array<i32>} : memref<2x16x512xf32, #tpu.memory_space<vmem>>, vector<16xf32>,
        %add3A_451 = arith.constant 112 : i32
        %add3A_452 = arith.addi %mul3A_402, %add3A_451 : i32
        %get3A_453 = arith.constant 0 : i32
        %get3A_454 = arith.index_cast %get3A_453 : i32 to index
        %get3A_455 = arith.index_cast %shift_right_arithmetic3A_399 : i32 to index
        %get3A_456 = arith.index_cast %add3A_452 : i32 to index
        %get3A_457 = tpu.vector_load %arg5[%get3A_454, %get3A_455, %get3A_456] {strides = array<i32>} : memref<2x16x512xf32, #tpu.memory_space<vmem>>, vector<16xf32>,
        %add3A_458 = arith.constant 0 : i32
        %add3A_459 = arith.addi %mul3A_402, %add3A_458 : i32
        %get3A_460 = arith.constant 0 : i32
        %get3A_461 = arith.index_cast %get3A_460 : i32 to index
        %get3A_462 = arith.index_cast %shift_right_arithmetic3A_399 : i32 to index
        %get3A_463 = arith.index_cast %add3A_459 : i32 to index
        %get3A_464 = tpu.vector_load %arg6[%get3A_461, %get3A_462, %get3A_463] {strides = array<i32>} : memref<2x16x512xf32, #tpu.memory_space<vmem>>, vector<16xf32>,
        %add3A_465 = arith.constant 16 : i32
        %add3A_466 = arith.addi %mul3A_402, %add3A_465 : i32
        %get3A_467 = arith.constant 0 : i32
        %get3A_468 = arith.index_cast %get3A_467 : i32 to index
        %get3A_469 = arith.index_cast %shift_right_arithmetic3A_399 : i32 to index
        %get3A_470 = arith.index_cast %add3A_466 : i32 to index
        %get3A_471 = tpu.vector_load %arg6[%get3A_468, %get3A_469, %get3A_470] {strides = array<i32>} : memref<2x16x512xf32, #tpu.memory_space<vmem>>, vector<16xf32>,
        %add3A_472 = arith.constant 32 : i32
        %add3A_473 = arith.addi %mul3A_402, %add3A_472 : i32
        %get3A_474 = arith.constant 0 : i32
        %get3A_475 = arith.index_cast %get3A_474 : i32 to index
        %get3A_476 = arith.index_cast %shift_right_arithmetic3A_399 : i32 to index
        %get3A_477 = arith.index_cast %add3A_473 : i32 to index
        %get3A_478 = tpu.vector_load %arg6[%get3A_475, %get3A_476, %get3A_477] {strides = array<i32>} : memref<2x16x512xf32, #tpu.memory_space<vmem>>, vector<16xf32>,
        %add3A_479 = arith.constant 48 : i32
        %add3A_480 = arith.addi %mul3A_402, %add3A_479 : i32
        %get3A_481 = arith.constant 0 : i32
        %get3A_482 = arith.index_cast %get3A_481 : i32 to index
        %get3A_483 = arith.index_cast %shift_right_arithmetic3A_399 : i32 to index
        %get3A_484 = arith.index_cast %add3A_480 : i32 to index
        %get3A_485 = tpu.vector_load %arg6[%get3A_482, %get3A_483, %get3A_484] {strides = array<i32>} : memref<2x16x512xf32, #tpu.memory_space<vmem>>, vector<16xf32>,
        %add3A_486 = arith.constant 64 : i32
        %add3A_487 = arith.addi %mul3A_402, %add3A_486 : i32
        %get3A_488 = arith.constant 0 : i32
        %get3A_489 = arith.index_cast %get3A_488 : i32 to index
        %get3A_490 = arith.index_cast %shift_right_arithmetic3A_399 : i32 to index
        %get3A_491 = arith.index_cast %add3A_487 : i32 to index
        %get3A_492 = tpu.vector_load %arg6[%get3A_489, %get3A_490, %get3A_491] {strides = array<i32>} : memref<2x16x512xf32, #tpu.memory_space<vmem>>, vector<16xf32>,
        %add3A_493 = arith.constant 80 : i32
        %add3A_494 = arith.addi %mul3A_402, %add3A_493 : i32
        %get3A_495 = arith.constant 0 : i32
        %get3A_496 = arith.index_cast %get3A_495 : i32 to index
        %get3A_497 = arith.index_cast %shift_right_arithmetic3A_399 : i32 to index
        %get3A_498 = arith.index_cast %add3A_494 : i32 to index
        %get3A_499 = tpu.vector_load %arg6[%get3A_496, %get3A_497, %get3A_498] {strides = array<i32>} : memref<2x16x512xf32, #tpu.memory_space<vmem>>, vector<16xf32>,
        %add3A_500 = arith.constant 96 : i32
        %add3A_501 = arith.addi %mul3A_402, %add3A_500 : i32
        %get3A_502 = arith.constant 0 : i32
        %get3A_503 = arith.index_cast %get3A_502 : i32 to index
        %get3A_504 = arith.index_cast %shift_right_arithmetic3A_399 : i32 to index
        %get3A_505 = arith.index_cast %add3A_501 : i32 to index
        %get3A_506 = tpu.vector_load %arg6[%get3A_503, %get3A_504, %get3A_505] {strides = array<i32>} : memref<2x16x512xf32, #tpu.memory_space<vmem>>, vector<16xf32>,
        %add3A_507 = arith.constant 112 : i32
        %add3A_508 = arith.addi %mul3A_402, %add3A_507 : i32
        %get3A_509 = arith.constant 0 : i32
        %get3A_510 = arith.index_cast %get3A_509 : i32 to index
        %get3A_511 = arith.index_cast %shift_right_arithmetic3A_399 : i32 to index
        %get3A_512 = arith.index_cast %add3A_508 : i32 to index
        %get3A_513 = tpu.vector_load %arg6[%get3A_510, %get3A_511, %get3A_512] {strides = array<i32>} : memref<2x16x512xf32, #tpu.memory_space<vmem>>, vector<16xf32>,
        %sub3A = arith.constant 1.000000e+00 : f32
        %sub3A_514 = vector.broadcast %sub3A : f32 to vector<16xf32>
        %sub3A_515 = arith.subf %sub3A_514, %get3A_408 : vector<16xf32>
        %sub3A_516 = arith.constant 1.000000e+00 : f32
        %sub3A_517 = vector.broadcast %sub3A_516 : f32 to vector<16xf32>
        %sub3A_518 = arith.subf %sub3A_517, %get3A_415 : vector<16xf32>
        %sub3A_519 = arith.constant 1.000000e+00 : f32
        %sub3A_520 = vector.broadcast %sub3A_519 : f32 to vector<16xf32>
        %sub3A_521 = arith.subf %sub3A_520, %get3A_422 : vector<16xf32>
        %sub3A_522 = arith.constant 1.000000e+00 : f32
        %sub3A_523 = vector.broadcast %sub3A_522 : f32 to vector<16xf32>
        %sub3A_524 = arith.subf %sub3A_523, %get3A_429 : vector<16xf32>
        %sub3A_525 = arith.constant 1.000000e+00 : f32
        %sub3A_526 = vector.broadcast %sub3A_525 : f32 to vector<16xf32>
        %sub3A_527 = arith.subf %sub3A_526, %get3A_436 : vector<16xf32>
        %sub3A_528 = arith.constant 1.000000e+00 : f32
        %sub3A_529 = vector.broadcast %sub3A_528 : f32 to vector<16xf32>
        %sub3A_530 = arith.subf %sub3A_529, %get3A_443 : vector<16xf32>
        %sub3A_531 = arith.constant 1.000000e+00 : f32
        %sub3A_532 = vector.broadcast %sub3A_531 : f32 to vector<16xf32>
        %sub3A_533 = arith.subf %sub3A_532, %get3A_450 : vector<16xf32>
        %sub3A_534 = arith.constant 1.000000e+00 : f32
        %sub3A_535 = vector.broadcast %sub3A_534 : f32 to vector<16xf32>
        %sub3A_536 = arith.subf %sub3A_535, %get3A_457 : vector<16xf32>
        %gt3A = arith.constant 5.000000e-01 : f32
        %gt3A_537 = vector.broadcast %gt3A : f32 to vector<16xf32>
        %gt3A_538 = arith.cmpf ogt, %get3A_464, %gt3A_537 : vector<16xf32>
        %select_n3A = arith.select %gt3A_538, %get3A_408, %sub3A_515 : vector<16xi1>, vector<16xf32>
        %gt3A_539 = arith.constant 5.000000e-01 : f32
        %gt3A_540 = vector.broadcast %gt3A_539 : f32 to vector<16xf32>
        %gt3A_541 = arith.cmpf ogt, %get3A_471, %gt3A_540 : vector<16xf32>
        %select_n3A_542 = arith.select %gt3A_541, %get3A_415, %sub3A_518 : vector<16xi1>, vector<16xf32>
        %gt3A_543 = arith.constant 5.000000e-01 : f32
        %gt3A_544 = vector.broadcast %gt3A_543 : f32 to vector<16xf32>
        %gt3A_545 = arith.cmpf ogt, %get3A_478, %gt3A_544 : vector<16xf32>
        %select_n3A_546 = arith.select %gt3A_545, %get3A_422, %sub3A_521 : vector<16xi1>, vector<16xf32>
        %gt3A_547 = arith.constant 5.000000e-01 : f32
        %gt3A_548 = vector.broadcast %gt3A_547 : f32 to vector<16xf32>
        %gt3A_549 = arith.cmpf ogt, %get3A_485, %gt3A_548 : vector<16xf32>
        %select_n3A_550 = arith.select %gt3A_549, %get3A_429, %sub3A_524 : vector<16xi1>, vector<16xf32>
        %gt3A_551 = arith.constant 5.000000e-01 : f32
        %gt3A_552 = vector.broadcast %gt3A_551 : f32 to vector<16xf32>
        %gt3A_553 = arith.cmpf ogt, %get3A_492, %gt3A_552 : vector<16xf32>
        %select_n3A_554 = arith.select %gt3A_553, %get3A_436, %sub3A_527 : vector<16xi1>, vector<16xf32>
        %gt3A_555 = arith.constant 5.000000e-01 : f32
        %gt3A_556 = vector.broadcast %gt3A_555 : f32 to vector<16xf32>
        %gt3A_557 = arith.cmpf ogt, %get3A_499, %gt3A_556 : vector<16xf32>
        %select_n3A_558 = arith.select %gt3A_557, %get3A_443, %sub3A_530 : vector<16xi1>, vector<16xf32>
        %gt3A_559 = arith.constant 5.000000e-01 : f32
        %gt3A_560 = vector.broadcast %gt3A_559 : f32 to vector<16xf32>
        %gt3A_561 = arith.cmpf ogt, %get3A_506, %gt3A_560 : vector<16xf32>
        %select_n3A_562 = arith.select %gt3A_561, %get3A_450, %sub3A_533 : vector<16xi1>, vector<16xf32>
        %gt3A_563 = arith.constant 5.000000e-01 : f32
        %gt3A_564 = vector.broadcast %gt3A_563 : f32 to vector<16xf32>
        %gt3A_565 = arith.cmpf ogt, %get3A_513, %gt3A_564 : vector<16xf32>
        %select_n3A_566 = arith.select %gt3A_565, %get3A_457, %sub3A_536 : vector<16xi1>, vector<16xf32>
        %bitcast_convert_type3A = tpu.bitcast %select_n3A : vector<16xf32> -> vector<16xi32>
        %bitcast_convert_type3A_567 = tpu.bitcast %select_n3A_542 : vector<16xf32> -> vector<16xi32>
        %bitcast_convert_type3A_568 = tpu.bitcast %select_n3A_546 : vector<16xf32> -> vector<16xi32>
        %bitcast_convert_type3A_569 = tpu.bitcast %select_n3A_550 : vector<16xf32> -> vector<16xi32>
        %bitcast_convert_type3A_570 = tpu.bitcast %select_n3A_554 : vector<16xf32> -> vector<16xi32>
        %bitcast_convert_type3A_571 = tpu.bitcast %select_n3A_558 : vector<16xf32> -> vector<16xi32>
        %bitcast_convert_type3A_572 = tpu.bitcast %select_n3A_562 : vector<16xf32> -> vector<16xi32>
        %bitcast_convert_type3A_573 = tpu.bitcast %select_n3A_566 : vector<16xf32> -> vector<16xi32>
        %and3A_574 = arith.constant 8388607 : i32
        %and3A_575 = vector.broadcast %and3A_574 : i32 to vector<16xi32>
        %and3A_576 = arith.andi %bitcast_convert_type3A, %and3A_575 : vector<16xi32>
        %or3A = arith.constant 1065353216 : i32
        %or3A_577 = vector.broadcast %or3A : i32 to vector<16xi32>
        %or3A_578 = arith.ori %and3A_576, %or3A_577 : vector<16xi32>
        %bitcast_convert_type3A_579 = tpu.bitcast %or3A_578 : vector<16xi32> -> vector<16xf32>
        %and3A_580 = arith.constant 8388607 : i32
        %and3A_581 = vector.broadcast %and3A_580 : i32 to vector<16xi32>
        %and3A_582 = arith.andi %bitcast_convert_type3A_567, %and3A_581 : vector<16xi32>
        %or3A_583 = arith.constant 1065353216 : i32
        %or3A_584 = vector.broadcast %or3A_583 : i32 to vector<16xi32>
        %or3A_585 = arith.ori %and3A_582, %or3A_584 : vector<16xi32>
        %bitcast_convert_type3A_586 = tpu.bitcast %or3A_585 : vector<16xi32> -> vector<16xf32>
        %and3A_587 = arith.constant 8388607 : i32
        %and3A_588 = vector.broadcast %and3A_587 : i32 to vector<16xi32>
        %and3A_589 = arith.andi %bitcast_convert_type3A_568, %and3A_588 : vector<16xi32>
        %or3A_590 = arith.constant 1065353216 : i32
        %or3A_591 = vector.broadcast %or3A_590 : i32 to vector<16xi32>
        %or3A_592 = arith.ori %and3A_589, %or3A_591 : vector<16xi32>
        %bitcast_convert_type3A_593 = tpu.bitcast %or3A_592 : vector<16xi32> -> vector<16xf32>
        %and3A_594 = arith.constant 8388607 : i32
        %and3A_595 = vector.broadcast %and3A_594 : i32 to vector<16xi32>
        %and3A_596 = arith.andi %bitcast_convert_type3A_569, %and3A_595 : vector<16xi32>
        %or3A_597 = arith.constant 1065353216 : i32
        %or3A_598 = vector.broadcast %or3A_597 : i32 to vector<16xi32>
        %or3A_599 = arith.ori %and3A_596, %or3A_598 : vector<16xi32>
        %bitcast_convert_type3A_600 = tpu.bitcast %or3A_599 : vector<16xi32> -> vector<16xf32>
        %and3A_601 = arith.constant 8388607 : i32
        %and3A_602 = vector.broadcast %and3A_601 : i32 to vector<16xi32>
        %and3A_603 = arith.andi %bitcast_convert_type3A_570, %and3A_602 : vector<16xi32>
        %or3A_604 = arith.constant 1065353216 : i32
        %or3A_605 = vector.broadcast %or3A_604 : i32 to vector<16xi32>
        %or3A_606 = arith.ori %and3A_603, %or3A_605 : vector<16xi32>
        %bitcast_convert_type3A_607 = tpu.bitcast %or3A_606 : vector<16xi32> -> vector<16xf32>
        %and3A_608 = arith.constant 8388607 : i32
        %and3A_609 = vector.broadcast %and3A_608 : i32 to vector<16xi32>
        %and3A_610 = arith.andi %bitcast_convert_type3A_571, %and3A_609 : vector<16xi32>
        %or3A_611 = arith.constant 1065353216 : i32
        %or3A_612 = vector.broadcast %or3A_611 : i32 to vector<16xi32>
        %or3A_613 = arith.ori %and3A_610, %or3A_612 : vector<16xi32>
        %bitcast_convert_type3A_614 = tpu.bitcast %or3A_613 : vector<16xi32> -> vector<16xf32>
        %and3A_615 = arith.constant 8388607 : i32
        %and3A_616 = vector.broadcast %and3A_615 : i32 to vector<16xi32>
        %and3A_617 = arith.andi %bitcast_convert_type3A_572, %and3A_616 : vector<16xi32>
        %or3A_618 = arith.constant 1065353216 : i32
        %or3A_619 = vector.broadcast %or3A_618 : i32 to vector<16xi32>
        %or3A_620 = arith.ori %and3A_617, %or3A_619 : vector<16xi32>
        %bitcast_convert_type3A_621 = tpu.bitcast %or3A_620 : vector<16xi32> -> vector<16xf32>
        %and3A_622 = arith.constant 8388607 : i32
        %and3A_623 = vector.broadcast %and3A_622 : i32 to vector<16xi32>
        %and3A_624 = arith.andi %bitcast_convert_type3A_573, %and3A_623 : vector<16xi32>
        %or3A_625 = arith.constant 1065353216 : i32
        %or3A_626 = vector.broadcast %or3A_625 : i32 to vector<16xi32>
        %or3A_627 = arith.ori %and3A_624, %or3A_626 : vector<16xi32>
        %bitcast_convert_type3A_628 = tpu.bitcast %or3A_627 : vector<16xi32> -> vector<16xf32>
        %broadcast_in_dim3A_629 = arith.constant -0.107746854 : f32
        %broadcast_in_dim3A_630 = vector.broadcast %broadcast_in_dim3A_629 : f32 to vector<16xf32>
        %mul3A_631 = arith.mulf %broadcast_in_dim3A_630, %bitcast_convert_type3A_579 : vector<16xf32>
        %add3A_632 = arith.constant 0.720358849 : f32
        %add3A_633 = vector.broadcast %add3A_632 : f32 to vector<16xf32>
        %add3A_634 = arith.addf %mul3A_631, %add3A_633 : vector<16xf32>
        %mul3A_635 = arith.mulf %broadcast_in_dim3A_630, %bitcast_convert_type3A_586 : vector<16xf32>
        %add3A_636 = arith.constant 0.720358849 : f32
        %add3A_637 = vector.broadcast %add3A_636 : f32 to vector<16xf32>
        %add3A_638 = arith.addf %mul3A_635, %add3A_637 : vector<16xf32>
        %mul3A_639 = arith.mulf %broadcast_in_dim3A_630, %bitcast_convert_type3A_593 : vector<16xf32>
        %add3A_640 = arith.constant 0.720358849 : f32
        %add3A_641 = vector.broadcast %add3A_640 : f32 to vector<16xf32>
        %add3A_642 = arith.addf %mul3A_639, %add3A_641 : vector<16xf32>
        %mul3A_643 = arith.mulf %broadcast_in_dim3A_630, %bitcast_convert_type3A_600 : vector<16xf32>
        %add3A_644 = arith.constant 0.720358849 : f32
        %add3A_645 = vector.broadcast %add3A_644 : f32 to vector<16xf32>
        %add3A_646 = arith.addf %mul3A_643, %add3A_645 : vector<16xf32>
        %mul3A_647 = arith.mulf %broadcast_in_dim3A_630, %bitcast_convert_type3A_607 : vector<16xf32>
        %add3A_648 = arith.constant 0.720358849 : f32
        %add3A_649 = vector.broadcast %add3A_648 : f32 to vector<16xf32>
        %add3A_650 = arith.addf %mul3A_647, %add3A_649 : vector<16xf32>
        %mul3A_651 = arith.mulf %broadcast_in_dim3A_630, %bitcast_convert_type3A_614 : vector<16xf32>
        %add3A_652 = arith.constant 0.720358849 : f32
        %add3A_653 = vector.broadcast %add3A_652 : f32 to vector<16xf32>
        %add3A_654 = arith.addf %mul3A_651, %add3A_653 : vector<16xf32>
        %mul3A_655 = arith.mulf %broadcast_in_dim3A_630, %bitcast_convert_type3A_621 : vector<16xf32>
        %add3A_656 = arith.constant 0.720358849 : f32
        %add3A_657 = vector.broadcast %add3A_656 : f32 to vector<16xf32>
        %add3A_658 = arith.addf %mul3A_655, %add3A_657 : vector<16xf32>
        %mul3A_659 = arith.mulf %broadcast_in_dim3A_630, %bitcast_convert_type3A_628 : vector<16xf32>
        %add3A_660 = arith.constant 0.720358849 : f32
        %add3A_661 = vector.broadcast %add3A_660 : f32 to vector<16xf32>
        %add3A_662 = arith.addf %mul3A_659, %add3A_661 : vector<16xf32>
        %mul3A_663 = arith.mulf %add3A_634, %bitcast_convert_type3A_579 : vector<16xf32>
        %add3A_664 = arith.constant -2.09987426 : f32
        %add3A_665 = vector.broadcast %add3A_664 : f32 to vector<16xf32>
        %add3A_666 = arith.addf %mul3A_663, %add3A_665 : vector<16xf32>
        %mul3A_667 = arith.mulf %add3A_638, %bitcast_convert_type3A_586 : vector<16xf32>
        %add3A_668 = arith.constant -2.09987426 : f32
        %add3A_669 = vector.broadcast %add3A_668 : f32 to vector<16xf32>
        %add3A_670 = arith.addf %mul3A_667, %add3A_669 : vector<16xf32>
        %mul3A_671 = arith.mulf %add3A_642, %bitcast_convert_type3A_593 : vector<16xf32>
        %add3A_672 = arith.constant -2.09987426 : f32
        %add3A_673 = vector.broadcast %add3A_672 : f32 to vector<16xf32>
        %add3A_674 = arith.addf %mul3A_671, %add3A_673 : vector<16xf32>
        %mul3A_675 = arith.mulf %add3A_646, %bitcast_convert_type3A_600 : vector<16xf32>
        %add3A_676 = arith.constant -2.09987426 : f32
        %add3A_677 = vector.broadcast %add3A_676 : f32 to vector<16xf32>
        %add3A_678 = arith.addf %mul3A_675, %add3A_677 : vector<16xf32>
        %mul3A_679 = arith.mulf %add3A_650, %bitcast_convert_type3A_607 : vector<16xf32>
        %add3A_680 = arith.constant -2.09987426 : f32
        %add3A_681 = vector.broadcast %add3A_680 : f32 to vector<16xf32>
        %add3A_682 = arith.addf %mul3A_679, %add3A_681 : vector<16xf32>
        %mul3A_683 = arith.mulf %add3A_654, %bitcast_convert_type3A_614 : vector<16xf32>
        %add3A_684 = arith.constant -2.09987426 : f32
        %add3A_685 = vector.broadcast %add3A_684 : f32 to vector<16xf32>
        %add3A_686 = arith.addf %mul3A_683, %add3A_685 : vector<16xf32>
        %mul3A_687 = arith.mulf %add3A_658, %bitcast_convert_type3A_621 : vector<16xf32>
        %add3A_688 = arith.constant -2.09987426 : f32
        %add3A_689 = vector.broadcast %add3A_688 : f32 to vector<16xf32>
        %add3A_690 = arith.addf %mul3A_687, %add3A_689 : vector<16xf32>
        %mul3A_691 = arith.mulf %add3A_662, %bitcast_convert_type3A_628 : vector<16xf32>
        %add3A_692 = arith.constant -2.09987426 : f32
        %add3A_693 = vector.broadcast %add3A_692 : f32 to vector<16xf32>
        %add3A_694 = arith.addf %mul3A_691, %add3A_693 : vector<16xf32>
        %mul3A_695 = arith.mulf %add3A_666, %bitcast_convert_type3A_579 : vector<16xf32>
        %add3A_696 = arith.constant 89.5170517 : f32
        %add3A_697 = vector.broadcast %add3A_696 : f32 to vector<16xf32>
        %add3A_698 = arith.addf %mul3A_695, %add3A_697 : vector<16xf32>
        %mul3A_699 = arith.mulf %add3A_670, %bitcast_convert_type3A_586 : vector<16xf32>
        %add3A_700 = arith.constant 89.5170517 : f32
        %add3A_701 = vector.broadcast %add3A_700 : f32 to vector<16xf32>
        %add3A_702 = arith.addf %mul3A_699, %add3A_701 : vector<16xf32>
        %mul3A_703 = arith.mulf %add3A_674, %bitcast_convert_type3A_593 : vector<16xf32>
        %add3A_704 = arith.constant 89.5170517 : f32
        %add3A_705 = vector.broadcast %add3A_704 : f32 to vector<16xf32>
        %add3A_706 = arith.addf %mul3A_703, %add3A_705 : vector<16xf32>
        %mul3A_707 = arith.mulf %add3A_678, %bitcast_convert_type3A_600 : vector<16xf32>
        %add3A_708 = arith.constant 89.5170517 : f32
        %add3A_709 = vector.broadcast %add3A_708 : f32 to vector<16xf32>
        %add3A_710 = arith.addf %mul3A_707, %add3A_709 : vector<16xf32>
        %mul3A_711 = arith.mulf %add3A_682, %bitcast_convert_type3A_607 : vector<16xf32>
        %add3A_712 = arith.constant 89.5170517 : f32
        %add3A_713 = vector.broadcast %add3A_712 : f32 to vector<16xf32>
        %add3A_714 = arith.addf %mul3A_711, %add3A_713 : vector<16xf32>
        %mul3A_715 = arith.mulf %add3A_686, %bitcast_convert_type3A_614 : vector<16xf32>
        %add3A_716 = arith.constant 89.5170517 : f32
        %add3A_717 = vector.broadcast %add3A_716 : f32 to vector<16xf32>
        %add3A_718 = arith.addf %mul3A_715, %add3A_717 : vector<16xf32>
        %mul3A_719 = arith.mulf %add3A_690, %bitcast_convert_type3A_621 : vector<16xf32>
        %add3A_720 = arith.constant 89.5170517 : f32
        %add3A_721 = vector.broadcast %add3A_720 : f32 to vector<16xf32>
        %add3A_722 = arith.addf %mul3A_719, %add3A_721 : vector<16xf32>
        %mul3A_723 = arith.mulf %add3A_694, %bitcast_convert_type3A_628 : vector<16xf32>
        %add3A_724 = arith.constant 89.5170517 : f32
        %add3A_725 = vector.broadcast %add3A_724 : f32 to vector<16xf32>
        %add3A_726 = arith.addf %mul3A_723, %add3A_725 : vector<16xf32>
        %shift_right_arithmetic3A_727 = arith.constant 23 : i32
        %shift_right_arithmetic3A_728 = vector.broadcast %shift_right_arithmetic3A_727 : i32 to vector<16xi32>
        %shift_right_arithmetic3A_729 = arith.shrsi %bitcast_convert_type3A, %shift_right_arithmetic3A_728 : vector<16xi32>
        %convert_element_type3A_730 = arith.sitofp %shift_right_arithmetic3A_729 : vector<16xi32> to vector<16xf32>
        %shift_right_arithmetic3A_731 = arith.constant 23 : i32
        %shift_right_arithmetic3A_732 = vector.broadcast %shift_right_arithmetic3A_731 : i32 to vector<16xi32>
        %shift_right_arithmetic3A_733 = arith.shrsi %bitcast_convert_type3A_567, %shift_right_arithmetic3A_732 : vector<16xi32>
        %convert_element_type3A_734 = arith.sitofp %shift_right_arithmetic3A_733 : vector<16xi32> to vector<16xf32>
        %shift_right_arithmetic3A_735 = arith.constant 23 : i32
        %shift_right_arithmetic3A_736 = vector.broadcast %shift_right_arithmetic3A_735 : i32 to vector<16xi32>
        %shift_right_arithmetic3A_737 = arith.shrsi %bitcast_convert_type3A_568, %shift_right_arithmetic3A_736 : vector<16xi32>
        %convert_element_type3A_738 = arith.sitofp %shift_right_arithmetic3A_737 : vector<16xi32> to vector<16xf32>
        %shift_right_arithmetic3A_739 = arith.constant 23 : i32
        %shift_right_arithmetic3A_740 = vector.broadcast %shift_right_arithmetic3A_739 : i32 to vector<16xi32>
        %shift_right_arithmetic3A_741 = arith.shrsi %bitcast_convert_type3A_569, %shift_right_arithmetic3A_740 : vector<16xi32>
        %convert_element_type3A_742 = arith.sitofp %shift_right_arithmetic3A_741 : vector<16xi32> to vector<16xf32>
        %shift_right_arithmetic3A_743 = arith.constant 23 : i32
        %shift_right_arithmetic3A_744 = vector.broadcast %shift_right_arithmetic3A_743 : i32 to vector<16xi32>
        %shift_right_arithmetic3A_745 = arith.shrsi %bitcast_convert_type3A_570, %shift_right_arithmetic3A_744 : vector<16xi32>
        %convert_element_type3A_746 = arith.sitofp %shift_right_arithmetic3A_745 : vector<16xi32> to vector<16xf32>
        %shift_right_arithmetic3A_747 = arith.constant 23 : i32
        %shift_right_arithmetic3A_748 = vector.broadcast %shift_right_arithmetic3A_747 : i32 to vector<16xi32>
        %shift_right_arithmetic3A_749 = arith.shrsi %bitcast_convert_type3A_571, %shift_right_arithmetic3A_748 : vector<16xi32>
        %convert_element_type3A_750 = arith.sitofp %shift_right_arithmetic3A_749 : vector<16xi32> to vector<16xf32>
        %shift_right_arithmetic3A_751 = arith.constant 23 : i32
        %shift_right_arithmetic3A_752 = vector.broadcast %shift_right_arithmetic3A_751 : i32 to vector<16xi32>
        %shift_right_arithmetic3A_753 = arith.shrsi %bitcast_convert_type3A_572, %shift_right_arithmetic3A_752 : vector<16xi32>
        %convert_element_type3A_754 = arith.sitofp %shift_right_arithmetic3A_753 : vector<16xi32> to vector<16xf32>
        %shift_right_arithmetic3A_755 = arith.constant 23 : i32
        %shift_right_arithmetic3A_756 = vector.broadcast %shift_right_arithmetic3A_755 : i32 to vector<16xi32>
        %shift_right_arithmetic3A_757 = arith.shrsi %bitcast_convert_type3A_573, %shift_right_arithmetic3A_756 : vector<16xi32>
        %convert_element_type3A_758 = arith.sitofp %shift_right_arithmetic3A_757 : vector<16xi32> to vector<16xf32>
        %mul3A_759 = arith.constant -0.693147182 : f32
        %mul3A_760 = vector.broadcast %mul3A_759 : f32 to vector<16xf32>
        %mul3A_761 = arith.mulf %convert_element_type3A_730, %mul3A_760 : vector<16xf32>
        %add3A_762 = arith.addf %add3A_698, %mul3A_761 : vector<16xf32>
        %mul3A_763 = arith.constant -0.693147182 : f32
        %mul3A_764 = vector.broadcast %mul3A_763 : f32 to vector<16xf32>
        %mul3A_765 = arith.mulf %convert_element_type3A_734, %mul3A_764 : vector<16xf32>
        %add3A_766 = arith.addf %add3A_702, %mul3A_765 : vector<16xf32>
        %mul3A_767 = arith.constant -0.693147182 : f32
        %mul3A_768 = vector.broadcast %mul3A_767 : f32 to vector<16xf32>
        %mul3A_769 = arith.mulf %convert_element_type3A_738, %mul3A_768 : vector<16xf32>
        %add3A_770 = arith.addf %add3A_706, %mul3A_769 : vector<16xf32>
        %mul3A_771 = arith.constant -0.693147182 : f32
        %mul3A_772 = vector.broadcast %mul3A_771 : f32 to vector<16xf32>
        %mul3A_773 = arith.mulf %convert_element_type3A_742, %mul3A_772 : vector<16xf32>
        %add3A_774 = arith.addf %add3A_710, %mul3A_773 : vector<16xf32>
        %mul3A_775 = arith.constant -0.693147182 : f32
        %mul3A_776 = vector.broadcast %mul3A_775 : f32 to vector<16xf32>
        %mul3A_777 = arith.mulf %convert_element_type3A_746, %mul3A_776 : vector<16xf32>
        %add3A_778 = arith.addf %add3A_714, %mul3A_777 : vector<16xf32>
        %mul3A_779 = arith.constant -0.693147182 : f32
        %mul3A_780 = vector.broadcast %mul3A_779 : f32 to vector<16xf32>
        %mul3A_781 = arith.mulf %convert_element_type3A_750, %mul3A_780 : vector<16xf32>
        %add3A_782 = arith.addf %add3A_718, %mul3A_781 : vector<16xf32>
        %mul3A_783 = arith.constant -0.693147182 : f32
        %mul3A_784 = vector.broadcast %mul3A_783 : f32 to vector<16xf32>
        %mul3A_785 = arith.mulf %convert_element_type3A_754, %mul3A_784 : vector<16xf32>
        %add3A_786 = arith.addf %add3A_722, %mul3A_785 : vector<16xf32>
        %mul3A_787 = arith.constant -0.693147182 : f32
        %mul3A_788 = vector.broadcast %mul3A_787 : f32 to vector<16xf32>
        %mul3A_789 = arith.mulf %convert_element_type3A_758, %mul3A_788 : vector<16xf32>
        %add3A_790 = arith.addf %add3A_726, %mul3A_789 : vector<16xf32>
        %gt3A_791 = arith.constant 5.000000e-01 : f32
        %gt3A_792 = vector.broadcast %gt3A_791 : f32 to vector<16xf32>
        %gt3A_793 = arith.cmpf ogt, %get3A_464, %gt3A_792 : vector<16xf32>
        %select_n3A_794 = arith.select %gt3A_793, %broadcast_in_dim3A_3, %add3A_762 : vector<16xi1>, vector<16xf32>
        %gt3A_795 = arith.constant 5.000000e-01 : f32
        %gt3A_796 = vector.broadcast %gt3A_795 : f32 to vector<16xf32>
        %gt3A_797 = arith.cmpf ogt, %get3A_471, %gt3A_796 : vector<16xf32>
        %select_n3A_798 = arith.select %gt3A_797, %broadcast_in_dim3A_3, %add3A_766 : vector<16xi1>, vector<16xf32>
        %gt3A_799 = arith.constant 5.000000e-01 : f32
        %gt3A_800 = vector.broadcast %gt3A_799 : f32 to vector<16xf32>
        %gt3A_801 = arith.cmpf ogt, %get3A_478, %gt3A_800 : vector<16xf32>
        %select_n3A_802 = arith.select %gt3A_801, %broadcast_in_dim3A_3, %add3A_770 : vector<16xi1>, vector<16xf32>
        %gt3A_803 = arith.constant 5.000000e-01 : f32
        %gt3A_804 = vector.broadcast %gt3A_803 : f32 to vector<16xf32>
        %gt3A_805 = arith.cmpf ogt, %get3A_485, %gt3A_804 : vector<16xf32>
        %select_n3A_806 = arith.select %gt3A_805, %broadcast_in_dim3A_3, %add3A_774 : vector<16xi1>, vector<16xf32>
        %gt3A_807 = arith.constant 5.000000e-01 : f32
        %gt3A_808 = vector.broadcast %gt3A_807 : f32 to vector<16xf32>
        %gt3A_809 = arith.cmpf ogt, %get3A_492, %gt3A_808 : vector<16xf32>
        %select_n3A_810 = arith.select %gt3A_809, %broadcast_in_dim3A_3, %add3A_778 : vector<16xi1>, vector<16xf32>
        %gt3A_811 = arith.constant 5.000000e-01 : f32
        %gt3A_812 = vector.broadcast %gt3A_811 : f32 to vector<16xf32>
        %gt3A_813 = arith.cmpf ogt, %get3A_499, %gt3A_812 : vector<16xf32>
        %select_n3A_814 = arith.select %gt3A_813, %broadcast_in_dim3A_3, %add3A_782 : vector<16xi1>, vector<16xf32>
        %gt3A_815 = arith.constant 5.000000e-01 : f32
        %gt3A_816 = vector.broadcast %gt3A_815 : f32 to vector<16xf32>
        %gt3A_817 = arith.cmpf ogt, %get3A_506, %gt3A_816 : vector<16xf32>
        %select_n3A_818 = arith.select %gt3A_817, %broadcast_in_dim3A_3, %add3A_786 : vector<16xi1>, vector<16xf32>
        %gt3A_819 = arith.constant 5.000000e-01 : f32
        %gt3A_820 = vector.broadcast %gt3A_819 : f32 to vector<16xf32>
        %gt3A_821 = arith.cmpf ogt, %get3A_513, %gt3A_820 : vector<16xf32>
        %select_n3A_822 = arith.select %gt3A_821, %broadcast_in_dim3A_3, %add3A_790 : vector<16xi1>, vector<16xf32>
        %bitcast_convert_type3A_823 = tpu.bitcast %select_n3A_794 : vector<16xf32> -> vector<16xi32>
        %shift_right_arithmetic3A_824 = arith.constant 19 : i32
        %shift_right_arithmetic3A_825 = vector.broadcast %shift_right_arithmetic3A_824 : i32 to vector<16xi32>
        %shift_right_arithmetic3A_826 = arith.shrsi %bitcast_convert_type3A_823, %shift_right_arithmetic3A_825 : vector<16xi32>
        %shift_left3A = arith.constant 4 : i32
        %shift_left3A_827 = vector.broadcast %shift_left3A : i32 to vector<16xi32>
        %shift_left3A_828 = arith.shli %shift_right_arithmetic3A_826, %shift_left3A_827 : vector<16xi32>
        %or3A_829 = arith.ori %shift_left3A_828, %iota3A : vector<16xi32>
        %bitcast_convert_type3A_830 = tpu.bitcast %select_n3A_798 : vector<16xf32> -> vector<16xi32>
        %shift_right_arithmetic3A_831 = arith.constant 19 : i32
        %shift_right_arithmetic3A_832 = vector.broadcast %shift_right_arithmetic3A_831 : i32 to vector<16xi32>
        %shift_right_arithmetic3A_833 = arith.shrsi %bitcast_convert_type3A_830, %shift_right_arithmetic3A_832 : vector<16xi32>
        %shift_left3A_834 = arith.constant 4 : i32
        %shift_left3A_835 = vector.broadcast %shift_left3A_834 : i32 to vector<16xi32>
        %shift_left3A_836 = arith.shli %shift_right_arithmetic3A_833, %shift_left3A_835 : vector<16xi32>
        %or3A_837 = arith.ori %shift_left3A_836, %iota3A : vector<16xi32>
        %bitcast_convert_type3A_838 = tpu.bitcast %select_n3A_802 : vector<16xf32> -> vector<16xi32>
        %shift_right_arithmetic3A_839 = arith.constant 19 : i32
        %shift_right_arithmetic3A_840 = vector.broadcast %shift_right_arithmetic3A_839 : i32 to vector<16xi32>
        %shift_right_arithmetic3A_841 = arith.shrsi %bitcast_convert_type3A_838, %shift_right_arithmetic3A_840 : vector<16xi32>
        %shift_left3A_842 = arith.constant 4 : i32
        %shift_left3A_843 = vector.broadcast %shift_left3A_842 : i32 to vector<16xi32>
        %shift_left3A_844 = arith.shli %shift_right_arithmetic3A_841, %shift_left3A_843 : vector<16xi32>
        %or3A_845 = arith.ori %shift_left3A_844, %iota3A : vector<16xi32>
        %bitcast_convert_type3A_846 = tpu.bitcast %select_n3A_806 : vector<16xf32> -> vector<16xi32>
        %shift_right_arithmetic3A_847 = arith.constant 19 : i32
        %shift_right_arithmetic3A_848 = vector.broadcast %shift_right_arithmetic3A_847 : i32 to vector<16xi32>
        %shift_right_arithmetic3A_849 = arith.shrsi %bitcast_convert_type3A_846, %shift_right_arithmetic3A_848 : vector<16xi32>
        %shift_left3A_850 = arith.constant 4 : i32
        %shift_left3A_851 = vector.broadcast %shift_left3A_850 : i32 to vector<16xi32>
        %shift_left3A_852 = arith.shli %shift_right_arithmetic3A_849, %shift_left3A_851 : vector<16xi32>
        %or3A_853 = arith.ori %shift_left3A_852, %iota3A : vector<16xi32>
        %bitcast_convert_type3A_854 = tpu.bitcast %select_n3A_810 : vector<16xf32> -> vector<16xi32>
        %shift_right_arithmetic3A_855 = arith.constant 19 : i32
        %shift_right_arithmetic3A_856 = vector.broadcast %shift_right_arithmetic3A_855 : i32 to vector<16xi32>
        %shift_right_arithmetic3A_857 = arith.shrsi %bitcast_convert_type3A_854, %shift_right_arithmetic3A_856 : vector<16xi32>
        %shift_left3A_858 = arith.constant 4 : i32
        %shift_left3A_859 = vector.broadcast %shift_left3A_858 : i32 to vector<16xi32>
        %shift_left3A_860 = arith.shli %shift_right_arithmetic3A_857, %shift_left3A_859 : vector<16xi32>
        %or3A_861 = arith.ori %shift_left3A_860, %iota3A : vector<16xi32>
        %bitcast_convert_type3A_862 = tpu.bitcast %select_n3A_814 : vector<16xf32> -> vector<16xi32>
        %shift_right_arithmetic3A_863 = arith.constant 19 : i32
        %shift_right_arithmetic3A_864 = vector.broadcast %shift_right_arithmetic3A_863 : i32 to vector<16xi32>
        %shift_right_arithmetic3A_865 = arith.shrsi %bitcast_convert_type3A_862, %shift_right_arithmetic3A_864 : vector<16xi32>
        %shift_left3A_866 = arith.constant 4 : i32
        %shift_left3A_867 = vector.broadcast %shift_left3A_866 : i32 to vector<16xi32>
        %shift_left3A_868 = arith.shli %shift_right_arithmetic3A_865, %shift_left3A_867 : vector<16xi32>
        %or3A_869 = arith.ori %shift_left3A_868, %iota3A : vector<16xi32>
        %bitcast_convert_type3A_870 = tpu.bitcast %select_n3A_818 : vector<16xf32> -> vector<16xi32>
        %shift_right_arithmetic3A_871 = arith.constant 19 : i32
        %shift_right_arithmetic3A_872 = vector.broadcast %shift_right_arithmetic3A_871 : i32 to vector<16xi32>
        %shift_right_arithmetic3A_873 = arith.shrsi %bitcast_convert_type3A_870, %shift_right_arithmetic3A_872 : vector<16xi32>
        %shift_left3A_874 = arith.constant 4 : i32
        %shift_left3A_875 = vector.broadcast %shift_left3A_874 : i32 to vector<16xi32>
        %shift_left3A_876 = arith.shli %shift_right_arithmetic3A_873, %shift_left3A_875 : vector<16xi32>
        %or3A_877 = arith.ori %shift_left3A_876, %iota3A : vector<16xi32>
        %bitcast_convert_type3A_878 = tpu.bitcast %select_n3A_822 : vector<16xf32> -> vector<16xi32>
        %shift_right_arithmetic3A_879 = arith.constant 19 : i32
        %shift_right_arithmetic3A_880 = vector.broadcast %shift_right_arithmetic3A_879 : i32 to vector<16xi32>
        %shift_right_arithmetic3A_881 = arith.shrsi %bitcast_convert_type3A_878, %shift_right_arithmetic3A_880 : vector<16xi32>
        %shift_left3A_882 = arith.constant 4 : i32
        %shift_left3A_883 = vector.broadcast %shift_left3A_882 : i32 to vector<16xi32>
        %shift_left3A_884 = arith.shli %shift_right_arithmetic3A_881, %shift_left3A_883 : vector<16xi32>
        %or3A_885 = arith.ori %shift_left3A_884, %iota3A : vector<16xi32>
        tpu.vector_store_idx %arg7[%or3A_829], %broadcast_in_dim3A_5 {add = true} : memref<34816xf32, #tpu.memory_space<vmem>>[vector<16xi32>], vector<16xf32>,
        tpu.vector_store_idx %arg8[%or3A_829], %select_n3A_794 {add = true} : memref<34816xf32, #tpu.memory_space<vmem>>[vector<16xi32>], vector<16xf32>,
        tpu.vector_store_idx %arg7[%or3A_837], %broadcast_in_dim3A_5 {add = true} : memref<34816xf32, #tpu.memory_space<vmem>>[vector<16xi32>], vector<16xf32>,
        tpu.vector_store_idx %arg8[%or3A_837], %select_n3A_798 {add = true} : memref<34816xf32, #tpu.memory_space<vmem>>[vector<16xi32>], vector<16xf32>,
        tpu.vector_store_idx %arg7[%or3A_845], %broadcast_in_dim3A_5 {add = true} : memref<34816xf32, #tpu.memory_space<vmem>>[vector<16xi32>], vector<16xf32>,
        tpu.vector_store_idx %arg8[%or3A_845], %select_n3A_802 {add = true} : memref<34816xf32, #tpu.memory_space<vmem>>[vector<16xi32>], vector<16xf32>,
        tpu.vector_store_idx %arg7[%or3A_853], %broadcast_in_dim3A_5 {add = true} : memref<34816xf32, #tpu.memory_space<vmem>>[vector<16xi32>], vector<16xf32>,
        tpu.vector_store_idx %arg8[%or3A_853], %select_n3A_806 {add = true} : memref<34816xf32, #tpu.memory_space<vmem>>[vector<16xi32>], vector<16xf32>,
        tpu.vector_store_idx %arg7[%or3A_861], %broadcast_in_dim3A_5 {add = true} : memref<34816xf32, #tpu.memory_space<vmem>>[vector<16xi32>], vector<16xf32>,
        tpu.vector_store_idx %arg8[%or3A_861], %select_n3A_810 {add = true} : memref<34816xf32, #tpu.memory_space<vmem>>[vector<16xi32>], vector<16xf32>,
        tpu.vector_store_idx %arg7[%or3A_869], %broadcast_in_dim3A_5 {add = true} : memref<34816xf32, #tpu.memory_space<vmem>>[vector<16xi32>], vector<16xf32>,
        tpu.vector_store_idx %arg8[%or3A_869], %select_n3A_814 {add = true} : memref<34816xf32, #tpu.memory_space<vmem>>[vector<16xi32>], vector<16xf32>,
        tpu.vector_store_idx %arg7[%or3A_877], %broadcast_in_dim3A_5 {add = true} : memref<34816xf32, #tpu.memory_space<vmem>>[vector<16xi32>], vector<16xf32>,
        tpu.vector_store_idx %arg8[%or3A_877], %select_n3A_818 {add = true} : memref<34816xf32, #tpu.memory_space<vmem>>[vector<16xi32>], vector<16xf32>,
        tpu.vector_store_idx %arg7[%or3A_885], %broadcast_in_dim3A_5 {add = true} : memref<34816xf32, #tpu.memory_space<vmem>>[vector<16xi32>], vector<16xf32>,
        tpu.vector_store_idx %arg8[%or3A_885], %select_n3A_822 {add = true} : memref<34816xf32, #tpu.memory_space<vmem>>[vector<16xi32>], vector<16xf32>,
        %add3A_886 = arith.addf %add3A_762, %add3A_766 : vector<16xf32>
        %add3A_887 = arith.addf %add3A_770, %add3A_774 : vector<16xf32>
        %add3A_888 = arith.addf %add3A_886, %add3A_887 : vector<16xf32>
        %add3A_889 = arith.addf %add3A_778, %add3A_782 : vector<16xf32>
        %add3A_890 = arith.addf %add3A_786, %add3A_790 : vector<16xf32>
        %add3A_891 = arith.addf %add3A_889, %add3A_890 : vector<16xf32>
        %add3A_892 = arith.addf %add3A_888, %add3A_891 : vector<16xf32>
        %add3A_893 = arith.addf %scan3A_397, %add3A_892 : vector<16xf32>
        %add3A_894 = arith.addf %get3A_464, %get3A_471 : vector<16xf32>
        %add3A_895 = arith.addf %get3A_478, %get3A_485 : vector<16xf32>
        %add3A_896 = arith.addf %add3A_894, %add3A_895 : vector<16xf32>
        %add3A_897 = arith.addf %get3A_492, %get3A_499 : vector<16xf32>
        %add3A_898 = arith.addf %get3A_506, %get3A_513 : vector<16xf32>
        %add3A_899 = arith.addf %add3A_897, %add3A_898 : vector<16xf32>
        %add3A_900 = arith.addf %add3A_896, %add3A_899 : vector<16xf32>
        %add3A_901 = arith.addf %scan3A_398, %add3A_900 : vector<16xf32>
        scf.yield %add3A_893, %add3A_901 : vector<16xf32>, vector<16xf32>
      }
      %scan3A_345 = arith.constant 64 : i32
      %add3A_346 = arith.constant 2 : i32
      %add3A_347 = arith.addi %add3A_311, %add3A_346 : i32
      %lt3A = arith.constant 32 : i32
      %lt3A_348 = arith.cmpi slt, %add3A_347, %lt3A : i32
      %convert_element_type3A = arith.extui %lt3A_348 : i1 to i32
      %cond3A = arith.constant 0 : i32
      %cond3A_349 = arith.cmpi ne, %convert_element_type3A, %cond3A : i32
      scf.if %cond3A_349 {
        %add3A_396 = arith.constant 2 : i32
        %add3A_397 = arith.addi %add3A_311, %add3A_396 : i32
        %mul3A_398 = arith.constant 16 : i32
        %mul3A_399 = arith.muli %add3A_397, %mul3A_398 : i32
        %add3A_400 = arith.addi %mul3A_2, %mul3A_399 : i32
        %dma_start3A_401 = arith.constant 0 : i32
        %dma_start3A_402 = arith.constant 0 : i32
        %dma_start3A_403 = arith.constant 0 : i32
        %dma_start3A_404 = tpu.memref_slice %arg5[%dma_start3A_401, %dma_start3A_402, %dma_start3A_403] : memref<2x16x512xf32, #tpu.memory_space<vmem>> -> memref<1x16x512xf32, #tpu.memory_space<vmem>>
        %dma_start3A_405 = tpu.memref_squeeze %dma_start3A_404 : memref<1x16x512xf32, #tpu.memory_space<vmem>> -> memref<16x512xf32, #tpu.memory_space<vmem>>
        %dma_start3A_406 = arith.constant 0 : i32
        %dma_start3A_407 = tpu.memref_slice %arg2[%add3A_400, %dma_start3A_406] : memref<16384x512xf32, #tpu.memory_space<hbm>> -> memref<16x512xf32, #tpu.memory_space<hbm>>
        %dma_start3A_408 = arith.constant 0 : i32
        %dma_start3A_409 = arith.constant 0 : i32
        %dma_start3A_410 = tpu.memref_slice %arg5[%dma_start3A_401, %dma_start3A_408, %dma_start3A_409] : memref<2x16x512xf32, #tpu.memory_space<vmem>> -> memref<1x16x512xf32, #tpu.memory_space<vmem>>
        %dma_start3A_411 = tpu.memref_squeeze %dma_start3A_410 : memref<1x16x512xf32, #tpu.memory_space<vmem>> -> memref<16x512xf32, #tpu.memory_space<vmem>>
        %dma_start3A_412 = arith.constant 0 : i32
        %dma_start3A_413 = tpu.memref_slice %arg2[%add3A_400, %dma_start3A_412] : memref<16384x512xf32, #tpu.memory_space<hbm>> -> memref<16x512xf32, #tpu.memory_space<hbm>>
        tpu.enqueue_dma source(%dma_start3A_413 : memref<16x512xf32, #tpu.memory_space<hbm>>) target(%dma_start3A_411 : memref<16x512xf32, #tpu.memory_space<vmem>>) target_semaphore(%arg10 : memref<!tpu.dma_semaphore, #tpu.memory_space<semaphore_mem>>)
        %dma_start3A_414 = arith.constant 0 : i32
        %dma_start3A_415 = arith.constant 0 : i32
        %dma_start3A_416 = arith.constant 0 : i32
        %dma_start3A_417 = tpu.memref_slice %arg6[%dma_start3A_414, %dma_start3A_415, %dma_start3A_416] : memref<2x16x512xf32, #tpu.memory_space<vmem>> -> memref<1x16x512xf32, #tpu.memory_space<vmem>>
        %dma_start3A_418 = tpu.memref_squeeze %dma_start3A_417 : memref<1x16x512xf32, #tpu.memory_space<vmem>> -> memref<16x512xf32, #tpu.memory_space<vmem>>
        %dma_start3A_419 = arith.constant 0 : i32
        %dma_start3A_420 = tpu.memref_slice %arg3[%add3A_400, %dma_start3A_419] : memref<16384x512xf32, #tpu.memory_space<hbm>> -> memref<16x512xf32, #tpu.memory_space<hbm>>
        %dma_start3A_421 = arith.constant 0 : i32
        %dma_start3A_422 = arith.constant 0 : i32
        %dma_start3A_423 = tpu.memref_slice %arg6[%dma_start3A_414, %dma_start3A_421, %dma_start3A_422] : memref<2x16x512xf32, #tpu.memory_space<vmem>> -> memref<1x16x512xf32, #tpu.memory_space<vmem>>
        %dma_start3A_424 = tpu.memref_squeeze %dma_start3A_423 : memref<1x16x512xf32, #tpu.memory_space<vmem>> -> memref<16x512xf32, #tpu.memory_space<vmem>>
        %dma_start3A_425 = arith.constant 0 : i32
        %dma_start3A_426 = tpu.memref_slice %arg3[%add3A_400, %dma_start3A_425] : memref<16384x512xf32, #tpu.memory_space<hbm>> -> memref<16x512xf32, #tpu.memory_space<hbm>>
        tpu.enqueue_dma source(%dma_start3A_426 : memref<16x512xf32, #tpu.memory_space<hbm>>) target(%dma_start3A_424 : memref<16x512xf32, #tpu.memory_space<vmem>>) target_semaphore(%arg11 : memref<!tpu.dma_semaphore, #tpu.memory_space<semaphore_mem>>)
      } else {
      }
      %mul3A_350 = arith.constant 2 : i32
      %mul3A_351 = arith.muli %scan3A_305, %mul3A_350 : i32
      %add3A_352 = arith.constant 1 : i32
      %add3A_353 = arith.addi %mul3A_351, %add3A_352 : i32
      %mul3A_354 = arith.constant 16 : i32
      %mul3A_355 = arith.muli %add3A_353, %mul3A_354 : i32
      %add3A_356 = arith.addi %mul3A_2, %mul3A_355 : i32
      %dma_wait3A_357 = arith.constant 1 : i32
      %dma_wait3A_358 = arith.constant 0 : i32
      %dma_wait3A_359 = arith.constant 0 : i32
      %dma_wait3A_360 = tpu.memref_slice %arg5[%dma_wait3A_357, %dma_wait3A_358, %dma_wait3A_359] : memref<2x16x512xf32, #tpu.memory_space<vmem>> -> memref<1x16x512xf32, #tpu.memory_space<vmem>>
      %dma_wait3A_361 = tpu.memref_squeeze %dma_wait3A_360 : memref<1x16x512xf32, #tpu.memory_space<vmem>> -> memref<16x512xf32, #tpu.memory_space<vmem>>
      %dma_wait3A_362 = arith.constant 0 : i32
      %dma_wait3A_363 = tpu.memref_slice %arg2[%add3A_356, %dma_wait3A_362] : memref<16384x512xf32, #tpu.memory_space<hbm>> -> memref<16x512xf32, #tpu.memory_space<hbm>>
      %dma_wait3A_364 = arith.constant 0 : i32
      %dma_wait3A_365 = arith.constant 0 : i32
      %dma_wait3A_366 = tpu.memref_slice %arg5[%dma_wait3A_357, %dma_wait3A_364, %dma_wait3A_365] : memref<2x16x512xf32, #tpu.memory_space<vmem>> -> memref<1x16x512xf32, #tpu.memory_space<vmem>>
      %dma_wait3A_367 = tpu.memref_squeeze %dma_wait3A_366 : memref<1x16x512xf32, #tpu.memory_space<vmem>> -> memref<16x512xf32, #tpu.memory_space<vmem>>
      %dma_wait3A_368 = arith.constant 0 : i32
      %dma_wait3A_369 = tpu.memref_slice %arg2[%add3A_356, %dma_wait3A_368] : memref<16384x512xf32, #tpu.memory_space<hbm>> -> memref<16x512xf32, #tpu.memory_space<hbm>>
      tpu.wait_dma2 semaphore(%arg12 : memref<!tpu.dma_semaphore, #tpu.memory_space<semaphore_mem>>) src(%dma_wait3A_369 : memref<16x512xf32, #tpu.memory_space<hbm>>) dst(%dma_wait3A_367 : memref<16x512xf32, #tpu.memory_space<vmem>>)
      %dma_wait3A_370 = arith.constant 1 : i32
      %dma_wait3A_371 = arith.constant 0 : i32
      %dma_wait3A_372 = arith.constant 0 : i32
      %dma_wait3A_373 = tpu.memref_slice %arg6[%dma_wait3A_370, %dma_wait3A_371, %dma_wait3A_372] : memref<2x16x512xf32, #tpu.memory_space<vmem>> -> memref<1x16x512xf32, #tpu.memory_space<vmem>>
      %dma_wait3A_374 = tpu.memref_squeeze %dma_wait3A_373 : memref<1x16x512xf32, #tpu.memory_space<vmem>> -> memref<16x512xf32, #tpu.memory_space<vmem>>
      %dma_wait3A_375 = arith.constant 0 : i32
      %dma_wait3A_376 = tpu.memref_slice %arg3[%add3A_356, %dma_wait3A_375] : memref<16384x512xf32, #tpu.memory_space<hbm>> -> memref<16x512xf32, #tpu.memory_space<hbm>>
      %dma_wait3A_377 = arith.constant 0 : i32
      %dma_wait3A_378 = arith.constant 0 : i32
      %dma_wait3A_379 = tpu.memref_slice %arg6[%dma_wait3A_370, %dma_wait3A_377, %dma_wait3A_378] : memref<2x16x512xf32, #tpu.memory_space<vmem>> -> memref<1x16x512xf32, #tpu.memory_space<vmem>>
      %dma_wait3A_380 = tpu.memref_squeeze %dma_wait3A_379 : memref<1x16x512xf32, #tpu.memory_space<vmem>> -> memref<16x512xf32, #tpu.memory_space<vmem>>
      %dma_wait3A_381 = arith.constant 0 : i32
      %dma_wait3A_382 = tpu.memref_slice %arg3[%add3A_356, %dma_wait3A_381] : memref<16384x512xf32, #tpu.memory_space<hbm>> -> memref<16x512xf32, #tpu.memory_space<hbm>>
      tpu.wait_dma2 semaphore(%arg13 : memref<!tpu.dma_semaphore, #tpu.memory_space<semaphore_mem>>) src(%dma_wait3A_382 : memref<16x512xf32, #tpu.memory_space<hbm>>) dst(%dma_wait3A_380 : memref<16x512xf32, #tpu.memory_space<vmem>>)
      %scan3A_383 = arith.constant 0 : i32
      %scan3A_384 = arith.constant 64 : i32
      %scan3A_385 = arith.addi %scan3A_383, %scan3A_384 : i32
      %scan3A_386 = arith.constant 1 : i32
      %scan3A_387:2 = scf.for %scan3A_396 = %scan3A_383 to %scan3A_385 step %scan3A_386 iter_args(%scan3A_397 = %scan3A_344#0, %scan3A_398 = %scan3A_344#1) -> (vector<16xf32>, vector<16xf32>)  : i32 {
        %shift_right_arithmetic3A = arith.constant 2 : i32
        %shift_right_arithmetic3A_399 = arith.shrsi %scan3A_396, %shift_right_arithmetic3A : i32
        %and3A = arith.constant 3 : i32
        %and3A_400 = arith.andi %scan3A_396, %and3A : i32
        %mul3A_401 = arith.constant 128 : i32
        %mul3A_402 = arith.muli %and3A_400, %mul3A_401 : i32
        %add3A_403 = arith.constant 0 : i32
        %add3A_404 = arith.addi %mul3A_402, %add3A_403 : i32
        %get3A = arith.constant 1 : i32
        %get3A_405 = arith.index_cast %get3A : i32 to index
        %get3A_406 = arith.index_cast %shift_right_arithmetic3A_399 : i32 to index
        %get3A_407 = arith.index_cast %add3A_404 : i32 to index
        %get3A_408 = tpu.vector_load %arg5[%get3A_405, %get3A_406, %get3A_407] {strides = array<i32>} : memref<2x16x512xf32, #tpu.memory_space<vmem>>, vector<16xf32>,
        %add3A_409 = arith.constant 16 : i32
        %add3A_410 = arith.addi %mul3A_402, %add3A_409 : i32
        %get3A_411 = arith.constant 1 : i32
        %get3A_412 = arith.index_cast %get3A_411 : i32 to index
        %get3A_413 = arith.index_cast %shift_right_arithmetic3A_399 : i32 to index
        %get3A_414 = arith.index_cast %add3A_410 : i32 to index
        %get3A_415 = tpu.vector_load %arg5[%get3A_412, %get3A_413, %get3A_414] {strides = array<i32>} : memref<2x16x512xf32, #tpu.memory_space<vmem>>, vector<16xf32>,
        %add3A_416 = arith.constant 32 : i32
        %add3A_417 = arith.addi %mul3A_402, %add3A_416 : i32
        %get3A_418 = arith.constant 1 : i32
        %get3A_419 = arith.index_cast %get3A_418 : i32 to index
        %get3A_420 = arith.index_cast %shift_right_arithmetic3A_399 : i32 to index
        %get3A_421 = arith.index_cast %add3A_417 : i32 to index
        %get3A_422 = tpu.vector_load %arg5[%get3A_419, %get3A_420, %get3A_421] {strides = array<i32>} : memref<2x16x512xf32, #tpu.memory_space<vmem>>, vector<16xf32>,
        %add3A_423 = arith.constant 48 : i32
        %add3A_424 = arith.addi %mul3A_402, %add3A_423 : i32
        %get3A_425 = arith.constant 1 : i32
        %get3A_426 = arith.index_cast %get3A_425 : i32 to index
        %get3A_427 = arith.index_cast %shift_right_arithmetic3A_399 : i32 to index
        %get3A_428 = arith.index_cast %add3A_424 : i32 to index
        %get3A_429 = tpu.vector_load %arg5[%get3A_426, %get3A_427, %get3A_428] {strides = array<i32>} : memref<2x16x512xf32, #tpu.memory_space<vmem>>, vector<16xf32>,
        %add3A_430 = arith.constant 64 : i32
        %add3A_431 = arith.addi %mul3A_402, %add3A_430 : i32
        %get3A_432 = arith.constant 1 : i32
        %get3A_433 = arith.index_cast %get3A_432 : i32 to index
        %get3A_434 = arith.index_cast %shift_right_arithmetic3A_399 : i32 to index
        %get3A_435 = arith.index_cast %add3A_431 : i32 to index
        %get3A_436 = tpu.vector_load %arg5[%get3A_433, %get3A_434, %get3A_435] {strides = array<i32>} : memref<2x16x512xf32, #tpu.memory_space<vmem>>, vector<16xf32>,
        %add3A_437 = arith.constant 80 : i32
        %add3A_438 = arith.addi %mul3A_402, %add3A_437 : i32
        %get3A_439 = arith.constant 1 : i32
        %get3A_440 = arith.index_cast %get3A_439 : i32 to index
        %get3A_441 = arith.index_cast %shift_right_arithmetic3A_399 : i32 to index
        %get3A_442 = arith.index_cast %add3A_438 : i32 to index
        %get3A_443 = tpu.vector_load %arg5[%get3A_440, %get3A_441, %get3A_442] {strides = array<i32>} : memref<2x16x512xf32, #tpu.memory_space<vmem>>, vector<16xf32>,
        %add3A_444 = arith.constant 96 : i32
        %add3A_445 = arith.addi %mul3A_402, %add3A_444 : i32
        %get3A_446 = arith.constant 1 : i32
        %get3A_447 = arith.index_cast %get3A_446 : i32 to index
        %get3A_448 = arith.index_cast %shift_right_arithmetic3A_399 : i32 to index
        %get3A_449 = arith.index_cast %add3A_445 : i32 to index
        %get3A_450 = tpu.vector_load %arg5[%get3A_447, %get3A_448, %get3A_449] {strides = array<i32>} : memref<2x16x512xf32, #tpu.memory_space<vmem>>, vector<16xf32>,
        %add3A_451 = arith.constant 112 : i32
        %add3A_452 = arith.addi %mul3A_402, %add3A_451 : i32
        %get3A_453 = arith.constant 1 : i32
        %get3A_454 = arith.index_cast %get3A_453 : i32 to index
        %get3A_455 = arith.index_cast %shift_right_arithmetic3A_399 : i32 to index
        %get3A_456 = arith.index_cast %add3A_452 : i32 to index
        %get3A_457 = tpu.vector_load %arg5[%get3A_454, %get3A_455, %get3A_456] {strides = array<i32>} : memref<2x16x512xf32, #tpu.memory_space<vmem>>, vector<16xf32>,
        %add3A_458 = arith.constant 0 : i32
        %add3A_459 = arith.addi %mul3A_402, %add3A_458 : i32
        %get3A_460 = arith.constant 1 : i32
        %get3A_461 = arith.index_cast %get3A_460 : i32 to index
        %get3A_462 = arith.index_cast %shift_right_arithmetic3A_399 : i32 to index
        %get3A_463 = arith.index_cast %add3A_459 : i32 to index
        %get3A_464 = tpu.vector_load %arg6[%get3A_461, %get3A_462, %get3A_463] {strides = array<i32>} : memref<2x16x512xf32, #tpu.memory_space<vmem>>, vector<16xf32>,
        %add3A_465 = arith.constant 16 : i32
        %add3A_466 = arith.addi %mul3A_402, %add3A_465 : i32
        %get3A_467 = arith.constant 1 : i32
        %get3A_468 = arith.index_cast %get3A_467 : i32 to index
        %get3A_469 = arith.index_cast %shift_right_arithmetic3A_399 : i32 to index
        %get3A_470 = arith.index_cast %add3A_466 : i32 to index
        %get3A_471 = tpu.vector_load %arg6[%get3A_468, %get3A_469, %get3A_470] {strides = array<i32>} : memref<2x16x512xf32, #tpu.memory_space<vmem>>, vector<16xf32>,
        %add3A_472 = arith.constant 32 : i32
        %add3A_473 = arith.addi %mul3A_402, %add3A_472 : i32
        %get3A_474 = arith.constant 1 : i32
        %get3A_475 = arith.index_cast %get3A_474 : i32 to index
        %get3A_476 = arith.index_cast %shift_right_arithmetic3A_399 : i32 to index
        %get3A_477 = arith.index_cast %add3A_473 : i32 to index
        %get3A_478 = tpu.vector_load %arg6[%get3A_475, %get3A_476, %get3A_477] {strides = array<i32>} : memref<2x16x512xf32, #tpu.memory_space<vmem>>, vector<16xf32>,
        %add3A_479 = arith.constant 48 : i32
        %add3A_480 = arith.addi %mul3A_402, %add3A_479 : i32
        %get3A_481 = arith.constant 1 : i32
        %get3A_482 = arith.index_cast %get3A_481 : i32 to index
        %get3A_483 = arith.index_cast %shift_right_arithmetic3A_399 : i32 to index
        %get3A_484 = arith.index_cast %add3A_480 : i32 to index
        %get3A_485 = tpu.vector_load %arg6[%get3A_482, %get3A_483, %get3A_484] {strides = array<i32>} : memref<2x16x512xf32, #tpu.memory_space<vmem>>, vector<16xf32>,
        %add3A_486 = arith.constant 64 : i32
        %add3A_487 = arith.addi %mul3A_402, %add3A_486 : i32
        %get3A_488 = arith.constant 1 : i32
        %get3A_489 = arith.index_cast %get3A_488 : i32 to index
        %get3A_490 = arith.index_cast %shift_right_arithmetic3A_399 : i32 to index
        %get3A_491 = arith.index_cast %add3A_487 : i32 to index
        %get3A_492 = tpu.vector_load %arg6[%get3A_489, %get3A_490, %get3A_491] {strides = array<i32>} : memref<2x16x512xf32, #tpu.memory_space<vmem>>, vector<16xf32>,
        %add3A_493 = arith.constant 80 : i32
        %add3A_494 = arith.addi %mul3A_402, %add3A_493 : i32
        %get3A_495 = arith.constant 1 : i32
        %get3A_496 = arith.index_cast %get3A_495 : i32 to index
        %get3A_497 = arith.index_cast %shift_right_arithmetic3A_399 : i32 to index
        %get3A_498 = arith.index_cast %add3A_494 : i32 to index
        %get3A_499 = tpu.vector_load %arg6[%get3A_496, %get3A_497, %get3A_498] {strides = array<i32>} : memref<2x16x512xf32, #tpu.memory_space<vmem>>, vector<16xf32>,
        %add3A_500 = arith.constant 96 : i32
        %add3A_501 = arith.addi %mul3A_402, %add3A_500 : i32
        %get3A_502 = arith.constant 1 : i32
        %get3A_503 = arith.index_cast %get3A_502 : i32 to index
        %get3A_504 = arith.index_cast %shift_right_arithmetic3A_399 : i32 to index
        %get3A_505 = arith.index_cast %add3A_501 : i32 to index
        %get3A_506 = tpu.vector_load %arg6[%get3A_503, %get3A_504, %get3A_505] {strides = array<i32>} : memref<2x16x512xf32, #tpu.memory_space<vmem>>, vector<16xf32>,
        %add3A_507 = arith.constant 112 : i32
        %add3A_508 = arith.addi %mul3A_402, %add3A_507 : i32
        %get3A_509 = arith.constant 1 : i32
        %get3A_510 = arith.index_cast %get3A_509 : i32 to index
        %get3A_511 = arith.index_cast %shift_right_arithmetic3A_399 : i32 to index
        %get3A_512 = arith.index_cast %add3A_508 : i32 to index
        %get3A_513 = tpu.vector_load %arg6[%get3A_510, %get3A_511, %get3A_512] {strides = array<i32>} : memref<2x16x512xf32, #tpu.memory_space<vmem>>, vector<16xf32>,
        %sub3A = arith.constant 1.000000e+00 : f32
        %sub3A_514 = vector.broadcast %sub3A : f32 to vector<16xf32>
        %sub3A_515 = arith.subf %sub3A_514, %get3A_408 : vector<16xf32>
        %sub3A_516 = arith.constant 1.000000e+00 : f32
        %sub3A_517 = vector.broadcast %sub3A_516 : f32 to vector<16xf32>
        %sub3A_518 = arith.subf %sub3A_517, %get3A_415 : vector<16xf32>
        %sub3A_519 = arith.constant 1.000000e+00 : f32
        %sub3A_520 = vector.broadcast %sub3A_519 : f32 to vector<16xf32>
        %sub3A_521 = arith.subf %sub3A_520, %get3A_422 : vector<16xf32>
        %sub3A_522 = arith.constant 1.000000e+00 : f32
        %sub3A_523 = vector.broadcast %sub3A_522 : f32 to vector<16xf32>
        %sub3A_524 = arith.subf %sub3A_523, %get3A_429 : vector<16xf32>
        %sub3A_525 = arith.constant 1.000000e+00 : f32
        %sub3A_526 = vector.broadcast %sub3A_525 : f32 to vector<16xf32>
        %sub3A_527 = arith.subf %sub3A_526, %get3A_436 : vector<16xf32>
        %sub3A_528 = arith.constant 1.000000e+00 : f32
        %sub3A_529 = vector.broadcast %sub3A_528 : f32 to vector<16xf32>
        %sub3A_530 = arith.subf %sub3A_529, %get3A_443 : vector<16xf32>
        %sub3A_531 = arith.constant 1.000000e+00 : f32
        %sub3A_532 = vector.broadcast %sub3A_531 : f32 to vector<16xf32>
        %sub3A_533 = arith.subf %sub3A_532, %get3A_450 : vector<16xf32>
        %sub3A_534 = arith.constant 1.000000e+00 : f32
        %sub3A_535 = vector.broadcast %sub3A_534 : f32 to vector<16xf32>
        %sub3A_536 = arith.subf %sub3A_535, %get3A_457 : vector<16xf32>
        %gt3A = arith.constant 5.000000e-01 : f32
        %gt3A_537 = vector.broadcast %gt3A : f32 to vector<16xf32>
        %gt3A_538 = arith.cmpf ogt, %get3A_464, %gt3A_537 : vector<16xf32>
        %select_n3A = arith.select %gt3A_538, %get3A_408, %sub3A_515 : vector<16xi1>, vector<16xf32>
        %gt3A_539 = arith.constant 5.000000e-01 : f32
        %gt3A_540 = vector.broadcast %gt3A_539 : f32 to vector<16xf32>
        %gt3A_541 = arith.cmpf ogt, %get3A_471, %gt3A_540 : vector<16xf32>
        %select_n3A_542 = arith.select %gt3A_541, %get3A_415, %sub3A_518 : vector<16xi1>, vector<16xf32>
        %gt3A_543 = arith.constant 5.000000e-01 : f32
        %gt3A_544 = vector.broadcast %gt3A_543 : f32 to vector<16xf32>
        %gt3A_545 = arith.cmpf ogt, %get3A_478, %gt3A_544 : vector<16xf32>
        %select_n3A_546 = arith.select %gt3A_545, %get3A_422, %sub3A_521 : vector<16xi1>, vector<16xf32>
        %gt3A_547 = arith.constant 5.000000e-01 : f32
        %gt3A_548 = vector.broadcast %gt3A_547 : f32 to vector<16xf32>
        %gt3A_549 = arith.cmpf ogt, %get3A_485, %gt3A_548 : vector<16xf32>
        %select_n3A_550 = arith.select %gt3A_549, %get3A_429, %sub3A_524 : vector<16xi1>, vector<16xf32>
        %gt3A_551 = arith.constant 5.000000e-01 : f32
        %gt3A_552 = vector.broadcast %gt3A_551 : f32 to vector<16xf32>
        %gt3A_553 = arith.cmpf ogt, %get3A_492, %gt3A_552 : vector<16xf32>
        %select_n3A_554 = arith.select %gt3A_553, %get3A_436, %sub3A_527 : vector<16xi1>, vector<16xf32>
        %gt3A_555 = arith.constant 5.000000e-01 : f32
        %gt3A_556 = vector.broadcast %gt3A_555 : f32 to vector<16xf32>
        %gt3A_557 = arith.cmpf ogt, %get3A_499, %gt3A_556 : vector<16xf32>
        %select_n3A_558 = arith.select %gt3A_557, %get3A_443, %sub3A_530 : vector<16xi1>, vector<16xf32>
        %gt3A_559 = arith.constant 5.000000e-01 : f32
        %gt3A_560 = vector.broadcast %gt3A_559 : f32 to vector<16xf32>
        %gt3A_561 = arith.cmpf ogt, %get3A_506, %gt3A_560 : vector<16xf32>
        %select_n3A_562 = arith.select %gt3A_561, %get3A_450, %sub3A_533 : vector<16xi1>, vector<16xf32>
        %gt3A_563 = arith.constant 5.000000e-01 : f32
        %gt3A_564 = vector.broadcast %gt3A_563 : f32 to vector<16xf32>
        %gt3A_565 = arith.cmpf ogt, %get3A_513, %gt3A_564 : vector<16xf32>
        %select_n3A_566 = arith.select %gt3A_565, %get3A_457, %sub3A_536 : vector<16xi1>, vector<16xf32>
        %bitcast_convert_type3A = tpu.bitcast %select_n3A : vector<16xf32> -> vector<16xi32>
        %bitcast_convert_type3A_567 = tpu.bitcast %select_n3A_542 : vector<16xf32> -> vector<16xi32>
        %bitcast_convert_type3A_568 = tpu.bitcast %select_n3A_546 : vector<16xf32> -> vector<16xi32>
        %bitcast_convert_type3A_569 = tpu.bitcast %select_n3A_550 : vector<16xf32> -> vector<16xi32>
        %bitcast_convert_type3A_570 = tpu.bitcast %select_n3A_554 : vector<16xf32> -> vector<16xi32>
        %bitcast_convert_type3A_571 = tpu.bitcast %select_n3A_558 : vector<16xf32> -> vector<16xi32>
        %bitcast_convert_type3A_572 = tpu.bitcast %select_n3A_562 : vector<16xf32> -> vector<16xi32>
        %bitcast_convert_type3A_573 = tpu.bitcast %select_n3A_566 : vector<16xf32> -> vector<16xi32>
        %and3A_574 = arith.constant 8388607 : i32
        %and3A_575 = vector.broadcast %and3A_574 : i32 to vector<16xi32>
        %and3A_576 = arith.andi %bitcast_convert_type3A, %and3A_575 : vector<16xi32>
        %or3A = arith.constant 1065353216 : i32
        %or3A_577 = vector.broadcast %or3A : i32 to vector<16xi32>
        %or3A_578 = arith.ori %and3A_576, %or3A_577 : vector<16xi32>
        %bitcast_convert_type3A_579 = tpu.bitcast %or3A_578 : vector<16xi32> -> vector<16xf32>
        %and3A_580 = arith.constant 8388607 : i32
        %and3A_581 = vector.broadcast %and3A_580 : i32 to vector<16xi32>
        %and3A_582 = arith.andi %bitcast_convert_type3A_567, %and3A_581 : vector<16xi32>
        %or3A_583 = arith.constant 1065353216 : i32
        %or3A_584 = vector.broadcast %or3A_583 : i32 to vector<16xi32>
        %or3A_585 = arith.ori %and3A_582, %or3A_584 : vector<16xi32>
        %bitcast_convert_type3A_586 = tpu.bitcast %or3A_585 : vector<16xi32> -> vector<16xf32>
        %and3A_587 = arith.constant 8388607 : i32
        %and3A_588 = vector.broadcast %and3A_587 : i32 to vector<16xi32>
        %and3A_589 = arith.andi %bitcast_convert_type3A_568, %and3A_588 : vector<16xi32>
        %or3A_590 = arith.constant 1065353216 : i32
        %or3A_591 = vector.broadcast %or3A_590 : i32 to vector<16xi32>
        %or3A_592 = arith.ori %and3A_589, %or3A_591 : vector<16xi32>
        %bitcast_convert_type3A_593 = tpu.bitcast %or3A_592 : vector<16xi32> -> vector<16xf32>
        %and3A_594 = arith.constant 8388607 : i32
        %and3A_595 = vector.broadcast %and3A_594 : i32 to vector<16xi32>
        %and3A_596 = arith.andi %bitcast_convert_type3A_569, %and3A_595 : vector<16xi32>
        %or3A_597 = arith.constant 1065353216 : i32
        %or3A_598 = vector.broadcast %or3A_597 : i32 to vector<16xi32>
        %or3A_599 = arith.ori %and3A_596, %or3A_598 : vector<16xi32>
        %bitcast_convert_type3A_600 = tpu.bitcast %or3A_599 : vector<16xi32> -> vector<16xf32>
        %and3A_601 = arith.constant 8388607 : i32
        %and3A_602 = vector.broadcast %and3A_601 : i32 to vector<16xi32>
        %and3A_603 = arith.andi %bitcast_convert_type3A_570, %and3A_602 : vector<16xi32>
        %or3A_604 = arith.constant 1065353216 : i32
        %or3A_605 = vector.broadcast %or3A_604 : i32 to vector<16xi32>
        %or3A_606 = arith.ori %and3A_603, %or3A_605 : vector<16xi32>
        %bitcast_convert_type3A_607 = tpu.bitcast %or3A_606 : vector<16xi32> -> vector<16xf32>
        %and3A_608 = arith.constant 8388607 : i32
        %and3A_609 = vector.broadcast %and3A_608 : i32 to vector<16xi32>
        %and3A_610 = arith.andi %bitcast_convert_type3A_571, %and3A_609 : vector<16xi32>
        %or3A_611 = arith.constant 1065353216 : i32
        %or3A_612 = vector.broadcast %or3A_611 : i32 to vector<16xi32>
        %or3A_613 = arith.ori %and3A_610, %or3A_612 : vector<16xi32>
        %bitcast_convert_type3A_614 = tpu.bitcast %or3A_613 : vector<16xi32> -> vector<16xf32>
        %and3A_615 = arith.constant 8388607 : i32
        %and3A_616 = vector.broadcast %and3A_615 : i32 to vector<16xi32>
        %and3A_617 = arith.andi %bitcast_convert_type3A_572, %and3A_616 : vector<16xi32>
        %or3A_618 = arith.constant 1065353216 : i32
        %or3A_619 = vector.broadcast %or3A_618 : i32 to vector<16xi32>
        %or3A_620 = arith.ori %and3A_617, %or3A_619 : vector<16xi32>
        %bitcast_convert_type3A_621 = tpu.bitcast %or3A_620 : vector<16xi32> -> vector<16xf32>
        %and3A_622 = arith.constant 8388607 : i32
        %and3A_623 = vector.broadcast %and3A_622 : i32 to vector<16xi32>
        %and3A_624 = arith.andi %bitcast_convert_type3A_573, %and3A_623 : vector<16xi32>
        %or3A_625 = arith.constant 1065353216 : i32
        %or3A_626 = vector.broadcast %or3A_625 : i32 to vector<16xi32>
        %or3A_627 = arith.ori %and3A_624, %or3A_626 : vector<16xi32>
        %bitcast_convert_type3A_628 = tpu.bitcast %or3A_627 : vector<16xi32> -> vector<16xf32>
        %broadcast_in_dim3A_629 = arith.constant -0.107746854 : f32
        %broadcast_in_dim3A_630 = vector.broadcast %broadcast_in_dim3A_629 : f32 to vector<16xf32>
        %mul3A_631 = arith.mulf %broadcast_in_dim3A_630, %bitcast_convert_type3A_579 : vector<16xf32>
        %add3A_632 = arith.constant 0.720358849 : f32
        %add3A_633 = vector.broadcast %add3A_632 : f32 to vector<16xf32>
        %add3A_634 = arith.addf %mul3A_631, %add3A_633 : vector<16xf32>
        %mul3A_635 = arith.mulf %broadcast_in_dim3A_630, %bitcast_convert_type3A_586 : vector<16xf32>
        %add3A_636 = arith.constant 0.720358849 : f32
        %add3A_637 = vector.broadcast %add3A_636 : f32 to vector<16xf32>
        %add3A_638 = arith.addf %mul3A_635, %add3A_637 : vector<16xf32>
        %mul3A_639 = arith.mulf %broadcast_in_dim3A_630, %bitcast_convert_type3A_593 : vector<16xf32>
        %add3A_640 = arith.constant 0.720358849 : f32
        %add3A_641 = vector.broadcast %add3A_640 : f32 to vector<16xf32>
        %add3A_642 = arith.addf %mul3A_639, %add3A_641 : vector<16xf32>
        %mul3A_643 = arith.mulf %broadcast_in_dim3A_630, %bitcast_convert_type3A_600 : vector<16xf32>
        %add3A_644 = arith.constant 0.720358849 : f32
        %add3A_645 = vector.broadcast %add3A_644 : f32 to vector<16xf32>
        %add3A_646 = arith.addf %mul3A_643, %add3A_645 : vector<16xf32>
        %mul3A_647 = arith.mulf %broadcast_in_dim3A_630, %bitcast_convert_type3A_607 : vector<16xf32>
        %add3A_648 = arith.constant 0.720358849 : f32
        %add3A_649 = vector.broadcast %add3A_648 : f32 to vector<16xf32>
        %add3A_650 = arith.addf %mul3A_647, %add3A_649 : vector<16xf32>
        %mul3A_651 = arith.mulf %broadcast_in_dim3A_630, %bitcast_convert_type3A_614 : vector<16xf32>
        %add3A_652 = arith.constant 0.720358849 : f32
        %add3A_653 = vector.broadcast %add3A_652 : f32 to vector<16xf32>
        %add3A_654 = arith.addf %mul3A_651, %add3A_653 : vector<16xf32>
        %mul3A_655 = arith.mulf %broadcast_in_dim3A_630, %bitcast_convert_type3A_621 : vector<16xf32>
        %add3A_656 = arith.constant 0.720358849 : f32
        %add3A_657 = vector.broadcast %add3A_656 : f32 to vector<16xf32>
        %add3A_658 = arith.addf %mul3A_655, %add3A_657 : vector<16xf32>
        %mul3A_659 = arith.mulf %broadcast_in_dim3A_630, %bitcast_convert_type3A_628 : vector<16xf32>
        %add3A_660 = arith.constant 0.720358849 : f32
        %add3A_661 = vector.broadcast %add3A_660 : f32 to vector<16xf32>
        %add3A_662 = arith.addf %mul3A_659, %add3A_661 : vector<16xf32>
        %mul3A_663 = arith.mulf %add3A_634, %bitcast_convert_type3A_579 : vector<16xf32>
        %add3A_664 = arith.constant -2.09987426 : f32
        %add3A_665 = vector.broadcast %add3A_664 : f32 to vector<16xf32>
        %add3A_666 = arith.addf %mul3A_663, %add3A_665 : vector<16xf32>
        %mul3A_667 = arith.mulf %add3A_638, %bitcast_convert_type3A_586 : vector<16xf32>
        %add3A_668 = arith.constant -2.09987426 : f32
        %add3A_669 = vector.broadcast %add3A_668 : f32 to vector<16xf32>
        %add3A_670 = arith.addf %mul3A_667, %add3A_669 : vector<16xf32>
        %mul3A_671 = arith.mulf %add3A_642, %bitcast_convert_type3A_593 : vector<16xf32>
        %add3A_672 = arith.constant -2.09987426 : f32
        %add3A_673 = vector.broadcast %add3A_672 : f32 to vector<16xf32>
        %add3A_674 = arith.addf %mul3A_671, %add3A_673 : vector<16xf32>
        %mul3A_675 = arith.mulf %add3A_646, %bitcast_convert_type3A_600 : vector<16xf32>
        %add3A_676 = arith.constant -2.09987426 : f32
        %add3A_677 = vector.broadcast %add3A_676 : f32 to vector<16xf32>
        %add3A_678 = arith.addf %mul3A_675, %add3A_677 : vector<16xf32>
        %mul3A_679 = arith.mulf %add3A_650, %bitcast_convert_type3A_607 : vector<16xf32>
        %add3A_680 = arith.constant -2.09987426 : f32
        %add3A_681 = vector.broadcast %add3A_680 : f32 to vector<16xf32>
        %add3A_682 = arith.addf %mul3A_679, %add3A_681 : vector<16xf32>
        %mul3A_683 = arith.mulf %add3A_654, %bitcast_convert_type3A_614 : vector<16xf32>
        %add3A_684 = arith.constant -2.09987426 : f32
        %add3A_685 = vector.broadcast %add3A_684 : f32 to vector<16xf32>
        %add3A_686 = arith.addf %mul3A_683, %add3A_685 : vector<16xf32>
        %mul3A_687 = arith.mulf %add3A_658, %bitcast_convert_type3A_621 : vector<16xf32>
        %add3A_688 = arith.constant -2.09987426 : f32
        %add3A_689 = vector.broadcast %add3A_688 : f32 to vector<16xf32>
        %add3A_690 = arith.addf %mul3A_687, %add3A_689 : vector<16xf32>
        %mul3A_691 = arith.mulf %add3A_662, %bitcast_convert_type3A_628 : vector<16xf32>
        %add3A_692 = arith.constant -2.09987426 : f32
        %add3A_693 = vector.broadcast %add3A_692 : f32 to vector<16xf32>
        %add3A_694 = arith.addf %mul3A_691, %add3A_693 : vector<16xf32>
        %mul3A_695 = arith.mulf %add3A_666, %bitcast_convert_type3A_579 : vector<16xf32>
        %add3A_696 = arith.constant 89.5170517 : f32
        %add3A_697 = vector.broadcast %add3A_696 : f32 to vector<16xf32>
        %add3A_698 = arith.addf %mul3A_695, %add3A_697 : vector<16xf32>
        %mul3A_699 = arith.mulf %add3A_670, %bitcast_convert_type3A_586 : vector<16xf32>
        %add3A_700 = arith.constant 89.5170517 : f32
        %add3A_701 = vector.broadcast %add3A_700 : f32 to vector<16xf32>
        %add3A_702 = arith.addf %mul3A_699, %add3A_701 : vector<16xf32>
        %mul3A_703 = arith.mulf %add3A_674, %bitcast_convert_type3A_593 : vector<16xf32>
        %add3A_704 = arith.constant 89.5170517 : f32
        %add3A_705 = vector.broadcast %add3A_704 : f32 to vector<16xf32>
        %add3A_706 = arith.addf %mul3A_703, %add3A_705 : vector<16xf32>
        %mul3A_707 = arith.mulf %add3A_678, %bitcast_convert_type3A_600 : vector<16xf32>
        %add3A_708 = arith.constant 89.5170517 : f32
        %add3A_709 = vector.broadcast %add3A_708 : f32 to vector<16xf32>
        %add3A_710 = arith.addf %mul3A_707, %add3A_709 : vector<16xf32>
        %mul3A_711 = arith.mulf %add3A_682, %bitcast_convert_type3A_607 : vector<16xf32>
        %add3A_712 = arith.constant 89.5170517 : f32
        %add3A_713 = vector.broadcast %add3A_712 : f32 to vector<16xf32>
        %add3A_714 = arith.addf %mul3A_711, %add3A_713 : vector<16xf32>
        %mul3A_715 = arith.mulf %add3A_686, %bitcast_convert_type3A_614 : vector<16xf32>
        %add3A_716 = arith.constant 89.5170517 : f32
        %add3A_717 = vector.broadcast %add3A_716 : f32 to vector<16xf32>
        %add3A_718 = arith.addf %mul3A_715, %add3A_717 : vector<16xf32>
        %mul3A_719 = arith.mulf %add3A_690, %bitcast_convert_type3A_621 : vector<16xf32>
        %add3A_720 = arith.constant 89.5170517 : f32
        %add3A_721 = vector.broadcast %add3A_720 : f32 to vector<16xf32>
        %add3A_722 = arith.addf %mul3A_719, %add3A_721 : vector<16xf32>
        %mul3A_723 = arith.mulf %add3A_694, %bitcast_convert_type3A_628 : vector<16xf32>
        %add3A_724 = arith.constant 89.5170517 : f32
        %add3A_725 = vector.broadcast %add3A_724 : f32 to vector<16xf32>
        %add3A_726 = arith.addf %mul3A_723, %add3A_725 : vector<16xf32>
        %shift_right_arithmetic3A_727 = arith.constant 23 : i32
        %shift_right_arithmetic3A_728 = vector.broadcast %shift_right_arithmetic3A_727 : i32 to vector<16xi32>
        %shift_right_arithmetic3A_729 = arith.shrsi %bitcast_convert_type3A, %shift_right_arithmetic3A_728 : vector<16xi32>
        %convert_element_type3A_730 = arith.sitofp %shift_right_arithmetic3A_729 : vector<16xi32> to vector<16xf32>
        %shift_right_arithmetic3A_731 = arith.constant 23 : i32
        %shift_right_arithmetic3A_732 = vector.broadcast %shift_right_arithmetic3A_731 : i32 to vector<16xi32>
        %shift_right_arithmetic3A_733 = arith.shrsi %bitcast_convert_type3A_567, %shift_right_arithmetic3A_732 : vector<16xi32>
        %convert_element_type3A_734 = arith.sitofp %shift_right_arithmetic3A_733 : vector<16xi32> to vector<16xf32>
        %shift_right_arithmetic3A_735 = arith.constant 23 : i32
        %shift_right_arithmetic3A_736 = vector.broadcast %shift_right_arithmetic3A_735 : i32 to vector<16xi32>
        %shift_right_arithmetic3A_737 = arith.shrsi %bitcast_convert_type3A_568, %shift_right_arithmetic3A_736 : vector<16xi32>
        %convert_element_type3A_738 = arith.sitofp %shift_right_arithmetic3A_737 : vector<16xi32> to vector<16xf32>
        %shift_right_arithmetic3A_739 = arith.constant 23 : i32
        %shift_right_arithmetic3A_740 = vector.broadcast %shift_right_arithmetic3A_739 : i32 to vector<16xi32>
        %shift_right_arithmetic3A_741 = arith.shrsi %bitcast_convert_type3A_569, %shift_right_arithmetic3A_740 : vector<16xi32>
        %convert_element_type3A_742 = arith.sitofp %shift_right_arithmetic3A_741 : vector<16xi32> to vector<16xf32>
        %shift_right_arithmetic3A_743 = arith.constant 23 : i32
        %shift_right_arithmetic3A_744 = vector.broadcast %shift_right_arithmetic3A_743 : i32 to vector<16xi32>
        %shift_right_arithmetic3A_745 = arith.shrsi %bitcast_convert_type3A_570, %shift_right_arithmetic3A_744 : vector<16xi32>
        %convert_element_type3A_746 = arith.sitofp %shift_right_arithmetic3A_745 : vector<16xi32> to vector<16xf32>
        %shift_right_arithmetic3A_747 = arith.constant 23 : i32
        %shift_right_arithmetic3A_748 = vector.broadcast %shift_right_arithmetic3A_747 : i32 to vector<16xi32>
        %shift_right_arithmetic3A_749 = arith.shrsi %bitcast_convert_type3A_571, %shift_right_arithmetic3A_748 : vector<16xi32>
        %convert_element_type3A_750 = arith.sitofp %shift_right_arithmetic3A_749 : vector<16xi32> to vector<16xf32>
        %shift_right_arithmetic3A_751 = arith.constant 23 : i32
        %shift_right_arithmetic3A_752 = vector.broadcast %shift_right_arithmetic3A_751 : i32 to vector<16xi32>
        %shift_right_arithmetic3A_753 = arith.shrsi %bitcast_convert_type3A_572, %shift_right_arithmetic3A_752 : vector<16xi32>
        %convert_element_type3A_754 = arith.sitofp %shift_right_arithmetic3A_753 : vector<16xi32> to vector<16xf32>
        %shift_right_arithmetic3A_755 = arith.constant 23 : i32
        %shift_right_arithmetic3A_756 = vector.broadcast %shift_right_arithmetic3A_755 : i32 to vector<16xi32>
        %shift_right_arithmetic3A_757 = arith.shrsi %bitcast_convert_type3A_573, %shift_right_arithmetic3A_756 : vector<16xi32>
        %convert_element_type3A_758 = arith.sitofp %shift_right_arithmetic3A_757 : vector<16xi32> to vector<16xf32>
        %mul3A_759 = arith.constant -0.693147182 : f32
        %mul3A_760 = vector.broadcast %mul3A_759 : f32 to vector<16xf32>
        %mul3A_761 = arith.mulf %convert_element_type3A_730, %mul3A_760 : vector<16xf32>
        %add3A_762 = arith.addf %add3A_698, %mul3A_761 : vector<16xf32>
        %mul3A_763 = arith.constant -0.693147182 : f32
        %mul3A_764 = vector.broadcast %mul3A_763 : f32 to vector<16xf32>
        %mul3A_765 = arith.mulf %convert_element_type3A_734, %mul3A_764 : vector<16xf32>
        %add3A_766 = arith.addf %add3A_702, %mul3A_765 : vector<16xf32>
        %mul3A_767 = arith.constant -0.693147182 : f32
        %mul3A_768 = vector.broadcast %mul3A_767 : f32 to vector<16xf32>
        %mul3A_769 = arith.mulf %convert_element_type3A_738, %mul3A_768 : vector<16xf32>
        %add3A_770 = arith.addf %add3A_706, %mul3A_769 : vector<16xf32>
        %mul3A_771 = arith.constant -0.693147182 : f32
        %mul3A_772 = vector.broadcast %mul3A_771 : f32 to vector<16xf32>
        %mul3A_773 = arith.mulf %convert_element_type3A_742, %mul3A_772 : vector<16xf32>
        %add3A_774 = arith.addf %add3A_710, %mul3A_773 : vector<16xf32>
        %mul3A_775 = arith.constant -0.693147182 : f32
        %mul3A_776 = vector.broadcast %mul3A_775 : f32 to vector<16xf32>
        %mul3A_777 = arith.mulf %convert_element_type3A_746, %mul3A_776 : vector<16xf32>
        %add3A_778 = arith.addf %add3A_714, %mul3A_777 : vector<16xf32>
        %mul3A_779 = arith.constant -0.693147182 : f32
        %mul3A_780 = vector.broadcast %mul3A_779 : f32 to vector<16xf32>
        %mul3A_781 = arith.mulf %convert_element_type3A_750, %mul3A_780 : vector<16xf32>
        %add3A_782 = arith.addf %add3A_718, %mul3A_781 : vector<16xf32>
        %mul3A_783 = arith.constant -0.693147182 : f32
        %mul3A_784 = vector.broadcast %mul3A_783 : f32 to vector<16xf32>
        %mul3A_785 = arith.mulf %convert_element_type3A_754, %mul3A_784 : vector<16xf32>
        %add3A_786 = arith.addf %add3A_722, %mul3A_785 : vector<16xf32>
        %mul3A_787 = arith.constant -0.693147182 : f32
        %mul3A_788 = vector.broadcast %mul3A_787 : f32 to vector<16xf32>
        %mul3A_789 = arith.mulf %convert_element_type3A_758, %mul3A_788 : vector<16xf32>
        %add3A_790 = arith.addf %add3A_726, %mul3A_789 : vector<16xf32>
        %gt3A_791 = arith.constant 5.000000e-01 : f32
        %gt3A_792 = vector.broadcast %gt3A_791 : f32 to vector<16xf32>
        %gt3A_793 = arith.cmpf ogt, %get3A_464, %gt3A_792 : vector<16xf32>
        %select_n3A_794 = arith.select %gt3A_793, %broadcast_in_dim3A_3, %add3A_762 : vector<16xi1>, vector<16xf32>
        %gt3A_795 = arith.constant 5.000000e-01 : f32
        %gt3A_796 = vector.broadcast %gt3A_795 : f32 to vector<16xf32>
        %gt3A_797 = arith.cmpf ogt, %get3A_471, %gt3A_796 : vector<16xf32>
        %select_n3A_798 = arith.select %gt3A_797, %broadcast_in_dim3A_3, %add3A_766 : vector<16xi1>, vector<16xf32>
        %gt3A_799 = arith.constant 5.000000e-01 : f32
        %gt3A_800 = vector.broadcast %gt3A_799 : f32 to vector<16xf32>
        %gt3A_801 = arith.cmpf ogt, %get3A_478, %gt3A_800 : vector<16xf32>
        %select_n3A_802 = arith.select %gt3A_801, %broadcast_in_dim3A_3, %add3A_770 : vector<16xi1>, vector<16xf32>
        %gt3A_803 = arith.constant 5.000000e-01 : f32
        %gt3A_804 = vector.broadcast %gt3A_803 : f32 to vector<16xf32>
        %gt3A_805 = arith.cmpf ogt, %get3A_485, %gt3A_804 : vector<16xf32>
        %select_n3A_806 = arith.select %gt3A_805, %broadcast_in_dim3A_3, %add3A_774 : vector<16xi1>, vector<16xf32>
        %gt3A_807 = arith.constant 5.000000e-01 : f32
        %gt3A_808 = vector.broadcast %gt3A_807 : f32 to vector<16xf32>
        %gt3A_809 = arith.cmpf ogt, %get3A_492, %gt3A_808 : vector<16xf32>
        %select_n3A_810 = arith.select %gt3A_809, %broadcast_in_dim3A_3, %add3A_778 : vector<16xi1>, vector<16xf32>
        %gt3A_811 = arith.constant 5.000000e-01 : f32
        %gt3A_812 = vector.broadcast %gt3A_811 : f32 to vector<16xf32>
        %gt3A_813 = arith.cmpf ogt, %get3A_499, %gt3A_812 : vector<16xf32>
        %select_n3A_814 = arith.select %gt3A_813, %broadcast_in_dim3A_3, %add3A_782 : vector<16xi1>, vector<16xf32>
        %gt3A_815 = arith.constant 5.000000e-01 : f32
        %gt3A_816 = vector.broadcast %gt3A_815 : f32 to vector<16xf32>
        %gt3A_817 = arith.cmpf ogt, %get3A_506, %gt3A_816 : vector<16xf32>
        %select_n3A_818 = arith.select %gt3A_817, %broadcast_in_dim3A_3, %add3A_786 : vector<16xi1>, vector<16xf32>
        %gt3A_819 = arith.constant 5.000000e-01 : f32
        %gt3A_820 = vector.broadcast %gt3A_819 : f32 to vector<16xf32>
        %gt3A_821 = arith.cmpf ogt, %get3A_513, %gt3A_820 : vector<16xf32>
        %select_n3A_822 = arith.select %gt3A_821, %broadcast_in_dim3A_3, %add3A_790 : vector<16xi1>, vector<16xf32>
        %bitcast_convert_type3A_823 = tpu.bitcast %select_n3A_794 : vector<16xf32> -> vector<16xi32>
        %shift_right_arithmetic3A_824 = arith.constant 19 : i32
        %shift_right_arithmetic3A_825 = vector.broadcast %shift_right_arithmetic3A_824 : i32 to vector<16xi32>
        %shift_right_arithmetic3A_826 = arith.shrsi %bitcast_convert_type3A_823, %shift_right_arithmetic3A_825 : vector<16xi32>
        %shift_left3A = arith.constant 4 : i32
        %shift_left3A_827 = vector.broadcast %shift_left3A : i32 to vector<16xi32>
        %shift_left3A_828 = arith.shli %shift_right_arithmetic3A_826, %shift_left3A_827 : vector<16xi32>
        %or3A_829 = arith.ori %shift_left3A_828, %iota3A : vector<16xi32>
        %bitcast_convert_type3A_830 = tpu.bitcast %select_n3A_798 : vector<16xf32> -> vector<16xi32>
        %shift_right_arithmetic3A_831 = arith.constant 19 : i32
        %shift_right_arithmetic3A_832 = vector.broadcast %shift_right_arithmetic3A_831 : i32 to vector<16xi32>
        %shift_right_arithmetic3A_833 = arith.shrsi %bitcast_convert_type3A_830, %shift_right_arithmetic3A_832 : vector<16xi32>
        %shift_left3A_834 = arith.constant 4 : i32
        %shift_left3A_835 = vector.broadcast %shift_left3A_834 : i32 to vector<16xi32>
        %shift_left3A_836 = arith.shli %shift_right_arithmetic3A_833, %shift_left3A_835 : vector<16xi32>
        %or3A_837 = arith.ori %shift_left3A_836, %iota3A : vector<16xi32>
        %bitcast_convert_type3A_838 = tpu.bitcast %select_n3A_802 : vector<16xf32> -> vector<16xi32>
        %shift_right_arithmetic3A_839 = arith.constant 19 : i32
        %shift_right_arithmetic3A_840 = vector.broadcast %shift_right_arithmetic3A_839 : i32 to vector<16xi32>
        %shift_right_arithmetic3A_841 = arith.shrsi %bitcast_convert_type3A_838, %shift_right_arithmetic3A_840 : vector<16xi32>
        %shift_left3A_842 = arith.constant 4 : i32
        %shift_left3A_843 = vector.broadcast %shift_left3A_842 : i32 to vector<16xi32>
        %shift_left3A_844 = arith.shli %shift_right_arithmetic3A_841, %shift_left3A_843 : vector<16xi32>
        %or3A_845 = arith.ori %shift_left3A_844, %iota3A : vector<16xi32>
        %bitcast_convert_type3A_846 = tpu.bitcast %select_n3A_806 : vector<16xf32> -> vector<16xi32>
        %shift_right_arithmetic3A_847 = arith.constant 19 : i32
        %shift_right_arithmetic3A_848 = vector.broadcast %shift_right_arithmetic3A_847 : i32 to vector<16xi32>
        %shift_right_arithmetic3A_849 = arith.shrsi %bitcast_convert_type3A_846, %shift_right_arithmetic3A_848 : vector<16xi32>
        %shift_left3A_850 = arith.constant 4 : i32
        %shift_left3A_851 = vector.broadcast %shift_left3A_850 : i32 to vector<16xi32>
        %shift_left3A_852 = arith.shli %shift_right_arithmetic3A_849, %shift_left3A_851 : vector<16xi32>
        %or3A_853 = arith.ori %shift_left3A_852, %iota3A : vector<16xi32>
        %bitcast_convert_type3A_854 = tpu.bitcast %select_n3A_810 : vector<16xf32> -> vector<16xi32>
        %shift_right_arithmetic3A_855 = arith.constant 19 : i32
        %shift_right_arithmetic3A_856 = vector.broadcast %shift_right_arithmetic3A_855 : i32 to vector<16xi32>
        %shift_right_arithmetic3A_857 = arith.shrsi %bitcast_convert_type3A_854, %shift_right_arithmetic3A_856 : vector<16xi32>
        %shift_left3A_858 = arith.constant 4 : i32
        %shift_left3A_859 = vector.broadcast %shift_left3A_858 : i32 to vector<16xi32>
        %shift_left3A_860 = arith.shli %shift_right_arithmetic3A_857, %shift_left3A_859 : vector<16xi32>
        %or3A_861 = arith.ori %shift_left3A_860, %iota3A : vector<16xi32>
        %bitcast_convert_type3A_862 = tpu.bitcast %select_n3A_814 : vector<16xf32> -> vector<16xi32>
        %shift_right_arithmetic3A_863 = arith.constant 19 : i32
        %shift_right_arithmetic3A_864 = vector.broadcast %shift_right_arithmetic3A_863 : i32 to vector<16xi32>
        %shift_right_arithmetic3A_865 = arith.shrsi %bitcast_convert_type3A_862, %shift_right_arithmetic3A_864 : vector<16xi32>
        %shift_left3A_866 = arith.constant 4 : i32
        %shift_left3A_867 = vector.broadcast %shift_left3A_866 : i32 to vector<16xi32>
        %shift_left3A_868 = arith.shli %shift_right_arithmetic3A_865, %shift_left3A_867 : vector<16xi32>
        %or3A_869 = arith.ori %shift_left3A_868, %iota3A : vector<16xi32>
        %bitcast_convert_type3A_870 = tpu.bitcast %select_n3A_818 : vector<16xf32> -> vector<16xi32>
        %shift_right_arithmetic3A_871 = arith.constant 19 : i32
        %shift_right_arithmetic3A_872 = vector.broadcast %shift_right_arithmetic3A_871 : i32 to vector<16xi32>
        %shift_right_arithmetic3A_873 = arith.shrsi %bitcast_convert_type3A_870, %shift_right_arithmetic3A_872 : vector<16xi32>
        %shift_left3A_874 = arith.constant 4 : i32
        %shift_left3A_875 = vector.broadcast %shift_left3A_874 : i32 to vector<16xi32>
        %shift_left3A_876 = arith.shli %shift_right_arithmetic3A_873, %shift_left3A_875 : vector<16xi32>
        %or3A_877 = arith.ori %shift_left3A_876, %iota3A : vector<16xi32>
        %bitcast_convert_type3A_878 = tpu.bitcast %select_n3A_822 : vector<16xf32> -> vector<16xi32>
        %shift_right_arithmetic3A_879 = arith.constant 19 : i32
        %shift_right_arithmetic3A_880 = vector.broadcast %shift_right_arithmetic3A_879 : i32 to vector<16xi32>
        %shift_right_arithmetic3A_881 = arith.shrsi %bitcast_convert_type3A_878, %shift_right_arithmetic3A_880 : vector<16xi32>
        %shift_left3A_882 = arith.constant 4 : i32
        %shift_left3A_883 = vector.broadcast %shift_left3A_882 : i32 to vector<16xi32>
        %shift_left3A_884 = arith.shli %shift_right_arithmetic3A_881, %shift_left3A_883 : vector<16xi32>
        %or3A_885 = arith.ori %shift_left3A_884, %iota3A : vector<16xi32>
        tpu.vector_store_idx %arg7[%or3A_829], %broadcast_in_dim3A_5 {add = true} : memref<34816xf32, #tpu.memory_space<vmem>>[vector<16xi32>], vector<16xf32>,
        tpu.vector_store_idx %arg8[%or3A_829], %select_n3A_794 {add = true} : memref<34816xf32, #tpu.memory_space<vmem>>[vector<16xi32>], vector<16xf32>,
        tpu.vector_store_idx %arg7[%or3A_837], %broadcast_in_dim3A_5 {add = true} : memref<34816xf32, #tpu.memory_space<vmem>>[vector<16xi32>], vector<16xf32>,
        tpu.vector_store_idx %arg8[%or3A_837], %select_n3A_798 {add = true} : memref<34816xf32, #tpu.memory_space<vmem>>[vector<16xi32>], vector<16xf32>,
        tpu.vector_store_idx %arg7[%or3A_845], %broadcast_in_dim3A_5 {add = true} : memref<34816xf32, #tpu.memory_space<vmem>>[vector<16xi32>], vector<16xf32>,
        tpu.vector_store_idx %arg8[%or3A_845], %select_n3A_802 {add = true} : memref<34816xf32, #tpu.memory_space<vmem>>[vector<16xi32>], vector<16xf32>,
        tpu.vector_store_idx %arg7[%or3A_853], %broadcast_in_dim3A_5 {add = true} : memref<34816xf32, #tpu.memory_space<vmem>>[vector<16xi32>], vector<16xf32>,
        tpu.vector_store_idx %arg8[%or3A_853], %select_n3A_806 {add = true} : memref<34816xf32, #tpu.memory_space<vmem>>[vector<16xi32>], vector<16xf32>,
        tpu.vector_store_idx %arg7[%or3A_861], %broadcast_in_dim3A_5 {add = true} : memref<34816xf32, #tpu.memory_space<vmem>>[vector<16xi32>], vector<16xf32>,
        tpu.vector_store_idx %arg8[%or3A_861], %select_n3A_810 {add = true} : memref<34816xf32, #tpu.memory_space<vmem>>[vector<16xi32>], vector<16xf32>,
        tpu.vector_store_idx %arg7[%or3A_869], %broadcast_in_dim3A_5 {add = true} : memref<34816xf32, #tpu.memory_space<vmem>>[vector<16xi32>], vector<16xf32>,
        tpu.vector_store_idx %arg8[%or3A_869], %select_n3A_814 {add = true} : memref<34816xf32, #tpu.memory_space<vmem>>[vector<16xi32>], vector<16xf32>,
        tpu.vector_store_idx %arg7[%or3A_877], %broadcast_in_dim3A_5 {add = true} : memref<34816xf32, #tpu.memory_space<vmem>>[vector<16xi32>], vector<16xf32>,
        tpu.vector_store_idx %arg8[%or3A_877], %select_n3A_818 {add = true} : memref<34816xf32, #tpu.memory_space<vmem>>[vector<16xi32>], vector<16xf32>,
        tpu.vector_store_idx %arg7[%or3A_885], %broadcast_in_dim3A_5 {add = true} : memref<34816xf32, #tpu.memory_space<vmem>>[vector<16xi32>], vector<16xf32>,
        tpu.vector_store_idx %arg8[%or3A_885], %select_n3A_822 {add = true} : memref<34816xf32, #tpu.memory_space<vmem>>[vector<16xi32>], vector<16xf32>,
        %add3A_886 = arith.addf %add3A_762, %add3A_766 : vector<16xf32>
        %add3A_887 = arith.addf %add3A_770, %add3A_774 : vector<16xf32>
        %add3A_888 = arith.addf %add3A_886, %add3A_887 : vector<16xf32>
        %add3A_889 = arith.addf %add3A_778, %add3A_782 : vector<16xf32>
        %add3A_890 = arith.addf %add3A_786, %add3A_790 : vector<16xf32>
        %add3A_891 = arith.addf %add3A_889, %add3A_890 : vector<16xf32>
        %add3A_892 = arith.addf %add3A_888, %add3A_891 : vector<16xf32>
        %add3A_893 = arith.addf %scan3A_397, %add3A_892 : vector<16xf32>
        %add3A_894 = arith.addf %get3A_464, %get3A_471 : vector<16xf32>
        %add3A_895 = arith.addf %get3A_478, %get3A_485 : vector<16xf32>
        %add3A_896 = arith.addf %add3A_894, %add3A_895 : vector<16xf32>
        %add3A_897 = arith.addf %get3A_492, %get3A_499 : vector<16xf32>
        %add3A_898 = arith.addf %get3A_506, %get3A_513 : vector<16xf32>
        %add3A_899 = arith.addf %add3A_897, %add3A_898 : vector<16xf32>
        %add3A_900 = arith.addf %add3A_896, %add3A_899 : vector<16xf32>
        %add3A_901 = arith.addf %scan3A_398, %add3A_900 : vector<16xf32>
        scf.yield %add3A_893, %add3A_901 : vector<16xf32>, vector<16xf32>
      }
      %scan3A_388 = arith.constant 64 : i32
      %add3A_389 = arith.constant 2 : i32
      %add3A_390 = arith.addi %add3A_353, %add3A_389 : i32
      %lt3A_391 = arith.constant 32 : i32
      %lt3A_392 = arith.cmpi slt, %add3A_390, %lt3A_391 : i32
      %convert_element_type3A_393 = arith.extui %lt3A_392 : i1 to i32
      %cond3A_394 = arith.constant 0 : i32
      %cond3A_395 = arith.cmpi ne, %convert_element_type3A_393, %cond3A_394 : i32
      scf.if %cond3A_395 {
        %add3A_396 = arith.constant 2 : i32
        %add3A_397 = arith.addi %add3A_353, %add3A_396 : i32
        %mul3A_398 = arith.constant 16 : i32
        %mul3A_399 = arith.muli %add3A_397, %mul3A_398 : i32
        %add3A_400 = arith.addi %mul3A_2, %mul3A_399 : i32
        %dma_start3A_401 = arith.constant 1 : i32
        %dma_start3A_402 = arith.constant 0 : i32
        %dma_start3A_403 = arith.constant 0 : i32
        %dma_start3A_404 = tpu.memref_slice %arg5[%dma_start3A_401, %dma_start3A_402, %dma_start3A_403] : memref<2x16x512xf32, #tpu.memory_space<vmem>> -> memref<1x16x512xf32, #tpu.memory_space<vmem>>
        %dma_start3A_405 = tpu.memref_squeeze %dma_start3A_404 : memref<1x16x512xf32, #tpu.memory_space<vmem>> -> memref<16x512xf32, #tpu.memory_space<vmem>>
        %dma_start3A_406 = arith.constant 0 : i32
        %dma_start3A_407 = tpu.memref_slice %arg2[%add3A_400, %dma_start3A_406] : memref<16384x512xf32, #tpu.memory_space<hbm>> -> memref<16x512xf32, #tpu.memory_space<hbm>>
        %dma_start3A_408 = arith.constant 0 : i32
        %dma_start3A_409 = arith.constant 0 : i32
        %dma_start3A_410 = tpu.memref_slice %arg5[%dma_start3A_401, %dma_start3A_408, %dma_start3A_409] : memref<2x16x512xf32, #tpu.memory_space<vmem>> -> memref<1x16x512xf32, #tpu.memory_space<vmem>>
        %dma_start3A_411 = tpu.memref_squeeze %dma_start3A_410 : memref<1x16x512xf32, #tpu.memory_space<vmem>> -> memref<16x512xf32, #tpu.memory_space<vmem>>
        %dma_start3A_412 = arith.constant 0 : i32
        %dma_start3A_413 = tpu.memref_slice %arg2[%add3A_400, %dma_start3A_412] : memref<16384x512xf32, #tpu.memory_space<hbm>> -> memref<16x512xf32, #tpu.memory_space<hbm>>
        tpu.enqueue_dma source(%dma_start3A_413 : memref<16x512xf32, #tpu.memory_space<hbm>>) target(%dma_start3A_411 : memref<16x512xf32, #tpu.memory_space<vmem>>) target_semaphore(%arg12 : memref<!tpu.dma_semaphore, #tpu.memory_space<semaphore_mem>>)
        %dma_start3A_414 = arith.constant 1 : i32
        %dma_start3A_415 = arith.constant 0 : i32
        %dma_start3A_416 = arith.constant 0 : i32
        %dma_start3A_417 = tpu.memref_slice %arg6[%dma_start3A_414, %dma_start3A_415, %dma_start3A_416] : memref<2x16x512xf32, #tpu.memory_space<vmem>> -> memref<1x16x512xf32, #tpu.memory_space<vmem>>
        %dma_start3A_418 = tpu.memref_squeeze %dma_start3A_417 : memref<1x16x512xf32, #tpu.memory_space<vmem>> -> memref<16x512xf32, #tpu.memory_space<vmem>>
        %dma_start3A_419 = arith.constant 0 : i32
        %dma_start3A_420 = tpu.memref_slice %arg3[%add3A_400, %dma_start3A_419] : memref<16384x512xf32, #tpu.memory_space<hbm>> -> memref<16x512xf32, #tpu.memory_space<hbm>>
        %dma_start3A_421 = arith.constant 0 : i32
        %dma_start3A_422 = arith.constant 0 : i32
        %dma_start3A_423 = tpu.memref_slice %arg6[%dma_start3A_414, %dma_start3A_421, %dma_start3A_422] : memref<2x16x512xf32, #tpu.memory_space<vmem>> -> memref<1x16x512xf32, #tpu.memory_space<vmem>>
        %dma_start3A_424 = tpu.memref_squeeze %dma_start3A_423 : memref<1x16x512xf32, #tpu.memory_space<vmem>> -> memref<16x512xf32, #tpu.memory_space<vmem>>
        %dma_start3A_425 = arith.constant 0 : i32
        %dma_start3A_426 = tpu.memref_slice %arg3[%add3A_400, %dma_start3A_425] : memref<16384x512xf32, #tpu.memory_space<hbm>> -> memref<16x512xf32, #tpu.memory_space<hbm>>
        tpu.enqueue_dma source(%dma_start3A_426 : memref<16x512xf32, #tpu.memory_space<hbm>>) target(%dma_start3A_424 : memref<16x512xf32, #tpu.memory_space<vmem>>) target_semaphore(%arg13 : memref<!tpu.dma_semaphore, #tpu.memory_space<semaphore_mem>>)
      } else {
      }
      scf.yield %scan3A_387#0, %scan3A_387#1 : vector<16xf32>, vector<16xf32>
    }
    %scan3A_71 = arith.constant 16 : i32
    %scan3A_72 = arith.constant 0 : i32
    %scan3A_73 = arith.constant 0 : i32
    %scan3A_74 = arith.constant 136 : i32
    %scan3A_75 = arith.addi %scan3A_73, %scan3A_74 : i32
    %scan3A_76 = arith.constant 1 : i32
    scf.for %scan3A_305 = %scan3A_73 to %scan3A_75 step %scan3A_76  : i32 {
      %mul3A_306 = arith.constant 16 : i32
      %mul3A_307 = arith.muli %scan3A_305, %mul3A_306 : i32
      %broadcast_in_dim3A_308 = arith.constant 0.000000e+00 : f32
      %broadcast_in_dim3A_309 = vector.broadcast %broadcast_in_dim3A_308 : f32 to vector<16xf32>
      %broadcast_in_dim3A_310 = arith.constant 0.000000e+00 : f32
      %broadcast_in_dim3A_311 = vector.broadcast %broadcast_in_dim3A_310 : f32 to vector<16xf32>
      %iota3A_312 = tpu.iota {dimensions = array<i32: 0>} : vector<16xi32>
      %add3A_313 = vector.broadcast %mul3A_307 : i32 to vector<16xi32>
      %add3A_314 = arith.addi %iota3A_312, %add3A_313 : vector<16xi32>
      %mul3A_315 = arith.constant 16 : i32
      %mul3A_316 = vector.broadcast %mul3A_315 : i32 to vector<16xi32>
      %mul3A_317 = arith.muli %add3A_314, %mul3A_316 : vector<16xi32>
      %add3A_318 = arith.constant 0 : i32
      %add3A_319 = vector.broadcast %add3A_318 : i32 to vector<16xi32>
      %add3A_320 = arith.addi %mul3A_317, %add3A_319 : vector<16xi32>
      %gather3A = tpu.vector_load_idx %arg7[%add3A_320] : memref<34816xf32, #tpu.memory_space<vmem>>[vector<16xi32>], vector<16xf32>,
      %add3A_321 = arith.addf %broadcast_in_dim3A_309, %gather3A : vector<16xf32>
      %gather3A_322 = tpu.vector_load_idx %arg8[%add3A_320] : memref<34816xf32, #tpu.memory_space<vmem>>[vector<16xi32>], vector<16xf32>,
      %add3A_323 = arith.addf %broadcast_in_dim3A_311, %gather3A_322 : vector<16xf32>
      %iota3A_324 = tpu.iota {dimensions = array<i32: 0>} : vector<16xi32>
      %add3A_325 = vector.broadcast %mul3A_307 : i32 to vector<16xi32>
      %add3A_326 = arith.addi %iota3A_324, %add3A_325 : vector<16xi32>
      %mul3A_327 = arith.constant 16 : i32
      %mul3A_328 = vector.broadcast %mul3A_327 : i32 to vector<16xi32>
      %mul3A_329 = arith.muli %add3A_326, %mul3A_328 : vector<16xi32>
      %add3A_330 = arith.constant 1 : i32
      %add3A_331 = vector.broadcast %add3A_330 : i32 to vector<16xi32>
      %add3A_332 = arith.addi %mul3A_329, %add3A_331 : vector<16xi32>
      %gather3A_333 = tpu.vector_load_idx %arg7[%add3A_332] : memref<34816xf32, #tpu.memory_space<vmem>>[vector<16xi32>], vector<16xf32>,
      %add3A_334 = arith.addf %add3A_321, %gather3A_333 : vector<16xf32>
      %gather3A_335 = tpu.vector_load_idx %arg8[%add3A_332] : memref<34816xf32, #tpu.memory_space<vmem>>[vector<16xi32>], vector<16xf32>,
      %add3A_336 = arith.addf %add3A_323, %gather3A_335 : vector<16xf32>
      %iota3A_337 = tpu.iota {dimensions = array<i32: 0>} : vector<16xi32>
      %add3A_338 = vector.broadcast %mul3A_307 : i32 to vector<16xi32>
      %add3A_339 = arith.addi %iota3A_337, %add3A_338 : vector<16xi32>
      %mul3A_340 = arith.constant 16 : i32
      %mul3A_341 = vector.broadcast %mul3A_340 : i32 to vector<16xi32>
      %mul3A_342 = arith.muli %add3A_339, %mul3A_341 : vector<16xi32>
      %add3A_343 = arith.constant 2 : i32
      %add3A_344 = vector.broadcast %add3A_343 : i32 to vector<16xi32>
      %add3A_345 = arith.addi %mul3A_342, %add3A_344 : vector<16xi32>
      %gather3A_346 = tpu.vector_load_idx %arg7[%add3A_345] : memref<34816xf32, #tpu.memory_space<vmem>>[vector<16xi32>], vector<16xf32>,
      %add3A_347 = arith.addf %add3A_334, %gather3A_346 : vector<16xf32>
      %gather3A_348 = tpu.vector_load_idx %arg8[%add3A_345] : memref<34816xf32, #tpu.memory_space<vmem>>[vector<16xi32>], vector<16xf32>,
      %add3A_349 = arith.addf %add3A_336, %gather3A_348 : vector<16xf32>
      %iota3A_350 = tpu.iota {dimensions = array<i32: 0>} : vector<16xi32>
      %add3A_351 = vector.broadcast %mul3A_307 : i32 to vector<16xi32>
      %add3A_352 = arith.addi %iota3A_350, %add3A_351 : vector<16xi32>
      %mul3A_353 = arith.constant 16 : i32
      %mul3A_354 = vector.broadcast %mul3A_353 : i32 to vector<16xi32>
      %mul3A_355 = arith.muli %add3A_352, %mul3A_354 : vector<16xi32>
      %add3A_356 = arith.constant 3 : i32
      %add3A_357 = vector.broadcast %add3A_356 : i32 to vector<16xi32>
      %add3A_358 = arith.addi %mul3A_355, %add3A_357 : vector<16xi32>
      %gather3A_359 = tpu.vector_load_idx %arg7[%add3A_358] : memref<34816xf32, #tpu.memory_space<vmem>>[vector<16xi32>], vector<16xf32>,
      %add3A_360 = arith.addf %add3A_347, %gather3A_359 : vector<16xf32>
      %gather3A_361 = tpu.vector_load_idx %arg8[%add3A_358] : memref<34816xf32, #tpu.memory_space<vmem>>[vector<16xi32>], vector<16xf32>,
      %add3A_362 = arith.addf %add3A_349, %gather3A_361 : vector<16xf32>
      %iota3A_363 = tpu.iota {dimensions = array<i32: 0>} : vector<16xi32>
      %add3A_364 = vector.broadcast %mul3A_307 : i32 to vector<16xi32>
      %add3A_365 = arith.addi %iota3A_363, %add3A_364 : vector<16xi32>
      %mul3A_366 = arith.constant 16 : i32
      %mul3A_367 = vector.broadcast %mul3A_366 : i32 to vector<16xi32>
      %mul3A_368 = arith.muli %add3A_365, %mul3A_367 : vector<16xi32>
      %add3A_369 = arith.constant 4 : i32
      %add3A_370 = vector.broadcast %add3A_369 : i32 to vector<16xi32>
      %add3A_371 = arith.addi %mul3A_368, %add3A_370 : vector<16xi32>
      %gather3A_372 = tpu.vector_load_idx %arg7[%add3A_371] : memref<34816xf32, #tpu.memory_space<vmem>>[vector<16xi32>], vector<16xf32>,
      %add3A_373 = arith.addf %add3A_360, %gather3A_372 : vector<16xf32>
      %gather3A_374 = tpu.vector_load_idx %arg8[%add3A_371] : memref<34816xf32, #tpu.memory_space<vmem>>[vector<16xi32>], vector<16xf32>,
      %add3A_375 = arith.addf %add3A_362, %gather3A_374 : vector<16xf32>
      %iota3A_376 = tpu.iota {dimensions = array<i32: 0>} : vector<16xi32>
      %add3A_377 = vector.broadcast %mul3A_307 : i32 to vector<16xi32>
      %add3A_378 = arith.addi %iota3A_376, %add3A_377 : vector<16xi32>
      %mul3A_379 = arith.constant 16 : i32
      %mul3A_380 = vector.broadcast %mul3A_379 : i32 to vector<16xi32>
      %mul3A_381 = arith.muli %add3A_378, %mul3A_380 : vector<16xi32>
      %add3A_382 = arith.constant 5 : i32
      %add3A_383 = vector.broadcast %add3A_382 : i32 to vector<16xi32>
      %add3A_384 = arith.addi %mul3A_381, %add3A_383 : vector<16xi32>
      %gather3A_385 = tpu.vector_load_idx %arg7[%add3A_384] : memref<34816xf32, #tpu.memory_space<vmem>>[vector<16xi32>], vector<16xf32>,
      %add3A_386 = arith.addf %add3A_373, %gather3A_385 : vector<16xf32>
      %gather3A_387 = tpu.vector_load_idx %arg8[%add3A_384] : memref<34816xf32, #tpu.memory_space<vmem>>[vector<16xi32>], vector<16xf32>,
      %add3A_388 = arith.addf %add3A_375, %gather3A_387 : vector<16xf32>
      %iota3A_389 = tpu.iota {dimensions = array<i32: 0>} : vector<16xi32>
      %add3A_390 = vector.broadcast %mul3A_307 : i32 to vector<16xi32>
      %add3A_391 = arith.addi %iota3A_389, %add3A_390 : vector<16xi32>
      %mul3A_392 = arith.constant 16 : i32
      %mul3A_393 = vector.broadcast %mul3A_392 : i32 to vector<16xi32>
      %mul3A_394 = arith.muli %add3A_391, %mul3A_393 : vector<16xi32>
      %add3A_395 = arith.constant 6 : i32
      %add3A_396 = vector.broadcast %add3A_395 : i32 to vector<16xi32>
      %add3A_397 = arith.addi %mul3A_394, %add3A_396 : vector<16xi32>
      %gather3A_398 = tpu.vector_load_idx %arg7[%add3A_397] : memref<34816xf32, #tpu.memory_space<vmem>>[vector<16xi32>], vector<16xf32>,
      %add3A_399 = arith.addf %add3A_386, %gather3A_398 : vector<16xf32>
      %gather3A_400 = tpu.vector_load_idx %arg8[%add3A_397] : memref<34816xf32, #tpu.memory_space<vmem>>[vector<16xi32>], vector<16xf32>,
      %add3A_401 = arith.addf %add3A_388, %gather3A_400 : vector<16xf32>
      %iota3A_402 = tpu.iota {dimensions = array<i32: 0>} : vector<16xi32>
      %add3A_403 = vector.broadcast %mul3A_307 : i32 to vector<16xi32>
      %add3A_404 = arith.addi %iota3A_402, %add3A_403 : vector<16xi32>
      %mul3A_405 = arith.constant 16 : i32
      %mul3A_406 = vector.broadcast %mul3A_405 : i32 to vector<16xi32>
      %mul3A_407 = arith.muli %add3A_404, %mul3A_406 : vector<16xi32>
      %add3A_408 = arith.constant 7 : i32
      %add3A_409 = vector.broadcast %add3A_408 : i32 to vector<16xi32>
      %add3A_410 = arith.addi %mul3A_407, %add3A_409 : vector<16xi32>
      %gather3A_411 = tpu.vector_load_idx %arg7[%add3A_410] : memref<34816xf32, #tpu.memory_space<vmem>>[vector<16xi32>], vector<16xf32>,
      %add3A_412 = arith.addf %add3A_399, %gather3A_411 : vector<16xf32>
      %gather3A_413 = tpu.vector_load_idx %arg8[%add3A_410] : memref<34816xf32, #tpu.memory_space<vmem>>[vector<16xi32>], vector<16xf32>,
      %add3A_414 = arith.addf %add3A_401, %gather3A_413 : vector<16xf32>
      %iota3A_415 = tpu.iota {dimensions = array<i32: 0>} : vector<16xi32>
      %add3A_416 = vector.broadcast %mul3A_307 : i32 to vector<16xi32>
      %add3A_417 = arith.addi %iota3A_415, %add3A_416 : vector<16xi32>
      %mul3A_418 = arith.constant 16 : i32
      %mul3A_419 = vector.broadcast %mul3A_418 : i32 to vector<16xi32>
      %mul3A_420 = arith.muli %add3A_417, %mul3A_419 : vector<16xi32>
      %add3A_421 = arith.constant 8 : i32
      %add3A_422 = vector.broadcast %add3A_421 : i32 to vector<16xi32>
      %add3A_423 = arith.addi %mul3A_420, %add3A_422 : vector<16xi32>
      %gather3A_424 = tpu.vector_load_idx %arg7[%add3A_423] : memref<34816xf32, #tpu.memory_space<vmem>>[vector<16xi32>], vector<16xf32>,
      %add3A_425 = arith.addf %add3A_412, %gather3A_424 : vector<16xf32>
      %gather3A_426 = tpu.vector_load_idx %arg8[%add3A_423] : memref<34816xf32, #tpu.memory_space<vmem>>[vector<16xi32>], vector<16xf32>,
      %add3A_427 = arith.addf %add3A_414, %gather3A_426 : vector<16xf32>
      %iota3A_428 = tpu.iota {dimensions = array<i32: 0>} : vector<16xi32>
      %add3A_429 = vector.broadcast %mul3A_307 : i32 to vector<16xi32>
      %add3A_430 = arith.addi %iota3A_428, %add3A_429 : vector<16xi32>
      %mul3A_431 = arith.constant 16 : i32
      %mul3A_432 = vector.broadcast %mul3A_431 : i32 to vector<16xi32>
      %mul3A_433 = arith.muli %add3A_430, %mul3A_432 : vector<16xi32>
      %add3A_434 = arith.constant 9 : i32
      %add3A_435 = vector.broadcast %add3A_434 : i32 to vector<16xi32>
      %add3A_436 = arith.addi %mul3A_433, %add3A_435 : vector<16xi32>
      %gather3A_437 = tpu.vector_load_idx %arg7[%add3A_436] : memref<34816xf32, #tpu.memory_space<vmem>>[vector<16xi32>], vector<16xf32>,
      %add3A_438 = arith.addf %add3A_425, %gather3A_437 : vector<16xf32>
      %gather3A_439 = tpu.vector_load_idx %arg8[%add3A_436] : memref<34816xf32, #tpu.memory_space<vmem>>[vector<16xi32>], vector<16xf32>,
      %add3A_440 = arith.addf %add3A_427, %gather3A_439 : vector<16xf32>
      %iota3A_441 = tpu.iota {dimensions = array<i32: 0>} : vector<16xi32>
      %add3A_442 = vector.broadcast %mul3A_307 : i32 to vector<16xi32>
      %add3A_443 = arith.addi %iota3A_441, %add3A_442 : vector<16xi32>
      %mul3A_444 = arith.constant 16 : i32
      %mul3A_445 = vector.broadcast %mul3A_444 : i32 to vector<16xi32>
      %mul3A_446 = arith.muli %add3A_443, %mul3A_445 : vector<16xi32>
      %add3A_447 = arith.constant 10 : i32
      %add3A_448 = vector.broadcast %add3A_447 : i32 to vector<16xi32>
      %add3A_449 = arith.addi %mul3A_446, %add3A_448 : vector<16xi32>
      %gather3A_450 = tpu.vector_load_idx %arg7[%add3A_449] : memref<34816xf32, #tpu.memory_space<vmem>>[vector<16xi32>], vector<16xf32>,
      %add3A_451 = arith.addf %add3A_438, %gather3A_450 : vector<16xf32>
      %gather3A_452 = tpu.vector_load_idx %arg8[%add3A_449] : memref<34816xf32, #tpu.memory_space<vmem>>[vector<16xi32>], vector<16xf32>,
      %add3A_453 = arith.addf %add3A_440, %gather3A_452 : vector<16xf32>
      %iota3A_454 = tpu.iota {dimensions = array<i32: 0>} : vector<16xi32>
      %add3A_455 = vector.broadcast %mul3A_307 : i32 to vector<16xi32>
      %add3A_456 = arith.addi %iota3A_454, %add3A_455 : vector<16xi32>
      %mul3A_457 = arith.constant 16 : i32
      %mul3A_458 = vector.broadcast %mul3A_457 : i32 to vector<16xi32>
      %mul3A_459 = arith.muli %add3A_456, %mul3A_458 : vector<16xi32>
      %add3A_460 = arith.constant 11 : i32
      %add3A_461 = vector.broadcast %add3A_460 : i32 to vector<16xi32>
      %add3A_462 = arith.addi %mul3A_459, %add3A_461 : vector<16xi32>
      %gather3A_463 = tpu.vector_load_idx %arg7[%add3A_462] : memref<34816xf32, #tpu.memory_space<vmem>>[vector<16xi32>], vector<16xf32>,
      %add3A_464 = arith.addf %add3A_451, %gather3A_463 : vector<16xf32>
      %gather3A_465 = tpu.vector_load_idx %arg8[%add3A_462] : memref<34816xf32, #tpu.memory_space<vmem>>[vector<16xi32>], vector<16xf32>,
      %add3A_466 = arith.addf %add3A_453, %gather3A_465 : vector<16xf32>
      %iota3A_467 = tpu.iota {dimensions = array<i32: 0>} : vector<16xi32>
      %add3A_468 = vector.broadcast %mul3A_307 : i32 to vector<16xi32>
      %add3A_469 = arith.addi %iota3A_467, %add3A_468 : vector<16xi32>
      %mul3A_470 = arith.constant 16 : i32
      %mul3A_471 = vector.broadcast %mul3A_470 : i32 to vector<16xi32>
      %mul3A_472 = arith.muli %add3A_469, %mul3A_471 : vector<16xi32>
      %add3A_473 = arith.constant 12 : i32
      %add3A_474 = vector.broadcast %add3A_473 : i32 to vector<16xi32>
      %add3A_475 = arith.addi %mul3A_472, %add3A_474 : vector<16xi32>
      %gather3A_476 = tpu.vector_load_idx %arg7[%add3A_475] : memref<34816xf32, #tpu.memory_space<vmem>>[vector<16xi32>], vector<16xf32>,
      %add3A_477 = arith.addf %add3A_464, %gather3A_476 : vector<16xf32>
      %gather3A_478 = tpu.vector_load_idx %arg8[%add3A_475] : memref<34816xf32, #tpu.memory_space<vmem>>[vector<16xi32>], vector<16xf32>,
      %add3A_479 = arith.addf %add3A_466, %gather3A_478 : vector<16xf32>
      %iota3A_480 = tpu.iota {dimensions = array<i32: 0>} : vector<16xi32>
      %add3A_481 = vector.broadcast %mul3A_307 : i32 to vector<16xi32>
      %add3A_482 = arith.addi %iota3A_480, %add3A_481 : vector<16xi32>
      %mul3A_483 = arith.constant 16 : i32
      %mul3A_484 = vector.broadcast %mul3A_483 : i32 to vector<16xi32>
      %mul3A_485 = arith.muli %add3A_482, %mul3A_484 : vector<16xi32>
      %add3A_486 = arith.constant 13 : i32
      %add3A_487 = vector.broadcast %add3A_486 : i32 to vector<16xi32>
      %add3A_488 = arith.addi %mul3A_485, %add3A_487 : vector<16xi32>
      %gather3A_489 = tpu.vector_load_idx %arg7[%add3A_488] : memref<34816xf32, #tpu.memory_space<vmem>>[vector<16xi32>], vector<16xf32>,
      %add3A_490 = arith.addf %add3A_477, %gather3A_489 : vector<16xf32>
      %gather3A_491 = tpu.vector_load_idx %arg8[%add3A_488] : memref<34816xf32, #tpu.memory_space<vmem>>[vector<16xi32>], vector<16xf32>,
      %add3A_492 = arith.addf %add3A_479, %gather3A_491 : vector<16xf32>
      %iota3A_493 = tpu.iota {dimensions = array<i32: 0>} : vector<16xi32>
      %add3A_494 = vector.broadcast %mul3A_307 : i32 to vector<16xi32>
      %add3A_495 = arith.addi %iota3A_493, %add3A_494 : vector<16xi32>
      %mul3A_496 = arith.constant 16 : i32
      %mul3A_497 = vector.broadcast %mul3A_496 : i32 to vector<16xi32>
      %mul3A_498 = arith.muli %add3A_495, %mul3A_497 : vector<16xi32>
      %add3A_499 = arith.constant 14 : i32
      %add3A_500 = vector.broadcast %add3A_499 : i32 to vector<16xi32>
      %add3A_501 = arith.addi %mul3A_498, %add3A_500 : vector<16xi32>
      %gather3A_502 = tpu.vector_load_idx %arg7[%add3A_501] : memref<34816xf32, #tpu.memory_space<vmem>>[vector<16xi32>], vector<16xf32>,
      %add3A_503 = arith.addf %add3A_490, %gather3A_502 : vector<16xf32>
      %gather3A_504 = tpu.vector_load_idx %arg8[%add3A_501] : memref<34816xf32, #tpu.memory_space<vmem>>[vector<16xi32>], vector<16xf32>,
      %add3A_505 = arith.addf %add3A_492, %gather3A_504 : vector<16xf32>
      %iota3A_506 = tpu.iota {dimensions = array<i32: 0>} : vector<16xi32>
      %add3A_507 = vector.broadcast %mul3A_307 : i32 to vector<16xi32>
      %add3A_508 = arith.addi %iota3A_506, %add3A_507 : vector<16xi32>
      %mul3A_509 = arith.constant 16 : i32
      %mul3A_510 = vector.broadcast %mul3A_509 : i32 to vector<16xi32>
      %mul3A_511 = arith.muli %add3A_508, %mul3A_510 : vector<16xi32>
      %add3A_512 = arith.constant 15 : i32
      %add3A_513 = vector.broadcast %add3A_512 : i32 to vector<16xi32>
      %add3A_514 = arith.addi %mul3A_511, %add3A_513 : vector<16xi32>
      %gather3A_515 = tpu.vector_load_idx %arg7[%add3A_514] : memref<34816xf32, #tpu.memory_space<vmem>>[vector<16xi32>], vector<16xf32>,
      %add3A_516 = arith.addf %add3A_503, %gather3A_515 : vector<16xf32>
      %gather3A_517 = tpu.vector_load_idx %arg8[%add3A_514] : memref<34816xf32, #tpu.memory_space<vmem>>[vector<16xi32>], vector<16xf32>,
      %add3A_518 = arith.addf %add3A_505, %gather3A_517 : vector<16xf32>
      %mul3A_519 = arith.constant 16 : i32
      %mul3A_520 = arith.muli %scan3A_305, %mul3A_519 : i32
      %swap3A_521 = arith.index_cast %mul3A_520 : i32 to index
      %swap3A_522 = tpu.vector_load %arg9[%swap3A_521] {strides = array<i32>} : memref<6144xf32, #tpu.memory_space<vmem>>, vector<16xf32>,
      tpu.vector_store %arg9[%swap3A_521], %add3A_516 {strides = array<i32>} : memref<6144xf32, #tpu.memory_space<vmem>>, vector<16xf32>,
      %add3A_523 = arith.constant 136 : i32
      %add3A_524 = arith.addi %add3A_523, %scan3A_305 : i32
      %mul3A_525 = arith.constant 16 : i32
      %mul3A_526 = arith.muli %add3A_524, %mul3A_525 : i32
      %swap3A_527 = arith.index_cast %mul3A_526 : i32 to index
      %swap3A_528 = tpu.vector_load %arg9[%swap3A_527] {strides = array<i32>} : memref<6144xf32, #tpu.memory_space<vmem>>, vector<16xf32>,
      tpu.vector_store %arg9[%swap3A_527], %add3A_518 {strides = array<i32>} : memref<6144xf32, #tpu.memory_space<vmem>>, vector<16xf32>,
    }
    %scan3A_77 = arith.constant 136 : i32
    %swap3A = arith.constant 4352 : index
    %swap3A_78 = tpu.vector_load %arg9[%swap3A] {strides = array<i32>} : memref<6144xf32, #tpu.memory_space<vmem>>, vector<16xf32>,
    tpu.vector_store %arg9[%swap3A], %scan3A_70#0 {strides = array<i32>} : memref<6144xf32, #tpu.memory_space<vmem>>, vector<16xf32>,
    %swap3A_79 = arith.constant 4368 : index
    %swap3A_80 = tpu.vector_load %arg9[%swap3A_79] {strides = array<i32>} : memref<6144xf32, #tpu.memory_space<vmem>>, vector<16xf32>,
    tpu.vector_store %arg9[%swap3A_79], %scan3A_70#1 {strides = array<i32>} : memref<6144xf32, #tpu.memory_space<vmem>>, vector<16xf32>,
    %swap3A_81 = arith.constant 4384 : index
    %swap3A_82 = tpu.vector_load %arg9[%swap3A_81] {strides = array<i32>} : memref<6144xf32, #tpu.memory_space<vmem>>, vector<16xf32>,
    tpu.vector_store %arg9[%swap3A_81], %broadcast_in_dim3A_3 {strides = array<i32>} : memref<6144xf32, #tpu.memory_space<vmem>>, vector<16xf32>,
    %swap3A_83 = arith.constant 4400 : index
    %swap3A_84 = tpu.vector_load %arg9[%swap3A_83] {strides = array<i32>} : memref<6144xf32, #tpu.memory_space<vmem>>, vector<16xf32>,
    tpu.vector_store %arg9[%swap3A_83], %broadcast_in_dim3A_3 {strides = array<i32>} : memref<6144xf32, #tpu.memory_space<vmem>>, vector<16xf32>,
    %swap3A_85 = arith.constant 4416 : index
    %swap3A_86 = tpu.vector_load %arg9[%swap3A_85] {strides = array<i32>} : memref<6144xf32, #tpu.memory_space<vmem>>, vector<16xf32>,
    tpu.vector_store %arg9[%swap3A_85], %broadcast_in_dim3A_3 {strides = array<i32>} : memref<6144xf32, #tpu.memory_space<vmem>>, vector<16xf32>,
    %swap3A_87 = arith.constant 4432 : index
    %swap3A_88 = tpu.vector_load %arg9[%swap3A_87] {strides = array<i32>} : memref<6144xf32, #tpu.memory_space<vmem>>, vector<16xf32>,
    tpu.vector_store %arg9[%swap3A_87], %broadcast_in_dim3A_3 {strides = array<i32>} : memref<6144xf32, #tpu.memory_space<vmem>>, vector<16xf32>,
    %swap3A_89 = arith.constant 4448 : index
    %swap3A_90 = tpu.vector_load %arg9[%swap3A_89] {strides = array<i32>} : memref<6144xf32, #tpu.memory_space<vmem>>, vector<16xf32>,
    tpu.vector_store %arg9[%swap3A_89], %broadcast_in_dim3A_3 {strides = array<i32>} : memref<6144xf32, #tpu.memory_space<vmem>>, vector<16xf32>,
    %swap3A_91 = arith.constant 4464 : index
    %swap3A_92 = tpu.vector_load %arg9[%swap3A_91] {strides = array<i32>} : memref<6144xf32, #tpu.memory_space<vmem>>, vector<16xf32>,
    tpu.vector_store %arg9[%swap3A_91], %broadcast_in_dim3A_3 {strides = array<i32>} : memref<6144xf32, #tpu.memory_space<vmem>>, vector<16xf32>,
    %swap3A_93 = arith.constant 4480 : index
    %swap3A_94 = tpu.vector_load %arg9[%swap3A_93] {strides = array<i32>} : memref<6144xf32, #tpu.memory_space<vmem>>, vector<16xf32>,
    tpu.vector_store %arg9[%swap3A_93], %broadcast_in_dim3A_3 {strides = array<i32>} : memref<6144xf32, #tpu.memory_space<vmem>>, vector<16xf32>,
    %swap3A_95 = arith.constant 4496 : index
    %swap3A_96 = tpu.vector_load %arg9[%swap3A_95] {strides = array<i32>} : memref<6144xf32, #tpu.memory_space<vmem>>, vector<16xf32>,
    tpu.vector_store %arg9[%swap3A_95], %broadcast_in_dim3A_3 {strides = array<i32>} : memref<6144xf32, #tpu.memory_space<vmem>>, vector<16xf32>,
    %swap3A_97 = arith.constant 4512 : index
    %swap3A_98 = tpu.vector_load %arg9[%swap3A_97] {strides = array<i32>} : memref<6144xf32, #tpu.memory_space<vmem>>, vector<16xf32>,
    tpu.vector_store %arg9[%swap3A_97], %broadcast_in_dim3A_3 {strides = array<i32>} : memref<6144xf32, #tpu.memory_space<vmem>>, vector<16xf32>,
    %swap3A_99 = arith.constant 4528 : index
    %swap3A_100 = tpu.vector_load %arg9[%swap3A_99] {strides = array<i32>} : memref<6144xf32, #tpu.memory_space<vmem>>, vector<16xf32>,
    tpu.vector_store %arg9[%swap3A_99], %broadcast_in_dim3A_3 {strides = array<i32>} : memref<6144xf32, #tpu.memory_space<vmem>>, vector<16xf32>,
    %swap3A_101 = arith.constant 4544 : index
    %swap3A_102 = tpu.vector_load %arg9[%swap3A_101] {strides = array<i32>} : memref<6144xf32, #tpu.memory_space<vmem>>, vector<16xf32>,
    tpu.vector_store %arg9[%swap3A_101], %broadcast_in_dim3A_3 {strides = array<i32>} : memref<6144xf32, #tpu.memory_space<vmem>>, vector<16xf32>,
    %swap3A_103 = arith.constant 4560 : index
    %swap3A_104 = tpu.vector_load %arg9[%swap3A_103] {strides = array<i32>} : memref<6144xf32, #tpu.memory_space<vmem>>, vector<16xf32>,
    tpu.vector_store %arg9[%swap3A_103], %broadcast_in_dim3A_3 {strides = array<i32>} : memref<6144xf32, #tpu.memory_space<vmem>>, vector<16xf32>,
    %swap3A_105 = arith.constant 4576 : index
    %swap3A_106 = tpu.vector_load %arg9[%swap3A_105] {strides = array<i32>} : memref<6144xf32, #tpu.memory_space<vmem>>, vector<16xf32>,
    tpu.vector_store %arg9[%swap3A_105], %broadcast_in_dim3A_3 {strides = array<i32>} : memref<6144xf32, #tpu.memory_space<vmem>>, vector<16xf32>,
    %swap3A_107 = arith.constant 4592 : index
    %swap3A_108 = tpu.vector_load %arg9[%swap3A_107] {strides = array<i32>} : memref<6144xf32, #tpu.memory_space<vmem>>, vector<16xf32>,
    tpu.vector_store %arg9[%swap3A_107], %broadcast_in_dim3A_3 {strides = array<i32>} : memref<6144xf32, #tpu.memory_space<vmem>>, vector<16xf32>,
    %swap3A_109 = arith.constant 4608 : index
    %swap3A_110 = tpu.vector_load %arg9[%swap3A_109] {strides = array<i32>} : memref<6144xf32, #tpu.memory_space<vmem>>, vector<16xf32>,
    tpu.vector_store %arg9[%swap3A_109], %broadcast_in_dim3A_3 {strides = array<i32>} : memref<6144xf32, #tpu.memory_space<vmem>>, vector<16xf32>,
    %swap3A_111 = arith.constant 4624 : index
    %swap3A_112 = tpu.vector_load %arg9[%swap3A_111] {strides = array<i32>} : memref<6144xf32, #tpu.memory_space<vmem>>, vector<16xf32>,
    tpu.vector_store %arg9[%swap3A_111], %broadcast_in_dim3A_3 {strides = array<i32>} : memref<6144xf32, #tpu.memory_space<vmem>>, vector<16xf32>,
    %swap3A_113 = arith.constant 4640 : index
    %swap3A_114 = tpu.vector_load %arg9[%swap3A_113] {strides = array<i32>} : memref<6144xf32, #tpu.memory_space<vmem>>, vector<16xf32>,
    tpu.vector_store %arg9[%swap3A_113], %broadcast_in_dim3A_3 {strides = array<i32>} : memref<6144xf32, #tpu.memory_space<vmem>>, vector<16xf32>,
    %swap3A_115 = arith.constant 4656 : index
    %swap3A_116 = tpu.vector_load %arg9[%swap3A_115] {strides = array<i32>} : memref<6144xf32, #tpu.memory_space<vmem>>, vector<16xf32>,
    tpu.vector_store %arg9[%swap3A_115], %broadcast_in_dim3A_3 {strides = array<i32>} : memref<6144xf32, #tpu.memory_space<vmem>>, vector<16xf32>,
    %swap3A_117 = arith.constant 4672 : index
    %swap3A_118 = tpu.vector_load %arg9[%swap3A_117] {strides = array<i32>} : memref<6144xf32, #tpu.memory_space<vmem>>, vector<16xf32>,
    tpu.vector_store %arg9[%swap3A_117], %broadcast_in_dim3A_3 {strides = array<i32>} : memref<6144xf32, #tpu.memory_space<vmem>>, vector<16xf32>,
    %swap3A_119 = arith.constant 4688 : index
    %swap3A_120 = tpu.vector_load %arg9[%swap3A_119] {strides = array<i32>} : memref<6144xf32, #tpu.memory_space<vmem>>, vector<16xf32>,
    tpu.vector_store %arg9[%swap3A_119], %broadcast_in_dim3A_3 {strides = array<i32>} : memref<6144xf32, #tpu.memory_space<vmem>>, vector<16xf32>,
    %swap3A_121 = arith.constant 4704 : index
    %swap3A_122 = tpu.vector_load %arg9[%swap3A_121] {strides = array<i32>} : memref<6144xf32, #tpu.memory_space<vmem>>, vector<16xf32>,
    tpu.vector_store %arg9[%swap3A_121], %broadcast_in_dim3A_3 {strides = array<i32>} : memref<6144xf32, #tpu.memory_space<vmem>>, vector<16xf32>,
    %swap3A_123 = arith.constant 4720 : index
    %swap3A_124 = tpu.vector_load %arg9[%swap3A_123] {strides = array<i32>} : memref<6144xf32, #tpu.memory_space<vmem>>, vector<16xf32>,
    tpu.vector_store %arg9[%swap3A_123], %broadcast_in_dim3A_3 {strides = array<i32>} : memref<6144xf32, #tpu.memory_space<vmem>>, vector<16xf32>,
    %swap3A_125 = arith.constant 4736 : index
    %swap3A_126 = tpu.vector_load %arg9[%swap3A_125] {strides = array<i32>} : memref<6144xf32, #tpu.memory_space<vmem>>, vector<16xf32>,
    tpu.vector_store %arg9[%swap3A_125], %broadcast_in_dim3A_3 {strides = array<i32>} : memref<6144xf32, #tpu.memory_space<vmem>>, vector<16xf32>,
    %swap3A_127 = arith.constant 4752 : index
    %swap3A_128 = tpu.vector_load %arg9[%swap3A_127] {strides = array<i32>} : memref<6144xf32, #tpu.memory_space<vmem>>, vector<16xf32>,
    tpu.vector_store %arg9[%swap3A_127], %broadcast_in_dim3A_3 {strides = array<i32>} : memref<6144xf32, #tpu.memory_space<vmem>>, vector<16xf32>,
    %swap3A_129 = arith.constant 4768 : index
    %swap3A_130 = tpu.vector_load %arg9[%swap3A_129] {strides = array<i32>} : memref<6144xf32, #tpu.memory_space<vmem>>, vector<16xf32>,
    tpu.vector_store %arg9[%swap3A_129], %broadcast_in_dim3A_3 {strides = array<i32>} : memref<6144xf32, #tpu.memory_space<vmem>>, vector<16xf32>,
    %swap3A_131 = arith.constant 4784 : index
    %swap3A_132 = tpu.vector_load %arg9[%swap3A_131] {strides = array<i32>} : memref<6144xf32, #tpu.memory_space<vmem>>, vector<16xf32>,
    tpu.vector_store %arg9[%swap3A_131], %broadcast_in_dim3A_3 {strides = array<i32>} : memref<6144xf32, #tpu.memory_space<vmem>>, vector<16xf32>,
    %swap3A_133 = arith.constant 4800 : index
    %swap3A_134 = tpu.vector_load %arg9[%swap3A_133] {strides = array<i32>} : memref<6144xf32, #tpu.memory_space<vmem>>, vector<16xf32>,
    tpu.vector_store %arg9[%swap3A_133], %broadcast_in_dim3A_3 {strides = array<i32>} : memref<6144xf32, #tpu.memory_space<vmem>>, vector<16xf32>,
    %swap3A_135 = arith.constant 4816 : index
    %swap3A_136 = tpu.vector_load %arg9[%swap3A_135] {strides = array<i32>} : memref<6144xf32, #tpu.memory_space<vmem>>, vector<16xf32>,
    tpu.vector_store %arg9[%swap3A_135], %broadcast_in_dim3A_3 {strides = array<i32>} : memref<6144xf32, #tpu.memory_space<vmem>>, vector<16xf32>,
    %swap3A_137 = arith.constant 4832 : index
    %swap3A_138 = tpu.vector_load %arg9[%swap3A_137] {strides = array<i32>} : memref<6144xf32, #tpu.memory_space<vmem>>, vector<16xf32>,
    tpu.vector_store %arg9[%swap3A_137], %broadcast_in_dim3A_3 {strides = array<i32>} : memref<6144xf32, #tpu.memory_space<vmem>>, vector<16xf32>,
    %swap3A_139 = arith.constant 4848 : index
    %swap3A_140 = tpu.vector_load %arg9[%swap3A_139] {strides = array<i32>} : memref<6144xf32, #tpu.memory_space<vmem>>, vector<16xf32>,
    tpu.vector_store %arg9[%swap3A_139], %broadcast_in_dim3A_3 {strides = array<i32>} : memref<6144xf32, #tpu.memory_space<vmem>>, vector<16xf32>,
    %swap3A_141 = arith.constant 4864 : index
    %swap3A_142 = tpu.vector_load %arg9[%swap3A_141] {strides = array<i32>} : memref<6144xf32, #tpu.memory_space<vmem>>, vector<16xf32>,
    tpu.vector_store %arg9[%swap3A_141], %broadcast_in_dim3A_3 {strides = array<i32>} : memref<6144xf32, #tpu.memory_space<vmem>>, vector<16xf32>,
    %swap3A_143 = arith.constant 4880 : index
    %swap3A_144 = tpu.vector_load %arg9[%swap3A_143] {strides = array<i32>} : memref<6144xf32, #tpu.memory_space<vmem>>, vector<16xf32>,
    tpu.vector_store %arg9[%swap3A_143], %broadcast_in_dim3A_3 {strides = array<i32>} : memref<6144xf32, #tpu.memory_space<vmem>>, vector<16xf32>,
    %swap3A_145 = arith.constant 4896 : index
    %swap3A_146 = tpu.vector_load %arg9[%swap3A_145] {strides = array<i32>} : memref<6144xf32, #tpu.memory_space<vmem>>, vector<16xf32>,
    tpu.vector_store %arg9[%swap3A_145], %broadcast_in_dim3A_3 {strides = array<i32>} : memref<6144xf32, #tpu.memory_space<vmem>>, vector<16xf32>,
    %swap3A_147 = arith.constant 4912 : index
    %swap3A_148 = tpu.vector_load %arg9[%swap3A_147] {strides = array<i32>} : memref<6144xf32, #tpu.memory_space<vmem>>, vector<16xf32>,
    tpu.vector_store %arg9[%swap3A_147], %broadcast_in_dim3A_3 {strides = array<i32>} : memref<6144xf32, #tpu.memory_space<vmem>>, vector<16xf32>,
    %swap3A_149 = arith.constant 4928 : index
    %swap3A_150 = tpu.vector_load %arg9[%swap3A_149] {strides = array<i32>} : memref<6144xf32, #tpu.memory_space<vmem>>, vector<16xf32>,
    tpu.vector_store %arg9[%swap3A_149], %broadcast_in_dim3A_3 {strides = array<i32>} : memref<6144xf32, #tpu.memory_space<vmem>>, vector<16xf32>,
    %swap3A_151 = arith.constant 4944 : index
    %swap3A_152 = tpu.vector_load %arg9[%swap3A_151] {strides = array<i32>} : memref<6144xf32, #tpu.memory_space<vmem>>, vector<16xf32>,
    tpu.vector_store %arg9[%swap3A_151], %broadcast_in_dim3A_3 {strides = array<i32>} : memref<6144xf32, #tpu.memory_space<vmem>>, vector<16xf32>,
    %swap3A_153 = arith.constant 4960 : index
    %swap3A_154 = tpu.vector_load %arg9[%swap3A_153] {strides = array<i32>} : memref<6144xf32, #tpu.memory_space<vmem>>, vector<16xf32>,
    tpu.vector_store %arg9[%swap3A_153], %broadcast_in_dim3A_3 {strides = array<i32>} : memref<6144xf32, #tpu.memory_space<vmem>>, vector<16xf32>,
    %swap3A_155 = arith.constant 4976 : index
    %swap3A_156 = tpu.vector_load %arg9[%swap3A_155] {strides = array<i32>} : memref<6144xf32, #tpu.memory_space<vmem>>, vector<16xf32>,
    tpu.vector_store %arg9[%swap3A_155], %broadcast_in_dim3A_3 {strides = array<i32>} : memref<6144xf32, #tpu.memory_space<vmem>>, vector<16xf32>,
    %swap3A_157 = arith.constant 4992 : index
    %swap3A_158 = tpu.vector_load %arg9[%swap3A_157] {strides = array<i32>} : memref<6144xf32, #tpu.memory_space<vmem>>, vector<16xf32>,
    tpu.vector_store %arg9[%swap3A_157], %broadcast_in_dim3A_3 {strides = array<i32>} : memref<6144xf32, #tpu.memory_space<vmem>>, vector<16xf32>,
    %swap3A_159 = arith.constant 5008 : index
    %swap3A_160 = tpu.vector_load %arg9[%swap3A_159] {strides = array<i32>} : memref<6144xf32, #tpu.memory_space<vmem>>, vector<16xf32>,
    tpu.vector_store %arg9[%swap3A_159], %broadcast_in_dim3A_3 {strides = array<i32>} : memref<6144xf32, #tpu.memory_space<vmem>>, vector<16xf32>,
    %swap3A_161 = arith.constant 5024 : index
    %swap3A_162 = tpu.vector_load %arg9[%swap3A_161] {strides = array<i32>} : memref<6144xf32, #tpu.memory_space<vmem>>, vector<16xf32>,
    tpu.vector_store %arg9[%swap3A_161], %broadcast_in_dim3A_3 {strides = array<i32>} : memref<6144xf32, #tpu.memory_space<vmem>>, vector<16xf32>,
    %swap3A_163 = arith.constant 5040 : index
    %swap3A_164 = tpu.vector_load %arg9[%swap3A_163] {strides = array<i32>} : memref<6144xf32, #tpu.memory_space<vmem>>, vector<16xf32>,
    tpu.vector_store %arg9[%swap3A_163], %broadcast_in_dim3A_3 {strides = array<i32>} : memref<6144xf32, #tpu.memory_space<vmem>>, vector<16xf32>,
    %swap3A_165 = arith.constant 5056 : index
    %swap3A_166 = tpu.vector_load %arg9[%swap3A_165] {strides = array<i32>} : memref<6144xf32, #tpu.memory_space<vmem>>, vector<16xf32>,
    tpu.vector_store %arg9[%swap3A_165], %broadcast_in_dim3A_3 {strides = array<i32>} : memref<6144xf32, #tpu.memory_space<vmem>>, vector<16xf32>,
    %swap3A_167 = arith.constant 5072 : index
    %swap3A_168 = tpu.vector_load %arg9[%swap3A_167] {strides = array<i32>} : memref<6144xf32, #tpu.memory_space<vmem>>, vector<16xf32>,
    tpu.vector_store %arg9[%swap3A_167], %broadcast_in_dim3A_3 {strides = array<i32>} : memref<6144xf32, #tpu.memory_space<vmem>>, vector<16xf32>,
    %swap3A_169 = arith.constant 5088 : index
    %swap3A_170 = tpu.vector_load %arg9[%swap3A_169] {strides = array<i32>} : memref<6144xf32, #tpu.memory_space<vmem>>, vector<16xf32>,
    tpu.vector_store %arg9[%swap3A_169], %broadcast_in_dim3A_3 {strides = array<i32>} : memref<6144xf32, #tpu.memory_space<vmem>>, vector<16xf32>,
    %swap3A_171 = arith.constant 5104 : index
    %swap3A_172 = tpu.vector_load %arg9[%swap3A_171] {strides = array<i32>} : memref<6144xf32, #tpu.memory_space<vmem>>, vector<16xf32>,
    tpu.vector_store %arg9[%swap3A_171], %broadcast_in_dim3A_3 {strides = array<i32>} : memref<6144xf32, #tpu.memory_space<vmem>>, vector<16xf32>,
    %swap3A_173 = arith.constant 5120 : index
    %swap3A_174 = tpu.vector_load %arg9[%swap3A_173] {strides = array<i32>} : memref<6144xf32, #tpu.memory_space<vmem>>, vector<16xf32>,
    tpu.vector_store %arg9[%swap3A_173], %broadcast_in_dim3A_3 {strides = array<i32>} : memref<6144xf32, #tpu.memory_space<vmem>>, vector<16xf32>,
    %swap3A_175 = arith.constant 5136 : index
    %swap3A_176 = tpu.vector_load %arg9[%swap3A_175] {strides = array<i32>} : memref<6144xf32, #tpu.memory_space<vmem>>, vector<16xf32>,
    tpu.vector_store %arg9[%swap3A_175], %broadcast_in_dim3A_3 {strides = array<i32>} : memref<6144xf32, #tpu.memory_space<vmem>>, vector<16xf32>,
    %swap3A_177 = arith.constant 5152 : index
    %swap3A_178 = tpu.vector_load %arg9[%swap3A_177] {strides = array<i32>} : memref<6144xf32, #tpu.memory_space<vmem>>, vector<16xf32>,
    tpu.vector_store %arg9[%swap3A_177], %broadcast_in_dim3A_3 {strides = array<i32>} : memref<6144xf32, #tpu.memory_space<vmem>>, vector<16xf32>,
    %swap3A_179 = arith.constant 5168 : index
    %swap3A_180 = tpu.vector_load %arg9[%swap3A_179] {strides = array<i32>} : memref<6144xf32, #tpu.memory_space<vmem>>, vector<16xf32>,
    tpu.vector_store %arg9[%swap3A_179], %broadcast_in_dim3A_3 {strides = array<i32>} : memref<6144xf32, #tpu.memory_space<vmem>>, vector<16xf32>,
    %swap3A_181 = arith.constant 5184 : index
    %swap3A_182 = tpu.vector_load %arg9[%swap3A_181] {strides = array<i32>} : memref<6144xf32, #tpu.memory_space<vmem>>, vector<16xf32>,
    tpu.vector_store %arg9[%swap3A_181], %broadcast_in_dim3A_3 {strides = array<i32>} : memref<6144xf32, #tpu.memory_space<vmem>>, vector<16xf32>,
    %swap3A_183 = arith.constant 5200 : index
    %swap3A_184 = tpu.vector_load %arg9[%swap3A_183] {strides = array<i32>} : memref<6144xf32, #tpu.memory_space<vmem>>, vector<16xf32>,
    tpu.vector_store %arg9[%swap3A_183], %broadcast_in_dim3A_3 {strides = array<i32>} : memref<6144xf32, #tpu.memory_space<vmem>>, vector<16xf32>,
    %swap3A_185 = arith.constant 5216 : index
    %swap3A_186 = tpu.vector_load %arg9[%swap3A_185] {strides = array<i32>} : memref<6144xf32, #tpu.memory_space<vmem>>, vector<16xf32>,
    tpu.vector_store %arg9[%swap3A_185], %broadcast_in_dim3A_3 {strides = array<i32>} : memref<6144xf32, #tpu.memory_space<vmem>>, vector<16xf32>,
    %swap3A_187 = arith.constant 5232 : index
    %swap3A_188 = tpu.vector_load %arg9[%swap3A_187] {strides = array<i32>} : memref<6144xf32, #tpu.memory_space<vmem>>, vector<16xf32>,
    tpu.vector_store %arg9[%swap3A_187], %broadcast_in_dim3A_3 {strides = array<i32>} : memref<6144xf32, #tpu.memory_space<vmem>>, vector<16xf32>,
    %swap3A_189 = arith.constant 5248 : index
    %swap3A_190 = tpu.vector_load %arg9[%swap3A_189] {strides = array<i32>} : memref<6144xf32, #tpu.memory_space<vmem>>, vector<16xf32>,
    tpu.vector_store %arg9[%swap3A_189], %broadcast_in_dim3A_3 {strides = array<i32>} : memref<6144xf32, #tpu.memory_space<vmem>>, vector<16xf32>,
    %swap3A_191 = arith.constant 5264 : index
    %swap3A_192 = tpu.vector_load %arg9[%swap3A_191] {strides = array<i32>} : memref<6144xf32, #tpu.memory_space<vmem>>, vector<16xf32>,
    tpu.vector_store %arg9[%swap3A_191], %broadcast_in_dim3A_3 {strides = array<i32>} : memref<6144xf32, #tpu.memory_space<vmem>>, vector<16xf32>,
    %swap3A_193 = arith.constant 5280 : index
    %swap3A_194 = tpu.vector_load %arg9[%swap3A_193] {strides = array<i32>} : memref<6144xf32, #tpu.memory_space<vmem>>, vector<16xf32>,
    tpu.vector_store %arg9[%swap3A_193], %broadcast_in_dim3A_3 {strides = array<i32>} : memref<6144xf32, #tpu.memory_space<vmem>>, vector<16xf32>,
    %swap3A_195 = arith.constant 5296 : index
    %swap3A_196 = tpu.vector_load %arg9[%swap3A_195] {strides = array<i32>} : memref<6144xf32, #tpu.memory_space<vmem>>, vector<16xf32>,
    tpu.vector_store %arg9[%swap3A_195], %broadcast_in_dim3A_3 {strides = array<i32>} : memref<6144xf32, #tpu.memory_space<vmem>>, vector<16xf32>,
    %swap3A_197 = arith.constant 5312 : index
    %swap3A_198 = tpu.vector_load %arg9[%swap3A_197] {strides = array<i32>} : memref<6144xf32, #tpu.memory_space<vmem>>, vector<16xf32>,
    tpu.vector_store %arg9[%swap3A_197], %broadcast_in_dim3A_3 {strides = array<i32>} : memref<6144xf32, #tpu.memory_space<vmem>>, vector<16xf32>,
    %swap3A_199 = arith.constant 5328 : index
    %swap3A_200 = tpu.vector_load %arg9[%swap3A_199] {strides = array<i32>} : memref<6144xf32, #tpu.memory_space<vmem>>, vector<16xf32>,
    tpu.vector_store %arg9[%swap3A_199], %broadcast_in_dim3A_3 {strides = array<i32>} : memref<6144xf32, #tpu.memory_space<vmem>>, vector<16xf32>,
    %swap3A_201 = arith.constant 5344 : index
    %swap3A_202 = tpu.vector_load %arg9[%swap3A_201] {strides = array<i32>} : memref<6144xf32, #tpu.memory_space<vmem>>, vector<16xf32>,
    tpu.vector_store %arg9[%swap3A_201], %broadcast_in_dim3A_3 {strides = array<i32>} : memref<6144xf32, #tpu.memory_space<vmem>>, vector<16xf32>,
    %swap3A_203 = arith.constant 5360 : index
    %swap3A_204 = tpu.vector_load %arg9[%swap3A_203] {strides = array<i32>} : memref<6144xf32, #tpu.memory_space<vmem>>, vector<16xf32>,
    tpu.vector_store %arg9[%swap3A_203], %broadcast_in_dim3A_3 {strides = array<i32>} : memref<6144xf32, #tpu.memory_space<vmem>>, vector<16xf32>,
    %swap3A_205 = arith.constant 5376 : index
    %swap3A_206 = tpu.vector_load %arg9[%swap3A_205] {strides = array<i32>} : memref<6144xf32, #tpu.memory_space<vmem>>, vector<16xf32>,
    tpu.vector_store %arg9[%swap3A_205], %broadcast_in_dim3A_3 {strides = array<i32>} : memref<6144xf32, #tpu.memory_space<vmem>>, vector<16xf32>,
    %swap3A_207 = arith.constant 5392 : index
    %swap3A_208 = tpu.vector_load %arg9[%swap3A_207] {strides = array<i32>} : memref<6144xf32, #tpu.memory_space<vmem>>, vector<16xf32>,
    tpu.vector_store %arg9[%swap3A_207], %broadcast_in_dim3A_3 {strides = array<i32>} : memref<6144xf32, #tpu.memory_space<vmem>>, vector<16xf32>,
    %swap3A_209 = arith.constant 5408 : index
    %swap3A_210 = tpu.vector_load %arg9[%swap3A_209] {strides = array<i32>} : memref<6144xf32, #tpu.memory_space<vmem>>, vector<16xf32>,
    tpu.vector_store %arg9[%swap3A_209], %broadcast_in_dim3A_3 {strides = array<i32>} : memref<6144xf32, #tpu.memory_space<vmem>>, vector<16xf32>,
    %swap3A_211 = arith.constant 5424 : index
    %swap3A_212 = tpu.vector_load %arg9[%swap3A_211] {strides = array<i32>} : memref<6144xf32, #tpu.memory_space<vmem>>, vector<16xf32>,
    tpu.vector_store %arg9[%swap3A_211], %broadcast_in_dim3A_3 {strides = array<i32>} : memref<6144xf32, #tpu.memory_space<vmem>>, vector<16xf32>,
    %swap3A_213 = arith.constant 5440 : index
    %swap3A_214 = tpu.vector_load %arg9[%swap3A_213] {strides = array<i32>} : memref<6144xf32, #tpu.memory_space<vmem>>, vector<16xf32>,
    tpu.vector_store %arg9[%swap3A_213], %broadcast_in_dim3A_3 {strides = array<i32>} : memref<6144xf32, #tpu.memory_space<vmem>>, vector<16xf32>,
    %swap3A_215 = arith.constant 5456 : index
    %swap3A_216 = tpu.vector_load %arg9[%swap3A_215] {strides = array<i32>} : memref<6144xf32, #tpu.memory_space<vmem>>, vector<16xf32>,
    tpu.vector_store %arg9[%swap3A_215], %broadcast_in_dim3A_3 {strides = array<i32>} : memref<6144xf32, #tpu.memory_space<vmem>>, vector<16xf32>,
    %swap3A_217 = arith.constant 5472 : index
    %swap3A_218 = tpu.vector_load %arg9[%swap3A_217] {strides = array<i32>} : memref<6144xf32, #tpu.memory_space<vmem>>, vector<16xf32>,
    tpu.vector_store %arg9[%swap3A_217], %broadcast_in_dim3A_3 {strides = array<i32>} : memref<6144xf32, #tpu.memory_space<vmem>>, vector<16xf32>,
    %swap3A_219 = arith.constant 5488 : index
    %swap3A_220 = tpu.vector_load %arg9[%swap3A_219] {strides = array<i32>} : memref<6144xf32, #tpu.memory_space<vmem>>, vector<16xf32>,
    tpu.vector_store %arg9[%swap3A_219], %broadcast_in_dim3A_3 {strides = array<i32>} : memref<6144xf32, #tpu.memory_space<vmem>>, vector<16xf32>,
    %swap3A_221 = arith.constant 5504 : index
    %swap3A_222 = tpu.vector_load %arg9[%swap3A_221] {strides = array<i32>} : memref<6144xf32, #tpu.memory_space<vmem>>, vector<16xf32>,
    tpu.vector_store %arg9[%swap3A_221], %broadcast_in_dim3A_3 {strides = array<i32>} : memref<6144xf32, #tpu.memory_space<vmem>>, vector<16xf32>,
    %swap3A_223 = arith.constant 5520 : index
    %swap3A_224 = tpu.vector_load %arg9[%swap3A_223] {strides = array<i32>} : memref<6144xf32, #tpu.memory_space<vmem>>, vector<16xf32>,
    tpu.vector_store %arg9[%swap3A_223], %broadcast_in_dim3A_3 {strides = array<i32>} : memref<6144xf32, #tpu.memory_space<vmem>>, vector<16xf32>,
    %swap3A_225 = arith.constant 5536 : index
    %swap3A_226 = tpu.vector_load %arg9[%swap3A_225] {strides = array<i32>} : memref<6144xf32, #tpu.memory_space<vmem>>, vector<16xf32>,
    tpu.vector_store %arg9[%swap3A_225], %broadcast_in_dim3A_3 {strides = array<i32>} : memref<6144xf32, #tpu.memory_space<vmem>>, vector<16xf32>,
    %swap3A_227 = arith.constant 5552 : index
    %swap3A_228 = tpu.vector_load %arg9[%swap3A_227] {strides = array<i32>} : memref<6144xf32, #tpu.memory_space<vmem>>, vector<16xf32>,
    tpu.vector_store %arg9[%swap3A_227], %broadcast_in_dim3A_3 {strides = array<i32>} : memref<6144xf32, #tpu.memory_space<vmem>>, vector<16xf32>,
    %swap3A_229 = arith.constant 5568 : index
    %swap3A_230 = tpu.vector_load %arg9[%swap3A_229] {strides = array<i32>} : memref<6144xf32, #tpu.memory_space<vmem>>, vector<16xf32>,
    tpu.vector_store %arg9[%swap3A_229], %broadcast_in_dim3A_3 {strides = array<i32>} : memref<6144xf32, #tpu.memory_space<vmem>>, vector<16xf32>,
    %swap3A_231 = arith.constant 5584 : index
    %swap3A_232 = tpu.vector_load %arg9[%swap3A_231] {strides = array<i32>} : memref<6144xf32, #tpu.memory_space<vmem>>, vector<16xf32>,
    tpu.vector_store %arg9[%swap3A_231], %broadcast_in_dim3A_3 {strides = array<i32>} : memref<6144xf32, #tpu.memory_space<vmem>>, vector<16xf32>,
    %swap3A_233 = arith.constant 5600 : index
    %swap3A_234 = tpu.vector_load %arg9[%swap3A_233] {strides = array<i32>} : memref<6144xf32, #tpu.memory_space<vmem>>, vector<16xf32>,
    tpu.vector_store %arg9[%swap3A_233], %broadcast_in_dim3A_3 {strides = array<i32>} : memref<6144xf32, #tpu.memory_space<vmem>>, vector<16xf32>,
    %swap3A_235 = arith.constant 5616 : index
    %swap3A_236 = tpu.vector_load %arg9[%swap3A_235] {strides = array<i32>} : memref<6144xf32, #tpu.memory_space<vmem>>, vector<16xf32>,
    tpu.vector_store %arg9[%swap3A_235], %broadcast_in_dim3A_3 {strides = array<i32>} : memref<6144xf32, #tpu.memory_space<vmem>>, vector<16xf32>,
    %swap3A_237 = arith.constant 5632 : index
    %swap3A_238 = tpu.vector_load %arg9[%swap3A_237] {strides = array<i32>} : memref<6144xf32, #tpu.memory_space<vmem>>, vector<16xf32>,
    tpu.vector_store %arg9[%swap3A_237], %broadcast_in_dim3A_3 {strides = array<i32>} : memref<6144xf32, #tpu.memory_space<vmem>>, vector<16xf32>,
    %swap3A_239 = arith.constant 5648 : index
    %swap3A_240 = tpu.vector_load %arg9[%swap3A_239] {strides = array<i32>} : memref<6144xf32, #tpu.memory_space<vmem>>, vector<16xf32>,
    tpu.vector_store %arg9[%swap3A_239], %broadcast_in_dim3A_3 {strides = array<i32>} : memref<6144xf32, #tpu.memory_space<vmem>>, vector<16xf32>,
    %swap3A_241 = arith.constant 5664 : index
    %swap3A_242 = tpu.vector_load %arg9[%swap3A_241] {strides = array<i32>} : memref<6144xf32, #tpu.memory_space<vmem>>, vector<16xf32>,
    tpu.vector_store %arg9[%swap3A_241], %broadcast_in_dim3A_3 {strides = array<i32>} : memref<6144xf32, #tpu.memory_space<vmem>>, vector<16xf32>,
    %swap3A_243 = arith.constant 5680 : index
    %swap3A_244 = tpu.vector_load %arg9[%swap3A_243] {strides = array<i32>} : memref<6144xf32, #tpu.memory_space<vmem>>, vector<16xf32>,
    tpu.vector_store %arg9[%swap3A_243], %broadcast_in_dim3A_3 {strides = array<i32>} : memref<6144xf32, #tpu.memory_space<vmem>>, vector<16xf32>,
    %swap3A_245 = arith.constant 5696 : index
    %swap3A_246 = tpu.vector_load %arg9[%swap3A_245] {strides = array<i32>} : memref<6144xf32, #tpu.memory_space<vmem>>, vector<16xf32>,
    tpu.vector_store %arg9[%swap3A_245], %broadcast_in_dim3A_3 {strides = array<i32>} : memref<6144xf32, #tpu.memory_space<vmem>>, vector<16xf32>,
    %swap3A_247 = arith.constant 5712 : index
    %swap3A_248 = tpu.vector_load %arg9[%swap3A_247] {strides = array<i32>} : memref<6144xf32, #tpu.memory_space<vmem>>, vector<16xf32>,
    tpu.vector_store %arg9[%swap3A_247], %broadcast_in_dim3A_3 {strides = array<i32>} : memref<6144xf32, #tpu.memory_space<vmem>>, vector<16xf32>,
    %swap3A_249 = arith.constant 5728 : index
    %swap3A_250 = tpu.vector_load %arg9[%swap3A_249] {strides = array<i32>} : memref<6144xf32, #tpu.memory_space<vmem>>, vector<16xf32>,
    tpu.vector_store %arg9[%swap3A_249], %broadcast_in_dim3A_3 {strides = array<i32>} : memref<6144xf32, #tpu.memory_space<vmem>>, vector<16xf32>,
    %swap3A_251 = arith.constant 5744 : index
    %swap3A_252 = tpu.vector_load %arg9[%swap3A_251] {strides = array<i32>} : memref<6144xf32, #tpu.memory_space<vmem>>, vector<16xf32>,
    tpu.vector_store %arg9[%swap3A_251], %broadcast_in_dim3A_3 {strides = array<i32>} : memref<6144xf32, #tpu.memory_space<vmem>>, vector<16xf32>,
    %swap3A_253 = arith.constant 5760 : index
    %swap3A_254 = tpu.vector_load %arg9[%swap3A_253] {strides = array<i32>} : memref<6144xf32, #tpu.memory_space<vmem>>, vector<16xf32>,
    tpu.vector_store %arg9[%swap3A_253], %broadcast_in_dim3A_3 {strides = array<i32>} : memref<6144xf32, #tpu.memory_space<vmem>>, vector<16xf32>,
    %swap3A_255 = arith.constant 5776 : index
    %swap3A_256 = tpu.vector_load %arg9[%swap3A_255] {strides = array<i32>} : memref<6144xf32, #tpu.memory_space<vmem>>, vector<16xf32>,
    tpu.vector_store %arg9[%swap3A_255], %broadcast_in_dim3A_3 {strides = array<i32>} : memref<6144xf32, #tpu.memory_space<vmem>>, vector<16xf32>,
    %swap3A_257 = arith.constant 5792 : index
    %swap3A_258 = tpu.vector_load %arg9[%swap3A_257] {strides = array<i32>} : memref<6144xf32, #tpu.memory_space<vmem>>, vector<16xf32>,
    tpu.vector_store %arg9[%swap3A_257], %broadcast_in_dim3A_3 {strides = array<i32>} : memref<6144xf32, #tpu.memory_space<vmem>>, vector<16xf32>,
    %swap3A_259 = arith.constant 5808 : index
    %swap3A_260 = tpu.vector_load %arg9[%swap3A_259] {strides = array<i32>} : memref<6144xf32, #tpu.memory_space<vmem>>, vector<16xf32>,
    tpu.vector_store %arg9[%swap3A_259], %broadcast_in_dim3A_3 {strides = array<i32>} : memref<6144xf32, #tpu.memory_space<vmem>>, vector<16xf32>,
    %swap3A_261 = arith.constant 5824 : index
    %swap3A_262 = tpu.vector_load %arg9[%swap3A_261] {strides = array<i32>} : memref<6144xf32, #tpu.memory_space<vmem>>, vector<16xf32>,
    tpu.vector_store %arg9[%swap3A_261], %broadcast_in_dim3A_3 {strides = array<i32>} : memref<6144xf32, #tpu.memory_space<vmem>>, vector<16xf32>,
    %swap3A_263 = arith.constant 5840 : index
    %swap3A_264 = tpu.vector_load %arg9[%swap3A_263] {strides = array<i32>} : memref<6144xf32, #tpu.memory_space<vmem>>, vector<16xf32>,
    tpu.vector_store %arg9[%swap3A_263], %broadcast_in_dim3A_3 {strides = array<i32>} : memref<6144xf32, #tpu.memory_space<vmem>>, vector<16xf32>,
    %swap3A_265 = arith.constant 5856 : index
    %swap3A_266 = tpu.vector_load %arg9[%swap3A_265] {strides = array<i32>} : memref<6144xf32, #tpu.memory_space<vmem>>, vector<16xf32>,
    tpu.vector_store %arg9[%swap3A_265], %broadcast_in_dim3A_3 {strides = array<i32>} : memref<6144xf32, #tpu.memory_space<vmem>>, vector<16xf32>,
    %swap3A_267 = arith.constant 5872 : index
    %swap3A_268 = tpu.vector_load %arg9[%swap3A_267] {strides = array<i32>} : memref<6144xf32, #tpu.memory_space<vmem>>, vector<16xf32>,
    tpu.vector_store %arg9[%swap3A_267], %broadcast_in_dim3A_3 {strides = array<i32>} : memref<6144xf32, #tpu.memory_space<vmem>>, vector<16xf32>,
    %swap3A_269 = arith.constant 5888 : index
    %swap3A_270 = tpu.vector_load %arg9[%swap3A_269] {strides = array<i32>} : memref<6144xf32, #tpu.memory_space<vmem>>, vector<16xf32>,
    tpu.vector_store %arg9[%swap3A_269], %broadcast_in_dim3A_3 {strides = array<i32>} : memref<6144xf32, #tpu.memory_space<vmem>>, vector<16xf32>,
    %swap3A_271 = arith.constant 5904 : index
    %swap3A_272 = tpu.vector_load %arg9[%swap3A_271] {strides = array<i32>} : memref<6144xf32, #tpu.memory_space<vmem>>, vector<16xf32>,
    tpu.vector_store %arg9[%swap3A_271], %broadcast_in_dim3A_3 {strides = array<i32>} : memref<6144xf32, #tpu.memory_space<vmem>>, vector<16xf32>,
    %swap3A_273 = arith.constant 5920 : index
    %swap3A_274 = tpu.vector_load %arg9[%swap3A_273] {strides = array<i32>} : memref<6144xf32, #tpu.memory_space<vmem>>, vector<16xf32>,
    tpu.vector_store %arg9[%swap3A_273], %broadcast_in_dim3A_3 {strides = array<i32>} : memref<6144xf32, #tpu.memory_space<vmem>>, vector<16xf32>,
    %swap3A_275 = arith.constant 5936 : index
    %swap3A_276 = tpu.vector_load %arg9[%swap3A_275] {strides = array<i32>} : memref<6144xf32, #tpu.memory_space<vmem>>, vector<16xf32>,
    tpu.vector_store %arg9[%swap3A_275], %broadcast_in_dim3A_3 {strides = array<i32>} : memref<6144xf32, #tpu.memory_space<vmem>>, vector<16xf32>,
    %swap3A_277 = arith.constant 5952 : index
    %swap3A_278 = tpu.vector_load %arg9[%swap3A_277] {strides = array<i32>} : memref<6144xf32, #tpu.memory_space<vmem>>, vector<16xf32>,
    tpu.vector_store %arg9[%swap3A_277], %broadcast_in_dim3A_3 {strides = array<i32>} : memref<6144xf32, #tpu.memory_space<vmem>>, vector<16xf32>,
    %swap3A_279 = arith.constant 5968 : index
    %swap3A_280 = tpu.vector_load %arg9[%swap3A_279] {strides = array<i32>} : memref<6144xf32, #tpu.memory_space<vmem>>, vector<16xf32>,
    tpu.vector_store %arg9[%swap3A_279], %broadcast_in_dim3A_3 {strides = array<i32>} : memref<6144xf32, #tpu.memory_space<vmem>>, vector<16xf32>,
    %swap3A_281 = arith.constant 5984 : index
    %swap3A_282 = tpu.vector_load %arg9[%swap3A_281] {strides = array<i32>} : memref<6144xf32, #tpu.memory_space<vmem>>, vector<16xf32>,
    tpu.vector_store %arg9[%swap3A_281], %broadcast_in_dim3A_3 {strides = array<i32>} : memref<6144xf32, #tpu.memory_space<vmem>>, vector<16xf32>,
    %swap3A_283 = arith.constant 6000 : index
    %swap3A_284 = tpu.vector_load %arg9[%swap3A_283] {strides = array<i32>} : memref<6144xf32, #tpu.memory_space<vmem>>, vector<16xf32>,
    tpu.vector_store %arg9[%swap3A_283], %broadcast_in_dim3A_3 {strides = array<i32>} : memref<6144xf32, #tpu.memory_space<vmem>>, vector<16xf32>,
    %swap3A_285 = arith.constant 6016 : index
    %swap3A_286 = tpu.vector_load %arg9[%swap3A_285] {strides = array<i32>} : memref<6144xf32, #tpu.memory_space<vmem>>, vector<16xf32>,
    tpu.vector_store %arg9[%swap3A_285], %broadcast_in_dim3A_3 {strides = array<i32>} : memref<6144xf32, #tpu.memory_space<vmem>>, vector<16xf32>,
    %swap3A_287 = arith.constant 6032 : index
    %swap3A_288 = tpu.vector_load %arg9[%swap3A_287] {strides = array<i32>} : memref<6144xf32, #tpu.memory_space<vmem>>, vector<16xf32>,
    tpu.vector_store %arg9[%swap3A_287], %broadcast_in_dim3A_3 {strides = array<i32>} : memref<6144xf32, #tpu.memory_space<vmem>>, vector<16xf32>,
    %swap3A_289 = arith.constant 6048 : index
    %swap3A_290 = tpu.vector_load %arg9[%swap3A_289] {strides = array<i32>} : memref<6144xf32, #tpu.memory_space<vmem>>, vector<16xf32>,
    tpu.vector_store %arg9[%swap3A_289], %broadcast_in_dim3A_3 {strides = array<i32>} : memref<6144xf32, #tpu.memory_space<vmem>>, vector<16xf32>,
    %swap3A_291 = arith.constant 6064 : index
    %swap3A_292 = tpu.vector_load %arg9[%swap3A_291] {strides = array<i32>} : memref<6144xf32, #tpu.memory_space<vmem>>, vector<16xf32>,
    tpu.vector_store %arg9[%swap3A_291], %broadcast_in_dim3A_3 {strides = array<i32>} : memref<6144xf32, #tpu.memory_space<vmem>>, vector<16xf32>,
    %swap3A_293 = arith.constant 6080 : index
    %swap3A_294 = tpu.vector_load %arg9[%swap3A_293] {strides = array<i32>} : memref<6144xf32, #tpu.memory_space<vmem>>, vector<16xf32>,
    tpu.vector_store %arg9[%swap3A_293], %broadcast_in_dim3A_3 {strides = array<i32>} : memref<6144xf32, #tpu.memory_space<vmem>>, vector<16xf32>,
    %swap3A_295 = arith.constant 6096 : index
    %swap3A_296 = tpu.vector_load %arg9[%swap3A_295] {strides = array<i32>} : memref<6144xf32, #tpu.memory_space<vmem>>, vector<16xf32>,
    tpu.vector_store %arg9[%swap3A_295], %broadcast_in_dim3A_3 {strides = array<i32>} : memref<6144xf32, #tpu.memory_space<vmem>>, vector<16xf32>,
    %swap3A_297 = arith.constant 6112 : index
    %swap3A_298 = tpu.vector_load %arg9[%swap3A_297] {strides = array<i32>} : memref<6144xf32, #tpu.memory_space<vmem>>, vector<16xf32>,
    tpu.vector_store %arg9[%swap3A_297], %broadcast_in_dim3A_3 {strides = array<i32>} : memref<6144xf32, #tpu.memory_space<vmem>>, vector<16xf32>,
    %swap3A_299 = arith.constant 6128 : index
    %swap3A_300 = tpu.vector_load %arg9[%swap3A_299] {strides = array<i32>} : memref<6144xf32, #tpu.memory_space<vmem>>, vector<16xf32>,
    tpu.vector_store %arg9[%swap3A_299], %broadcast_in_dim3A_3 {strides = array<i32>} : memref<6144xf32, #tpu.memory_space<vmem>>, vector<16xf32>,
    %mul3A_301 = arith.constant 384 : i32
    %mul3A_302 = arith.muli %add3A, %mul3A_301 : i32
    %mul3A_303 = arith.constant 16 : i32
    %mul3A_304 = arith.muli %mul3A_302, %mul3A_303 : i32
    "tpu.region"() ({
      %run_scoped3A = tpu.sem_alloc : memref<!tpu.dma_semaphore, #tpu.memory_space<semaphore_mem>>
      %dma_start3A_305 = tpu.memref_slice %arg4[%mul3A_304] : memref<196608xf32, #tpu.memory_space<hbm>> -> memref<6144xf32, #tpu.memory_space<hbm>>
      %dma_start3A_306 = tpu.memref_slice %arg4[%mul3A_304] : memref<196608xf32, #tpu.memory_space<hbm>> -> memref<6144xf32, #tpu.memory_space<hbm>>
      tpu.enqueue_dma source(%arg9 : memref<6144xf32, #tpu.memory_space<vmem>>) target(%dma_start3A_306 : memref<6144xf32, #tpu.memory_space<hbm>>) target_semaphore(%run_scoped3A : memref<!tpu.dma_semaphore, #tpu.memory_space<semaphore_mem>>)
      %dma_wait3A = tpu.memref_slice %arg4[%mul3A_304] : memref<196608xf32, #tpu.memory_space<hbm>> -> memref<6144xf32, #tpu.memory_space<hbm>>
      %dma_wait3A_307 = tpu.memref_slice %arg4[%mul3A_304] : memref<196608xf32, #tpu.memory_space<hbm>> -> memref<6144xf32, #tpu.memory_space<hbm>>
      tpu.wait_dma2 semaphore(%run_scoped3A : memref<!tpu.dma_semaphore, #tpu.memory_space<semaphore_mem>>) src(%arg9 : memref<6144xf32, #tpu.memory_space<vmem>>) dst(%dma_wait3A_307 : memref<6144xf32, #tpu.memory_space<hbm>>)
      tpu.yield
    }) : () -> ()
    return
  }
}

#map = affine_map<(d0, d1) -> (0)>
module attributes {stable_mosaic.version = 14 : i64} {
  func.func @_merge_kernel(%arg0: i32, %arg1: i32, %arg2: memref<196608xf32, #tpu.memory_space<hbm>>, %arg3: memref<16xf32, #tpu.memory_space<hbm>>, %arg4: memref<32x384xf32, #tpu.memory_space<vmem>>, %arg5: memref<384xf32, #tpu.memory_space<vmem>>, %arg6: memref<6144xf32, #tpu.memory_space<vmem>>, %arg7: memref<6144xf32, #tpu.memory_space<vmem_shared>>, %arg8: memref<16xf32, #tpu.memory_space<vmem>>, %arg9: memref<!tpu.dma_semaphore, #tpu.memory_space<semaphore_mem>>) attributes {dimension_semantics = [#tpu.dimension_semantics<core_parallel>, #tpu.dimension_semantics<subcore_parallel>], iteration_bounds = array<i64: 2, 16>, scalar_prefetch = 0 : i64, scratch_operands = 6 : i64, tpu.core_type = #tpu.core_type<sc_vector_subcore>, window_params = [{transform_indices = #map}, {transform_indices = #map}]} {
    %mul3A = arith.constant 24 : i32
    %mul3A_0 = arith.muli %arg1, %mul3A : i32
    %mul3A_1 = arith.constant 16 : i32
    %mul3A_2 = arith.muli %mul3A_0, %mul3A_1 : i32
    %add3A = arith.constant 0 : i32
    %add3A_3 = arith.addi %add3A, %mul3A_2 : i32
    %dma_start3A = arith.constant 0 : i32
    %dma_start3A_4 = arith.constant 0 : i32
    %dma_start3A_5 = tpu.memref_slice %arg4[%dma_start3A, %dma_start3A_4] : memref<32x384xf32, #tpu.memory_space<vmem>> -> memref<1x384xf32, #tpu.memory_space<vmem>>
    %dma_start3A_6 = tpu.memref_squeeze %dma_start3A_5 : memref<1x384xf32, #tpu.memory_space<vmem>> -> memref<384xf32, #tpu.memory_space<vmem>>
    %dma_start3A_7 = tpu.memref_slice %arg2[%add3A_3] : memref<196608xf32, #tpu.memory_space<hbm>> -> memref<384xf32, #tpu.memory_space<hbm>>
    %dma_start3A_8 = arith.constant 0 : i32
    %dma_start3A_9 = tpu.memref_slice %arg4[%dma_start3A, %dma_start3A_8] : memref<32x384xf32, #tpu.memory_space<vmem>> -> memref<1x384xf32, #tpu.memory_space<vmem>>
    %dma_start3A_10 = tpu.memref_squeeze %dma_start3A_9 : memref<1x384xf32, #tpu.memory_space<vmem>> -> memref<384xf32, #tpu.memory_space<vmem>>
    %dma_start3A_11 = tpu.memref_slice %arg2[%add3A_3] : memref<196608xf32, #tpu.memory_space<hbm>> -> memref<384xf32, #tpu.memory_space<hbm>>
    tpu.enqueue_dma source(%dma_start3A_11 : memref<384xf32, #tpu.memory_space<hbm>>) target(%dma_start3A_10 : memref<384xf32, #tpu.memory_space<vmem>>) target_semaphore(%arg9 : memref<!tpu.dma_semaphore, #tpu.memory_space<semaphore_mem>>)
    %mul3A_12 = arith.constant 16 : i32
    %mul3A_13 = arith.muli %mul3A_0, %mul3A_12 : i32
    %add3A_14 = arith.constant 6144 : i32
    %add3A_15 = arith.addi %add3A_14, %mul3A_13 : i32
    %dma_start3A_16 = arith.constant 1 : i32
    %dma_start3A_17 = arith.constant 0 : i32
    %dma_start3A_18 = tpu.memref_slice %arg4[%dma_start3A_16, %dma_start3A_17] : memref<32x384xf32, #tpu.memory_space<vmem>> -> memref<1x384xf32, #tpu.memory_space<vmem>>
    %dma_start3A_19 = tpu.memref_squeeze %dma_start3A_18 : memref<1x384xf32, #tpu.memory_space<vmem>> -> memref<384xf32, #tpu.memory_space<vmem>>
    %dma_start3A_20 = tpu.memref_slice %arg2[%add3A_15] : memref<196608xf32, #tpu.memory_space<hbm>> -> memref<384xf32, #tpu.memory_space<hbm>>
    %dma_start3A_21 = arith.constant 0 : i32
    %dma_start3A_22 = tpu.memref_slice %arg4[%dma_start3A_16, %dma_start3A_21] : memref<32x384xf32, #tpu.memory_space<vmem>> -> memref<1x384xf32, #tpu.memory_space<vmem>>
    %dma_start3A_23 = tpu.memref_squeeze %dma_start3A_22 : memref<1x384xf32, #tpu.memory_space<vmem>> -> memref<384xf32, #tpu.memory_space<vmem>>
    %dma_start3A_24 = tpu.memref_slice %arg2[%add3A_15] : memref<196608xf32, #tpu.memory_space<hbm>> -> memref<384xf32, #tpu.memory_space<hbm>>
    tpu.enqueue_dma source(%dma_start3A_24 : memref<384xf32, #tpu.memory_space<hbm>>) target(%dma_start3A_23 : memref<384xf32, #tpu.memory_space<vmem>>) target_semaphore(%arg9 : memref<!tpu.dma_semaphore, #tpu.memory_space<semaphore_mem>>)
    %mul3A_25 = arith.constant 16 : i32
    %mul3A_26 = arith.muli %mul3A_0, %mul3A_25 : i32
    %add3A_27 = arith.constant 12288 : i32
    %add3A_28 = arith.addi %add3A_27, %mul3A_26 : i32
    %dma_start3A_29 = arith.constant 2 : i32
    %dma_start3A_30 = arith.constant 0 : i32
    %dma_start3A_31 = tpu.memref_slice %arg4[%dma_start3A_29, %dma_start3A_30] : memref<32x384xf32, #tpu.memory_space<vmem>> -> memref<1x384xf32, #tpu.memory_space<vmem>>
    %dma_start3A_32 = tpu.memref_squeeze %dma_start3A_31 : memref<1x384xf32, #tpu.memory_space<vmem>> -> memref<384xf32, #tpu.memory_space<vmem>>
    %dma_start3A_33 = tpu.memref_slice %arg2[%add3A_28] : memref<196608xf32, #tpu.memory_space<hbm>> -> memref<384xf32, #tpu.memory_space<hbm>>
    %dma_start3A_34 = arith.constant 0 : i32
    %dma_start3A_35 = tpu.memref_slice %arg4[%dma_start3A_29, %dma_start3A_34] : memref<32x384xf32, #tpu.memory_space<vmem>> -> memref<1x384xf32, #tpu.memory_space<vmem>>
    %dma_start3A_36 = tpu.memref_squeeze %dma_start3A_35 : memref<1x384xf32, #tpu.memory_space<vmem>> -> memref<384xf32, #tpu.memory_space<vmem>>
    %dma_start3A_37 = tpu.memref_slice %arg2[%add3A_28] : memref<196608xf32, #tpu.memory_space<hbm>> -> memref<384xf32, #tpu.memory_space<hbm>>
    tpu.enqueue_dma source(%dma_start3A_37 : memref<384xf32, #tpu.memory_space<hbm>>) target(%dma_start3A_36 : memref<384xf32, #tpu.memory_space<vmem>>) target_semaphore(%arg9 : memref<!tpu.dma_semaphore, #tpu.memory_space<semaphore_mem>>)
    %mul3A_38 = arith.constant 16 : i32
    %mul3A_39 = arith.muli %mul3A_0, %mul3A_38 : i32
    %add3A_40 = arith.constant 18432 : i32
    %add3A_41 = arith.addi %add3A_40, %mul3A_39 : i32
    %dma_start3A_42 = arith.constant 3 : i32
    %dma_start3A_43 = arith.constant 0 : i32
    %dma_start3A_44 = tpu.memref_slice %arg4[%dma_start3A_42, %dma_start3A_43] : memref<32x384xf32, #tpu.memory_space<vmem>> -> memref<1x384xf32, #tpu.memory_space<vmem>>
    %dma_start3A_45 = tpu.memref_squeeze %dma_start3A_44 : memref<1x384xf32, #tpu.memory_space<vmem>> -> memref<384xf32, #tpu.memory_space<vmem>>
    %dma_start3A_46 = tpu.memref_slice %arg2[%add3A_41] : memref<196608xf32, #tpu.memory_space<hbm>> -> memref<384xf32, #tpu.memory_space<hbm>>
    %dma_start3A_47 = arith.constant 0 : i32
    %dma_start3A_48 = tpu.memref_slice %arg4[%dma_start3A_42, %dma_start3A_47] : memref<32x384xf32, #tpu.memory_space<vmem>> -> memref<1x384xf32, #tpu.memory_space<vmem>>
    %dma_start3A_49 = tpu.memref_squeeze %dma_start3A_48 : memref<1x384xf32, #tpu.memory_space<vmem>> -> memref<384xf32, #tpu.memory_space<vmem>>
    %dma_start3A_50 = tpu.memref_slice %arg2[%add3A_41] : memref<196608xf32, #tpu.memory_space<hbm>> -> memref<384xf32, #tpu.memory_space<hbm>>
    tpu.enqueue_dma source(%dma_start3A_50 : memref<384xf32, #tpu.memory_space<hbm>>) target(%dma_start3A_49 : memref<384xf32, #tpu.memory_space<vmem>>) target_semaphore(%arg9 : memref<!tpu.dma_semaphore, #tpu.memory_space<semaphore_mem>>)
    %mul3A_51 = arith.constant 16 : i32
    %mul3A_52 = arith.muli %mul3A_0, %mul3A_51 : i32
    %add3A_53 = arith.constant 24576 : i32
    %add3A_54 = arith.addi %add3A_53, %mul3A_52 : i32
    %dma_start3A_55 = arith.constant 4 : i32
    %dma_start3A_56 = arith.constant 0 : i32
    %dma_start3A_57 = tpu.memref_slice %arg4[%dma_start3A_55, %dma_start3A_56] : memref<32x384xf32, #tpu.memory_space<vmem>> -> memref<1x384xf32, #tpu.memory_space<vmem>>
    %dma_start3A_58 = tpu.memref_squeeze %dma_start3A_57 : memref<1x384xf32, #tpu.memory_space<vmem>> -> memref<384xf32, #tpu.memory_space<vmem>>
    %dma_start3A_59 = tpu.memref_slice %arg2[%add3A_54] : memref<196608xf32, #tpu.memory_space<hbm>> -> memref<384xf32, #tpu.memory_space<hbm>>
    %dma_start3A_60 = arith.constant 0 : i32
    %dma_start3A_61 = tpu.memref_slice %arg4[%dma_start3A_55, %dma_start3A_60] : memref<32x384xf32, #tpu.memory_space<vmem>> -> memref<1x384xf32, #tpu.memory_space<vmem>>
    %dma_start3A_62 = tpu.memref_squeeze %dma_start3A_61 : memref<1x384xf32, #tpu.memory_space<vmem>> -> memref<384xf32, #tpu.memory_space<vmem>>
    %dma_start3A_63 = tpu.memref_slice %arg2[%add3A_54] : memref<196608xf32, #tpu.memory_space<hbm>> -> memref<384xf32, #tpu.memory_space<hbm>>
    tpu.enqueue_dma source(%dma_start3A_63 : memref<384xf32, #tpu.memory_space<hbm>>) target(%dma_start3A_62 : memref<384xf32, #tpu.memory_space<vmem>>) target_semaphore(%arg9 : memref<!tpu.dma_semaphore, #tpu.memory_space<semaphore_mem>>)
    %mul3A_64 = arith.constant 16 : i32
    %mul3A_65 = arith.muli %mul3A_0, %mul3A_64 : i32
    %add3A_66 = arith.constant 30720 : i32
    %add3A_67 = arith.addi %add3A_66, %mul3A_65 : i32
    %dma_start3A_68 = arith.constant 5 : i32
    %dma_start3A_69 = arith.constant 0 : i32
    %dma_start3A_70 = tpu.memref_slice %arg4[%dma_start3A_68, %dma_start3A_69] : memref<32x384xf32, #tpu.memory_space<vmem>> -> memref<1x384xf32, #tpu.memory_space<vmem>>
    %dma_start3A_71 = tpu.memref_squeeze %dma_start3A_70 : memref<1x384xf32, #tpu.memory_space<vmem>> -> memref<384xf32, #tpu.memory_space<vmem>>
    %dma_start3A_72 = tpu.memref_slice %arg2[%add3A_67] : memref<196608xf32, #tpu.memory_space<hbm>> -> memref<384xf32, #tpu.memory_space<hbm>>
    %dma_start3A_73 = arith.constant 0 : i32
    %dma_start3A_74 = tpu.memref_slice %arg4[%dma_start3A_68, %dma_start3A_73] : memref<32x384xf32, #tpu.memory_space<vmem>> -> memref<1x384xf32, #tpu.memory_space<vmem>>
    %dma_start3A_75 = tpu.memref_squeeze %dma_start3A_74 : memref<1x384xf32, #tpu.memory_space<vmem>> -> memref<384xf32, #tpu.memory_space<vmem>>
    %dma_start3A_76 = tpu.memref_slice %arg2[%add3A_67] : memref<196608xf32, #tpu.memory_space<hbm>> -> memref<384xf32, #tpu.memory_space<hbm>>
    tpu.enqueue_dma source(%dma_start3A_76 : memref<384xf32, #tpu.memory_space<hbm>>) target(%dma_start3A_75 : memref<384xf32, #tpu.memory_space<vmem>>) target_semaphore(%arg9 : memref<!tpu.dma_semaphore, #tpu.memory_space<semaphore_mem>>)
    %mul3A_77 = arith.constant 16 : i32
    %mul3A_78 = arith.muli %mul3A_0, %mul3A_77 : i32
    %add3A_79 = arith.constant 36864 : i32
    %add3A_80 = arith.addi %add3A_79, %mul3A_78 : i32
    %dma_start3A_81 = arith.constant 6 : i32
    %dma_start3A_82 = arith.constant 0 : i32
    %dma_start3A_83 = tpu.memref_slice %arg4[%dma_start3A_81, %dma_start3A_82] : memref<32x384xf32, #tpu.memory_space<vmem>> -> memref<1x384xf32, #tpu.memory_space<vmem>>
    %dma_start3A_84 = tpu.memref_squeeze %dma_start3A_83 : memref<1x384xf32, #tpu.memory_space<vmem>> -> memref<384xf32, #tpu.memory_space<vmem>>
    %dma_start3A_85 = tpu.memref_slice %arg2[%add3A_80] : memref<196608xf32, #tpu.memory_space<hbm>> -> memref<384xf32, #tpu.memory_space<hbm>>
    %dma_start3A_86 = arith.constant 0 : i32
    %dma_start3A_87 = tpu.memref_slice %arg4[%dma_start3A_81, %dma_start3A_86] : memref<32x384xf32, #tpu.memory_space<vmem>> -> memref<1x384xf32, #tpu.memory_space<vmem>>
    %dma_start3A_88 = tpu.memref_squeeze %dma_start3A_87 : memref<1x384xf32, #tpu.memory_space<vmem>> -> memref<384xf32, #tpu.memory_space<vmem>>
    %dma_start3A_89 = tpu.memref_slice %arg2[%add3A_80] : memref<196608xf32, #tpu.memory_space<hbm>> -> memref<384xf32, #tpu.memory_space<hbm>>
    tpu.enqueue_dma source(%dma_start3A_89 : memref<384xf32, #tpu.memory_space<hbm>>) target(%dma_start3A_88 : memref<384xf32, #tpu.memory_space<vmem>>) target_semaphore(%arg9 : memref<!tpu.dma_semaphore, #tpu.memory_space<semaphore_mem>>)
    %mul3A_90 = arith.constant 16 : i32
    %mul3A_91 = arith.muli %mul3A_0, %mul3A_90 : i32
    %add3A_92 = arith.constant 43008 : i32
    %add3A_93 = arith.addi %add3A_92, %mul3A_91 : i32
    %dma_start3A_94 = arith.constant 7 : i32
    %dma_start3A_95 = arith.constant 0 : i32
    %dma_start3A_96 = tpu.memref_slice %arg4[%dma_start3A_94, %dma_start3A_95] : memref<32x384xf32, #tpu.memory_space<vmem>> -> memref<1x384xf32, #tpu.memory_space<vmem>>
    %dma_start3A_97 = tpu.memref_squeeze %dma_start3A_96 : memref<1x384xf32, #tpu.memory_space<vmem>> -> memref<384xf32, #tpu.memory_space<vmem>>
    %dma_start3A_98 = tpu.memref_slice %arg2[%add3A_93] : memref<196608xf32, #tpu.memory_space<hbm>> -> memref<384xf32, #tpu.memory_space<hbm>>
    %dma_start3A_99 = arith.constant 0 : i32
    %dma_start3A_100 = tpu.memref_slice %arg4[%dma_start3A_94, %dma_start3A_99] : memref<32x384xf32, #tpu.memory_space<vmem>> -> memref<1x384xf32, #tpu.memory_space<vmem>>
    %dma_start3A_101 = tpu.memref_squeeze %dma_start3A_100 : memref<1x384xf32, #tpu.memory_space<vmem>> -> memref<384xf32, #tpu.memory_space<vmem>>
    %dma_start3A_102 = tpu.memref_slice %arg2[%add3A_93] : memref<196608xf32, #tpu.memory_space<hbm>> -> memref<384xf32, #tpu.memory_space<hbm>>
    tpu.enqueue_dma source(%dma_start3A_102 : memref<384xf32, #tpu.memory_space<hbm>>) target(%dma_start3A_101 : memref<384xf32, #tpu.memory_space<vmem>>) target_semaphore(%arg9 : memref<!tpu.dma_semaphore, #tpu.memory_space<semaphore_mem>>)
    %mul3A_103 = arith.constant 16 : i32
    %mul3A_104 = arith.muli %mul3A_0, %mul3A_103 : i32
    %add3A_105 = arith.constant 49152 : i32
    %add3A_106 = arith.addi %add3A_105, %mul3A_104 : i32
    %dma_start3A_107 = arith.constant 8 : i32
    %dma_start3A_108 = arith.constant 0 : i32
    %dma_start3A_109 = tpu.memref_slice %arg4[%dma_start3A_107, %dma_start3A_108] : memref<32x384xf32, #tpu.memory_space<vmem>> -> memref<1x384xf32, #tpu.memory_space<vmem>>
    %dma_start3A_110 = tpu.memref_squeeze %dma_start3A_109 : memref<1x384xf32, #tpu.memory_space<vmem>> -> memref<384xf32, #tpu.memory_space<vmem>>
    %dma_start3A_111 = tpu.memref_slice %arg2[%add3A_106] : memref<196608xf32, #tpu.memory_space<hbm>> -> memref<384xf32, #tpu.memory_space<hbm>>
    %dma_start3A_112 = arith.constant 0 : i32
    %dma_start3A_113 = tpu.memref_slice %arg4[%dma_start3A_107, %dma_start3A_112] : memref<32x384xf32, #tpu.memory_space<vmem>> -> memref<1x384xf32, #tpu.memory_space<vmem>>
    %dma_start3A_114 = tpu.memref_squeeze %dma_start3A_113 : memref<1x384xf32, #tpu.memory_space<vmem>> -> memref<384xf32, #tpu.memory_space<vmem>>
    %dma_start3A_115 = tpu.memref_slice %arg2[%add3A_106] : memref<196608xf32, #tpu.memory_space<hbm>> -> memref<384xf32, #tpu.memory_space<hbm>>
    tpu.enqueue_dma source(%dma_start3A_115 : memref<384xf32, #tpu.memory_space<hbm>>) target(%dma_start3A_114 : memref<384xf32, #tpu.memory_space<vmem>>) target_semaphore(%arg9 : memref<!tpu.dma_semaphore, #tpu.memory_space<semaphore_mem>>)
    %mul3A_116 = arith.constant 16 : i32
    %mul3A_117 = arith.muli %mul3A_0, %mul3A_116 : i32
    %add3A_118 = arith.constant 55296 : i32
    %add3A_119 = arith.addi %add3A_118, %mul3A_117 : i32
    %dma_start3A_120 = arith.constant 9 : i32
    %dma_start3A_121 = arith.constant 0 : i32
    %dma_start3A_122 = tpu.memref_slice %arg4[%dma_start3A_120, %dma_start3A_121] : memref<32x384xf32, #tpu.memory_space<vmem>> -> memref<1x384xf32, #tpu.memory_space<vmem>>
    %dma_start3A_123 = tpu.memref_squeeze %dma_start3A_122 : memref<1x384xf32, #tpu.memory_space<vmem>> -> memref<384xf32, #tpu.memory_space<vmem>>
    %dma_start3A_124 = tpu.memref_slice %arg2[%add3A_119] : memref<196608xf32, #tpu.memory_space<hbm>> -> memref<384xf32, #tpu.memory_space<hbm>>
    %dma_start3A_125 = arith.constant 0 : i32
    %dma_start3A_126 = tpu.memref_slice %arg4[%dma_start3A_120, %dma_start3A_125] : memref<32x384xf32, #tpu.memory_space<vmem>> -> memref<1x384xf32, #tpu.memory_space<vmem>>
    %dma_start3A_127 = tpu.memref_squeeze %dma_start3A_126 : memref<1x384xf32, #tpu.memory_space<vmem>> -> memref<384xf32, #tpu.memory_space<vmem>>
    %dma_start3A_128 = tpu.memref_slice %arg2[%add3A_119] : memref<196608xf32, #tpu.memory_space<hbm>> -> memref<384xf32, #tpu.memory_space<hbm>>
    tpu.enqueue_dma source(%dma_start3A_128 : memref<384xf32, #tpu.memory_space<hbm>>) target(%dma_start3A_127 : memref<384xf32, #tpu.memory_space<vmem>>) target_semaphore(%arg9 : memref<!tpu.dma_semaphore, #tpu.memory_space<semaphore_mem>>)
    %mul3A_129 = arith.constant 16 : i32
    %mul3A_130 = arith.muli %mul3A_0, %mul3A_129 : i32
    %add3A_131 = arith.constant 61440 : i32
    %add3A_132 = arith.addi %add3A_131, %mul3A_130 : i32
    %dma_start3A_133 = arith.constant 10 : i32
    %dma_start3A_134 = arith.constant 0 : i32
    %dma_start3A_135 = tpu.memref_slice %arg4[%dma_start3A_133, %dma_start3A_134] : memref<32x384xf32, #tpu.memory_space<vmem>> -> memref<1x384xf32, #tpu.memory_space<vmem>>
    %dma_start3A_136 = tpu.memref_squeeze %dma_start3A_135 : memref<1x384xf32, #tpu.memory_space<vmem>> -> memref<384xf32, #tpu.memory_space<vmem>>
    %dma_start3A_137 = tpu.memref_slice %arg2[%add3A_132] : memref<196608xf32, #tpu.memory_space<hbm>> -> memref<384xf32, #tpu.memory_space<hbm>>
    %dma_start3A_138 = arith.constant 0 : i32
    %dma_start3A_139 = tpu.memref_slice %arg4[%dma_start3A_133, %dma_start3A_138] : memref<32x384xf32, #tpu.memory_space<vmem>> -> memref<1x384xf32, #tpu.memory_space<vmem>>
    %dma_start3A_140 = tpu.memref_squeeze %dma_start3A_139 : memref<1x384xf32, #tpu.memory_space<vmem>> -> memref<384xf32, #tpu.memory_space<vmem>>
    %dma_start3A_141 = tpu.memref_slice %arg2[%add3A_132] : memref<196608xf32, #tpu.memory_space<hbm>> -> memref<384xf32, #tpu.memory_space<hbm>>
    tpu.enqueue_dma source(%dma_start3A_141 : memref<384xf32, #tpu.memory_space<hbm>>) target(%dma_start3A_140 : memref<384xf32, #tpu.memory_space<vmem>>) target_semaphore(%arg9 : memref<!tpu.dma_semaphore, #tpu.memory_space<semaphore_mem>>)
    %mul3A_142 = arith.constant 16 : i32
    %mul3A_143 = arith.muli %mul3A_0, %mul3A_142 : i32
    %add3A_144 = arith.constant 67584 : i32
    %add3A_145 = arith.addi %add3A_144, %mul3A_143 : i32
    %dma_start3A_146 = arith.constant 11 : i32
    %dma_start3A_147 = arith.constant 0 : i32
    %dma_start3A_148 = tpu.memref_slice %arg4[%dma_start3A_146, %dma_start3A_147] : memref<32x384xf32, #tpu.memory_space<vmem>> -> memref<1x384xf32, #tpu.memory_space<vmem>>
    %dma_start3A_149 = tpu.memref_squeeze %dma_start3A_148 : memref<1x384xf32, #tpu.memory_space<vmem>> -> memref<384xf32, #tpu.memory_space<vmem>>
    %dma_start3A_150 = tpu.memref_slice %arg2[%add3A_145] : memref<196608xf32, #tpu.memory_space<hbm>> -> memref<384xf32, #tpu.memory_space<hbm>>
    %dma_start3A_151 = arith.constant 0 : i32
    %dma_start3A_152 = tpu.memref_slice %arg4[%dma_start3A_146, %dma_start3A_151] : memref<32x384xf32, #tpu.memory_space<vmem>> -> memref<1x384xf32, #tpu.memory_space<vmem>>
    %dma_start3A_153 = tpu.memref_squeeze %dma_start3A_152 : memref<1x384xf32, #tpu.memory_space<vmem>> -> memref<384xf32, #tpu.memory_space<vmem>>
    %dma_start3A_154 = tpu.memref_slice %arg2[%add3A_145] : memref<196608xf32, #tpu.memory_space<hbm>> -> memref<384xf32, #tpu.memory_space<hbm>>
    tpu.enqueue_dma source(%dma_start3A_154 : memref<384xf32, #tpu.memory_space<hbm>>) target(%dma_start3A_153 : memref<384xf32, #tpu.memory_space<vmem>>) target_semaphore(%arg9 : memref<!tpu.dma_semaphore, #tpu.memory_space<semaphore_mem>>)
    %mul3A_155 = arith.constant 16 : i32
    %mul3A_156 = arith.muli %mul3A_0, %mul3A_155 : i32
    %add3A_157 = arith.constant 73728 : i32
    %add3A_158 = arith.addi %add3A_157, %mul3A_156 : i32
    %dma_start3A_159 = arith.constant 12 : i32
    %dma_start3A_160 = arith.constant 0 : i32
    %dma_start3A_161 = tpu.memref_slice %arg4[%dma_start3A_159, %dma_start3A_160] : memref<32x384xf32, #tpu.memory_space<vmem>> -> memref<1x384xf32, #tpu.memory_space<vmem>>
    %dma_start3A_162 = tpu.memref_squeeze %dma_start3A_161 : memref<1x384xf32, #tpu.memory_space<vmem>> -> memref<384xf32, #tpu.memory_space<vmem>>
    %dma_start3A_163 = tpu.memref_slice %arg2[%add3A_158] : memref<196608xf32, #tpu.memory_space<hbm>> -> memref<384xf32, #tpu.memory_space<hbm>>
    %dma_start3A_164 = arith.constant 0 : i32
    %dma_start3A_165 = tpu.memref_slice %arg4[%dma_start3A_159, %dma_start3A_164] : memref<32x384xf32, #tpu.memory_space<vmem>> -> memref<1x384xf32, #tpu.memory_space<vmem>>
    %dma_start3A_166 = tpu.memref_squeeze %dma_start3A_165 : memref<1x384xf32, #tpu.memory_space<vmem>> -> memref<384xf32, #tpu.memory_space<vmem>>
    %dma_start3A_167 = tpu.memref_slice %arg2[%add3A_158] : memref<196608xf32, #tpu.memory_space<hbm>> -> memref<384xf32, #tpu.memory_space<hbm>>
    tpu.enqueue_dma source(%dma_start3A_167 : memref<384xf32, #tpu.memory_space<hbm>>) target(%dma_start3A_166 : memref<384xf32, #tpu.memory_space<vmem>>) target_semaphore(%arg9 : memref<!tpu.dma_semaphore, #tpu.memory_space<semaphore_mem>>)
    %mul3A_168 = arith.constant 16 : i32
    %mul3A_169 = arith.muli %mul3A_0, %mul3A_168 : i32
    %add3A_170 = arith.constant 79872 : i32
    %add3A_171 = arith.addi %add3A_170, %mul3A_169 : i32
    %dma_start3A_172 = arith.constant 13 : i32
    %dma_start3A_173 = arith.constant 0 : i32
    %dma_start3A_174 = tpu.memref_slice %arg4[%dma_start3A_172, %dma_start3A_173] : memref<32x384xf32, #tpu.memory_space<vmem>> -> memref<1x384xf32, #tpu.memory_space<vmem>>
    %dma_start3A_175 = tpu.memref_squeeze %dma_start3A_174 : memref<1x384xf32, #tpu.memory_space<vmem>> -> memref<384xf32, #tpu.memory_space<vmem>>
    %dma_start3A_176 = tpu.memref_slice %arg2[%add3A_171] : memref<196608xf32, #tpu.memory_space<hbm>> -> memref<384xf32, #tpu.memory_space<hbm>>
    %dma_start3A_177 = arith.constant 0 : i32
    %dma_start3A_178 = tpu.memref_slice %arg4[%dma_start3A_172, %dma_start3A_177] : memref<32x384xf32, #tpu.memory_space<vmem>> -> memref<1x384xf32, #tpu.memory_space<vmem>>
    %dma_start3A_179 = tpu.memref_squeeze %dma_start3A_178 : memref<1x384xf32, #tpu.memory_space<vmem>> -> memref<384xf32, #tpu.memory_space<vmem>>
    %dma_start3A_180 = tpu.memref_slice %arg2[%add3A_171] : memref<196608xf32, #tpu.memory_space<hbm>> -> memref<384xf32, #tpu.memory_space<hbm>>
    tpu.enqueue_dma source(%dma_start3A_180 : memref<384xf32, #tpu.memory_space<hbm>>) target(%dma_start3A_179 : memref<384xf32, #tpu.memory_space<vmem>>) target_semaphore(%arg9 : memref<!tpu.dma_semaphore, #tpu.memory_space<semaphore_mem>>)
    %mul3A_181 = arith.constant 16 : i32
    %mul3A_182 = arith.muli %mul3A_0, %mul3A_181 : i32
    %add3A_183 = arith.constant 86016 : i32
    %add3A_184 = arith.addi %add3A_183, %mul3A_182 : i32
    %dma_start3A_185 = arith.constant 14 : i32
    %dma_start3A_186 = arith.constant 0 : i32
    %dma_start3A_187 = tpu.memref_slice %arg4[%dma_start3A_185, %dma_start3A_186] : memref<32x384xf32, #tpu.memory_space<vmem>> -> memref<1x384xf32, #tpu.memory_space<vmem>>
    %dma_start3A_188 = tpu.memref_squeeze %dma_start3A_187 : memref<1x384xf32, #tpu.memory_space<vmem>> -> memref<384xf32, #tpu.memory_space<vmem>>
    %dma_start3A_189 = tpu.memref_slice %arg2[%add3A_184] : memref<196608xf32, #tpu.memory_space<hbm>> -> memref<384xf32, #tpu.memory_space<hbm>>
    %dma_start3A_190 = arith.constant 0 : i32
    %dma_start3A_191 = tpu.memref_slice %arg4[%dma_start3A_185, %dma_start3A_190] : memref<32x384xf32, #tpu.memory_space<vmem>> -> memref<1x384xf32, #tpu.memory_space<vmem>>
    %dma_start3A_192 = tpu.memref_squeeze %dma_start3A_191 : memref<1x384xf32, #tpu.memory_space<vmem>> -> memref<384xf32, #tpu.memory_space<vmem>>
    %dma_start3A_193 = tpu.memref_slice %arg2[%add3A_184] : memref<196608xf32, #tpu.memory_space<hbm>> -> memref<384xf32, #tpu.memory_space<hbm>>
    tpu.enqueue_dma source(%dma_start3A_193 : memref<384xf32, #tpu.memory_space<hbm>>) target(%dma_start3A_192 : memref<384xf32, #tpu.memory_space<vmem>>) target_semaphore(%arg9 : memref<!tpu.dma_semaphore, #tpu.memory_space<semaphore_mem>>)
    %mul3A_194 = arith.constant 16 : i32
    %mul3A_195 = arith.muli %mul3A_0, %mul3A_194 : i32
    %add3A_196 = arith.constant 92160 : i32
    %add3A_197 = arith.addi %add3A_196, %mul3A_195 : i32
    %dma_start3A_198 = arith.constant 15 : i32
    %dma_start3A_199 = arith.constant 0 : i32
    %dma_start3A_200 = tpu.memref_slice %arg4[%dma_start3A_198, %dma_start3A_199] : memref<32x384xf32, #tpu.memory_space<vmem>> -> memref<1x384xf32, #tpu.memory_space<vmem>>
    %dma_start3A_201 = tpu.memref_squeeze %dma_start3A_200 : memref<1x384xf32, #tpu.memory_space<vmem>> -> memref<384xf32, #tpu.memory_space<vmem>>
    %dma_start3A_202 = tpu.memref_slice %arg2[%add3A_197] : memref<196608xf32, #tpu.memory_space<hbm>> -> memref<384xf32, #tpu.memory_space<hbm>>
    %dma_start3A_203 = arith.constant 0 : i32
    %dma_start3A_204 = tpu.memref_slice %arg4[%dma_start3A_198, %dma_start3A_203] : memref<32x384xf32, #tpu.memory_space<vmem>> -> memref<1x384xf32, #tpu.memory_space<vmem>>
    %dma_start3A_205 = tpu.memref_squeeze %dma_start3A_204 : memref<1x384xf32, #tpu.memory_space<vmem>> -> memref<384xf32, #tpu.memory_space<vmem>>
    %dma_start3A_206 = tpu.memref_slice %arg2[%add3A_197] : memref<196608xf32, #tpu.memory_space<hbm>> -> memref<384xf32, #tpu.memory_space<hbm>>
    tpu.enqueue_dma source(%dma_start3A_206 : memref<384xf32, #tpu.memory_space<hbm>>) target(%dma_start3A_205 : memref<384xf32, #tpu.memory_space<vmem>>) target_semaphore(%arg9 : memref<!tpu.dma_semaphore, #tpu.memory_space<semaphore_mem>>)
    %mul3A_207 = arith.constant 16 : i32
    %mul3A_208 = arith.muli %mul3A_0, %mul3A_207 : i32
    %add3A_209 = arith.constant 98304 : i32
    %add3A_210 = arith.addi %add3A_209, %mul3A_208 : i32
    %dma_start3A_211 = arith.constant 16 : i32
    %dma_start3A_212 = arith.constant 0 : i32
    %dma_start3A_213 = tpu.memref_slice %arg4[%dma_start3A_211, %dma_start3A_212] : memref<32x384xf32, #tpu.memory_space<vmem>> -> memref<1x384xf32, #tpu.memory_space<vmem>>
    %dma_start3A_214 = tpu.memref_squeeze %dma_start3A_213 : memref<1x384xf32, #tpu.memory_space<vmem>> -> memref<384xf32, #tpu.memory_space<vmem>>
    %dma_start3A_215 = tpu.memref_slice %arg2[%add3A_210] : memref<196608xf32, #tpu.memory_space<hbm>> -> memref<384xf32, #tpu.memory_space<hbm>>
    %dma_start3A_216 = arith.constant 0 : i32
    %dma_start3A_217 = tpu.memref_slice %arg4[%dma_start3A_211, %dma_start3A_216] : memref<32x384xf32, #tpu.memory_space<vmem>> -> memref<1x384xf32, #tpu.memory_space<vmem>>
    %dma_start3A_218 = tpu.memref_squeeze %dma_start3A_217 : memref<1x384xf32, #tpu.memory_space<vmem>> -> memref<384xf32, #tpu.memory_space<vmem>>
    %dma_start3A_219 = tpu.memref_slice %arg2[%add3A_210] : memref<196608xf32, #tpu.memory_space<hbm>> -> memref<384xf32, #tpu.memory_space<hbm>>
    tpu.enqueue_dma source(%dma_start3A_219 : memref<384xf32, #tpu.memory_space<hbm>>) target(%dma_start3A_218 : memref<384xf32, #tpu.memory_space<vmem>>) target_semaphore(%arg9 : memref<!tpu.dma_semaphore, #tpu.memory_space<semaphore_mem>>)
    %mul3A_220 = arith.constant 16 : i32
    %mul3A_221 = arith.muli %mul3A_0, %mul3A_220 : i32
    %add3A_222 = arith.constant 104448 : i32
    %add3A_223 = arith.addi %add3A_222, %mul3A_221 : i32
    %dma_start3A_224 = arith.constant 17 : i32
    %dma_start3A_225 = arith.constant 0 : i32
    %dma_start3A_226 = tpu.memref_slice %arg4[%dma_start3A_224, %dma_start3A_225] : memref<32x384xf32, #tpu.memory_space<vmem>> -> memref<1x384xf32, #tpu.memory_space<vmem>>
    %dma_start3A_227 = tpu.memref_squeeze %dma_start3A_226 : memref<1x384xf32, #tpu.memory_space<vmem>> -> memref<384xf32, #tpu.memory_space<vmem>>
    %dma_start3A_228 = tpu.memref_slice %arg2[%add3A_223] : memref<196608xf32, #tpu.memory_space<hbm>> -> memref<384xf32, #tpu.memory_space<hbm>>
    %dma_start3A_229 = arith.constant 0 : i32
    %dma_start3A_230 = tpu.memref_slice %arg4[%dma_start3A_224, %dma_start3A_229] : memref<32x384xf32, #tpu.memory_space<vmem>> -> memref<1x384xf32, #tpu.memory_space<vmem>>
    %dma_start3A_231 = tpu.memref_squeeze %dma_start3A_230 : memref<1x384xf32, #tpu.memory_space<vmem>> -> memref<384xf32, #tpu.memory_space<vmem>>
    %dma_start3A_232 = tpu.memref_slice %arg2[%add3A_223] : memref<196608xf32, #tpu.memory_space<hbm>> -> memref<384xf32, #tpu.memory_space<hbm>>
    tpu.enqueue_dma source(%dma_start3A_232 : memref<384xf32, #tpu.memory_space<hbm>>) target(%dma_start3A_231 : memref<384xf32, #tpu.memory_space<vmem>>) target_semaphore(%arg9 : memref<!tpu.dma_semaphore, #tpu.memory_space<semaphore_mem>>)
    %mul3A_233 = arith.constant 16 : i32
    %mul3A_234 = arith.muli %mul3A_0, %mul3A_233 : i32
    %add3A_235 = arith.constant 110592 : i32
    %add3A_236 = arith.addi %add3A_235, %mul3A_234 : i32
    %dma_start3A_237 = arith.constant 18 : i32
    %dma_start3A_238 = arith.constant 0 : i32
    %dma_start3A_239 = tpu.memref_slice %arg4[%dma_start3A_237, %dma_start3A_238] : memref<32x384xf32, #tpu.memory_space<vmem>> -> memref<1x384xf32, #tpu.memory_space<vmem>>
    %dma_start3A_240 = tpu.memref_squeeze %dma_start3A_239 : memref<1x384xf32, #tpu.memory_space<vmem>> -> memref<384xf32, #tpu.memory_space<vmem>>
    %dma_start3A_241 = tpu.memref_slice %arg2[%add3A_236] : memref<196608xf32, #tpu.memory_space<hbm>> -> memref<384xf32, #tpu.memory_space<hbm>>
    %dma_start3A_242 = arith.constant 0 : i32
    %dma_start3A_243 = tpu.memref_slice %arg4[%dma_start3A_237, %dma_start3A_242] : memref<32x384xf32, #tpu.memory_space<vmem>> -> memref<1x384xf32, #tpu.memory_space<vmem>>
    %dma_start3A_244 = tpu.memref_squeeze %dma_start3A_243 : memref<1x384xf32, #tpu.memory_space<vmem>> -> memref<384xf32, #tpu.memory_space<vmem>>
    %dma_start3A_245 = tpu.memref_slice %arg2[%add3A_236] : memref<196608xf32, #tpu.memory_space<hbm>> -> memref<384xf32, #tpu.memory_space<hbm>>
    tpu.enqueue_dma source(%dma_start3A_245 : memref<384xf32, #tpu.memory_space<hbm>>) target(%dma_start3A_244 : memref<384xf32, #tpu.memory_space<vmem>>) target_semaphore(%arg9 : memref<!tpu.dma_semaphore, #tpu.memory_space<semaphore_mem>>)
    %mul3A_246 = arith.constant 16 : i32
    %mul3A_247 = arith.muli %mul3A_0, %mul3A_246 : i32
    %add3A_248 = arith.constant 116736 : i32
    %add3A_249 = arith.addi %add3A_248, %mul3A_247 : i32
    %dma_start3A_250 = arith.constant 19 : i32
    %dma_start3A_251 = arith.constant 0 : i32
    %dma_start3A_252 = tpu.memref_slice %arg4[%dma_start3A_250, %dma_start3A_251] : memref<32x384xf32, #tpu.memory_space<vmem>> -> memref<1x384xf32, #tpu.memory_space<vmem>>
    %dma_start3A_253 = tpu.memref_squeeze %dma_start3A_252 : memref<1x384xf32, #tpu.memory_space<vmem>> -> memref<384xf32, #tpu.memory_space<vmem>>
    %dma_start3A_254 = tpu.memref_slice %arg2[%add3A_249] : memref<196608xf32, #tpu.memory_space<hbm>> -> memref<384xf32, #tpu.memory_space<hbm>>
    %dma_start3A_255 = arith.constant 0 : i32
    %dma_start3A_256 = tpu.memref_slice %arg4[%dma_start3A_250, %dma_start3A_255] : memref<32x384xf32, #tpu.memory_space<vmem>> -> memref<1x384xf32, #tpu.memory_space<vmem>>
    %dma_start3A_257 = tpu.memref_squeeze %dma_start3A_256 : memref<1x384xf32, #tpu.memory_space<vmem>> -> memref<384xf32, #tpu.memory_space<vmem>>
    %dma_start3A_258 = tpu.memref_slice %arg2[%add3A_249] : memref<196608xf32, #tpu.memory_space<hbm>> -> memref<384xf32, #tpu.memory_space<hbm>>
    tpu.enqueue_dma source(%dma_start3A_258 : memref<384xf32, #tpu.memory_space<hbm>>) target(%dma_start3A_257 : memref<384xf32, #tpu.memory_space<vmem>>) target_semaphore(%arg9 : memref<!tpu.dma_semaphore, #tpu.memory_space<semaphore_mem>>)
    %mul3A_259 = arith.constant 16 : i32
    %mul3A_260 = arith.muli %mul3A_0, %mul3A_259 : i32
    %add3A_261 = arith.constant 122880 : i32
    %add3A_262 = arith.addi %add3A_261, %mul3A_260 : i32
    %dma_start3A_263 = arith.constant 20 : i32
    %dma_start3A_264 = arith.constant 0 : i32
    %dma_start3A_265 = tpu.memref_slice %arg4[%dma_start3A_263, %dma_start3A_264] : memref<32x384xf32, #tpu.memory_space<vmem>> -> memref<1x384xf32, #tpu.memory_space<vmem>>
    %dma_start3A_266 = tpu.memref_squeeze %dma_start3A_265 : memref<1x384xf32, #tpu.memory_space<vmem>> -> memref<384xf32, #tpu.memory_space<vmem>>
    %dma_start3A_267 = tpu.memref_slice %arg2[%add3A_262] : memref<196608xf32, #tpu.memory_space<hbm>> -> memref<384xf32, #tpu.memory_space<hbm>>
    %dma_start3A_268 = arith.constant 0 : i32
    %dma_start3A_269 = tpu.memref_slice %arg4[%dma_start3A_263, %dma_start3A_268] : memref<32x384xf32, #tpu.memory_space<vmem>> -> memref<1x384xf32, #tpu.memory_space<vmem>>
    %dma_start3A_270 = tpu.memref_squeeze %dma_start3A_269 : memref<1x384xf32, #tpu.memory_space<vmem>> -> memref<384xf32, #tpu.memory_space<vmem>>
    %dma_start3A_271 = tpu.memref_slice %arg2[%add3A_262] : memref<196608xf32, #tpu.memory_space<hbm>> -> memref<384xf32, #tpu.memory_space<hbm>>
    tpu.enqueue_dma source(%dma_start3A_271 : memref<384xf32, #tpu.memory_space<hbm>>) target(%dma_start3A_270 : memref<384xf32, #tpu.memory_space<vmem>>) target_semaphore(%arg9 : memref<!tpu.dma_semaphore, #tpu.memory_space<semaphore_mem>>)
    %mul3A_272 = arith.constant 16 : i32
    %mul3A_273 = arith.muli %mul3A_0, %mul3A_272 : i32
    %add3A_274 = arith.constant 129024 : i32
    %add3A_275 = arith.addi %add3A_274, %mul3A_273 : i32
    %dma_start3A_276 = arith.constant 21 : i32
    %dma_start3A_277 = arith.constant 0 : i32
    %dma_start3A_278 = tpu.memref_slice %arg4[%dma_start3A_276, %dma_start3A_277] : memref<32x384xf32, #tpu.memory_space<vmem>> -> memref<1x384xf32, #tpu.memory_space<vmem>>
    %dma_start3A_279 = tpu.memref_squeeze %dma_start3A_278 : memref<1x384xf32, #tpu.memory_space<vmem>> -> memref<384xf32, #tpu.memory_space<vmem>>
    %dma_start3A_280 = tpu.memref_slice %arg2[%add3A_275] : memref<196608xf32, #tpu.memory_space<hbm>> -> memref<384xf32, #tpu.memory_space<hbm>>
    %dma_start3A_281 = arith.constant 0 : i32
    %dma_start3A_282 = tpu.memref_slice %arg4[%dma_start3A_276, %dma_start3A_281] : memref<32x384xf32, #tpu.memory_space<vmem>> -> memref<1x384xf32, #tpu.memory_space<vmem>>
    %dma_start3A_283 = tpu.memref_squeeze %dma_start3A_282 : memref<1x384xf32, #tpu.memory_space<vmem>> -> memref<384xf32, #tpu.memory_space<vmem>>
    %dma_start3A_284 = tpu.memref_slice %arg2[%add3A_275] : memref<196608xf32, #tpu.memory_space<hbm>> -> memref<384xf32, #tpu.memory_space<hbm>>
    tpu.enqueue_dma source(%dma_start3A_284 : memref<384xf32, #tpu.memory_space<hbm>>) target(%dma_start3A_283 : memref<384xf32, #tpu.memory_space<vmem>>) target_semaphore(%arg9 : memref<!tpu.dma_semaphore, #tpu.memory_space<semaphore_mem>>)
    %mul3A_285 = arith.constant 16 : i32
    %mul3A_286 = arith.muli %mul3A_0, %mul3A_285 : i32
    %add3A_287 = arith.constant 135168 : i32
    %add3A_288 = arith.addi %add3A_287, %mul3A_286 : i32
    %dma_start3A_289 = arith.constant 22 : i32
    %dma_start3A_290 = arith.constant 0 : i32
    %dma_start3A_291 = tpu.memref_slice %arg4[%dma_start3A_289, %dma_start3A_290] : memref<32x384xf32, #tpu.memory_space<vmem>> -> memref<1x384xf32, #tpu.memory_space<vmem>>
    %dma_start3A_292 = tpu.memref_squeeze %dma_start3A_291 : memref<1x384xf32, #tpu.memory_space<vmem>> -> memref<384xf32, #tpu.memory_space<vmem>>
    %dma_start3A_293 = tpu.memref_slice %arg2[%add3A_288] : memref<196608xf32, #tpu.memory_space<hbm>> -> memref<384xf32, #tpu.memory_space<hbm>>
    %dma_start3A_294 = arith.constant 0 : i32
    %dma_start3A_295 = tpu.memref_slice %arg4[%dma_start3A_289, %dma_start3A_294] : memref<32x384xf32, #tpu.memory_space<vmem>> -> memref<1x384xf32, #tpu.memory_space<vmem>>
    %dma_start3A_296 = tpu.memref_squeeze %dma_start3A_295 : memref<1x384xf32, #tpu.memory_space<vmem>> -> memref<384xf32, #tpu.memory_space<vmem>>
    %dma_start3A_297 = tpu.memref_slice %arg2[%add3A_288] : memref<196608xf32, #tpu.memory_space<hbm>> -> memref<384xf32, #tpu.memory_space<hbm>>
    tpu.enqueue_dma source(%dma_start3A_297 : memref<384xf32, #tpu.memory_space<hbm>>) target(%dma_start3A_296 : memref<384xf32, #tpu.memory_space<vmem>>) target_semaphore(%arg9 : memref<!tpu.dma_semaphore, #tpu.memory_space<semaphore_mem>>)
    %mul3A_298 = arith.constant 16 : i32
    %mul3A_299 = arith.muli %mul3A_0, %mul3A_298 : i32
    %add3A_300 = arith.constant 141312 : i32
    %add3A_301 = arith.addi %add3A_300, %mul3A_299 : i32
    %dma_start3A_302 = arith.constant 23 : i32
    %dma_start3A_303 = arith.constant 0 : i32
    %dma_start3A_304 = tpu.memref_slice %arg4[%dma_start3A_302, %dma_start3A_303] : memref<32x384xf32, #tpu.memory_space<vmem>> -> memref<1x384xf32, #tpu.memory_space<vmem>>
    %dma_start3A_305 = tpu.memref_squeeze %dma_start3A_304 : memref<1x384xf32, #tpu.memory_space<vmem>> -> memref<384xf32, #tpu.memory_space<vmem>>
    %dma_start3A_306 = tpu.memref_slice %arg2[%add3A_301] : memref<196608xf32, #tpu.memory_space<hbm>> -> memref<384xf32, #tpu.memory_space<hbm>>
    %dma_start3A_307 = arith.constant 0 : i32
    %dma_start3A_308 = tpu.memref_slice %arg4[%dma_start3A_302, %dma_start3A_307] : memref<32x384xf32, #tpu.memory_space<vmem>> -> memref<1x384xf32, #tpu.memory_space<vmem>>
    %dma_start3A_309 = tpu.memref_squeeze %dma_start3A_308 : memref<1x384xf32, #tpu.memory_space<vmem>> -> memref<384xf32, #tpu.memory_space<vmem>>
    %dma_start3A_310 = tpu.memref_slice %arg2[%add3A_301] : memref<196608xf32, #tpu.memory_space<hbm>> -> memref<384xf32, #tpu.memory_space<hbm>>
    tpu.enqueue_dma source(%dma_start3A_310 : memref<384xf32, #tpu.memory_space<hbm>>) target(%dma_start3A_309 : memref<384xf32, #tpu.memory_space<vmem>>) target_semaphore(%arg9 : memref<!tpu.dma_semaphore, #tpu.memory_space<semaphore_mem>>)
    %mul3A_311 = arith.constant 16 : i32
    %mul3A_312 = arith.muli %mul3A_0, %mul3A_311 : i32
    %add3A_313 = arith.constant 147456 : i32
    %add3A_314 = arith.addi %add3A_313, %mul3A_312 : i32
    %dma_start3A_315 = arith.constant 24 : i32
    %dma_start3A_316 = arith.constant 0 : i32
    %dma_start3A_317 = tpu.memref_slice %arg4[%dma_start3A_315, %dma_start3A_316] : memref<32x384xf32, #tpu.memory_space<vmem>> -> memref<1x384xf32, #tpu.memory_space<vmem>>
    %dma_start3A_318 = tpu.memref_squeeze %dma_start3A_317 : memref<1x384xf32, #tpu.memory_space<vmem>> -> memref<384xf32, #tpu.memory_space<vmem>>
    %dma_start3A_319 = tpu.memref_slice %arg2[%add3A_314] : memref<196608xf32, #tpu.memory_space<hbm>> -> memref<384xf32, #tpu.memory_space<hbm>>
    %dma_start3A_320 = arith.constant 0 : i32
    %dma_start3A_321 = tpu.memref_slice %arg4[%dma_start3A_315, %dma_start3A_320] : memref<32x384xf32, #tpu.memory_space<vmem>> -> memref<1x384xf32, #tpu.memory_space<vmem>>
    %dma_start3A_322 = tpu.memref_squeeze %dma_start3A_321 : memref<1x384xf32, #tpu.memory_space<vmem>> -> memref<384xf32, #tpu.memory_space<vmem>>
    %dma_start3A_323 = tpu.memref_slice %arg2[%add3A_314] : memref<196608xf32, #tpu.memory_space<hbm>> -> memref<384xf32, #tpu.memory_space<hbm>>
    tpu.enqueue_dma source(%dma_start3A_323 : memref<384xf32, #tpu.memory_space<hbm>>) target(%dma_start3A_322 : memref<384xf32, #tpu.memory_space<vmem>>) target_semaphore(%arg9 : memref<!tpu.dma_semaphore, #tpu.memory_space<semaphore_mem>>)
    %mul3A_324 = arith.constant 16 : i32
    %mul3A_325 = arith.muli %mul3A_0, %mul3A_324 : i32
    %add3A_326 = arith.constant 153600 : i32
    %add3A_327 = arith.addi %add3A_326, %mul3A_325 : i32
    %dma_start3A_328 = arith.constant 25 : i32
    %dma_start3A_329 = arith.constant 0 : i32
    %dma_start3A_330 = tpu.memref_slice %arg4[%dma_start3A_328, %dma_start3A_329] : memref<32x384xf32, #tpu.memory_space<vmem>> -> memref<1x384xf32, #tpu.memory_space<vmem>>
    %dma_start3A_331 = tpu.memref_squeeze %dma_start3A_330 : memref<1x384xf32, #tpu.memory_space<vmem>> -> memref<384xf32, #tpu.memory_space<vmem>>
    %dma_start3A_332 = tpu.memref_slice %arg2[%add3A_327] : memref<196608xf32, #tpu.memory_space<hbm>> -> memref<384xf32, #tpu.memory_space<hbm>>
    %dma_start3A_333 = arith.constant 0 : i32
    %dma_start3A_334 = tpu.memref_slice %arg4[%dma_start3A_328, %dma_start3A_333] : memref<32x384xf32, #tpu.memory_space<vmem>> -> memref<1x384xf32, #tpu.memory_space<vmem>>
    %dma_start3A_335 = tpu.memref_squeeze %dma_start3A_334 : memref<1x384xf32, #tpu.memory_space<vmem>> -> memref<384xf32, #tpu.memory_space<vmem>>
    %dma_start3A_336 = tpu.memref_slice %arg2[%add3A_327] : memref<196608xf32, #tpu.memory_space<hbm>> -> memref<384xf32, #tpu.memory_space<hbm>>
    tpu.enqueue_dma source(%dma_start3A_336 : memref<384xf32, #tpu.memory_space<hbm>>) target(%dma_start3A_335 : memref<384xf32, #tpu.memory_space<vmem>>) target_semaphore(%arg9 : memref<!tpu.dma_semaphore, #tpu.memory_space<semaphore_mem>>)
    %mul3A_337 = arith.constant 16 : i32
    %mul3A_338 = arith.muli %mul3A_0, %mul3A_337 : i32
    %add3A_339 = arith.constant 159744 : i32
    %add3A_340 = arith.addi %add3A_339, %mul3A_338 : i32
    %dma_start3A_341 = arith.constant 26 : i32
    %dma_start3A_342 = arith.constant 0 : i32
    %dma_start3A_343 = tpu.memref_slice %arg4[%dma_start3A_341, %dma_start3A_342] : memref<32x384xf32, #tpu.memory_space<vmem>> -> memref<1x384xf32, #tpu.memory_space<vmem>>
    %dma_start3A_344 = tpu.memref_squeeze %dma_start3A_343 : memref<1x384xf32, #tpu.memory_space<vmem>> -> memref<384xf32, #tpu.memory_space<vmem>>
    %dma_start3A_345 = tpu.memref_slice %arg2[%add3A_340] : memref<196608xf32, #tpu.memory_space<hbm>> -> memref<384xf32, #tpu.memory_space<hbm>>
    %dma_start3A_346 = arith.constant 0 : i32
    %dma_start3A_347 = tpu.memref_slice %arg4[%dma_start3A_341, %dma_start3A_346] : memref<32x384xf32, #tpu.memory_space<vmem>> -> memref<1x384xf32, #tpu.memory_space<vmem>>
    %dma_start3A_348 = tpu.memref_squeeze %dma_start3A_347 : memref<1x384xf32, #tpu.memory_space<vmem>> -> memref<384xf32, #tpu.memory_space<vmem>>
    %dma_start3A_349 = tpu.memref_slice %arg2[%add3A_340] : memref<196608xf32, #tpu.memory_space<hbm>> -> memref<384xf32, #tpu.memory_space<hbm>>
    tpu.enqueue_dma source(%dma_start3A_349 : memref<384xf32, #tpu.memory_space<hbm>>) target(%dma_start3A_348 : memref<384xf32, #tpu.memory_space<vmem>>) target_semaphore(%arg9 : memref<!tpu.dma_semaphore, #tpu.memory_space<semaphore_mem>>)
    %mul3A_350 = arith.constant 16 : i32
    %mul3A_351 = arith.muli %mul3A_0, %mul3A_350 : i32
    %add3A_352 = arith.constant 165888 : i32
    %add3A_353 = arith.addi %add3A_352, %mul3A_351 : i32
    %dma_start3A_354 = arith.constant 27 : i32
    %dma_start3A_355 = arith.constant 0 : i32
    %dma_start3A_356 = tpu.memref_slice %arg4[%dma_start3A_354, %dma_start3A_355] : memref<32x384xf32, #tpu.memory_space<vmem>> -> memref<1x384xf32, #tpu.memory_space<vmem>>
    %dma_start3A_357 = tpu.memref_squeeze %dma_start3A_356 : memref<1x384xf32, #tpu.memory_space<vmem>> -> memref<384xf32, #tpu.memory_space<vmem>>
    %dma_start3A_358 = tpu.memref_slice %arg2[%add3A_353] : memref<196608xf32, #tpu.memory_space<hbm>> -> memref<384xf32, #tpu.memory_space<hbm>>
    %dma_start3A_359 = arith.constant 0 : i32
    %dma_start3A_360 = tpu.memref_slice %arg4[%dma_start3A_354, %dma_start3A_359] : memref<32x384xf32, #tpu.memory_space<vmem>> -> memref<1x384xf32, #tpu.memory_space<vmem>>
    %dma_start3A_361 = tpu.memref_squeeze %dma_start3A_360 : memref<1x384xf32, #tpu.memory_space<vmem>> -> memref<384xf32, #tpu.memory_space<vmem>>
    %dma_start3A_362 = tpu.memref_slice %arg2[%add3A_353] : memref<196608xf32, #tpu.memory_space<hbm>> -> memref<384xf32, #tpu.memory_space<hbm>>
    tpu.enqueue_dma source(%dma_start3A_362 : memref<384xf32, #tpu.memory_space<hbm>>) target(%dma_start3A_361 : memref<384xf32, #tpu.memory_space<vmem>>) target_semaphore(%arg9 : memref<!tpu.dma_semaphore, #tpu.memory_space<semaphore_mem>>)
    %mul3A_363 = arith.constant 16 : i32
    %mul3A_364 = arith.muli %mul3A_0, %mul3A_363 : i32
    %add3A_365 = arith.constant 172032 : i32
    %add3A_366 = arith.addi %add3A_365, %mul3A_364 : i32
    %dma_start3A_367 = arith.constant 28 : i32
    %dma_start3A_368 = arith.constant 0 : i32
    %dma_start3A_369 = tpu.memref_slice %arg4[%dma_start3A_367, %dma_start3A_368] : memref<32x384xf32, #tpu.memory_space<vmem>> -> memref<1x384xf32, #tpu.memory_space<vmem>>
    %dma_start3A_370 = tpu.memref_squeeze %dma_start3A_369 : memref<1x384xf32, #tpu.memory_space<vmem>> -> memref<384xf32, #tpu.memory_space<vmem>>
    %dma_start3A_371 = tpu.memref_slice %arg2[%add3A_366] : memref<196608xf32, #tpu.memory_space<hbm>> -> memref<384xf32, #tpu.memory_space<hbm>>
    %dma_start3A_372 = arith.constant 0 : i32
    %dma_start3A_373 = tpu.memref_slice %arg4[%dma_start3A_367, %dma_start3A_372] : memref<32x384xf32, #tpu.memory_space<vmem>> -> memref<1x384xf32, #tpu.memory_space<vmem>>
    %dma_start3A_374 = tpu.memref_squeeze %dma_start3A_373 : memref<1x384xf32, #tpu.memory_space<vmem>> -> memref<384xf32, #tpu.memory_space<vmem>>
    %dma_start3A_375 = tpu.memref_slice %arg2[%add3A_366] : memref<196608xf32, #tpu.memory_space<hbm>> -> memref<384xf32, #tpu.memory_space<hbm>>
    tpu.enqueue_dma source(%dma_start3A_375 : memref<384xf32, #tpu.memory_space<hbm>>) target(%dma_start3A_374 : memref<384xf32, #tpu.memory_space<vmem>>) target_semaphore(%arg9 : memref<!tpu.dma_semaphore, #tpu.memory_space<semaphore_mem>>)
    %mul3A_376 = arith.constant 16 : i32
    %mul3A_377 = arith.muli %mul3A_0, %mul3A_376 : i32
    %add3A_378 = arith.constant 178176 : i32
    %add3A_379 = arith.addi %add3A_378, %mul3A_377 : i32
    %dma_start3A_380 = arith.constant 29 : i32
    %dma_start3A_381 = arith.constant 0 : i32
    %dma_start3A_382 = tpu.memref_slice %arg4[%dma_start3A_380, %dma_start3A_381] : memref<32x384xf32, #tpu.memory_space<vmem>> -> memref<1x384xf32, #tpu.memory_space<vmem>>
    %dma_start3A_383 = tpu.memref_squeeze %dma_start3A_382 : memref<1x384xf32, #tpu.memory_space<vmem>> -> memref<384xf32, #tpu.memory_space<vmem>>
    %dma_start3A_384 = tpu.memref_slice %arg2[%add3A_379] : memref<196608xf32, #tpu.memory_space<hbm>> -> memref<384xf32, #tpu.memory_space<hbm>>
    %dma_start3A_385 = arith.constant 0 : i32
    %dma_start3A_386 = tpu.memref_slice %arg4[%dma_start3A_380, %dma_start3A_385] : memref<32x384xf32, #tpu.memory_space<vmem>> -> memref<1x384xf32, #tpu.memory_space<vmem>>
    %dma_start3A_387 = tpu.memref_squeeze %dma_start3A_386 : memref<1x384xf32, #tpu.memory_space<vmem>> -> memref<384xf32, #tpu.memory_space<vmem>>
    %dma_start3A_388 = tpu.memref_slice %arg2[%add3A_379] : memref<196608xf32, #tpu.memory_space<hbm>> -> memref<384xf32, #tpu.memory_space<hbm>>
    tpu.enqueue_dma source(%dma_start3A_388 : memref<384xf32, #tpu.memory_space<hbm>>) target(%dma_start3A_387 : memref<384xf32, #tpu.memory_space<vmem>>) target_semaphore(%arg9 : memref<!tpu.dma_semaphore, #tpu.memory_space<semaphore_mem>>)
    %mul3A_389 = arith.constant 16 : i32
    %mul3A_390 = arith.muli %mul3A_0, %mul3A_389 : i32
    %add3A_391 = arith.constant 184320 : i32
    %add3A_392 = arith.addi %add3A_391, %mul3A_390 : i32
    %dma_start3A_393 = arith.constant 30 : i32
    %dma_start3A_394 = arith.constant 0 : i32
    %dma_start3A_395 = tpu.memref_slice %arg4[%dma_start3A_393, %dma_start3A_394] : memref<32x384xf32, #tpu.memory_space<vmem>> -> memref<1x384xf32, #tpu.memory_space<vmem>>
    %dma_start3A_396 = tpu.memref_squeeze %dma_start3A_395 : memref<1x384xf32, #tpu.memory_space<vmem>> -> memref<384xf32, #tpu.memory_space<vmem>>
    %dma_start3A_397 = tpu.memref_slice %arg2[%add3A_392] : memref<196608xf32, #tpu.memory_space<hbm>> -> memref<384xf32, #tpu.memory_space<hbm>>
    %dma_start3A_398 = arith.constant 0 : i32
    %dma_start3A_399 = tpu.memref_slice %arg4[%dma_start3A_393, %dma_start3A_398] : memref<32x384xf32, #tpu.memory_space<vmem>> -> memref<1x384xf32, #tpu.memory_space<vmem>>
    %dma_start3A_400 = tpu.memref_squeeze %dma_start3A_399 : memref<1x384xf32, #tpu.memory_space<vmem>> -> memref<384xf32, #tpu.memory_space<vmem>>
    %dma_start3A_401 = tpu.memref_slice %arg2[%add3A_392] : memref<196608xf32, #tpu.memory_space<hbm>> -> memref<384xf32, #tpu.memory_space<hbm>>
    tpu.enqueue_dma source(%dma_start3A_401 : memref<384xf32, #tpu.memory_space<hbm>>) target(%dma_start3A_400 : memref<384xf32, #tpu.memory_space<vmem>>) target_semaphore(%arg9 : memref<!tpu.dma_semaphore, #tpu.memory_space<semaphore_mem>>)
    %mul3A_402 = arith.constant 16 : i32
    %mul3A_403 = arith.muli %mul3A_0, %mul3A_402 : i32
    %add3A_404 = arith.constant 190464 : i32
    %add3A_405 = arith.addi %add3A_404, %mul3A_403 : i32
    %dma_start3A_406 = arith.constant 31 : i32
    %dma_start3A_407 = arith.constant 0 : i32
    %dma_start3A_408 = tpu.memref_slice %arg4[%dma_start3A_406, %dma_start3A_407] : memref<32x384xf32, #tpu.memory_space<vmem>> -> memref<1x384xf32, #tpu.memory_space<vmem>>
    %dma_start3A_409 = tpu.memref_squeeze %dma_start3A_408 : memref<1x384xf32, #tpu.memory_space<vmem>> -> memref<384xf32, #tpu.memory_space<vmem>>
    %dma_start3A_410 = tpu.memref_slice %arg2[%add3A_405] : memref<196608xf32, #tpu.memory_space<hbm>> -> memref<384xf32, #tpu.memory_space<hbm>>
    %dma_start3A_411 = arith.constant 0 : i32
    %dma_start3A_412 = tpu.memref_slice %arg4[%dma_start3A_406, %dma_start3A_411] : memref<32x384xf32, #tpu.memory_space<vmem>> -> memref<1x384xf32, #tpu.memory_space<vmem>>
    %dma_start3A_413 = tpu.memref_squeeze %dma_start3A_412 : memref<1x384xf32, #tpu.memory_space<vmem>> -> memref<384xf32, #tpu.memory_space<vmem>>
    %dma_start3A_414 = tpu.memref_slice %arg2[%add3A_405] : memref<196608xf32, #tpu.memory_space<hbm>> -> memref<384xf32, #tpu.memory_space<hbm>>
    tpu.enqueue_dma source(%dma_start3A_414 : memref<384xf32, #tpu.memory_space<hbm>>) target(%dma_start3A_413 : memref<384xf32, #tpu.memory_space<vmem>>) target_semaphore(%arg9 : memref<!tpu.dma_semaphore, #tpu.memory_space<semaphore_mem>>)
    %mul3A_415 = arith.constant 16 : i32
    %mul3A_416 = arith.muli %mul3A_0, %mul3A_415 : i32
    %add3A_417 = arith.constant 0 : i32
    %add3A_418 = arith.addi %add3A_417, %mul3A_416 : i32
    %dma_wait3A = arith.constant 0 : i32
    %dma_wait3A_419 = arith.constant 0 : i32
    %dma_wait3A_420 = tpu.memref_slice %arg4[%dma_wait3A, %dma_wait3A_419] : memref<32x384xf32, #tpu.memory_space<vmem>> -> memref<1x384xf32, #tpu.memory_space<vmem>>
    %dma_wait3A_421 = tpu.memref_squeeze %dma_wait3A_420 : memref<1x384xf32, #tpu.memory_space<vmem>> -> memref<384xf32, #tpu.memory_space<vmem>>
    %dma_wait3A_422 = tpu.memref_slice %arg2[%add3A_418] : memref<196608xf32, #tpu.memory_space<hbm>> -> memref<384xf32, #tpu.memory_space<hbm>>
    %dma_wait3A_423 = arith.constant 0 : i32
    %dma_wait3A_424 = tpu.memref_slice %arg4[%dma_wait3A, %dma_wait3A_423] : memref<32x384xf32, #tpu.memory_space<vmem>> -> memref<1x384xf32, #tpu.memory_space<vmem>>
    %dma_wait3A_425 = tpu.memref_squeeze %dma_wait3A_424 : memref<1x384xf32, #tpu.memory_space<vmem>> -> memref<384xf32, #tpu.memory_space<vmem>>
    %dma_wait3A_426 = tpu.memref_slice %arg2[%add3A_418] : memref<196608xf32, #tpu.memory_space<hbm>> -> memref<384xf32, #tpu.memory_space<hbm>>
    tpu.wait_dma2 semaphore(%arg9 : memref<!tpu.dma_semaphore, #tpu.memory_space<semaphore_mem>>) src(%dma_wait3A_426 : memref<384xf32, #tpu.memory_space<hbm>>) dst(%dma_wait3A_425 : memref<384xf32, #tpu.memory_space<vmem>>)
    %mul3A_427 = arith.constant 16 : i32
    %mul3A_428 = arith.muli %mul3A_0, %mul3A_427 : i32
    %add3A_429 = arith.constant 6144 : i32
    %add3A_430 = arith.addi %add3A_429, %mul3A_428 : i32
    %dma_wait3A_431 = arith.constant 1 : i32
    %dma_wait3A_432 = arith.constant 0 : i32
    %dma_wait3A_433 = tpu.memref_slice %arg4[%dma_wait3A_431, %dma_wait3A_432] : memref<32x384xf32, #tpu.memory_space<vmem>> -> memref<1x384xf32, #tpu.memory_space<vmem>>
    %dma_wait3A_434 = tpu.memref_squeeze %dma_wait3A_433 : memref<1x384xf32, #tpu.memory_space<vmem>> -> memref<384xf32, #tpu.memory_space<vmem>>
    %dma_wait3A_435 = tpu.memref_slice %arg2[%add3A_430] : memref<196608xf32, #tpu.memory_space<hbm>> -> memref<384xf32, #tpu.memory_space<hbm>>
    %dma_wait3A_436 = arith.constant 0 : i32
    %dma_wait3A_437 = tpu.memref_slice %arg4[%dma_wait3A_431, %dma_wait3A_436] : memref<32x384xf32, #tpu.memory_space<vmem>> -> memref<1x384xf32, #tpu.memory_space<vmem>>
    %dma_wait3A_438 = tpu.memref_squeeze %dma_wait3A_437 : memref<1x384xf32, #tpu.memory_space<vmem>> -> memref<384xf32, #tpu.memory_space<vmem>>
    %dma_wait3A_439 = tpu.memref_slice %arg2[%add3A_430] : memref<196608xf32, #tpu.memory_space<hbm>> -> memref<384xf32, #tpu.memory_space<hbm>>
    tpu.wait_dma2 semaphore(%arg9 : memref<!tpu.dma_semaphore, #tpu.memory_space<semaphore_mem>>) src(%dma_wait3A_439 : memref<384xf32, #tpu.memory_space<hbm>>) dst(%dma_wait3A_438 : memref<384xf32, #tpu.memory_space<vmem>>)
    %mul3A_440 = arith.constant 16 : i32
    %mul3A_441 = arith.muli %mul3A_0, %mul3A_440 : i32
    %add3A_442 = arith.constant 12288 : i32
    %add3A_443 = arith.addi %add3A_442, %mul3A_441 : i32
    %dma_wait3A_444 = arith.constant 2 : i32
    %dma_wait3A_445 = arith.constant 0 : i32
    %dma_wait3A_446 = tpu.memref_slice %arg4[%dma_wait3A_444, %dma_wait3A_445] : memref<32x384xf32, #tpu.memory_space<vmem>> -> memref<1x384xf32, #tpu.memory_space<vmem>>
    %dma_wait3A_447 = tpu.memref_squeeze %dma_wait3A_446 : memref<1x384xf32, #tpu.memory_space<vmem>> -> memref<384xf32, #tpu.memory_space<vmem>>
    %dma_wait3A_448 = tpu.memref_slice %arg2[%add3A_443] : memref<196608xf32, #tpu.memory_space<hbm>> -> memref<384xf32, #tpu.memory_space<hbm>>
    %dma_wait3A_449 = arith.constant 0 : i32
    %dma_wait3A_450 = tpu.memref_slice %arg4[%dma_wait3A_444, %dma_wait3A_449] : memref<32x384xf32, #tpu.memory_space<vmem>> -> memref<1x384xf32, #tpu.memory_space<vmem>>
    %dma_wait3A_451 = tpu.memref_squeeze %dma_wait3A_450 : memref<1x384xf32, #tpu.memory_space<vmem>> -> memref<384xf32, #tpu.memory_space<vmem>>
    %dma_wait3A_452 = tpu.memref_slice %arg2[%add3A_443] : memref<196608xf32, #tpu.memory_space<hbm>> -> memref<384xf32, #tpu.memory_space<hbm>>
    tpu.wait_dma2 semaphore(%arg9 : memref<!tpu.dma_semaphore, #tpu.memory_space<semaphore_mem>>) src(%dma_wait3A_452 : memref<384xf32, #tpu.memory_space<hbm>>) dst(%dma_wait3A_451 : memref<384xf32, #tpu.memory_space<vmem>>)
    %mul3A_453 = arith.constant 16 : i32
    %mul3A_454 = arith.muli %mul3A_0, %mul3A_453 : i32
    %add3A_455 = arith.constant 18432 : i32
    %add3A_456 = arith.addi %add3A_455, %mul3A_454 : i32
    %dma_wait3A_457 = arith.constant 3 : i32
    %dma_wait3A_458 = arith.constant 0 : i32
    %dma_wait3A_459 = tpu.memref_slice %arg4[%dma_wait3A_457, %dma_wait3A_458] : memref<32x384xf32, #tpu.memory_space<vmem>> -> memref<1x384xf32, #tpu.memory_space<vmem>>
    %dma_wait3A_460 = tpu.memref_squeeze %dma_wait3A_459 : memref<1x384xf32, #tpu.memory_space<vmem>> -> memref<384xf32, #tpu.memory_space<vmem>>
    %dma_wait3A_461 = tpu.memref_slice %arg2[%add3A_456] : memref<196608xf32, #tpu.memory_space<hbm>> -> memref<384xf32, #tpu.memory_space<hbm>>
    %dma_wait3A_462 = arith.constant 0 : i32
    %dma_wait3A_463 = tpu.memref_slice %arg4[%dma_wait3A_457, %dma_wait3A_462] : memref<32x384xf32, #tpu.memory_space<vmem>> -> memref<1x384xf32, #tpu.memory_space<vmem>>
    %dma_wait3A_464 = tpu.memref_squeeze %dma_wait3A_463 : memref<1x384xf32, #tpu.memory_space<vmem>> -> memref<384xf32, #tpu.memory_space<vmem>>
    %dma_wait3A_465 = tpu.memref_slice %arg2[%add3A_456] : memref<196608xf32, #tpu.memory_space<hbm>> -> memref<384xf32, #tpu.memory_space<hbm>>
    tpu.wait_dma2 semaphore(%arg9 : memref<!tpu.dma_semaphore, #tpu.memory_space<semaphore_mem>>) src(%dma_wait3A_465 : memref<384xf32, #tpu.memory_space<hbm>>) dst(%dma_wait3A_464 : memref<384xf32, #tpu.memory_space<vmem>>)
    %mul3A_466 = arith.constant 16 : i32
    %mul3A_467 = arith.muli %mul3A_0, %mul3A_466 : i32
    %add3A_468 = arith.constant 24576 : i32
    %add3A_469 = arith.addi %add3A_468, %mul3A_467 : i32
    %dma_wait3A_470 = arith.constant 4 : i32
    %dma_wait3A_471 = arith.constant 0 : i32
    %dma_wait3A_472 = tpu.memref_slice %arg4[%dma_wait3A_470, %dma_wait3A_471] : memref<32x384xf32, #tpu.memory_space<vmem>> -> memref<1x384xf32, #tpu.memory_space<vmem>>
    %dma_wait3A_473 = tpu.memref_squeeze %dma_wait3A_472 : memref<1x384xf32, #tpu.memory_space<vmem>> -> memref<384xf32, #tpu.memory_space<vmem>>
    %dma_wait3A_474 = tpu.memref_slice %arg2[%add3A_469] : memref<196608xf32, #tpu.memory_space<hbm>> -> memref<384xf32, #tpu.memory_space<hbm>>
    %dma_wait3A_475 = arith.constant 0 : i32
    %dma_wait3A_476 = tpu.memref_slice %arg4[%dma_wait3A_470, %dma_wait3A_475] : memref<32x384xf32, #tpu.memory_space<vmem>> -> memref<1x384xf32, #tpu.memory_space<vmem>>
    %dma_wait3A_477 = tpu.memref_squeeze %dma_wait3A_476 : memref<1x384xf32, #tpu.memory_space<vmem>> -> memref<384xf32, #tpu.memory_space<vmem>>
    %dma_wait3A_478 = tpu.memref_slice %arg2[%add3A_469] : memref<196608xf32, #tpu.memory_space<hbm>> -> memref<384xf32, #tpu.memory_space<hbm>>
    tpu.wait_dma2 semaphore(%arg9 : memref<!tpu.dma_semaphore, #tpu.memory_space<semaphore_mem>>) src(%dma_wait3A_478 : memref<384xf32, #tpu.memory_space<hbm>>) dst(%dma_wait3A_477 : memref<384xf32, #tpu.memory_space<vmem>>)
    %mul3A_479 = arith.constant 16 : i32
    %mul3A_480 = arith.muli %mul3A_0, %mul3A_479 : i32
    %add3A_481 = arith.constant 30720 : i32
    %add3A_482 = arith.addi %add3A_481, %mul3A_480 : i32
    %dma_wait3A_483 = arith.constant 5 : i32
    %dma_wait3A_484 = arith.constant 0 : i32
    %dma_wait3A_485 = tpu.memref_slice %arg4[%dma_wait3A_483, %dma_wait3A_484] : memref<32x384xf32, #tpu.memory_space<vmem>> -> memref<1x384xf32, #tpu.memory_space<vmem>>
    %dma_wait3A_486 = tpu.memref_squeeze %dma_wait3A_485 : memref<1x384xf32, #tpu.memory_space<vmem>> -> memref<384xf32, #tpu.memory_space<vmem>>
    %dma_wait3A_487 = tpu.memref_slice %arg2[%add3A_482] : memref<196608xf32, #tpu.memory_space<hbm>> -> memref<384xf32, #tpu.memory_space<hbm>>
    %dma_wait3A_488 = arith.constant 0 : i32
    %dma_wait3A_489 = tpu.memref_slice %arg4[%dma_wait3A_483, %dma_wait3A_488] : memref<32x384xf32, #tpu.memory_space<vmem>> -> memref<1x384xf32, #tpu.memory_space<vmem>>
    %dma_wait3A_490 = tpu.memref_squeeze %dma_wait3A_489 : memref<1x384xf32, #tpu.memory_space<vmem>> -> memref<384xf32, #tpu.memory_space<vmem>>
    %dma_wait3A_491 = tpu.memref_slice %arg2[%add3A_482] : memref<196608xf32, #tpu.memory_space<hbm>> -> memref<384xf32, #tpu.memory_space<hbm>>
    tpu.wait_dma2 semaphore(%arg9 : memref<!tpu.dma_semaphore, #tpu.memory_space<semaphore_mem>>) src(%dma_wait3A_491 : memref<384xf32, #tpu.memory_space<hbm>>) dst(%dma_wait3A_490 : memref<384xf32, #tpu.memory_space<vmem>>)
    %mul3A_492 = arith.constant 16 : i32
    %mul3A_493 = arith.muli %mul3A_0, %mul3A_492 : i32
    %add3A_494 = arith.constant 36864 : i32
    %add3A_495 = arith.addi %add3A_494, %mul3A_493 : i32
    %dma_wait3A_496 = arith.constant 6 : i32
    %dma_wait3A_497 = arith.constant 0 : i32
    %dma_wait3A_498 = tpu.memref_slice %arg4[%dma_wait3A_496, %dma_wait3A_497] : memref<32x384xf32, #tpu.memory_space<vmem>> -> memref<1x384xf32, #tpu.memory_space<vmem>>
    %dma_wait3A_499 = tpu.memref_squeeze %dma_wait3A_498 : memref<1x384xf32, #tpu.memory_space<vmem>> -> memref<384xf32, #tpu.memory_space<vmem>>
    %dma_wait3A_500 = tpu.memref_slice %arg2[%add3A_495] : memref<196608xf32, #tpu.memory_space<hbm>> -> memref<384xf32, #tpu.memory_space<hbm>>
    %dma_wait3A_501 = arith.constant 0 : i32
    %dma_wait3A_502 = tpu.memref_slice %arg4[%dma_wait3A_496, %dma_wait3A_501] : memref<32x384xf32, #tpu.memory_space<vmem>> -> memref<1x384xf32, #tpu.memory_space<vmem>>
    %dma_wait3A_503 = tpu.memref_squeeze %dma_wait3A_502 : memref<1x384xf32, #tpu.memory_space<vmem>> -> memref<384xf32, #tpu.memory_space<vmem>>
    %dma_wait3A_504 = tpu.memref_slice %arg2[%add3A_495] : memref<196608xf32, #tpu.memory_space<hbm>> -> memref<384xf32, #tpu.memory_space<hbm>>
    tpu.wait_dma2 semaphore(%arg9 : memref<!tpu.dma_semaphore, #tpu.memory_space<semaphore_mem>>) src(%dma_wait3A_504 : memref<384xf32, #tpu.memory_space<hbm>>) dst(%dma_wait3A_503 : memref<384xf32, #tpu.memory_space<vmem>>)
    %mul3A_505 = arith.constant 16 : i32
    %mul3A_506 = arith.muli %mul3A_0, %mul3A_505 : i32
    %add3A_507 = arith.constant 43008 : i32
    %add3A_508 = arith.addi %add3A_507, %mul3A_506 : i32
    %dma_wait3A_509 = arith.constant 7 : i32
    %dma_wait3A_510 = arith.constant 0 : i32
    %dma_wait3A_511 = tpu.memref_slice %arg4[%dma_wait3A_509, %dma_wait3A_510] : memref<32x384xf32, #tpu.memory_space<vmem>> -> memref<1x384xf32, #tpu.memory_space<vmem>>
    %dma_wait3A_512 = tpu.memref_squeeze %dma_wait3A_511 : memref<1x384xf32, #tpu.memory_space<vmem>> -> memref<384xf32, #tpu.memory_space<vmem>>
    %dma_wait3A_513 = tpu.memref_slice %arg2[%add3A_508] : memref<196608xf32, #tpu.memory_space<hbm>> -> memref<384xf32, #tpu.memory_space<hbm>>
    %dma_wait3A_514 = arith.constant 0 : i32
    %dma_wait3A_515 = tpu.memref_slice %arg4[%dma_wait3A_509, %dma_wait3A_514] : memref<32x384xf32, #tpu.memory_space<vmem>> -> memref<1x384xf32, #tpu.memory_space<vmem>>
    %dma_wait3A_516 = tpu.memref_squeeze %dma_wait3A_515 : memref<1x384xf32, #tpu.memory_space<vmem>> -> memref<384xf32, #tpu.memory_space<vmem>>
    %dma_wait3A_517 = tpu.memref_slice %arg2[%add3A_508] : memref<196608xf32, #tpu.memory_space<hbm>> -> memref<384xf32, #tpu.memory_space<hbm>>
    tpu.wait_dma2 semaphore(%arg9 : memref<!tpu.dma_semaphore, #tpu.memory_space<semaphore_mem>>) src(%dma_wait3A_517 : memref<384xf32, #tpu.memory_space<hbm>>) dst(%dma_wait3A_516 : memref<384xf32, #tpu.memory_space<vmem>>)
    %mul3A_518 = arith.constant 16 : i32
    %mul3A_519 = arith.muli %mul3A_0, %mul3A_518 : i32
    %add3A_520 = arith.constant 49152 : i32
    %add3A_521 = arith.addi %add3A_520, %mul3A_519 : i32
    %dma_wait3A_522 = arith.constant 8 : i32
    %dma_wait3A_523 = arith.constant 0 : i32
    %dma_wait3A_524 = tpu.memref_slice %arg4[%dma_wait3A_522, %dma_wait3A_523] : memref<32x384xf32, #tpu.memory_space<vmem>> -> memref<1x384xf32, #tpu.memory_space<vmem>>
    %dma_wait3A_525 = tpu.memref_squeeze %dma_wait3A_524 : memref<1x384xf32, #tpu.memory_space<vmem>> -> memref<384xf32, #tpu.memory_space<vmem>>
    %dma_wait3A_526 = tpu.memref_slice %arg2[%add3A_521] : memref<196608xf32, #tpu.memory_space<hbm>> -> memref<384xf32, #tpu.memory_space<hbm>>
    %dma_wait3A_527 = arith.constant 0 : i32
    %dma_wait3A_528 = tpu.memref_slice %arg4[%dma_wait3A_522, %dma_wait3A_527] : memref<32x384xf32, #tpu.memory_space<vmem>> -> memref<1x384xf32, #tpu.memory_space<vmem>>
    %dma_wait3A_529 = tpu.memref_squeeze %dma_wait3A_528 : memref<1x384xf32, #tpu.memory_space<vmem>> -> memref<384xf32, #tpu.memory_space<vmem>>
    %dma_wait3A_530 = tpu.memref_slice %arg2[%add3A_521] : memref<196608xf32, #tpu.memory_space<hbm>> -> memref<384xf32, #tpu.memory_space<hbm>>
    tpu.wait_dma2 semaphore(%arg9 : memref<!tpu.dma_semaphore, #tpu.memory_space<semaphore_mem>>) src(%dma_wait3A_530 : memref<384xf32, #tpu.memory_space<hbm>>) dst(%dma_wait3A_529 : memref<384xf32, #tpu.memory_space<vmem>>)
    %mul3A_531 = arith.constant 16 : i32
    %mul3A_532 = arith.muli %mul3A_0, %mul3A_531 : i32
    %add3A_533 = arith.constant 55296 : i32
    %add3A_534 = arith.addi %add3A_533, %mul3A_532 : i32
    %dma_wait3A_535 = arith.constant 9 : i32
    %dma_wait3A_536 = arith.constant 0 : i32
    %dma_wait3A_537 = tpu.memref_slice %arg4[%dma_wait3A_535, %dma_wait3A_536] : memref<32x384xf32, #tpu.memory_space<vmem>> -> memref<1x384xf32, #tpu.memory_space<vmem>>
    %dma_wait3A_538 = tpu.memref_squeeze %dma_wait3A_537 : memref<1x384xf32, #tpu.memory_space<vmem>> -> memref<384xf32, #tpu.memory_space<vmem>>
    %dma_wait3A_539 = tpu.memref_slice %arg2[%add3A_534] : memref<196608xf32, #tpu.memory_space<hbm>> -> memref<384xf32, #tpu.memory_space<hbm>>
    %dma_wait3A_540 = arith.constant 0 : i32
    %dma_wait3A_541 = tpu.memref_slice %arg4[%dma_wait3A_535, %dma_wait3A_540] : memref<32x384xf32, #tpu.memory_space<vmem>> -> memref<1x384xf32, #tpu.memory_space<vmem>>
    %dma_wait3A_542 = tpu.memref_squeeze %dma_wait3A_541 : memref<1x384xf32, #tpu.memory_space<vmem>> -> memref<384xf32, #tpu.memory_space<vmem>>
    %dma_wait3A_543 = tpu.memref_slice %arg2[%add3A_534] : memref<196608xf32, #tpu.memory_space<hbm>> -> memref<384xf32, #tpu.memory_space<hbm>>
    tpu.wait_dma2 semaphore(%arg9 : memref<!tpu.dma_semaphore, #tpu.memory_space<semaphore_mem>>) src(%dma_wait3A_543 : memref<384xf32, #tpu.memory_space<hbm>>) dst(%dma_wait3A_542 : memref<384xf32, #tpu.memory_space<vmem>>)
    %mul3A_544 = arith.constant 16 : i32
    %mul3A_545 = arith.muli %mul3A_0, %mul3A_544 : i32
    %add3A_546 = arith.constant 61440 : i32
    %add3A_547 = arith.addi %add3A_546, %mul3A_545 : i32
    %dma_wait3A_548 = arith.constant 10 : i32
    %dma_wait3A_549 = arith.constant 0 : i32
    %dma_wait3A_550 = tpu.memref_slice %arg4[%dma_wait3A_548, %dma_wait3A_549] : memref<32x384xf32, #tpu.memory_space<vmem>> -> memref<1x384xf32, #tpu.memory_space<vmem>>
    %dma_wait3A_551 = tpu.memref_squeeze %dma_wait3A_550 : memref<1x384xf32, #tpu.memory_space<vmem>> -> memref<384xf32, #tpu.memory_space<vmem>>
    %dma_wait3A_552 = tpu.memref_slice %arg2[%add3A_547] : memref<196608xf32, #tpu.memory_space<hbm>> -> memref<384xf32, #tpu.memory_space<hbm>>
    %dma_wait3A_553 = arith.constant 0 : i32
    %dma_wait3A_554 = tpu.memref_slice %arg4[%dma_wait3A_548, %dma_wait3A_553] : memref<32x384xf32, #tpu.memory_space<vmem>> -> memref<1x384xf32, #tpu.memory_space<vmem>>
    %dma_wait3A_555 = tpu.memref_squeeze %dma_wait3A_554 : memref<1x384xf32, #tpu.memory_space<vmem>> -> memref<384xf32, #tpu.memory_space<vmem>>
    %dma_wait3A_556 = tpu.memref_slice %arg2[%add3A_547] : memref<196608xf32, #tpu.memory_space<hbm>> -> memref<384xf32, #tpu.memory_space<hbm>>
    tpu.wait_dma2 semaphore(%arg9 : memref<!tpu.dma_semaphore, #tpu.memory_space<semaphore_mem>>) src(%dma_wait3A_556 : memref<384xf32, #tpu.memory_space<hbm>>) dst(%dma_wait3A_555 : memref<384xf32, #tpu.memory_space<vmem>>)
    %mul3A_557 = arith.constant 16 : i32
    %mul3A_558 = arith.muli %mul3A_0, %mul3A_557 : i32
    %add3A_559 = arith.constant 67584 : i32
    %add3A_560 = arith.addi %add3A_559, %mul3A_558 : i32
    %dma_wait3A_561 = arith.constant 11 : i32
    %dma_wait3A_562 = arith.constant 0 : i32
    %dma_wait3A_563 = tpu.memref_slice %arg4[%dma_wait3A_561, %dma_wait3A_562] : memref<32x384xf32, #tpu.memory_space<vmem>> -> memref<1x384xf32, #tpu.memory_space<vmem>>
    %dma_wait3A_564 = tpu.memref_squeeze %dma_wait3A_563 : memref<1x384xf32, #tpu.memory_space<vmem>> -> memref<384xf32, #tpu.memory_space<vmem>>
    %dma_wait3A_565 = tpu.memref_slice %arg2[%add3A_560] : memref<196608xf32, #tpu.memory_space<hbm>> -> memref<384xf32, #tpu.memory_space<hbm>>
    %dma_wait3A_566 = arith.constant 0 : i32
    %dma_wait3A_567 = tpu.memref_slice %arg4[%dma_wait3A_561, %dma_wait3A_566] : memref<32x384xf32, #tpu.memory_space<vmem>> -> memref<1x384xf32, #tpu.memory_space<vmem>>
    %dma_wait3A_568 = tpu.memref_squeeze %dma_wait3A_567 : memref<1x384xf32, #tpu.memory_space<vmem>> -> memref<384xf32, #tpu.memory_space<vmem>>
    %dma_wait3A_569 = tpu.memref_slice %arg2[%add3A_560] : memref<196608xf32, #tpu.memory_space<hbm>> -> memref<384xf32, #tpu.memory_space<hbm>>
    tpu.wait_dma2 semaphore(%arg9 : memref<!tpu.dma_semaphore, #tpu.memory_space<semaphore_mem>>) src(%dma_wait3A_569 : memref<384xf32, #tpu.memory_space<hbm>>) dst(%dma_wait3A_568 : memref<384xf32, #tpu.memory_space<vmem>>)
    %mul3A_570 = arith.constant 16 : i32
    %mul3A_571 = arith.muli %mul3A_0, %mul3A_570 : i32
    %add3A_572 = arith.constant 73728 : i32
    %add3A_573 = arith.addi %add3A_572, %mul3A_571 : i32
    %dma_wait3A_574 = arith.constant 12 : i32
    %dma_wait3A_575 = arith.constant 0 : i32
    %dma_wait3A_576 = tpu.memref_slice %arg4[%dma_wait3A_574, %dma_wait3A_575] : memref<32x384xf32, #tpu.memory_space<vmem>> -> memref<1x384xf32, #tpu.memory_space<vmem>>
    %dma_wait3A_577 = tpu.memref_squeeze %dma_wait3A_576 : memref<1x384xf32, #tpu.memory_space<vmem>> -> memref<384xf32, #tpu.memory_space<vmem>>
    %dma_wait3A_578 = tpu.memref_slice %arg2[%add3A_573] : memref<196608xf32, #tpu.memory_space<hbm>> -> memref<384xf32, #tpu.memory_space<hbm>>
    %dma_wait3A_579 = arith.constant 0 : i32
    %dma_wait3A_580 = tpu.memref_slice %arg4[%dma_wait3A_574, %dma_wait3A_579] : memref<32x384xf32, #tpu.memory_space<vmem>> -> memref<1x384xf32, #tpu.memory_space<vmem>>
    %dma_wait3A_581 = tpu.memref_squeeze %dma_wait3A_580 : memref<1x384xf32, #tpu.memory_space<vmem>> -> memref<384xf32, #tpu.memory_space<vmem>>
    %dma_wait3A_582 = tpu.memref_slice %arg2[%add3A_573] : memref<196608xf32, #tpu.memory_space<hbm>> -> memref<384xf32, #tpu.memory_space<hbm>>
    tpu.wait_dma2 semaphore(%arg9 : memref<!tpu.dma_semaphore, #tpu.memory_space<semaphore_mem>>) src(%dma_wait3A_582 : memref<384xf32, #tpu.memory_space<hbm>>) dst(%dma_wait3A_581 : memref<384xf32, #tpu.memory_space<vmem>>)
    %mul3A_583 = arith.constant 16 : i32
    %mul3A_584 = arith.muli %mul3A_0, %mul3A_583 : i32
    %add3A_585 = arith.constant 79872 : i32
    %add3A_586 = arith.addi %add3A_585, %mul3A_584 : i32
    %dma_wait3A_587 = arith.constant 13 : i32
    %dma_wait3A_588 = arith.constant 0 : i32
    %dma_wait3A_589 = tpu.memref_slice %arg4[%dma_wait3A_587, %dma_wait3A_588] : memref<32x384xf32, #tpu.memory_space<vmem>> -> memref<1x384xf32, #tpu.memory_space<vmem>>
    %dma_wait3A_590 = tpu.memref_squeeze %dma_wait3A_589 : memref<1x384xf32, #tpu.memory_space<vmem>> -> memref<384xf32, #tpu.memory_space<vmem>>
    %dma_wait3A_591 = tpu.memref_slice %arg2[%add3A_586] : memref<196608xf32, #tpu.memory_space<hbm>> -> memref<384xf32, #tpu.memory_space<hbm>>
    %dma_wait3A_592 = arith.constant 0 : i32
    %dma_wait3A_593 = tpu.memref_slice %arg4[%dma_wait3A_587, %dma_wait3A_592] : memref<32x384xf32, #tpu.memory_space<vmem>> -> memref<1x384xf32, #tpu.memory_space<vmem>>
    %dma_wait3A_594 = tpu.memref_squeeze %dma_wait3A_593 : memref<1x384xf32, #tpu.memory_space<vmem>> -> memref<384xf32, #tpu.memory_space<vmem>>
    %dma_wait3A_595 = tpu.memref_slice %arg2[%add3A_586] : memref<196608xf32, #tpu.memory_space<hbm>> -> memref<384xf32, #tpu.memory_space<hbm>>
    tpu.wait_dma2 semaphore(%arg9 : memref<!tpu.dma_semaphore, #tpu.memory_space<semaphore_mem>>) src(%dma_wait3A_595 : memref<384xf32, #tpu.memory_space<hbm>>) dst(%dma_wait3A_594 : memref<384xf32, #tpu.memory_space<vmem>>)
    %mul3A_596 = arith.constant 16 : i32
    %mul3A_597 = arith.muli %mul3A_0, %mul3A_596 : i32
    %add3A_598 = arith.constant 86016 : i32
    %add3A_599 = arith.addi %add3A_598, %mul3A_597 : i32
    %dma_wait3A_600 = arith.constant 14 : i32
    %dma_wait3A_601 = arith.constant 0 : i32
    %dma_wait3A_602 = tpu.memref_slice %arg4[%dma_wait3A_600, %dma_wait3A_601] : memref<32x384xf32, #tpu.memory_space<vmem>> -> memref<1x384xf32, #tpu.memory_space<vmem>>
    %dma_wait3A_603 = tpu.memref_squeeze %dma_wait3A_602 : memref<1x384xf32, #tpu.memory_space<vmem>> -> memref<384xf32, #tpu.memory_space<vmem>>
    %dma_wait3A_604 = tpu.memref_slice %arg2[%add3A_599] : memref<196608xf32, #tpu.memory_space<hbm>> -> memref<384xf32, #tpu.memory_space<hbm>>
    %dma_wait3A_605 = arith.constant 0 : i32
    %dma_wait3A_606 = tpu.memref_slice %arg4[%dma_wait3A_600, %dma_wait3A_605] : memref<32x384xf32, #tpu.memory_space<vmem>> -> memref<1x384xf32, #tpu.memory_space<vmem>>
    %dma_wait3A_607 = tpu.memref_squeeze %dma_wait3A_606 : memref<1x384xf32, #tpu.memory_space<vmem>> -> memref<384xf32, #tpu.memory_space<vmem>>
    %dma_wait3A_608 = tpu.memref_slice %arg2[%add3A_599] : memref<196608xf32, #tpu.memory_space<hbm>> -> memref<384xf32, #tpu.memory_space<hbm>>
    tpu.wait_dma2 semaphore(%arg9 : memref<!tpu.dma_semaphore, #tpu.memory_space<semaphore_mem>>) src(%dma_wait3A_608 : memref<384xf32, #tpu.memory_space<hbm>>) dst(%dma_wait3A_607 : memref<384xf32, #tpu.memory_space<vmem>>)
    %mul3A_609 = arith.constant 16 : i32
    %mul3A_610 = arith.muli %mul3A_0, %mul3A_609 : i32
    %add3A_611 = arith.constant 92160 : i32
    %add3A_612 = arith.addi %add3A_611, %mul3A_610 : i32
    %dma_wait3A_613 = arith.constant 15 : i32
    %dma_wait3A_614 = arith.constant 0 : i32
    %dma_wait3A_615 = tpu.memref_slice %arg4[%dma_wait3A_613, %dma_wait3A_614] : memref<32x384xf32, #tpu.memory_space<vmem>> -> memref<1x384xf32, #tpu.memory_space<vmem>>
    %dma_wait3A_616 = tpu.memref_squeeze %dma_wait3A_615 : memref<1x384xf32, #tpu.memory_space<vmem>> -> memref<384xf32, #tpu.memory_space<vmem>>
    %dma_wait3A_617 = tpu.memref_slice %arg2[%add3A_612] : memref<196608xf32, #tpu.memory_space<hbm>> -> memref<384xf32, #tpu.memory_space<hbm>>
    %dma_wait3A_618 = arith.constant 0 : i32
    %dma_wait3A_619 = tpu.memref_slice %arg4[%dma_wait3A_613, %dma_wait3A_618] : memref<32x384xf32, #tpu.memory_space<vmem>> -> memref<1x384xf32, #tpu.memory_space<vmem>>
    %dma_wait3A_620 = tpu.memref_squeeze %dma_wait3A_619 : memref<1x384xf32, #tpu.memory_space<vmem>> -> memref<384xf32, #tpu.memory_space<vmem>>
    %dma_wait3A_621 = tpu.memref_slice %arg2[%add3A_612] : memref<196608xf32, #tpu.memory_space<hbm>> -> memref<384xf32, #tpu.memory_space<hbm>>
    tpu.wait_dma2 semaphore(%arg9 : memref<!tpu.dma_semaphore, #tpu.memory_space<semaphore_mem>>) src(%dma_wait3A_621 : memref<384xf32, #tpu.memory_space<hbm>>) dst(%dma_wait3A_620 : memref<384xf32, #tpu.memory_space<vmem>>)
    %mul3A_622 = arith.constant 16 : i32
    %mul3A_623 = arith.muli %mul3A_0, %mul3A_622 : i32
    %add3A_624 = arith.constant 98304 : i32
    %add3A_625 = arith.addi %add3A_624, %mul3A_623 : i32
    %dma_wait3A_626 = arith.constant 16 : i32
    %dma_wait3A_627 = arith.constant 0 : i32
    %dma_wait3A_628 = tpu.memref_slice %arg4[%dma_wait3A_626, %dma_wait3A_627] : memref<32x384xf32, #tpu.memory_space<vmem>> -> memref<1x384xf32, #tpu.memory_space<vmem>>
    %dma_wait3A_629 = tpu.memref_squeeze %dma_wait3A_628 : memref<1x384xf32, #tpu.memory_space<vmem>> -> memref<384xf32, #tpu.memory_space<vmem>>
    %dma_wait3A_630 = tpu.memref_slice %arg2[%add3A_625] : memref<196608xf32, #tpu.memory_space<hbm>> -> memref<384xf32, #tpu.memory_space<hbm>>
    %dma_wait3A_631 = arith.constant 0 : i32
    %dma_wait3A_632 = tpu.memref_slice %arg4[%dma_wait3A_626, %dma_wait3A_631] : memref<32x384xf32, #tpu.memory_space<vmem>> -> memref<1x384xf32, #tpu.memory_space<vmem>>
    %dma_wait3A_633 = tpu.memref_squeeze %dma_wait3A_632 : memref<1x384xf32, #tpu.memory_space<vmem>> -> memref<384xf32, #tpu.memory_space<vmem>>
    %dma_wait3A_634 = tpu.memref_slice %arg2[%add3A_625] : memref<196608xf32, #tpu.memory_space<hbm>> -> memref<384xf32, #tpu.memory_space<hbm>>
    tpu.wait_dma2 semaphore(%arg9 : memref<!tpu.dma_semaphore, #tpu.memory_space<semaphore_mem>>) src(%dma_wait3A_634 : memref<384xf32, #tpu.memory_space<hbm>>) dst(%dma_wait3A_633 : memref<384xf32, #tpu.memory_space<vmem>>)
    %mul3A_635 = arith.constant 16 : i32
    %mul3A_636 = arith.muli %mul3A_0, %mul3A_635 : i32
    %add3A_637 = arith.constant 104448 : i32
    %add3A_638 = arith.addi %add3A_637, %mul3A_636 : i32
    %dma_wait3A_639 = arith.constant 17 : i32
    %dma_wait3A_640 = arith.constant 0 : i32
    %dma_wait3A_641 = tpu.memref_slice %arg4[%dma_wait3A_639, %dma_wait3A_640] : memref<32x384xf32, #tpu.memory_space<vmem>> -> memref<1x384xf32, #tpu.memory_space<vmem>>
    %dma_wait3A_642 = tpu.memref_squeeze %dma_wait3A_641 : memref<1x384xf32, #tpu.memory_space<vmem>> -> memref<384xf32, #tpu.memory_space<vmem>>
    %dma_wait3A_643 = tpu.memref_slice %arg2[%add3A_638] : memref<196608xf32, #tpu.memory_space<hbm>> -> memref<384xf32, #tpu.memory_space<hbm>>
    %dma_wait3A_644 = arith.constant 0 : i32
    %dma_wait3A_645 = tpu.memref_slice %arg4[%dma_wait3A_639, %dma_wait3A_644] : memref<32x384xf32, #tpu.memory_space<vmem>> -> memref<1x384xf32, #tpu.memory_space<vmem>>
    %dma_wait3A_646 = tpu.memref_squeeze %dma_wait3A_645 : memref<1x384xf32, #tpu.memory_space<vmem>> -> memref<384xf32, #tpu.memory_space<vmem>>
    %dma_wait3A_647 = tpu.memref_slice %arg2[%add3A_638] : memref<196608xf32, #tpu.memory_space<hbm>> -> memref<384xf32, #tpu.memory_space<hbm>>
    tpu.wait_dma2 semaphore(%arg9 : memref<!tpu.dma_semaphore, #tpu.memory_space<semaphore_mem>>) src(%dma_wait3A_647 : memref<384xf32, #tpu.memory_space<hbm>>) dst(%dma_wait3A_646 : memref<384xf32, #tpu.memory_space<vmem>>)
    %mul3A_648 = arith.constant 16 : i32
    %mul3A_649 = arith.muli %mul3A_0, %mul3A_648 : i32
    %add3A_650 = arith.constant 110592 : i32
    %add3A_651 = arith.addi %add3A_650, %mul3A_649 : i32
    %dma_wait3A_652 = arith.constant 18 : i32
    %dma_wait3A_653 = arith.constant 0 : i32
    %dma_wait3A_654 = tpu.memref_slice %arg4[%dma_wait3A_652, %dma_wait3A_653] : memref<32x384xf32, #tpu.memory_space<vmem>> -> memref<1x384xf32, #tpu.memory_space<vmem>>
    %dma_wait3A_655 = tpu.memref_squeeze %dma_wait3A_654 : memref<1x384xf32, #tpu.memory_space<vmem>> -> memref<384xf32, #tpu.memory_space<vmem>>
    %dma_wait3A_656 = tpu.memref_slice %arg2[%add3A_651] : memref<196608xf32, #tpu.memory_space<hbm>> -> memref<384xf32, #tpu.memory_space<hbm>>
    %dma_wait3A_657 = arith.constant 0 : i32
    %dma_wait3A_658 = tpu.memref_slice %arg4[%dma_wait3A_652, %dma_wait3A_657] : memref<32x384xf32, #tpu.memory_space<vmem>> -> memref<1x384xf32, #tpu.memory_space<vmem>>
    %dma_wait3A_659 = tpu.memref_squeeze %dma_wait3A_658 : memref<1x384xf32, #tpu.memory_space<vmem>> -> memref<384xf32, #tpu.memory_space<vmem>>
    %dma_wait3A_660 = tpu.memref_slice %arg2[%add3A_651] : memref<196608xf32, #tpu.memory_space<hbm>> -> memref<384xf32, #tpu.memory_space<hbm>>
    tpu.wait_dma2 semaphore(%arg9 : memref<!tpu.dma_semaphore, #tpu.memory_space<semaphore_mem>>) src(%dma_wait3A_660 : memref<384xf32, #tpu.memory_space<hbm>>) dst(%dma_wait3A_659 : memref<384xf32, #tpu.memory_space<vmem>>)
    %mul3A_661 = arith.constant 16 : i32
    %mul3A_662 = arith.muli %mul3A_0, %mul3A_661 : i32
    %add3A_663 = arith.constant 116736 : i32
    %add3A_664 = arith.addi %add3A_663, %mul3A_662 : i32
    %dma_wait3A_665 = arith.constant 19 : i32
    %dma_wait3A_666 = arith.constant 0 : i32
    %dma_wait3A_667 = tpu.memref_slice %arg4[%dma_wait3A_665, %dma_wait3A_666] : memref<32x384xf32, #tpu.memory_space<vmem>> -> memref<1x384xf32, #tpu.memory_space<vmem>>
    %dma_wait3A_668 = tpu.memref_squeeze %dma_wait3A_667 : memref<1x384xf32, #tpu.memory_space<vmem>> -> memref<384xf32, #tpu.memory_space<vmem>>
    %dma_wait3A_669 = tpu.memref_slice %arg2[%add3A_664] : memref<196608xf32, #tpu.memory_space<hbm>> -> memref<384xf32, #tpu.memory_space<hbm>>
    %dma_wait3A_670 = arith.constant 0 : i32
    %dma_wait3A_671 = tpu.memref_slice %arg4[%dma_wait3A_665, %dma_wait3A_670] : memref<32x384xf32, #tpu.memory_space<vmem>> -> memref<1x384xf32, #tpu.memory_space<vmem>>
    %dma_wait3A_672 = tpu.memref_squeeze %dma_wait3A_671 : memref<1x384xf32, #tpu.memory_space<vmem>> -> memref<384xf32, #tpu.memory_space<vmem>>
    %dma_wait3A_673 = tpu.memref_slice %arg2[%add3A_664] : memref<196608xf32, #tpu.memory_space<hbm>> -> memref<384xf32, #tpu.memory_space<hbm>>
    tpu.wait_dma2 semaphore(%arg9 : memref<!tpu.dma_semaphore, #tpu.memory_space<semaphore_mem>>) src(%dma_wait3A_673 : memref<384xf32, #tpu.memory_space<hbm>>) dst(%dma_wait3A_672 : memref<384xf32, #tpu.memory_space<vmem>>)
    %mul3A_674 = arith.constant 16 : i32
    %mul3A_675 = arith.muli %mul3A_0, %mul3A_674 : i32
    %add3A_676 = arith.constant 122880 : i32
    %add3A_677 = arith.addi %add3A_676, %mul3A_675 : i32
    %dma_wait3A_678 = arith.constant 20 : i32
    %dma_wait3A_679 = arith.constant 0 : i32
    %dma_wait3A_680 = tpu.memref_slice %arg4[%dma_wait3A_678, %dma_wait3A_679] : memref<32x384xf32, #tpu.memory_space<vmem>> -> memref<1x384xf32, #tpu.memory_space<vmem>>
    %dma_wait3A_681 = tpu.memref_squeeze %dma_wait3A_680 : memref<1x384xf32, #tpu.memory_space<vmem>> -> memref<384xf32, #tpu.memory_space<vmem>>
    %dma_wait3A_682 = tpu.memref_slice %arg2[%add3A_677] : memref<196608xf32, #tpu.memory_space<hbm>> -> memref<384xf32, #tpu.memory_space<hbm>>
    %dma_wait3A_683 = arith.constant 0 : i32
    %dma_wait3A_684 = tpu.memref_slice %arg4[%dma_wait3A_678, %dma_wait3A_683] : memref<32x384xf32, #tpu.memory_space<vmem>> -> memref<1x384xf32, #tpu.memory_space<vmem>>
    %dma_wait3A_685 = tpu.memref_squeeze %dma_wait3A_684 : memref<1x384xf32, #tpu.memory_space<vmem>> -> memref<384xf32, #tpu.memory_space<vmem>>
    %dma_wait3A_686 = tpu.memref_slice %arg2[%add3A_677] : memref<196608xf32, #tpu.memory_space<hbm>> -> memref<384xf32, #tpu.memory_space<hbm>>
    tpu.wait_dma2 semaphore(%arg9 : memref<!tpu.dma_semaphore, #tpu.memory_space<semaphore_mem>>) src(%dma_wait3A_686 : memref<384xf32, #tpu.memory_space<hbm>>) dst(%dma_wait3A_685 : memref<384xf32, #tpu.memory_space<vmem>>)
    %mul3A_687 = arith.constant 16 : i32
    %mul3A_688 = arith.muli %mul3A_0, %mul3A_687 : i32
    %add3A_689 = arith.constant 129024 : i32
    %add3A_690 = arith.addi %add3A_689, %mul3A_688 : i32
    %dma_wait3A_691 = arith.constant 21 : i32
    %dma_wait3A_692 = arith.constant 0 : i32
    %dma_wait3A_693 = tpu.memref_slice %arg4[%dma_wait3A_691, %dma_wait3A_692] : memref<32x384xf32, #tpu.memory_space<vmem>> -> memref<1x384xf32, #tpu.memory_space<vmem>>
    %dma_wait3A_694 = tpu.memref_squeeze %dma_wait3A_693 : memref<1x384xf32, #tpu.memory_space<vmem>> -> memref<384xf32, #tpu.memory_space<vmem>>
    %dma_wait3A_695 = tpu.memref_slice %arg2[%add3A_690] : memref<196608xf32, #tpu.memory_space<hbm>> -> memref<384xf32, #tpu.memory_space<hbm>>
    %dma_wait3A_696 = arith.constant 0 : i32
    %dma_wait3A_697 = tpu.memref_slice %arg4[%dma_wait3A_691, %dma_wait3A_696] : memref<32x384xf32, #tpu.memory_space<vmem>> -> memref<1x384xf32, #tpu.memory_space<vmem>>
    %dma_wait3A_698 = tpu.memref_squeeze %dma_wait3A_697 : memref<1x384xf32, #tpu.memory_space<vmem>> -> memref<384xf32, #tpu.memory_space<vmem>>
    %dma_wait3A_699 = tpu.memref_slice %arg2[%add3A_690] : memref<196608xf32, #tpu.memory_space<hbm>> -> memref<384xf32, #tpu.memory_space<hbm>>
    tpu.wait_dma2 semaphore(%arg9 : memref<!tpu.dma_semaphore, #tpu.memory_space<semaphore_mem>>) src(%dma_wait3A_699 : memref<384xf32, #tpu.memory_space<hbm>>) dst(%dma_wait3A_698 : memref<384xf32, #tpu.memory_space<vmem>>)
    %mul3A_700 = arith.constant 16 : i32
    %mul3A_701 = arith.muli %mul3A_0, %mul3A_700 : i32
    %add3A_702 = arith.constant 135168 : i32
    %add3A_703 = arith.addi %add3A_702, %mul3A_701 : i32
    %dma_wait3A_704 = arith.constant 22 : i32
    %dma_wait3A_705 = arith.constant 0 : i32
    %dma_wait3A_706 = tpu.memref_slice %arg4[%dma_wait3A_704, %dma_wait3A_705] : memref<32x384xf32, #tpu.memory_space<vmem>> -> memref<1x384xf32, #tpu.memory_space<vmem>>
    %dma_wait3A_707 = tpu.memref_squeeze %dma_wait3A_706 : memref<1x384xf32, #tpu.memory_space<vmem>> -> memref<384xf32, #tpu.memory_space<vmem>>
    %dma_wait3A_708 = tpu.memref_slice %arg2[%add3A_703] : memref<196608xf32, #tpu.memory_space<hbm>> -> memref<384xf32, #tpu.memory_space<hbm>>
    %dma_wait3A_709 = arith.constant 0 : i32
    %dma_wait3A_710 = tpu.memref_slice %arg4[%dma_wait3A_704, %dma_wait3A_709] : memref<32x384xf32, #tpu.memory_space<vmem>> -> memref<1x384xf32, #tpu.memory_space<vmem>>
    %dma_wait3A_711 = tpu.memref_squeeze %dma_wait3A_710 : memref<1x384xf32, #tpu.memory_space<vmem>> -> memref<384xf32, #tpu.memory_space<vmem>>
    %dma_wait3A_712 = tpu.memref_slice %arg2[%add3A_703] : memref<196608xf32, #tpu.memory_space<hbm>> -> memref<384xf32, #tpu.memory_space<hbm>>
    tpu.wait_dma2 semaphore(%arg9 : memref<!tpu.dma_semaphore, #tpu.memory_space<semaphore_mem>>) src(%dma_wait3A_712 : memref<384xf32, #tpu.memory_space<hbm>>) dst(%dma_wait3A_711 : memref<384xf32, #tpu.memory_space<vmem>>)
    %mul3A_713 = arith.constant 16 : i32
    %mul3A_714 = arith.muli %mul3A_0, %mul3A_713 : i32
    %add3A_715 = arith.constant 141312 : i32
    %add3A_716 = arith.addi %add3A_715, %mul3A_714 : i32
    %dma_wait3A_717 = arith.constant 23 : i32
    %dma_wait3A_718 = arith.constant 0 : i32
    %dma_wait3A_719 = tpu.memref_slice %arg4[%dma_wait3A_717, %dma_wait3A_718] : memref<32x384xf32, #tpu.memory_space<vmem>> -> memref<1x384xf32, #tpu.memory_space<vmem>>
    %dma_wait3A_720 = tpu.memref_squeeze %dma_wait3A_719 : memref<1x384xf32, #tpu.memory_space<vmem>> -> memref<384xf32, #tpu.memory_space<vmem>>
    %dma_wait3A_721 = tpu.memref_slice %arg2[%add3A_716] : memref<196608xf32, #tpu.memory_space<hbm>> -> memref<384xf32, #tpu.memory_space<hbm>>
    %dma_wait3A_722 = arith.constant 0 : i32
    %dma_wait3A_723 = tpu.memref_slice %arg4[%dma_wait3A_717, %dma_wait3A_722] : memref<32x384xf32, #tpu.memory_space<vmem>> -> memref<1x384xf32, #tpu.memory_space<vmem>>
    %dma_wait3A_724 = tpu.memref_squeeze %dma_wait3A_723 : memref<1x384xf32, #tpu.memory_space<vmem>> -> memref<384xf32, #tpu.memory_space<vmem>>
    %dma_wait3A_725 = tpu.memref_slice %arg2[%add3A_716] : memref<196608xf32, #tpu.memory_space<hbm>> -> memref<384xf32, #tpu.memory_space<hbm>>
    tpu.wait_dma2 semaphore(%arg9 : memref<!tpu.dma_semaphore, #tpu.memory_space<semaphore_mem>>) src(%dma_wait3A_725 : memref<384xf32, #tpu.memory_space<hbm>>) dst(%dma_wait3A_724 : memref<384xf32, #tpu.memory_space<vmem>>)
    %mul3A_726 = arith.constant 16 : i32
    %mul3A_727 = arith.muli %mul3A_0, %mul3A_726 : i32
    %add3A_728 = arith.constant 147456 : i32
    %add3A_729 = arith.addi %add3A_728, %mul3A_727 : i32
    %dma_wait3A_730 = arith.constant 24 : i32
    %dma_wait3A_731 = arith.constant 0 : i32
    %dma_wait3A_732 = tpu.memref_slice %arg4[%dma_wait3A_730, %dma_wait3A_731] : memref<32x384xf32, #tpu.memory_space<vmem>> -> memref<1x384xf32, #tpu.memory_space<vmem>>
    %dma_wait3A_733 = tpu.memref_squeeze %dma_wait3A_732 : memref<1x384xf32, #tpu.memory_space<vmem>> -> memref<384xf32, #tpu.memory_space<vmem>>
    %dma_wait3A_734 = tpu.memref_slice %arg2[%add3A_729] : memref<196608xf32, #tpu.memory_space<hbm>> -> memref<384xf32, #tpu.memory_space<hbm>>
    %dma_wait3A_735 = arith.constant 0 : i32
    %dma_wait3A_736 = tpu.memref_slice %arg4[%dma_wait3A_730, %dma_wait3A_735] : memref<32x384xf32, #tpu.memory_space<vmem>> -> memref<1x384xf32, #tpu.memory_space<vmem>>
    %dma_wait3A_737 = tpu.memref_squeeze %dma_wait3A_736 : memref<1x384xf32, #tpu.memory_space<vmem>> -> memref<384xf32, #tpu.memory_space<vmem>>
    %dma_wait3A_738 = tpu.memref_slice %arg2[%add3A_729] : memref<196608xf32, #tpu.memory_space<hbm>> -> memref<384xf32, #tpu.memory_space<hbm>>
    tpu.wait_dma2 semaphore(%arg9 : memref<!tpu.dma_semaphore, #tpu.memory_space<semaphore_mem>>) src(%dma_wait3A_738 : memref<384xf32, #tpu.memory_space<hbm>>) dst(%dma_wait3A_737 : memref<384xf32, #tpu.memory_space<vmem>>)
    %mul3A_739 = arith.constant 16 : i32
    %mul3A_740 = arith.muli %mul3A_0, %mul3A_739 : i32
    %add3A_741 = arith.constant 153600 : i32
    %add3A_742 = arith.addi %add3A_741, %mul3A_740 : i32
    %dma_wait3A_743 = arith.constant 25 : i32
    %dma_wait3A_744 = arith.constant 0 : i32
    %dma_wait3A_745 = tpu.memref_slice %arg4[%dma_wait3A_743, %dma_wait3A_744] : memref<32x384xf32, #tpu.memory_space<vmem>> -> memref<1x384xf32, #tpu.memory_space<vmem>>
    %dma_wait3A_746 = tpu.memref_squeeze %dma_wait3A_745 : memref<1x384xf32, #tpu.memory_space<vmem>> -> memref<384xf32, #tpu.memory_space<vmem>>
    %dma_wait3A_747 = tpu.memref_slice %arg2[%add3A_742] : memref<196608xf32, #tpu.memory_space<hbm>> -> memref<384xf32, #tpu.memory_space<hbm>>
    %dma_wait3A_748 = arith.constant 0 : i32
    %dma_wait3A_749 = tpu.memref_slice %arg4[%dma_wait3A_743, %dma_wait3A_748] : memref<32x384xf32, #tpu.memory_space<vmem>> -> memref<1x384xf32, #tpu.memory_space<vmem>>
    %dma_wait3A_750 = tpu.memref_squeeze %dma_wait3A_749 : memref<1x384xf32, #tpu.memory_space<vmem>> -> memref<384xf32, #tpu.memory_space<vmem>>
    %dma_wait3A_751 = tpu.memref_slice %arg2[%add3A_742] : memref<196608xf32, #tpu.memory_space<hbm>> -> memref<384xf32, #tpu.memory_space<hbm>>
    tpu.wait_dma2 semaphore(%arg9 : memref<!tpu.dma_semaphore, #tpu.memory_space<semaphore_mem>>) src(%dma_wait3A_751 : memref<384xf32, #tpu.memory_space<hbm>>) dst(%dma_wait3A_750 : memref<384xf32, #tpu.memory_space<vmem>>)
    %mul3A_752 = arith.constant 16 : i32
    %mul3A_753 = arith.muli %mul3A_0, %mul3A_752 : i32
    %add3A_754 = arith.constant 159744 : i32
    %add3A_755 = arith.addi %add3A_754, %mul3A_753 : i32
    %dma_wait3A_756 = arith.constant 26 : i32
    %dma_wait3A_757 = arith.constant 0 : i32
    %dma_wait3A_758 = tpu.memref_slice %arg4[%dma_wait3A_756, %dma_wait3A_757] : memref<32x384xf32, #tpu.memory_space<vmem>> -> memref<1x384xf32, #tpu.memory_space<vmem>>
    %dma_wait3A_759 = tpu.memref_squeeze %dma_wait3A_758 : memref<1x384xf32, #tpu.memory_space<vmem>> -> memref<384xf32, #tpu.memory_space<vmem>>
    %dma_wait3A_760 = tpu.memref_slice %arg2[%add3A_755] : memref<196608xf32, #tpu.memory_space<hbm>> -> memref<384xf32, #tpu.memory_space<hbm>>
    %dma_wait3A_761 = arith.constant 0 : i32
    %dma_wait3A_762 = tpu.memref_slice %arg4[%dma_wait3A_756, %dma_wait3A_761] : memref<32x384xf32, #tpu.memory_space<vmem>> -> memref<1x384xf32, #tpu.memory_space<vmem>>
    %dma_wait3A_763 = tpu.memref_squeeze %dma_wait3A_762 : memref<1x384xf32, #tpu.memory_space<vmem>> -> memref<384xf32, #tpu.memory_space<vmem>>
    %dma_wait3A_764 = tpu.memref_slice %arg2[%add3A_755] : memref<196608xf32, #tpu.memory_space<hbm>> -> memref<384xf32, #tpu.memory_space<hbm>>
    tpu.wait_dma2 semaphore(%arg9 : memref<!tpu.dma_semaphore, #tpu.memory_space<semaphore_mem>>) src(%dma_wait3A_764 : memref<384xf32, #tpu.memory_space<hbm>>) dst(%dma_wait3A_763 : memref<384xf32, #tpu.memory_space<vmem>>)
    %mul3A_765 = arith.constant 16 : i32
    %mul3A_766 = arith.muli %mul3A_0, %mul3A_765 : i32
    %add3A_767 = arith.constant 165888 : i32
    %add3A_768 = arith.addi %add3A_767, %mul3A_766 : i32
    %dma_wait3A_769 = arith.constant 27 : i32
    %dma_wait3A_770 = arith.constant 0 : i32
    %dma_wait3A_771 = tpu.memref_slice %arg4[%dma_wait3A_769, %dma_wait3A_770] : memref<32x384xf32, #tpu.memory_space<vmem>> -> memref<1x384xf32, #tpu.memory_space<vmem>>
    %dma_wait3A_772 = tpu.memref_squeeze %dma_wait3A_771 : memref<1x384xf32, #tpu.memory_space<vmem>> -> memref<384xf32, #tpu.memory_space<vmem>>
    %dma_wait3A_773 = tpu.memref_slice %arg2[%add3A_768] : memref<196608xf32, #tpu.memory_space<hbm>> -> memref<384xf32, #tpu.memory_space<hbm>>
    %dma_wait3A_774 = arith.constant 0 : i32
    %dma_wait3A_775 = tpu.memref_slice %arg4[%dma_wait3A_769, %dma_wait3A_774] : memref<32x384xf32, #tpu.memory_space<vmem>> -> memref<1x384xf32, #tpu.memory_space<vmem>>
    %dma_wait3A_776 = tpu.memref_squeeze %dma_wait3A_775 : memref<1x384xf32, #tpu.memory_space<vmem>> -> memref<384xf32, #tpu.memory_space<vmem>>
    %dma_wait3A_777 = tpu.memref_slice %arg2[%add3A_768] : memref<196608xf32, #tpu.memory_space<hbm>> -> memref<384xf32, #tpu.memory_space<hbm>>
    tpu.wait_dma2 semaphore(%arg9 : memref<!tpu.dma_semaphore, #tpu.memory_space<semaphore_mem>>) src(%dma_wait3A_777 : memref<384xf32, #tpu.memory_space<hbm>>) dst(%dma_wait3A_776 : memref<384xf32, #tpu.memory_space<vmem>>)
    %mul3A_778 = arith.constant 16 : i32
    %mul3A_779 = arith.muli %mul3A_0, %mul3A_778 : i32
    %add3A_780 = arith.constant 172032 : i32
    %add3A_781 = arith.addi %add3A_780, %mul3A_779 : i32
    %dma_wait3A_782 = arith.constant 28 : i32
    %dma_wait3A_783 = arith.constant 0 : i32
    %dma_wait3A_784 = tpu.memref_slice %arg4[%dma_wait3A_782, %dma_wait3A_783] : memref<32x384xf32, #tpu.memory_space<vmem>> -> memref<1x384xf32, #tpu.memory_space<vmem>>
    %dma_wait3A_785 = tpu.memref_squeeze %dma_wait3A_784 : memref<1x384xf32, #tpu.memory_space<vmem>> -> memref<384xf32, #tpu.memory_space<vmem>>
    %dma_wait3A_786 = tpu.memref_slice %arg2[%add3A_781] : memref<196608xf32, #tpu.memory_space<hbm>> -> memref<384xf32, #tpu.memory_space<hbm>>
    %dma_wait3A_787 = arith.constant 0 : i32
    %dma_wait3A_788 = tpu.memref_slice %arg4[%dma_wait3A_782, %dma_wait3A_787] : memref<32x384xf32, #tpu.memory_space<vmem>> -> memref<1x384xf32, #tpu.memory_space<vmem>>
    %dma_wait3A_789 = tpu.memref_squeeze %dma_wait3A_788 : memref<1x384xf32, #tpu.memory_space<vmem>> -> memref<384xf32, #tpu.memory_space<vmem>>
    %dma_wait3A_790 = tpu.memref_slice %arg2[%add3A_781] : memref<196608xf32, #tpu.memory_space<hbm>> -> memref<384xf32, #tpu.memory_space<hbm>>
    tpu.wait_dma2 semaphore(%arg9 : memref<!tpu.dma_semaphore, #tpu.memory_space<semaphore_mem>>) src(%dma_wait3A_790 : memref<384xf32, #tpu.memory_space<hbm>>) dst(%dma_wait3A_789 : memref<384xf32, #tpu.memory_space<vmem>>)
    %mul3A_791 = arith.constant 16 : i32
    %mul3A_792 = arith.muli %mul3A_0, %mul3A_791 : i32
    %add3A_793 = arith.constant 178176 : i32
    %add3A_794 = arith.addi %add3A_793, %mul3A_792 : i32
    %dma_wait3A_795 = arith.constant 29 : i32
    %dma_wait3A_796 = arith.constant 0 : i32
    %dma_wait3A_797 = tpu.memref_slice %arg4[%dma_wait3A_795, %dma_wait3A_796] : memref<32x384xf32, #tpu.memory_space<vmem>> -> memref<1x384xf32, #tpu.memory_space<vmem>>
    %dma_wait3A_798 = tpu.memref_squeeze %dma_wait3A_797 : memref<1x384xf32, #tpu.memory_space<vmem>> -> memref<384xf32, #tpu.memory_space<vmem>>
    %dma_wait3A_799 = tpu.memref_slice %arg2[%add3A_794] : memref<196608xf32, #tpu.memory_space<hbm>> -> memref<384xf32, #tpu.memory_space<hbm>>
    %dma_wait3A_800 = arith.constant 0 : i32
    %dma_wait3A_801 = tpu.memref_slice %arg4[%dma_wait3A_795, %dma_wait3A_800] : memref<32x384xf32, #tpu.memory_space<vmem>> -> memref<1x384xf32, #tpu.memory_space<vmem>>
    %dma_wait3A_802 = tpu.memref_squeeze %dma_wait3A_801 : memref<1x384xf32, #tpu.memory_space<vmem>> -> memref<384xf32, #tpu.memory_space<vmem>>
    %dma_wait3A_803 = tpu.memref_slice %arg2[%add3A_794] : memref<196608xf32, #tpu.memory_space<hbm>> -> memref<384xf32, #tpu.memory_space<hbm>>
    tpu.wait_dma2 semaphore(%arg9 : memref<!tpu.dma_semaphore, #tpu.memory_space<semaphore_mem>>) src(%dma_wait3A_803 : memref<384xf32, #tpu.memory_space<hbm>>) dst(%dma_wait3A_802 : memref<384xf32, #tpu.memory_space<vmem>>)
    %mul3A_804 = arith.constant 16 : i32
    %mul3A_805 = arith.muli %mul3A_0, %mul3A_804 : i32
    %add3A_806 = arith.constant 184320 : i32
    %add3A_807 = arith.addi %add3A_806, %mul3A_805 : i32
    %dma_wait3A_808 = arith.constant 30 : i32
    %dma_wait3A_809 = arith.constant 0 : i32
    %dma_wait3A_810 = tpu.memref_slice %arg4[%dma_wait3A_808, %dma_wait3A_809] : memref<32x384xf32, #tpu.memory_space<vmem>> -> memref<1x384xf32, #tpu.memory_space<vmem>>
    %dma_wait3A_811 = tpu.memref_squeeze %dma_wait3A_810 : memref<1x384xf32, #tpu.memory_space<vmem>> -> memref<384xf32, #tpu.memory_space<vmem>>
    %dma_wait3A_812 = tpu.memref_slice %arg2[%add3A_807] : memref<196608xf32, #tpu.memory_space<hbm>> -> memref<384xf32, #tpu.memory_space<hbm>>
    %dma_wait3A_813 = arith.constant 0 : i32
    %dma_wait3A_814 = tpu.memref_slice %arg4[%dma_wait3A_808, %dma_wait3A_813] : memref<32x384xf32, #tpu.memory_space<vmem>> -> memref<1x384xf32, #tpu.memory_space<vmem>>
    %dma_wait3A_815 = tpu.memref_squeeze %dma_wait3A_814 : memref<1x384xf32, #tpu.memory_space<vmem>> -> memref<384xf32, #tpu.memory_space<vmem>>
    %dma_wait3A_816 = tpu.memref_slice %arg2[%add3A_807] : memref<196608xf32, #tpu.memory_space<hbm>> -> memref<384xf32, #tpu.memory_space<hbm>>
    tpu.wait_dma2 semaphore(%arg9 : memref<!tpu.dma_semaphore, #tpu.memory_space<semaphore_mem>>) src(%dma_wait3A_816 : memref<384xf32, #tpu.memory_space<hbm>>) dst(%dma_wait3A_815 : memref<384xf32, #tpu.memory_space<vmem>>)
    %mul3A_817 = arith.constant 16 : i32
    %mul3A_818 = arith.muli %mul3A_0, %mul3A_817 : i32
    %add3A_819 = arith.constant 190464 : i32
    %add3A_820 = arith.addi %add3A_819, %mul3A_818 : i32
    %dma_wait3A_821 = arith.constant 31 : i32
    %dma_wait3A_822 = arith.constant 0 : i32
    %dma_wait3A_823 = tpu.memref_slice %arg4[%dma_wait3A_821, %dma_wait3A_822] : memref<32x384xf32, #tpu.memory_space<vmem>> -> memref<1x384xf32, #tpu.memory_space<vmem>>
    %dma_wait3A_824 = tpu.memref_squeeze %dma_wait3A_823 : memref<1x384xf32, #tpu.memory_space<vmem>> -> memref<384xf32, #tpu.memory_space<vmem>>
    %dma_wait3A_825 = tpu.memref_slice %arg2[%add3A_820] : memref<196608xf32, #tpu.memory_space<hbm>> -> memref<384xf32, #tpu.memory_space<hbm>>
    %dma_wait3A_826 = arith.constant 0 : i32
    %dma_wait3A_827 = tpu.memref_slice %arg4[%dma_wait3A_821, %dma_wait3A_826] : memref<32x384xf32, #tpu.memory_space<vmem>> -> memref<1x384xf32, #tpu.memory_space<vmem>>
    %dma_wait3A_828 = tpu.memref_squeeze %dma_wait3A_827 : memref<1x384xf32, #tpu.memory_space<vmem>> -> memref<384xf32, #tpu.memory_space<vmem>>
    %dma_wait3A_829 = tpu.memref_slice %arg2[%add3A_820] : memref<196608xf32, #tpu.memory_space<hbm>> -> memref<384xf32, #tpu.memory_space<hbm>>
    tpu.wait_dma2 semaphore(%arg9 : memref<!tpu.dma_semaphore, #tpu.memory_space<semaphore_mem>>) src(%dma_wait3A_829 : memref<384xf32, #tpu.memory_space<hbm>>) dst(%dma_wait3A_828 : memref<384xf32, #tpu.memory_space<vmem>>)
    %broadcast_in_dim3A = arith.constant 0.000000e+00 : f32
    %broadcast_in_dim3A_830 = vector.broadcast %broadcast_in_dim3A : f32 to vector<16xf32>
    %broadcast_in_dim3A_831 = arith.constant 0.000000e+00 : f32
    %broadcast_in_dim3A_832 = vector.broadcast %broadcast_in_dim3A_831 : f32 to vector<16xf32>
    %broadcast_in_dim3A_833 = arith.constant 0.000000e+00 : f32
    %broadcast_in_dim3A_834 = vector.broadcast %broadcast_in_dim3A_833 : f32 to vector<16xf32>
    %broadcast_in_dim3A_835 = arith.constant 0.000000e+00 : f32
    %broadcast_in_dim3A_836 = vector.broadcast %broadcast_in_dim3A_835 : f32 to vector<16xf32>
    %broadcast_in_dim3A_837 = arith.constant 0.000000e+00 : f32
    %broadcast_in_dim3A_838 = vector.broadcast %broadcast_in_dim3A_837 : f32 to vector<16xf32>
    %broadcast_in_dim3A_839 = arith.constant 0.000000e+00 : f32
    %broadcast_in_dim3A_840 = vector.broadcast %broadcast_in_dim3A_839 : f32 to vector<16xf32>
    %broadcast_in_dim3A_841 = arith.constant 0.000000e+00 : f32
    %broadcast_in_dim3A_842 = vector.broadcast %broadcast_in_dim3A_841 : f32 to vector<16xf32>
    %broadcast_in_dim3A_843 = arith.constant 0.000000e+00 : f32
    %broadcast_in_dim3A_844 = vector.broadcast %broadcast_in_dim3A_843 : f32 to vector<16xf32>
    %broadcast_in_dim3A_845 = arith.constant 0.000000e+00 : f32
    %broadcast_in_dim3A_846 = vector.broadcast %broadcast_in_dim3A_845 : f32 to vector<16xf32>
    %broadcast_in_dim3A_847 = arith.constant 0.000000e+00 : f32
    %broadcast_in_dim3A_848 = vector.broadcast %broadcast_in_dim3A_847 : f32 to vector<16xf32>
    %broadcast_in_dim3A_849 = arith.constant 0.000000e+00 : f32
    %broadcast_in_dim3A_850 = vector.broadcast %broadcast_in_dim3A_849 : f32 to vector<16xf32>
    %broadcast_in_dim3A_851 = arith.constant 0.000000e+00 : f32
    %broadcast_in_dim3A_852 = vector.broadcast %broadcast_in_dim3A_851 : f32 to vector<16xf32>
    %broadcast_in_dim3A_853 = arith.constant 0.000000e+00 : f32
    %broadcast_in_dim3A_854 = vector.broadcast %broadcast_in_dim3A_853 : f32 to vector<16xf32>
    %broadcast_in_dim3A_855 = arith.constant 0.000000e+00 : f32
    %broadcast_in_dim3A_856 = vector.broadcast %broadcast_in_dim3A_855 : f32 to vector<16xf32>
    %broadcast_in_dim3A_857 = arith.constant 0.000000e+00 : f32
    %broadcast_in_dim3A_858 = vector.broadcast %broadcast_in_dim3A_857 : f32 to vector<16xf32>
    %broadcast_in_dim3A_859 = arith.constant 0.000000e+00 : f32
    %broadcast_in_dim3A_860 = vector.broadcast %broadcast_in_dim3A_859 : f32 to vector<16xf32>
    %broadcast_in_dim3A_861 = arith.constant 0.000000e+00 : f32
    %broadcast_in_dim3A_862 = vector.broadcast %broadcast_in_dim3A_861 : f32 to vector<16xf32>
    %broadcast_in_dim3A_863 = arith.constant 0.000000e+00 : f32
    %broadcast_in_dim3A_864 = vector.broadcast %broadcast_in_dim3A_863 : f32 to vector<16xf32>
    %broadcast_in_dim3A_865 = arith.constant 0.000000e+00 : f32
    %broadcast_in_dim3A_866 = vector.broadcast %broadcast_in_dim3A_865 : f32 to vector<16xf32>
    %broadcast_in_dim3A_867 = arith.constant 0.000000e+00 : f32
    %broadcast_in_dim3A_868 = vector.broadcast %broadcast_in_dim3A_867 : f32 to vector<16xf32>
    %broadcast_in_dim3A_869 = arith.constant 0.000000e+00 : f32
    %broadcast_in_dim3A_870 = vector.broadcast %broadcast_in_dim3A_869 : f32 to vector<16xf32>
    %broadcast_in_dim3A_871 = arith.constant 0.000000e+00 : f32
    %broadcast_in_dim3A_872 = vector.broadcast %broadcast_in_dim3A_871 : f32 to vector<16xf32>
    %broadcast_in_dim3A_873 = arith.constant 0.000000e+00 : f32
    %broadcast_in_dim3A_874 = vector.broadcast %broadcast_in_dim3A_873 : f32 to vector<16xf32>
    %broadcast_in_dim3A_875 = arith.constant 0.000000e+00 : f32
    %broadcast_in_dim3A_876 = vector.broadcast %broadcast_in_dim3A_875 : f32 to vector<16xf32>
    %scan3A = arith.constant 0 : i32
    %scan3A_877 = arith.constant 32 : i32
    %scan3A_878 = arith.addi %scan3A, %scan3A_877 : i32
    %scan3A_879 = arith.constant 1 : i32
    %scan3A_880:24 = scf.for %scan3A_935 = %scan3A to %scan3A_878 step %scan3A_879 iter_args(%scan3A_936 = %broadcast_in_dim3A_830, %scan3A_937 = %broadcast_in_dim3A_832, %scan3A_938 = %broadcast_in_dim3A_834, %scan3A_939 = %broadcast_in_dim3A_836, %scan3A_940 = %broadcast_in_dim3A_838, %scan3A_941 = %broadcast_in_dim3A_840, %scan3A_942 = %broadcast_in_dim3A_842, %scan3A_943 = %broadcast_in_dim3A_844, %scan3A_944 = %broadcast_in_dim3A_846, %scan3A_945 = %broadcast_in_dim3A_848, %scan3A_946 = %broadcast_in_dim3A_850, %scan3A_947 = %broadcast_in_dim3A_852, %scan3A_948 = %broadcast_in_dim3A_854, %scan3A_949 = %broadcast_in_dim3A_856, %scan3A_950 = %broadcast_in_dim3A_858, %scan3A_951 = %broadcast_in_dim3A_860, %scan3A_952 = %broadcast_in_dim3A_862, %scan3A_953 = %broadcast_in_dim3A_864, %scan3A_954 = %broadcast_in_dim3A_866, %scan3A_955 = %broadcast_in_dim3A_868, %scan3A_956 = %broadcast_in_dim3A_870, %scan3A_957 = %broadcast_in_dim3A_872, %scan3A_958 = %broadcast_in_dim3A_874, %scan3A_959 = %broadcast_in_dim3A_876) -> (vector<16xf32>, vector<16xf32>, vector<16xf32>, vector<16xf32>, vector<16xf32>, vector<16xf32>, vector<16xf32>, vector<16xf32>, vector<16xf32>, vector<16xf32>, vector<16xf32>, vector<16xf32>, vector<16xf32>, vector<16xf32>, vector<16xf32>, vector<16xf32>, vector<16xf32>, vector<16xf32>, vector<16xf32>, vector<16xf32>, vector<16xf32>, vector<16xf32>, vector<16xf32>, vector<16xf32>)  : i32 {
      %get3A = arith.index_cast %scan3A_935 : i32 to index
      %get3A_960 = arith.constant 0 : index
      %get3A_961 = tpu.vector_load %arg4[%get3A, %get3A_960] {strides = array<i32>} : memref<32x384xf32, #tpu.memory_space<vmem>>, vector<16xf32>,
      %add3A_962 = arith.addf %scan3A_936, %get3A_961 : vector<16xf32>
      %get3A_963 = arith.index_cast %scan3A_935 : i32 to index
      %get3A_964 = arith.constant 16 : index
      %get3A_965 = tpu.vector_load %arg4[%get3A_963, %get3A_964] {strides = array<i32>} : memref<32x384xf32, #tpu.memory_space<vmem>>, vector<16xf32>,
      %add3A_966 = arith.addf %scan3A_937, %get3A_965 : vector<16xf32>
      %get3A_967 = arith.index_cast %scan3A_935 : i32 to index
      %get3A_968 = arith.constant 32 : index
      %get3A_969 = tpu.vector_load %arg4[%get3A_967, %get3A_968] {strides = array<i32>} : memref<32x384xf32, #tpu.memory_space<vmem>>, vector<16xf32>,
      %add3A_970 = arith.addf %scan3A_938, %get3A_969 : vector<16xf32>
      %get3A_971 = arith.index_cast %scan3A_935 : i32 to index
      %get3A_972 = arith.constant 48 : index
      %get3A_973 = tpu.vector_load %arg4[%get3A_971, %get3A_972] {strides = array<i32>} : memref<32x384xf32, #tpu.memory_space<vmem>>, vector<16xf32>,
      %add3A_974 = arith.addf %scan3A_939, %get3A_973 : vector<16xf32>
      %get3A_975 = arith.index_cast %scan3A_935 : i32 to index
      %get3A_976 = arith.constant 64 : index
      %get3A_977 = tpu.vector_load %arg4[%get3A_975, %get3A_976] {strides = array<i32>} : memref<32x384xf32, #tpu.memory_space<vmem>>, vector<16xf32>,
      %add3A_978 = arith.addf %scan3A_940, %get3A_977 : vector<16xf32>
      %get3A_979 = arith.index_cast %scan3A_935 : i32 to index
      %get3A_980 = arith.constant 80 : index
      %get3A_981 = tpu.vector_load %arg4[%get3A_979, %get3A_980] {strides = array<i32>} : memref<32x384xf32, #tpu.memory_space<vmem>>, vector<16xf32>,
      %add3A_982 = arith.addf %scan3A_941, %get3A_981 : vector<16xf32>
      %get3A_983 = arith.index_cast %scan3A_935 : i32 to index
      %get3A_984 = arith.constant 96 : index
      %get3A_985 = tpu.vector_load %arg4[%get3A_983, %get3A_984] {strides = array<i32>} : memref<32x384xf32, #tpu.memory_space<vmem>>, vector<16xf32>,
      %add3A_986 = arith.addf %scan3A_942, %get3A_985 : vector<16xf32>
      %get3A_987 = arith.index_cast %scan3A_935 : i32 to index
      %get3A_988 = arith.constant 112 : index
      %get3A_989 = tpu.vector_load %arg4[%get3A_987, %get3A_988] {strides = array<i32>} : memref<32x384xf32, #tpu.memory_space<vmem>>, vector<16xf32>,
      %add3A_990 = arith.addf %scan3A_943, %get3A_989 : vector<16xf32>
      %get3A_991 = arith.index_cast %scan3A_935 : i32 to index
      %get3A_992 = arith.constant 128 : index
      %get3A_993 = tpu.vector_load %arg4[%get3A_991, %get3A_992] {strides = array<i32>} : memref<32x384xf32, #tpu.memory_space<vmem>>, vector<16xf32>,
      %add3A_994 = arith.addf %scan3A_944, %get3A_993 : vector<16xf32>
      %get3A_995 = arith.index_cast %scan3A_935 : i32 to index
      %get3A_996 = arith.constant 144 : index
      %get3A_997 = tpu.vector_load %arg4[%get3A_995, %get3A_996] {strides = array<i32>} : memref<32x384xf32, #tpu.memory_space<vmem>>, vector<16xf32>,
      %add3A_998 = arith.addf %scan3A_945, %get3A_997 : vector<16xf32>
      %get3A_999 = arith.index_cast %scan3A_935 : i32 to index
      %get3A_1000 = arith.constant 160 : index
      %get3A_1001 = tpu.vector_load %arg4[%get3A_999, %get3A_1000] {strides = array<i32>} : memref<32x384xf32, #tpu.memory_space<vmem>>, vector<16xf32>,
      %add3A_1002 = arith.addf %scan3A_946, %get3A_1001 : vector<16xf32>
      %get3A_1003 = arith.index_cast %scan3A_935 : i32 to index
      %get3A_1004 = arith.constant 176 : index
      %get3A_1005 = tpu.vector_load %arg4[%get3A_1003, %get3A_1004] {strides = array<i32>} : memref<32x384xf32, #tpu.memory_space<vmem>>, vector<16xf32>,
      %add3A_1006 = arith.addf %scan3A_947, %get3A_1005 : vector<16xf32>
      %get3A_1007 = arith.index_cast %scan3A_935 : i32 to index
      %get3A_1008 = arith.constant 192 : index
      %get3A_1009 = tpu.vector_load %arg4[%get3A_1007, %get3A_1008] {strides = array<i32>} : memref<32x384xf32, #tpu.memory_space<vmem>>, vector<16xf32>,
      %add3A_1010 = arith.addf %scan3A_948, %get3A_1009 : vector<16xf32>
      %get3A_1011 = arith.index_cast %scan3A_935 : i32 to index
      %get3A_1012 = arith.constant 208 : index
      %get3A_1013 = tpu.vector_load %arg4[%get3A_1011, %get3A_1012] {strides = array<i32>} : memref<32x384xf32, #tpu.memory_space<vmem>>, vector<16xf32>,
      %add3A_1014 = arith.addf %scan3A_949, %get3A_1013 : vector<16xf32>
      %get3A_1015 = arith.index_cast %scan3A_935 : i32 to index
      %get3A_1016 = arith.constant 224 : index
      %get3A_1017 = tpu.vector_load %arg4[%get3A_1015, %get3A_1016] {strides = array<i32>} : memref<32x384xf32, #tpu.memory_space<vmem>>, vector<16xf32>,
      %add3A_1018 = arith.addf %scan3A_950, %get3A_1017 : vector<16xf32>
      %get3A_1019 = arith.index_cast %scan3A_935 : i32 to index
      %get3A_1020 = arith.constant 240 : index
      %get3A_1021 = tpu.vector_load %arg4[%get3A_1019, %get3A_1020] {strides = array<i32>} : memref<32x384xf32, #tpu.memory_space<vmem>>, vector<16xf32>,
      %add3A_1022 = arith.addf %scan3A_951, %get3A_1021 : vector<16xf32>
      %get3A_1023 = arith.index_cast %scan3A_935 : i32 to index
      %get3A_1024 = arith.constant 256 : index
      %get3A_1025 = tpu.vector_load %arg4[%get3A_1023, %get3A_1024] {strides = array<i32>} : memref<32x384xf32, #tpu.memory_space<vmem>>, vector<16xf32>,
      %add3A_1026 = arith.addf %scan3A_952, %get3A_1025 : vector<16xf32>
      %get3A_1027 = arith.index_cast %scan3A_935 : i32 to index
      %get3A_1028 = arith.constant 272 : index
      %get3A_1029 = tpu.vector_load %arg4[%get3A_1027, %get3A_1028] {strides = array<i32>} : memref<32x384xf32, #tpu.memory_space<vmem>>, vector<16xf32>,
      %add3A_1030 = arith.addf %scan3A_953, %get3A_1029 : vector<16xf32>
      %get3A_1031 = arith.index_cast %scan3A_935 : i32 to index
      %get3A_1032 = arith.constant 288 : index
      %get3A_1033 = tpu.vector_load %arg4[%get3A_1031, %get3A_1032] {strides = array<i32>} : memref<32x384xf32, #tpu.memory_space<vmem>>, vector<16xf32>,
      %add3A_1034 = arith.addf %scan3A_954, %get3A_1033 : vector<16xf32>
      %get3A_1035 = arith.index_cast %scan3A_935 : i32 to index
      %get3A_1036 = arith.constant 304 : index
      %get3A_1037 = tpu.vector_load %arg4[%get3A_1035, %get3A_1036] {strides = array<i32>} : memref<32x384xf32, #tpu.memory_space<vmem>>, vector<16xf32>,
      %add3A_1038 = arith.addf %scan3A_955, %get3A_1037 : vector<16xf32>
      %get3A_1039 = arith.index_cast %scan3A_935 : i32 to index
      %get3A_1040 = arith.constant 320 : index
      %get3A_1041 = tpu.vector_load %arg4[%get3A_1039, %get3A_1040] {strides = array<i32>} : memref<32x384xf32, #tpu.memory_space<vmem>>, vector<16xf32>,
      %add3A_1042 = arith.addf %scan3A_956, %get3A_1041 : vector<16xf32>
      %get3A_1043 = arith.index_cast %scan3A_935 : i32 to index
      %get3A_1044 = arith.constant 336 : index
      %get3A_1045 = tpu.vector_load %arg4[%get3A_1043, %get3A_1044] {strides = array<i32>} : memref<32x384xf32, #tpu.memory_space<vmem>>, vector<16xf32>,
      %add3A_1046 = arith.addf %scan3A_957, %get3A_1045 : vector<16xf32>
      %get3A_1047 = arith.index_cast %scan3A_935 : i32 to index
      %get3A_1048 = arith.constant 352 : index
      %get3A_1049 = tpu.vector_load %arg4[%get3A_1047, %get3A_1048] {strides = array<i32>} : memref<32x384xf32, #tpu.memory_space<vmem>>, vector<16xf32>,
      %add3A_1050 = arith.addf %scan3A_958, %get3A_1049 : vector<16xf32>
      %get3A_1051 = arith.index_cast %scan3A_935 : i32 to index
      %get3A_1052 = arith.constant 368 : index
      %get3A_1053 = tpu.vector_load %arg4[%get3A_1051, %get3A_1052] {strides = array<i32>} : memref<32x384xf32, #tpu.memory_space<vmem>>, vector<16xf32>,
      %add3A_1054 = arith.addf %scan3A_959, %get3A_1053 : vector<16xf32>
      scf.yield %add3A_962, %add3A_966, %add3A_970, %add3A_974, %add3A_978, %add3A_982, %add3A_986, %add3A_990, %add3A_994, %add3A_998, %add3A_1002, %add3A_1006, %add3A_1010, %add3A_1014, %add3A_1018, %add3A_1022, %add3A_1026, %add3A_1030, %add3A_1034, %add3A_1038, %add3A_1042, %add3A_1046, %add3A_1050, %add3A_1054 : vector<16xf32>, vector<16xf32>, vector<16xf32>, vector<16xf32>, vector<16xf32>, vector<16xf32>, vector<16xf32>, vector<16xf32>, vector<16xf32>, vector<16xf32>, vector<16xf32>, vector<16xf32>, vector<16xf32>, vector<16xf32>, vector<16xf32>, vector<16xf32>, vector<16xf32>, vector<16xf32>, vector<16xf32>, vector<16xf32>, vector<16xf32>, vector<16xf32>, vector<16xf32>, vector<16xf32>
    }
    %scan3A_881 = arith.constant 32 : i32
    %swap3A = arith.constant 0 : index
    %swap3A_882 = tpu.vector_load %arg5[%swap3A] {strides = array<i32>} : memref<384xf32, #tpu.memory_space<vmem>>, vector<16xf32>,
    tpu.vector_store %arg5[%swap3A], %scan3A_880#0 {strides = array<i32>} : memref<384xf32, #tpu.memory_space<vmem>>, vector<16xf32>,
    %swap3A_883 = arith.constant 16 : index
    %swap3A_884 = tpu.vector_load %arg5[%swap3A_883] {strides = array<i32>} : memref<384xf32, #tpu.memory_space<vmem>>, vector<16xf32>,
    tpu.vector_store %arg5[%swap3A_883], %scan3A_880#1 {strides = array<i32>} : memref<384xf32, #tpu.memory_space<vmem>>, vector<16xf32>,
    %swap3A_885 = arith.constant 32 : index
    %swap3A_886 = tpu.vector_load %arg5[%swap3A_885] {strides = array<i32>} : memref<384xf32, #tpu.memory_space<vmem>>, vector<16xf32>,
    tpu.vector_store %arg5[%swap3A_885], %scan3A_880#2 {strides = array<i32>} : memref<384xf32, #tpu.memory_space<vmem>>, vector<16xf32>,
    %swap3A_887 = arith.constant 48 : index
    %swap3A_888 = tpu.vector_load %arg5[%swap3A_887] {strides = array<i32>} : memref<384xf32, #tpu.memory_space<vmem>>, vector<16xf32>,
    tpu.vector_store %arg5[%swap3A_887], %scan3A_880#3 {strides = array<i32>} : memref<384xf32, #tpu.memory_space<vmem>>, vector<16xf32>,
    %swap3A_889 = arith.constant 64 : index
    %swap3A_890 = tpu.vector_load %arg5[%swap3A_889] {strides = array<i32>} : memref<384xf32, #tpu.memory_space<vmem>>, vector<16xf32>,
    tpu.vector_store %arg5[%swap3A_889], %scan3A_880#4 {strides = array<i32>} : memref<384xf32, #tpu.memory_space<vmem>>, vector<16xf32>,
    %swap3A_891 = arith.constant 80 : index
    %swap3A_892 = tpu.vector_load %arg5[%swap3A_891] {strides = array<i32>} : memref<384xf32, #tpu.memory_space<vmem>>, vector<16xf32>,
    tpu.vector_store %arg5[%swap3A_891], %scan3A_880#5 {strides = array<i32>} : memref<384xf32, #tpu.memory_space<vmem>>, vector<16xf32>,
    %swap3A_893 = arith.constant 96 : index
    %swap3A_894 = tpu.vector_load %arg5[%swap3A_893] {strides = array<i32>} : memref<384xf32, #tpu.memory_space<vmem>>, vector<16xf32>,
    tpu.vector_store %arg5[%swap3A_893], %scan3A_880#6 {strides = array<i32>} : memref<384xf32, #tpu.memory_space<vmem>>, vector<16xf32>,
    %swap3A_895 = arith.constant 112 : index
    %swap3A_896 = tpu.vector_load %arg5[%swap3A_895] {strides = array<i32>} : memref<384xf32, #tpu.memory_space<vmem>>, vector<16xf32>,
    tpu.vector_store %arg5[%swap3A_895], %scan3A_880#7 {strides = array<i32>} : memref<384xf32, #tpu.memory_space<vmem>>, vector<16xf32>,
    %swap3A_897 = arith.constant 128 : index
    %swap3A_898 = tpu.vector_load %arg5[%swap3A_897] {strides = array<i32>} : memref<384xf32, #tpu.memory_space<vmem>>, vector<16xf32>,
    tpu.vector_store %arg5[%swap3A_897], %scan3A_880#8 {strides = array<i32>} : memref<384xf32, #tpu.memory_space<vmem>>, vector<16xf32>,
    %swap3A_899 = arith.constant 144 : index
    %swap3A_900 = tpu.vector_load %arg5[%swap3A_899] {strides = array<i32>} : memref<384xf32, #tpu.memory_space<vmem>>, vector<16xf32>,
    tpu.vector_store %arg5[%swap3A_899], %scan3A_880#9 {strides = array<i32>} : memref<384xf32, #tpu.memory_space<vmem>>, vector<16xf32>,
    %swap3A_901 = arith.constant 160 : index
    %swap3A_902 = tpu.vector_load %arg5[%swap3A_901] {strides = array<i32>} : memref<384xf32, #tpu.memory_space<vmem>>, vector<16xf32>,
    tpu.vector_store %arg5[%swap3A_901], %scan3A_880#10 {strides = array<i32>} : memref<384xf32, #tpu.memory_space<vmem>>, vector<16xf32>,
    %swap3A_903 = arith.constant 176 : index
    %swap3A_904 = tpu.vector_load %arg5[%swap3A_903] {strides = array<i32>} : memref<384xf32, #tpu.memory_space<vmem>>, vector<16xf32>,
    tpu.vector_store %arg5[%swap3A_903], %scan3A_880#11 {strides = array<i32>} : memref<384xf32, #tpu.memory_space<vmem>>, vector<16xf32>,
    %swap3A_905 = arith.constant 192 : index
    %swap3A_906 = tpu.vector_load %arg5[%swap3A_905] {strides = array<i32>} : memref<384xf32, #tpu.memory_space<vmem>>, vector<16xf32>,
    tpu.vector_store %arg5[%swap3A_905], %scan3A_880#12 {strides = array<i32>} : memref<384xf32, #tpu.memory_space<vmem>>, vector<16xf32>,
    %swap3A_907 = arith.constant 208 : index
    %swap3A_908 = tpu.vector_load %arg5[%swap3A_907] {strides = array<i32>} : memref<384xf32, #tpu.memory_space<vmem>>, vector<16xf32>,
    tpu.vector_store %arg5[%swap3A_907], %scan3A_880#13 {strides = array<i32>} : memref<384xf32, #tpu.memory_space<vmem>>, vector<16xf32>,
    %swap3A_909 = arith.constant 224 : index
    %swap3A_910 = tpu.vector_load %arg5[%swap3A_909] {strides = array<i32>} : memref<384xf32, #tpu.memory_space<vmem>>, vector<16xf32>,
    tpu.vector_store %arg5[%swap3A_909], %scan3A_880#14 {strides = array<i32>} : memref<384xf32, #tpu.memory_space<vmem>>, vector<16xf32>,
    %swap3A_911 = arith.constant 240 : index
    %swap3A_912 = tpu.vector_load %arg5[%swap3A_911] {strides = array<i32>} : memref<384xf32, #tpu.memory_space<vmem>>, vector<16xf32>,
    tpu.vector_store %arg5[%swap3A_911], %scan3A_880#15 {strides = array<i32>} : memref<384xf32, #tpu.memory_space<vmem>>, vector<16xf32>,
    %swap3A_913 = arith.constant 256 : index
    %swap3A_914 = tpu.vector_load %arg5[%swap3A_913] {strides = array<i32>} : memref<384xf32, #tpu.memory_space<vmem>>, vector<16xf32>,
    tpu.vector_store %arg5[%swap3A_913], %scan3A_880#16 {strides = array<i32>} : memref<384xf32, #tpu.memory_space<vmem>>, vector<16xf32>,
    %swap3A_915 = arith.constant 272 : index
    %swap3A_916 = tpu.vector_load %arg5[%swap3A_915] {strides = array<i32>} : memref<384xf32, #tpu.memory_space<vmem>>, vector<16xf32>,
    tpu.vector_store %arg5[%swap3A_915], %scan3A_880#17 {strides = array<i32>} : memref<384xf32, #tpu.memory_space<vmem>>, vector<16xf32>,
    %swap3A_917 = arith.constant 288 : index
    %swap3A_918 = tpu.vector_load %arg5[%swap3A_917] {strides = array<i32>} : memref<384xf32, #tpu.memory_space<vmem>>, vector<16xf32>,
    tpu.vector_store %arg5[%swap3A_917], %scan3A_880#18 {strides = array<i32>} : memref<384xf32, #tpu.memory_space<vmem>>, vector<16xf32>,
    %swap3A_919 = arith.constant 304 : index
    %swap3A_920 = tpu.vector_load %arg5[%swap3A_919] {strides = array<i32>} : memref<384xf32, #tpu.memory_space<vmem>>, vector<16xf32>,
    tpu.vector_store %arg5[%swap3A_919], %scan3A_880#19 {strides = array<i32>} : memref<384xf32, #tpu.memory_space<vmem>>, vector<16xf32>,
    %swap3A_921 = arith.constant 320 : index
    %swap3A_922 = tpu.vector_load %arg5[%swap3A_921] {strides = array<i32>} : memref<384xf32, #tpu.memory_space<vmem>>, vector<16xf32>,
    tpu.vector_store %arg5[%swap3A_921], %scan3A_880#20 {strides = array<i32>} : memref<384xf32, #tpu.memory_space<vmem>>, vector<16xf32>,
    %swap3A_923 = arith.constant 336 : index
    %swap3A_924 = tpu.vector_load %arg5[%swap3A_923] {strides = array<i32>} : memref<384xf32, #tpu.memory_space<vmem>>, vector<16xf32>,
    tpu.vector_store %arg5[%swap3A_923], %scan3A_880#21 {strides = array<i32>} : memref<384xf32, #tpu.memory_space<vmem>>, vector<16xf32>,
    %swap3A_925 = arith.constant 352 : index
    %swap3A_926 = tpu.vector_load %arg5[%swap3A_925] {strides = array<i32>} : memref<384xf32, #tpu.memory_space<vmem>>, vector<16xf32>,
    tpu.vector_store %arg5[%swap3A_925], %scan3A_880#22 {strides = array<i32>} : memref<384xf32, #tpu.memory_space<vmem>>, vector<16xf32>,
    %swap3A_927 = arith.constant 368 : index
    %swap3A_928 = tpu.vector_load %arg5[%swap3A_927] {strides = array<i32>} : memref<384xf32, #tpu.memory_space<vmem>>, vector<16xf32>,
    tpu.vector_store %arg5[%swap3A_927], %scan3A_880#23 {strides = array<i32>} : memref<384xf32, #tpu.memory_space<vmem>>, vector<16xf32>,
    %mul3A_929 = arith.constant 16 : i32
    %mul3A_930 = arith.muli %mul3A_0, %mul3A_929 : i32
    "tpu.region"() ({
      %run_scoped3A = tpu.sem_alloc : memref<!tpu.dma_semaphore, #tpu.memory_space<semaphore_mem>>
      %dma_start3A_935 = tpu.memref_slice %arg7[%mul3A_930] : memref<6144xf32, #tpu.memory_space<vmem_shared>> -> memref<384xf32, #tpu.memory_space<vmem_shared>>
      %dma_start3A_936 = tpu.memref_slice %arg7[%mul3A_930] : memref<6144xf32, #tpu.memory_space<vmem_shared>> -> memref<384xf32, #tpu.memory_space<vmem_shared>>
      tpu.enqueue_dma source(%arg5 : memref<384xf32, #tpu.memory_space<vmem>>) target(%dma_start3A_936 : memref<384xf32, #tpu.memory_space<vmem_shared>>) target_semaphore(%run_scoped3A : memref<!tpu.dma_semaphore, #tpu.memory_space<semaphore_mem>>)
      %dma_wait3A_937 = tpu.memref_slice %arg7[%mul3A_930] : memref<6144xf32, #tpu.memory_space<vmem_shared>> -> memref<384xf32, #tpu.memory_space<vmem_shared>>
      %dma_wait3A_938 = tpu.memref_slice %arg7[%mul3A_930] : memref<6144xf32, #tpu.memory_space<vmem_shared>> -> memref<384xf32, #tpu.memory_space<vmem_shared>>
      tpu.wait_dma2 semaphore(%run_scoped3A : memref<!tpu.dma_semaphore, #tpu.memory_space<semaphore_mem>>) src(%arg5 : memref<384xf32, #tpu.memory_space<vmem>>) dst(%dma_wait3A_938 : memref<384xf32, #tpu.memory_space<vmem_shared>>)
      tpu.yield
    }) : () -> ()
    %barrier3A = arith.constant 0 : index
    tpu.barrier barrier_id(%barrier3A)
    %eq3A = arith.constant 0 : i32
    %eq3A_931 = arith.cmpi eq, %arg0, %eq3A : i32
    %eq3A_932 = arith.constant 0 : i32
    %eq3A_933 = arith.cmpi eq, %arg1, %eq3A_932 : i32
    %and3A = arith.andi %eq3A_931, %eq3A_933 : i1
    %convert_element_type3A = arith.extui %and3A : i1 to i32
    %cond3A = arith.constant 0 : i32
    %cond3A_934 = arith.cmpi ne, %convert_element_type3A, %cond3A : i32
    scf.if %cond3A_934 {
      "tpu.region"() ({
        %run_scoped3A = tpu.sem_alloc : memref<!tpu.dma_semaphore, #tpu.memory_space<semaphore_mem>>
        tpu.enqueue_dma source(%arg7 : memref<6144xf32, #tpu.memory_space<vmem_shared>>) target(%arg6 : memref<6144xf32, #tpu.memory_space<vmem>>) target_semaphore(%run_scoped3A : memref<!tpu.dma_semaphore, #tpu.memory_space<semaphore_mem>>)
        tpu.wait_dma2 semaphore(%run_scoped3A : memref<!tpu.dma_semaphore, #tpu.memory_space<semaphore_mem>>) src(%arg7 : memref<6144xf32, #tpu.memory_space<vmem_shared>>) dst(%arg6 : memref<6144xf32, #tpu.memory_space<vmem>>)
        tpu.yield
      }) : () -> ()
      %get3A = arith.constant 4352 : index
      %get3A_935 = tpu.vector_load %arg6[%get3A] {strides = array<i32>} : memref<6144xf32, #tpu.memory_space<vmem>>, vector<16xf32>,
      %reduce_sum3A = arith.constant true
      %reduce_sum3A_936 = vector.broadcast %reduce_sum3A : i1 to vector<16xi1>
      %reduce_sum3A_937 = tpu.scan <sum>, %get3A_935 masked %reduce_sum3A_936 : vector<16xf32>, vector<16xi1> -> vector<16xf32>
      %reduce_sum3A_938 = vector.extract %reduce_sum3A_937[15] : f32 from vector<16xf32>
      %get3A_939 = arith.constant 4368 : index
      %get3A_940 = tpu.vector_load %arg6[%get3A_939] {strides = array<i32>} : memref<6144xf32, #tpu.memory_space<vmem>>, vector<16xf32>,
      %reduce_sum3A_941 = arith.constant true
      %reduce_sum3A_942 = vector.broadcast %reduce_sum3A_941 : i1 to vector<16xi1>
      %reduce_sum3A_943 = tpu.scan <sum>, %get3A_940 masked %reduce_sum3A_942 : vector<16xf32>, vector<16xi1> -> vector<16xf32>
      %reduce_sum3A_944 = vector.extract %reduce_sum3A_943[15] : f32 from vector<16xf32>
      %sub3A = arith.constant 0x4B000000 : f32
      %sub3A_945 = arith.subf %sub3A, %reduce_sum3A_944 : f32
      %min3A = arith.minimumf %sub3A_945, %reduce_sum3A_944 : f32
      %scan3A_946 = arith.constant 0.000000e+00 : f32
      %scan3A_947 = arith.constant 0.000000e+00 : f32
      %scan3A_948 = arith.constant 0.000000e+00 : f32
      %scan3A_949 = arith.constant 0 : i32
      %scan3A_950 = arith.constant 136 : i32
      %scan3A_951 = arith.addi %scan3A_949, %scan3A_950 : i32
      %scan3A_952 = arith.constant 1 : i32
      %scan3A_953:3 = scf.for %scan3A_970 = %scan3A_949 to %scan3A_951 step %scan3A_952 iter_args(%scan3A_971 = %scan3A_946, %scan3A_972 = %scan3A_947, %scan3A_973 = %scan3A_948) -> (f32, f32, f32)  : i32 {
        %sub3A_974 = arith.constant 135 : i32
        %sub3A_975 = arith.subi %sub3A_974, %scan3A_970 : i32
        %mul3A_976 = arith.constant 16 : i32
        %mul3A_977 = arith.muli %sub3A_975, %mul3A_976 : i32
        %get3A_978 = arith.index_cast %mul3A_977 : i32 to index
        %get3A_979 = tpu.vector_load %arg6[%get3A_978] {strides = array<i32>} : memref<6144xf32, #tpu.memory_space<vmem>>, vector<16xf32>,
        %add3A_980 = arith.constant 136 : i32
        %add3A_981 = arith.addi %add3A_980, %sub3A_975 : i32
        %mul3A_982 = arith.constant 16 : i32
        %mul3A_983 = arith.muli %add3A_981, %mul3A_982 : i32
        %get3A_984 = arith.index_cast %mul3A_983 : i32 to index
        %get3A_985 = tpu.vector_load %arg6[%get3A_984] {strides = array<i32>} : memref<6144xf32, #tpu.memory_space<vmem>>, vector<16xf32>,
        %rev3A = arith.constant 15 : i32
        %rev3A_986 = vector.broadcast %rev3A : i32 to vector<16xi32>
        %rev3A_987 = tpu.iota {dimensions = array<i32: 0>} : vector<16xi32>
        %rev3A_988 = arith.subi %rev3A_986, %rev3A_987 : vector<16xi32>
        %rev3A_989 = tpu.dynamic_gather %get3A_979[%rev3A_988] in [0] : vector<16xf32>, vector<16xi32> -> vector<16xf32>
        %broadcast_in_dim3A_990 = arith.constant true
        %broadcast_in_dim3A_991 = vector.broadcast %broadcast_in_dim3A_990 : i1 to vector<16xi1>
        %masked_cumsum3A = tpu.scan <sum>, %rev3A_989 masked %broadcast_in_dim3A_991 : vector<16xf32>, vector<16xi1> -> vector<16xf32>
        %rev3A_992 = arith.constant 15 : i32
        %rev3A_993 = vector.broadcast %rev3A_992 : i32 to vector<16xi32>
        %rev3A_994 = tpu.iota {dimensions = array<i32: 0>} : vector<16xi32>
        %rev3A_995 = arith.subi %rev3A_993, %rev3A_994 : vector<16xi32>
        %rev3A_996 = tpu.dynamic_gather %masked_cumsum3A[%rev3A_995] in [0] : vector<16xf32>, vector<16xi32> -> vector<16xf32>
        %add3A_997 = vector.broadcast %scan3A_971 : f32 to vector<16xf32>
        %add3A_998 = arith.addf %rev3A_996, %add3A_997 : vector<16xf32>
        %sub3A_999 = arith.subf %add3A_998, %get3A_979 : vector<16xf32>
        %sub3A_1000 = vector.broadcast %min3A : f32 to vector<16xf32>
        %sub3A_1001 = arith.subf %sub3A_1000, %sub3A_999 : vector<16xf32>
        %jit3A = arith.constant 0.000000e+00 : f32
        %max3A = vector.broadcast %jit3A : f32 to vector<16xf32>
        %max3A_1002 = arith.maximumf %max3A, %sub3A_1001 : vector<16xf32>
        %min3A_1003 = arith.minimumf %get3A_979, %max3A_1002 : vector<16xf32>
        %max3A_1004 = arith.constant 1.000000e+00 : f32
        %max3A_1005 = vector.broadcast %max3A_1004 : f32 to vector<16xf32>
        %max3A_1006 = arith.maximumf %get3A_979, %max3A_1005 : vector<16xf32>
        %div3A_1007 = arith.divf %min3A_1003, %max3A_1006 : vector<16xf32>
        %mul3A_1008 = arith.mulf %get3A_985, %div3A_1007 : vector<16xf32>
        %reduce_sum3A_1009 = arith.constant true
        %reduce_sum3A_1010 = vector.broadcast %reduce_sum3A_1009 : i1 to vector<16xi1>
        %reduce_sum3A_1011 = tpu.scan <sum>, %mul3A_1008 masked %reduce_sum3A_1010 : vector<16xf32>, vector<16xi1> -> vector<16xf32>
        %reduce_sum3A_1012 = vector.extract %reduce_sum3A_1011[15] : f32 from vector<16xf32>
        %add3A_1013 = arith.addf %scan3A_972, %reduce_sum3A_1012 : f32
        %reduce_sum3A_1014 = arith.constant true
        %reduce_sum3A_1015 = vector.broadcast %reduce_sum3A_1014 : i1 to vector<16xi1>
        %reduce_sum3A_1016 = tpu.scan <sum>, %get3A_979 masked %reduce_sum3A_1015 : vector<16xf32>, vector<16xi1> -> vector<16xf32>
        %reduce_sum3A_1017 = vector.extract %reduce_sum3A_1016[15] : f32 from vector<16xf32>
        %add3A_1018 = arith.addf %scan3A_971, %reduce_sum3A_1017 : f32
        %reduce_sum3A_1019 = arith.constant true
        %reduce_sum3A_1020 = vector.broadcast %reduce_sum3A_1019 : i1 to vector<16xi1>
        %reduce_sum3A_1021 = tpu.scan <sum>, %get3A_985 masked %reduce_sum3A_1020 : vector<16xf32>, vector<16xi1> -> vector<16xf32>
        %reduce_sum3A_1022 = vector.extract %reduce_sum3A_1021[15] : f32 from vector<16xf32>
        %add3A_1023 = arith.addf %scan3A_973, %reduce_sum3A_1022 : f32
        scf.yield %add3A_1018, %add3A_1013, %add3A_1023 : f32, f32, f32
      }
      %scan3A_954 = arith.constant 136 : i32
      %sub3A_955 = arith.subf %reduce_sum3A_938, %scan3A_953#2 : f32
      %broadcast_in_dim3A_956 = arith.constant 1.000000e+00 : f32
      %broadcast_in_dim3A_957 = vector.broadcast %broadcast_in_dim3A_956 : f32 to vector<16xf32>
      %add3A_958 = arith.addf %sub3A_955, %scan3A_953#1 : f32
      %mul3A_959 = vector.broadcast %add3A_958 : f32 to vector<16xf32>
      %mul3A_960 = arith.mulf %broadcast_in_dim3A_957, %mul3A_959 : vector<16xf32>
      %broadcast_in_dim3A_961 = arith.constant 1.000000e+00 : f32
      %broadcast_in_dim3A_962 = vector.broadcast %broadcast_in_dim3A_961 : f32 to vector<16xf32>
      %add3A_963 = arith.addf %reduce_sum3A_944, %min3A : f32
      %add3A_964 = arith.constant 9.99999974E-6 : f32
      %add3A_965 = arith.addf %add3A_963, %add3A_964 : f32
      %mul3A_966 = vector.broadcast %add3A_965 : f32 to vector<16xf32>
      %mul3A_967 = arith.mulf %broadcast_in_dim3A_962, %mul3A_966 : vector<16xf32>
      %div3A = arith.divf %mul3A_960, %mul3A_967 : vector<16xf32>
      %swap3A_968 = arith.constant 0 : index
      %swap3A_969 = tpu.vector_load %arg8[%swap3A_968] {strides = array<i32>} : memref<16xf32, #tpu.memory_space<vmem>>, vector<16xf32>,
      tpu.vector_store %arg8[%swap3A_968], %div3A {strides = array<i32>} : memref<16xf32, #tpu.memory_space<vmem>>, vector<16xf32>,
      "tpu.region"() ({
        %run_scoped3A = tpu.sem_alloc : memref<!tpu.dma_semaphore, #tpu.memory_space<semaphore_mem>>
        tpu.enqueue_dma source(%arg8 : memref<16xf32, #tpu.memory_space<vmem>>) target(%arg3 : memref<16xf32, #tpu.memory_space<hbm>>) target_semaphore(%run_scoped3A : memref<!tpu.dma_semaphore, #tpu.memory_space<semaphore_mem>>)
        tpu.wait_dma2 semaphore(%run_scoped3A : memref<!tpu.dma_semaphore, #tpu.memory_space<semaphore_mem>>) src(%arg8 : memref<16xf32, #tpu.memory_space<vmem>>) dst(%arg3 : memref<16xf32, #tpu.memory_space<hbm>>)
        tpu.yield
      }) : () -> ()
    } else {
    }
    return
  }
}

</mosaic_0001>

<sc_bundles>
// kernel: kernel.4.cloned.1.call-start
scs
__scs_entry_jumppad:
0x0: {  	(pc) =	sbr.rel $0x88, $3  }
0x1: {  	(tag) =	ssettag $0x0;
	lr =	simm.s32 $0x1  }
0x2: {  	[smem:$0x3F9F] =	sst lr;
	_ =	strace $0xD0000000  }
0x3: {  	_ = 	snop  }
0x4: {  	_ = 	snop  }
0x5: {  	_ = 	snop  }
0x6: {  	_ = 	snop  }
0x7: {  	_ = 	snop  }
__scs_overlays_trampoline_lowered:
0x8: {  	[smem:$0x3FAE] =	sst s0  }
0x9: {  	[smem:$0x3FAF] =	sst s1  }
0xa: {  	[smem:$0x3FB0] =	sst s2  }
0xb: {  	[smem:$0x3FB1] =	sst s3  }
0xc: {  	[smem:$0x3FB2] =	sst s4  }
0xd: {  	[smem:$0x3FB3] =	sst s5  }
0xe: {  	[smem:$0x3FB4] =	sst s6  }
0xf: {  	[smem:$0x3FB5] =	sst s7  }
0x10: {  	[smem:$0x3FB6] =	sst s8  }
0x11: {  	[smem:$0x3FB7] =	sst s9;
	s0 =	simm.s32 @!p0 $0x0  }
0x12: {  	s1 =	sld [smem:$0x3F9D];
	s0 =	simm.s32 @p0 $0x1  }
0x13: {  	[smem:$0x3FB8] =	sst s0;
	s0 =	simm.s32 @!p1 $0x0  }
0x14: {  	s2 =	sld [smem:$0x3F9C];
	s0 =	simm.s32 @p1 $0x1  }
0x15: {  	[smem:$0x3FB9] =	sst s0;
	s0 =	simm.s32 @!p2 $0x0  }
0x16: {  	s3 =	sld [smem:$0x3FDB];
	s0 =	simm.s32 @p2 $0x1  }
0x17: {  	s4 =	simm.s32 $0x1BF5;
	[smem:$0x3FBB] =	sst s0  }
0x18: {  	s0 =	sld [smem:$0x3F9E];
	_ =	swait.ge [sflag:s4], $0x0  }
0x19: {  	s7 =	sld [smem:$0x3F9F]  }
0x1a: {  	s8 =	sadd.s32 $0xFFFFE003, lr  }
0x1b: {  	s9 =	sadd.s32 $0xFFFFFEF7, lr;
	s5 =	simm.s32 $0xFFFFFFFF;
	p2 =	slt.u32 s8, $0xFFFFF086  }
0x1c: {  	p1 =	slt.u32 s9, $0xF7A;
	s5 =	simm.s32 @!p2 $0x0  }
0x1d: {  	s5 =	simm.s32 @p1 $0x1;
	p0 =	seq.s32 s7, s2  }
0x1e: {  	s7 =	smul.u32 @!p0 $0xF7A, s2;
	p2 =	seq.s32 @!p0 s5, $0x0  }
0x1f: {  	s9 =	smul.u32 $0xF7A, s1;
	s8 =	simm.s32 @!p0 $0x1BF5;
	p2 =	por !p2, p0  }
0x20: {  	[sflag:s8] =	ssyncset.s32 @!p0 $0xFFFFF086;
	s6 =	sadd.s32 @!p0 s3, s7;
	s7 =	simm.s32 @!p0 $0x108  }
0x21: {  	s3 =	sadd.s32 s3, s9;
	s6 =	sadd.s32 @!p0 $0x88, s6;
	s7 =	simm.s32 @p2 $0x1082  }
0x22: {  	[simem:s7], [sflag:s8] =	dma.local @!p0 [hbm:s6], $0xF7A  }
0x23: {  	s9 =	sor.u32 $0xD0000000, s2;
	s6 =	simm.s32 $0x108;
	_ =	swait.ge @!p0 [sflag:s8], $0x0  }
0x24: {  	s3 =	sadd.s32 $0x88, s3;
	s6 =	simm.s32 @!p1 $0x1082;
	[sflag:s4] =	ssyncset.s32 $0xFFFFF086  }
0x25: {  	[simem:s6], [sflag:s4] =	dma.local [hbm:s3], $0xF7A  }
0x26: {  	[smem:$0x3F9F] =	sst s1;
	(tag) =	ssettag s2;
	_ =	strace s9  }
0x27: {  	s1 =	sld [smem:$0x3FAF]  }
0x28: {  	s2 =	sld [smem:$0x3FB0]  }
0x29: {  	s4 =	sld [smem:$0x3FB2]  }
0x2a: {  	p0 =	seq.s32 s5, $0x0;
	s5 =	sld [smem:$0x3FB3]  }
0x2b: {  	s6 =	sld [smem:$0x3FB4]  }
0x2c: {  	s7 =	sld [smem:$0x3FB5]  }
0x2d: {  	s3 =	simm.s32 $0x108;
	s8 =	sld [smem:$0x3FB6]  }
0x2e: {  	s3 =	simm.s32 @!p0 $0x1082;
	s9 =	sld [smem:$0x3FB7]  }
0x2f: {  	lr =	sadd.s32 s0, s3;
	s0 =	sld [smem:$0x3FAE]  }
0x30: {  	s3 =	sld [smem:$0x3FB1]  }
0x31: {  	[smem:$0x3FBA] =	sst s10  }
0x32: {  	s10 =	sld [smem:$0x3FB8];
	_ =	sdelay $0x3  }
0x33: {  	p0 =	seq.s32 s10, $0x1;
	s10 =	sld [smem:$0x3FBA];
	_ =	sdelay $0x3  }
0x34: {  	[smem:$0x3FBA] =	sst s10  }
0x35: {  	s10 =	sld [smem:$0x3FB9];
	_ =	sdelay $0x3  }
0x36: {  	p1 =	seq.s32 s10, $0x1;
	s10 =	sld [smem:$0x3FBA];
	_ =	sdelay $0x3  }
0x37: {  	[smem:$0x3FBA] =	sst s10  }
0x38: {  	s10 =	sld [smem:$0x3FBB]  }
0x39: {  	_ = 	snop;
	(pc) =	sbr.ind lr, $3  }
0x3a: {  	_ = 	snop  }
0x3b: {  	_ = 	snop  }
0x3c: {  	p2 =	seq.s32 s10, $0x1;
	s10 =	sld [smem:$0x3FBA]  }
0x3d: {  	_ =	shalt  }
0x3e: {  	_ =	shalt  }
0x3f: {  	_ =	shalt  }
0x40: {  	_ =	shalt  }
0x41: {  	_ =	shalt  }
0x42: {  	_ =	shalt  }
0x43: {  	_ =	shalt  }
0x44: {  	_ =	shalt  }
0x45: {  	_ =	shalt  }
0x46: {  	_ =	shalt  }
0x47: {  	_ =	shalt  }
0x48: {  	_ =	shalt  }
0x49: {  	_ =	shalt  }
0x4a: {  	_ =	shalt  }
0x4b: {  	_ =	shalt  }
0x4c: {  	_ =	shalt  }
0x4d: {  	_ =	shalt  }
0x4e: {  	_ =	shalt  }
0x4f: {  	_ =	shalt  }
0x50: {  	_ =	shalt  }
0x51: {  	_ =	shalt  }
0x52: {  	_ =	shalt  }
0x53: {  	_ =	shalt  }
0x54: {  	_ =	shalt  }
0x55: {  	_ =	shalt  }
0x56: {  	_ =	shalt  }
0x57: {  	_ =	shalt  }
0x58: {  	_ =	shalt  }
0x59: {  	_ =	shalt  }
0x5a: {  	_ =	shalt  }
0x5b: {  	_ =	shalt  }
0x5c: {  	_ =	shalt  }
0x5d: {  	_ =	shalt  }
0x5e: {  	_ =	shalt  }
0x5f: {  	_ =	shalt  }
0x60: {  	_ =	shalt  }
0x61: {  	_ =	shalt  }
0x62: {  	_ =	shalt  }
0x63: {  	_ =	shalt  }
0x64: {  	_ =	shalt  }
0x65: {  	_ =	shalt  }
0x66: {  	_ =	shalt  }
0x67: {  	_ =	shalt  }
0x68: {  	_ =	shalt  }
0x69: {  	_ =	shalt  }
0x6a: {  	_ =	shalt  }
0x6b: {  	_ =	shalt  }
0x6c: {  	_ =	shalt  }
0x6d: {  	_ =	shalt  }
0x6e: {  	_ =	shalt  }
0x6f: {  	_ =	shalt  }
0x70: {  	_ =	shalt  }
0x71: {  	_ =	shalt  }
0x72: {  	_ =	shalt  }
0x73: {  	_ =	shalt  }
0x74: {  	_ =	shalt  }
0x75: {  	_ =	shalt  }
0x76: {  	_ =	shalt  }
0x77: {  	_ =	shalt  }
0x78: {  	_ =	shalt  }
0x79: {  	_ =	shalt  }
0x7a: {  	_ =	shalt  }
0x7b: {  	_ =	shalt  }
0x7c: {  	_ =	shalt  }
0x7d: {  	_ =	shalt  }
0x7e: {  	_ =	shalt  }
0x7f: {  	_ =	shalt  }
0x80: {  	_ =	shalt  }
0x81: {  	_ =	shalt  }
0x82: {  	_ =	shalt  }
0x83: {  	_ =	shalt  }
0x84: {  	_ =	shalt  }
0x85: {  	_ =	shalt  }
0x86: {  	_ =	shalt  }
0x87: {  	_ =	shalt  }
.Lfunc_end0:
.L_simem_size_0:
called_computation_lowered:
.L_overlay_start_0:
0x88: {  	s2 =	sld [smem:$0x3FD9]  }
0x89: {  	s3 =	sld [smem:$0x3FFE];
	_ =	sdelay $0x1  }
0x8a: {  	s1 =	srdreg.scid  }
0x8b: {  	s0 =	sand.u32 $0x1, s1  }
0x8c: {  	s17 =	sshll.u32 s0, $0xA;
	s2 =	sadd.s32 s3, s2  }
0x8d: {  	s2 =	sadd.s32 s2, s17  }
0x8e: {  	[smem:$0x3FC6] =	sst s2  }
0x8f: {  	_ = 	snop  }
0x90: {  	s2 =	sld [smem:$0x3FC9]  }
0x91: {  	s18 =	sld [smem:$0x3FC8];
	(tm) =	ssettm $0x1  }
0x92: {  	s4 =	sld [smem:$0x3FFB];
	_ =	sdelay $0x3  }
0x93: {  	_ =	strace s4  }
0x94: {  	s4 =	sld [smem:$0x3FFC];
	_ =	sdelay $0x3  }
0x95: {  	_ =	strace s4  }
0x96: {  	s4 =	sld [smem:$0x3FFD];
	_ =	sdelay $0x3  }
0x97: {  	_ =	strace s4  }
0x98: {  	_ =	strace $0x8FFFFFFF  }
0x99: {  	s19 =	sld [smem:$0x3FDB];
	_ =	sdelay $0x1  }
0x9a: {  	s5 =	simm.s32 $_scs_section_size  }
0x9b: {  	s6 =	simm.s32 $_size__tile_overlayer_lowered;
	s7 =	simm.s32 $_tile_overlayer_lowered  }
0x9c: {  	s22 =	simm.s32 $0x1BFF;
	s21 =	sshll.u32 s7, $0x1;
	s4 =	sadd.s32 s5, s19  }
0x9d: {  	s8 =	simm.s32 $0x0;
	s20 =	sshll.u32 s6, $0x1;
	s6 =	sadd.s32 s21, s4  }
0x9e: {  	[timem:s8], [sflag:s22] =	dma.local [hbm:s6], s20  }
0x9f: {  	_ =	swait.ge [sflag:s22], s20  }
0xa0: {  	s5 =	ssub.s32 $0x0, s20;
	[sflag:s22] =	ssyncset.done $0x0  }
0xa1: {  	[sflag:s22] =	ssyncadd.s32 s5;
	_ =	sdelay $0x1  }
0xa2: {  	s23 =	simm.s32 $0x1B8B  }
0xa3: {  	_ =	swait.ge [sflag:s23], $0x1  }
0xa4: {  	[sflag:s23] =	ssyncset.done $0x0  }
0xa5: {  	s25 =	simm.s32 $0x1B8E;
	s24 =	sld [smem:$0x3FFE];
	[sflag:s23] =	ssyncadd.s32 $0xFFFFFFFF  }
0xa6: {  	s26 =	simm.s32 $execute0_lowered;
	[smem:$0x3FD2] =	sst s25  }
0xa7: {  	s6 =	sshll.u32 s26, $0x1;
	_ =	strace $0x80000046;
	[dreg:$0x1] =	wrdreg $0xFFFFFFFF  }
0xa8: {  	s28 =	simm.s32 $_size_execute0_lowered;
	s4 =	sadd.s32 s4, s6;
	[dreg:$0x0] =	wrdreg $0x0  }
0xa9: {  	s6 =	sshll.u32 s28, $0x1;
	[dreg:$0x2] =	wrdreg s4  }
0xaa: {  	[dreg:$0x3] =	wrdreg s6  }
0xab: {  	[dreg:$0x4] =	wrdreg $0xC0  }
0xac: {  	_ =	task [dreg:s8], $0x5FFFF  }
0xad: {  	[dreg:$0x1] =	wrdreg $0xFFFFFFFF  }
0xae: {  	[dreg:$0x0] =	wrdreg $0x60  }
0xaf: {  	[dreg:$0x2] =	wrdreg s2  }
0xb0: {  	[dreg:$0x3] =	wrdreg s18  }
0xb1: {  	[dreg:$0x4] =	wrdreg s24  }
0xb2: {  	[dreg:$0x5] =	wrdreg $0x9  }
0xb3: {  	_ =	task.clear_ibuf [dreg:s8], $0x6FFFF;
	_ =	strace $0x90000046  }
0xb4: {  	s29 =	simm.s32 $0x9;
	_ =	strace $0x80000048  }
0xb5: {  	_ =	swait.ge [sflag:s29], $0x1  }
0xb6: {  	[sflag:s29] =	ssyncadd.s32 $0xFFFFFFFF  }
0xb7: {  	_ =	strace $0x90000048  }
0xb8: {  	_ =	sfence  }
0xb9: {  	s30 =	sld [smem:$0x0];
	_ =	sdelay $0x2  }
0xba: {  	s31 =	sshll.u32 s1, $0xD;
	s1 =	sshrl.u32 s1, $0x2  }
0xbb: {  	s3 =	sand.u32 $0x4000, s31;
	s1 =	sadd.s32 s1, s30  }
0xbc: {  	s0 =	sor.u32 s3, s0;
	s1 =	sshll.u32 s1, $0x11  }
0xbd: {  	s0 =	sor.u32 s1, s0  }
0xbe: {  	s0 =	sadd.s32 $0x8F2B, s0  }
0xbf: {  	[sflag:s0] =	ssyncadd.remote.s32 $0x1  }
0xc0: {  	_ =	sfence.sel $0xFFFF  }
0xc1: {  	[dreg:$0x0] =	wrdreg $0xFFFFFFFF;
	(pc) =	sbr.abs _section_cstart, $3  }
0xc2: {  	[dreg:$0x1] =	wrdreg $0xFFFFFFFF  }
0xc3: {  	_ =	task.clear_ibuf [dreg:s8], $0x2FFFF;
	_ =	strace $0x9FFFFFFF  }
0xc4: {  	(tm) =	ssettm $0x7FFFFFFF  }
0xc5: {  	_ =	shalt  }
tec
execute0_lowered:
.L_overlay_start_1:
0x0: {  	(tag) =	ssettag $0x1  }
0x1: {  	s0 =	rddreg [dreg:$0x0]  }
0x2: {  	s1 =	srdreg.scid;
	s3 =	rddreg [dreg:$0x1]  }
0x3: {  	s6 =	rddreg [dreg:$0x2];
	s30 =	stileid.u32  }
0x4: {  	s4 =	simm.s32 $0x0;
	s13 =	simm.s32 $0x4000;
	s14 =	simm.s32 $0x2000  }
0x5: {  	s15 =	simm.s32 $0x6000;
	s16 =	simm.s32 $0x1;
	s17 =	simm.s32 $0x2  }
0x6: {  	s18 =	simm.s32 $0x8000;
	s19 =	simm.s32 $0x10800;
	s20 =	simm.s32 $0x3  }
0x7: {  	s21 =	simm.s32 $0x4;
	s22 =	simm.s32 $0x19000;
	s5 =	sand.u32 $0x1, s1  }
0x8: {  	s23 =	simm.s32 $0x5;
	s24 =	simm.s32 $0x0;
	s7 =	sshll.u32 s5, $0x4  }
0x9: {  	[smem:$0x7FF] =	sst s4;
	s5 =	ssub.s32 $0x2, s5;
	s7 =	sor.u32 s30, s7  }
0xa: {  	_ =	strace $0x80000047;
	s9 =	sshrl.u32 s5, $0x1;
	s10 =	sshll.u32 s7, $0xF  }
0xb: {  	s8 =	smul.u32 $0x300, s7;
	s12 =	ssub.s32 s5, s9;
	s5 =	sadd.s32 s0, s10  }
0xc: {  	s31 =	sor.u32 $0x400, s10;
	s9 =	sor.u32 $0x800, s10;
	s12 =	smax.u32 s12, $0x1  }
0xd: {  	s11 =	sadd.s32 s8, s6;
	s6 =	sadd.s32 s3, s10;
	s7 =	sadd.s32 s0, s31  }
0xe: {  	v0 =	vimm.f32 $1.000000000e+00;
	v1 =	vlaneseq.u32;
	v2 =	vimm.f32 $0.0e+00;
	s8 =	sadd.s32 s3, s31;
	s10 =	sor.u32 $0xC00, s10;
	s11 =	sadd.s32 $0x800, s11  }
.LBB2_1:
0xf: {  	[tilespmem:s4], [sflag:$0x1] =	stream.linear.gather [hbm4b:s5+s4], $0x2000, $0x38;
	[tilespmem:$0x1A800] =	vst v63  }
0x10: {  	_ = 	snop  }
0x11: {  	[tilespmem:s13], [sflag:$0x2] =	stream.linear.gather [hbm4b:s6+s4], $0x2000, $0x38;
	[tilespmem:$0x1A800] =	vst v63  }
0x12: {  	_ = 	snop  }
0x13: {  	[tilespmem:s14], [sflag:$0x3] =	stream.linear.gather [hbm4b:s7+s4], $0x2000, $0x38;
	[tilespmem:$0x1A800] =	vst v63  }
0x14: {  	s26 =	simm.s32 $0x0;
	s25 =	simm.s32 $0x200  }
0x15: {  	v3 =	vimm.f32 $0.0e+00;
	[tilespmem:s15], [sflag:$0x4] =	stream.linear.gather [hbm4b:s8+s4], $0x2000, $0x38;
	[tilespmem:$0x1A800] =	vst v63  }
.LBB2_2:
0x16: {  	p0 =	sne.s32 s25, $0x21E00;
	[tilespmem:s26+$0x10870] =	vst v3  }
0x17: {  	[tilespmem:s26+$0x8000] =	vst v3  }
0x18: {  	[tilespmem:s26+$0x10800] =	vst v3  }
0x19: {  	[tilespmem:s26+$0x8010] =	vst v3  }
0x1a: {  	[tilespmem:s26+$0x10810] =	vst v3  }
0x1b: {  	[tilespmem:s26+$0x8020] =	vst v3  }
0x1c: {  	[tilespmem:s26+$0x10820] =	vst v3  }
0x1d: {  	[tilespmem:s26+$0x8030] =	vst v3  }
0x1e: {  	[tilespmem:s26+$0x10830] =	vst v3  }
0x1f: {  	[tilespmem:s26+$0x8040] =	vst v3  }
0x20: {  	[tilespmem:s26+$0x10840] =	vst v3  }
.Ltmp0:
0x21: {  	[tilespmem:s26+$0x8050] =	vst v3;
	(pc) =	sbr.rel @p0 .LBB2_2-.Ltmp0, $4  }
0x22: {  	[tilespmem:s26+$0x10850] =	vst v3  }
0x23: {  	[tilespmem:s26+$0x8060] =	vst v3  }
0x24: {  	[tilespmem:s26+$0x10860] =	vst v3  }
0x25: {  	[tilespmem:s26+$0x8070] =	vst v3;
	v3 =	vimm.f32 $0.0e+00;
	s26 =	sshra.s32 s25, $0x2;
	s25 =	sadd.s32 $0x200, s25  }
0x26: {  	[tilespmem:s26+$0x10870] =	vst v3  }
0x27: {  	[tilespmem:s26+$0x8000] =	vst v3  }
0x28: {  	[tilespmem:s26+$0x10800] =	vst v3  }
0x29: {  	[tilespmem:s26+$0x8010] =	vst v3  }
0x2a: {  	[tilespmem:s26+$0x10810] =	vst v3  }
0x2b: {  	[tilespmem:s26+$0x8020] =	vst v3  }
0x2c: {  	[tilespmem:s26+$0x10820] =	vst v3  }
0x2d: {  	[tilespmem:s26+$0x8030] =	vst v3  }
0x2e: {  	[tilespmem:s26+$0x10830] =	vst v3  }
0x2f: {  	[tilespmem:s26+$0x8040] =	vst v3  }
0x30: {  	[tilespmem:s26+$0x10840] =	vst v3  }
0x31: {  	[tilespmem:s26+$0x8050] =	vst v3  }
0x32: {  	[tilespmem:s26+$0x10850] =	vst v3  }
0x33: {  	[tilespmem:s26+$0x8060] =	vst v3  }
0x34: {  	[tilespmem:s26+$0x10860] =	vst v3  }
0x35: {  	s25 =	simm.s32 $0x0;
	[tilespmem:s26+$0x8070] =	vst v3;
	v4 =	vimm.f32 $0.0e+00;
	s26 =	simm.s32 $0x0  }
.LBB2_4:
0x36: {  	_ =	swait.ge [sflag:s16], $0x2000  }
0x37: {  	[sflag:s16] =	ssyncset.done $0x0  }
0x38: {  	s28 =	simm.s32 $0x0;
	s29 =	sand.u32 $0xC00, s25;
	[sflag:s16] =	ssyncadd.s32 $0xFFFFE000  }
0x39: {  	s30 =	simm.s32 $0x0;
	s28 =	sand.u32 $0x1000, s28;
	_ =	swait.ge [sflag:s17], $0x2000  }
0x3a: {  	s28 =	sor.u32 s29, s28;
	s29 =	sand.u32 $0x380, s30;
	[sflag:s17] =	ssyncset.done $0x0  }
0x3b: {  	s28 =	sor.u32 s29, s28;
	[sflag:s17] =	ssyncadd.s32 $0xFFFFE000  }
0x3c: {  	v5 =	vld [tilespmem:s28+$0x20]  }
0x3d: {  	v6 =	vld [tilespmem:s28+$0x4020]  }
0x3e: {  	v7 =	vld [tilespmem:s28+$0x4010]  }
0x3f: {  	v8 =	vld [tilespmem:s28+$0x10]  }
0x40: {  	v9 =	vld [tilespmem:s28+$0x4000]  }
0x41: {  	v11 =	vld [tilespmem:s28+$0x4030]  }
0x42: {  	v14 =	vld [tilespmem:s28+$0x30]  }
0x43: {  	v17 =	vld [tilespmem:s28+$0x4070]  }
0x44: {  	v20 =	vld [tilespmem:s28+$0x40]  }
0x45: {  	v22 =	vld [tilespmem:s28+$0x4040]  }
0x46: {  	v10 =	vld [tilespmem:s28+$0x0]  }
0x47: {  	v13 =	vld [tilespmem:s28+$0x70];
	v12 =	vsub.f32 $1.000000000e+00, v5;
	vm1 =	vgt.f32 v7, $5.000000000e-01;
	vm3 =	vgt.f32 v6, $5.000000000e-01  }
0x48: {  	v15 =	vsub.f32 $1.000000000e+00, v8;
	vm6 =	vgt.f32 v9, $5.000000000e-01;
	vm0 =	vgt.f32 v11, $5.000000000e-01  }
0x49: {  	v18 =	vsub.f32 $1.000000000e+00, v14;
	vm5 =	vgt.f32 v17, $5.000000000e-01;
	v6 =	vadd.f32 v11, v6  }
0x4a: {  	v11 =	vsub.f32 $1.000000000e+00, v20;
	vm2 =	vgt.f32 v22, $5.000000000e-01;
	v5 =	vsel vm3, v5, v12  }
0x4b: {  	v12 =	vadd.f32 v7, v9;
	v7 =	vsub.f32 $1.000000000e+00, v10;
	v8 =	vsel vm1, v8, v15  }
0x4c: {  	v15 =	vsub.f32 $1.000000000e+00, v13;
	v14 =	vsel vm0, v14, v18;
	v11 =	vsel vm2, v20, v11  }
0x4d: {  	v9 =	vand.u32 $0x7FFFFF, v5;
	v5 =	vshra.s32 v5, $0x17;
	v19 =	vshra.s32 v8, $0x17  }
0x4e: {  	v8 =	vand.u32 $0x7FFFFF, v8;
	v24 =	vand.u32 $0x7FFFFF, v14;
	v9 =	vor.u32 $0x3F800000, v9  }
0x4f: {  	v7 =	vsel vm6, v10, v7;
	v5 =	vcvt.s32.f32 v5;
	v10 =	vmul.f32 $1.077468540e-01, v9  }
0x50: {  	v13 =	vsel vm5, v13, v15;
	v8 =	vor.u32 $0x3F800000, v8;
	v16 =	vand.u32 $0x7FFFFF, v7  }
0x51: {  	v19 =	vcvt.s32.f32 v19;
	v16 =	vor.u32 $0x3F800000, v16;
	v10 =	vsub.f32 $7.203588490e-01, v10  }
0x52: {  	v18 =	vshra.s32 v13, $0x17;
	v13 =	vand.u32 $0x7FFFFF, v13;
	v15 =	vmul.f32 $1.077468540e-01, v16  }
0x53: {  	v21 =	vmul.f32 $1.077468540e-01, v8;
	v7 =	vshra.s32 v7, $0x17;
	v10 =	vmul.f32 v9, v10  }
0x54: {  	v23 =	vor.u32 $0x3F800000, v13;
	v7 =	vcvt.s32.f32 v7;
	v13 =	vsub.f32 $7.203588490e-01, v15  }
0x55: {  	v5 =	vmul.f32 $6.931471820e-01, v5;
	v18 =	vcvt.s32.f32 v18;
	v10 =	vadd.f32 $-2.099874260e+00, v10  }
0x56: {  	v25 =	vmul.f32 $6.931471820e-01, v7;
	v15 =	vsub.f32 $7.203588490e-01, v21;
	v13 =	vmul.f32 v16, v13  }
0x57: {  	v6 =	vadd.f32 v6, v12;
	v21 =	vmul.f32 $1.077468540e-01, v23;
	v9 =	vmul.f32 v9, v10  }
0x58: {  	v10 =	vshra.s32 v14, $0x17;
	v14 =	vmul.f32 v8, v15;
	v20 =	vadd.f32 $-2.099874260e+00, v13  }
0x59: {  	v18 =	vmul.f32 $6.931471820e-01, v18;
	v15 =	vmul.f32 $6.931471820e-01, v19;
	v19 =	vld [tilespmem:s28+$0x50];
	v13 =	vor.u32 $0x3F800000, v24  }
0x5a: {  	v7 =	vadd.f32 $-2.099874260e+00, v14;
	v16 =	vmul.f32 v16, v20;
	v20 =	vsub.f32 $7.203588490e-01, v21;
	v21 =	vld [tilespmem:s28+$0x4050]  }
0x5b: {  	v10 =	vcvt.s32.f32 v10;
	v9 =	vadd.f32 $8.951705170e+01, v9;
	v14 =	vand.u32 $0x7FFFFF, v11  }
0x5c: {  	v24 =	vmul.f32 $1.077468540e-01, v13;
	v14 =	vor.u32 $0x3F800000, v14;
	v8 =	vmul.f32 v8, v7  }
0x5d: {  	v12 =	vmul.f32 $6.931471820e-01, v10;
	v5 =	vsub.f32 v9, v5;
	v9 =	vld [tilespmem:s28+$0x4060];
	v10 =	vmul.f32 v23, v20  }
0x5e: {  	v27 =	vld [tilespmem:s28+$0x60];
	v20 =	vadd.f32 $8.951705170e+01, v16;
	v28 =	vmul.f32 $1.077468540e-01, v14;
	v8 =	vadd.f32 $8.951705170e+01, v8  }
0x5f: {  	v26 =	vsub.f32 $1.000000000e+00, v19;
	v7 =	vsel vm3, $0x0, v5;
	vm4 =	vgt.f32 v21, $5.000000000e-01  }
0x60: {  	v63 =	vshra.s32 v7, $0xF;
	v16 =	vsub.f32 v8, v15;
	v8 =	vadd.f32 $-2.099874260e+00, v10  }
0x61: {  	v10 =	vshra.s32 v11, $0x17;
	v11 =	vsub.f32 v20, v25;
	v25 =	vsub.f32 $7.203588490e-01, v28  }
0x62: {  	v26 =	vsel vm4, v19, v26;
	v19 =	vadd.f32 v21, v22;
	vm3 =	vgt.f32 v9, $5.000000000e-01  }
0x63: {  	v21 =	vcvt.s32.f32 v10;
	v9 =	vadd.f32 v17, v9;
	v10 =	vsub.f32 $1.000000000e+00, v27  }
0x64: {  	v22 =	vand.u32 $0x7FFFFF, v26;
	v8 =	vmul.f32 v23, v8;
	v15 =	vsel vm6, $0x0, v11  }
0x65: {  	v23 =	vsub.f32 $7.203588490e-01, v24;
	v9 =	vadd.f32 v9, v19;
	v20 =	vsel vm3, v27, v10  }
0x66: {  	v19 =	vor.u32 $0x3F800000, v22;
	v22 =	vmul.f32 v14, v25;
	v25 =	vshra.s32 v26, $0x17  }
0x67: {  	v27 =	vshra.s32 v15, $0xF;
	v17 =	vadd.f32 $8.951705170e+01, v8;
	v24 =	vmul.f32 $1.077468540e-01, v19  }
0x68: {  	v8 =	vadd.f32 v16, v11;
	v26 =	vmul.f32 v13, v23;
	v23 =	vcvt.s32.f32 v25  }
0x69: {  	v25 =	vand.u32 $0xFFFFFFF0, v27;
	v10 =	vsub.f32 v17, v18;
	v24 =	vsub.f32 $7.203588490e-01, v24  }
0x6a: {  	v17 =	vand.u32 $0x7FFFFF, v20;
	v18 =	vmul.f32 $6.931471820e-01, v21;
	v21 =	vand.u32 $0xFFFFFFF0, v63  }
0x6b: {  	s29 =	simm.s32 $0x0;
	s28 =	simm.s32 $0x1;
	v17 =	vor.u32 $0x3F800000, v17;
	v11 =	vsel vm5, $0x0, v10;
	v24 =	vmul.f32 v19, v24  }
.LBB2_5:
0x6c: {  	p0 =	sne.s32 s28, $0x3F  }
0x6d: {  	v26 =	vadd.f32 $-2.099874260e+00, v26;
	v22 =	vadd.f32 $-2.099874260e+00, v22;
	v27 =	vshra.s32 v11, $0xF;
	s29 =	sadd.s32 $0x400, s29;
	s30 =	smov.u32 s28;
	s28 =	sadd.s32 $0x1, s28  }
0x6e: {  	v28 =	vmul.f32 $1.077468540e-01, v17;
	v25 =	vor.u32 v1, v25;
	v24 =	vadd.f32 $-2.099874260e+00, v24  }
0x6f: {  	v20 =	vshra.s32 v20, $0x17;
	v23 =	vmul.f32 $6.931471820e-01, v23;
	v13 =	vmul.f32 v13, v26  }
0x70: {  	v20 =	vcvt.s32.f32 v20;
	v26 =	vsub.f32 $7.203588490e-01, v28;
	v19 =	vmul.f32 v19, v24  }
0x71: {  	v21 =	vor.u32 v1, v21;
	v14 =	vmul.f32 v14, v22;
	v13 =	vadd.f32 $8.951705170e+01, v13  }
0x72: {  	v16 =	vsel vm1, $0x0, v16;
	v22 =	vmul.f32 v17, v26;
	v19 =	vadd.f32 $8.951705170e+01, v19  }
0x73: {  	v20 =	vmul.f32 $6.931471820e-01, v20;
	v24 =	vshra.s32 v16, $0xF;
	v14 =	vadd.f32 $8.951705170e+01, v14;
	[tilespmem:v25+s18+$0x0] =	vst.idx.add.f32.msk $0xffff, v0  }
0x74: {  	v12 =	vsub.f32 v13, v12;
	v13 =	vsub.f32 v19, v23;
	v19 =	vand.u32 $0xFFFFFFF0, v24  }
0x75: {  	v22 =	vadd.f32 $-2.099874260e+00, v22;
	v14 =	vsub.f32 v14, v18;
	[tilespmem:v25+s19+$0x0] =	vst.idx.add.f32.msk $0xffff, v15;
	v15 =	vand.u32 $0xFFFFFFF0, v27  }
0x76: {  	v18 =	vsel vm0, $0x0, v12;
	v19 =	vor.u32 v1, v19;
	v23 =	vsel vm4, $0x0, v13  }
0x77: {  	v17 =	vmul.f32 v17, v22;
	v22 =	vshra.s32 v18, $0xF;
	v24 =	vshra.s32 v23, $0xF  }
0x78: {  	v25 =	vsel vm2, $0x0, v14;
	v5 =	vadd.f32 v12, v5;
	v24 =	vand.u32 $0xFFFFFFF0, v24  }
0x79: {  	v12 =	vadd.f32 $8.951705170e+01, v17;
	v17 =	vshra.s32 v25, $0xF;
	v22 =	vand.u32 $0xFFFFFFF0, v22  }
0x7a: {  	v13 =	vadd.f32 v13, v14;
	v22 =	vor.u32 v1, v22;
	v17 =	vand.u32 $0xFFFFFFF0, v17  }
0x7b: {  	v6 =	vadd.f32 v9, v6;
	v12 =	vsub.f32 v12, v20;
	[tilespmem:v19+s18+$0x0] =	vst.idx.add.f32.msk $0xffff, v0  }
0x7c: {  	v9 =	vor.u32 v1, v17;
	[tilespmem:v19+s19+$0x0] =	vst.idx.add.f32.msk $0xffff, v16  }
0x7d: {  	v3 =	vadd.f32 v6, v3;
	v5 =	vadd.f32 v5, v8;
	v14 =	vsel vm3, $0x0, v12;
	[tilespmem:v21+s18+$0x0] =	vst.idx.add.f32.msk $0xffff, v0  }
0x7e: {  	v8 =	vadd.f32 v10, v12;
	v6 =	vshra.s32 v14, $0xF;
	[tilespmem:v21+s19+$0x0] =	vst.idx.add.f32.msk $0xffff, v7;
	v7 =	vor.u32 v1, v24  }
0x7f: {  	v6 =	vand.u32 $0xFFFFFFF0, v6;
	[tilespmem:v22+s18+$0x0] =	vst.idx.add.f32.msk $0xffff, v0  }
0x80: {  	v8 =	vadd.f32 v8, v13;
	v6 =	vor.u32 v1, v6;
	[tilespmem:v22+s19+$0x0] =	vst.idx.add.f32.msk $0xffff, v18  }
0x81: {  	[tilespmem:v9+s18+$0x0] =	vst.idx.add.f32.msk $0xffff, v0  }
0x82: {  	v5 =	vadd.f32 v8, v5;
	[tilespmem:v9+s19+$0x0] =	vst.idx.add.f32.msk $0xffff, v25;
	v9 =	vor.u32 v1, v15  }
0x83: {  	s31 =	sshll.u32 s30, $0x7;
	[tilespmem:v7+s18+$0x0] =	vst.idx.add.f32.msk $0xffff, v0  }
0x84: {  	s1 =	sand.u32 $0xC00, s29;
	s30 =	sshll.u32 s30, $0x5;
	s31 =	sand.u32 $0x1000, s31;
	v4 =	vadd.f32 v5, v4;
	[tilespmem:v7+s19+$0x0] =	vst.idx.add.f32.msk $0xffff, v23  }
0x85: {  	s30 =	sand.u32 $0x380, s30;
	s1 =	sor.u32 s1, s31;
	[tilespmem:v6+s18+$0x0] =	vst.idx.add.f32.msk $0xffff, v0  }
0x86: {  	s30 =	sor.u32 s30, s1;
	[tilespmem:v6+s19+$0x0] =	vst.idx.add.f32.msk $0xffff, v14  }
0x87: {  	[tilespmem:v9+s18+$0x0] =	vst.idx.add.f32.msk $0xffff, v0  }
0x88: {  	[tilespmem:v9+s19+$0x0] =	vst.idx.add.f32.msk $0xffff, v11  }
0x89: {  	v5 =	vld [tilespmem:s30+$0x20]  }
0x8a: {  	v6 =	vld [tilespmem:s30+$0x4020]  }
0x8b: {  	v7 =	vld [tilespmem:s30+$0x4010]  }
0x8c: {  	v8 =	vld [tilespmem:s30+$0x10]  }
0x8d: {  	v9 =	vld [tilespmem:s30+$0x4000]  }
0x8e: {  	v10 =	vld [tilespmem:s30+$0x0]  }
0x8f: {  	v11 =	vld [tilespmem:s30+$0x4030]  }
0x90: {  	v13 =	vsub.f32 $1.000000000e+00, v5;
	v12 =	vld [tilespmem:s30+$0x70]  }
0x91: {  	vm3 =	vgt.f32 v6, $5.000000000e-01;
	vm1 =	vgt.f32 v7, $5.000000000e-01;
	v17 =	vld [tilespmem:s30+$0x4070]  }
0x92: {  	v5 =	vsel vm3, v5, v13;
	v15 =	vsub.f32 $1.000000000e+00, v8;
	v14 =	vld [tilespmem:s30+$0x30];
	v16 =	vadd.f32 v7, v9  }
0x93: {  	vm6 =	vgt.f32 v9, $5.000000000e-01;
	v9 =	vand.u32 $0x7FFFFF, v5;
	v7 =	vsub.f32 $1.000000000e+00, v10  }
0x94: {  	v5 =	vshra.s32 v5, $0x17;
	v9 =	vor.u32 $0x3F800000, v9;
	vm0 =	vgt.f32 v11, $5.000000000e-01  }
0x95: {  	v8 =	vsel vm1, v8, v15;
	v7 =	vsel vm6, v10, v7;
	v10 =	vmul.f32 $1.077468540e-01, v9  }
0x96: {  	v5 =	vcvt.s32.f32 v5;
	v15 =	vsub.f32 $1.000000000e+00, v12;
	v13 =	vld [tilespmem:s30+$0x40];
	v18 =	vand.u32 $0x7FFFFF, v7  }
0x97: {  	v20 =	vshra.s32 v8, $0x17;
	v19 =	vsub.f32 $1.000000000e+00, v14;
	v10 =	vsub.f32 $7.203588490e-01, v10  }
0x98: {  	v8 =	vand.u32 $0x7FFFFF, v8;
	vm5 =	vgt.f32 v17, $5.000000000e-01;
	v18 =	vor.u32 $0x3F800000, v18  }
0x99: {  	v12 =	vsel vm5, v12, v15;
	v15 =	vmul.f32 $1.077468540e-01, v18;
	v14 =	vsel vm0, v14, v19  }
0x9a: {  	v8 =	vor.u32 $0x3F800000, v8;
	v10 =	vmul.f32 v9, v10;
	v19 =	vshra.s32 v12, $0x17  }
0x9b: {  	v22 =	vmul.f32 $1.077468540e-01, v8;
	v7 =	vshra.s32 v7, $0x17;
	v12 =	vand.u32 $0x7FFFFF, v12;
	v21 =	vld [tilespmem:s30+$0x4040]  }
0x9c: {  	v23 =	vor.u32 $0x3F800000, v12;
	v12 =	vsub.f32 $7.203588490e-01, v15;
	v10 =	vadd.f32 $-2.099874260e+00, v10  }
0x9d: {  	v20 =	vcvt.s32.f32 v20;
	v15 =	vsub.f32 $7.203588490e-01, v22;
	v22 =	vmul.f32 $1.077468540e-01, v23  }
0x9e: {  	v24 =	vand.u32 $0x7FFFFF, v14;
	v12 =	vmul.f32 v18, v12;
	v9 =	vmul.f32 v9, v10  }
0x9f: {  	v6 =	vadd.f32 v11, v6;
	v7 =	vcvt.s32.f32 v7;
	v10 =	vshra.s32 v14, $0x17  }
0xa0: {  	v5 =	vmul.f32 $6.931471820e-01, v5;
	v11 =	vsub.f32 $1.000000000e+00, v13;
	v14 =	vmul.f32 v8, v15  }
0xa1: {  	v20 =	vmul.f32 $6.931471820e-01, v20;
	v9 =	vadd.f32 $8.951705170e+01, v9;
	vm2 =	vgt.f32 v21, $5.000000000e-01;
	v15 =	vld [tilespmem:s30+$0x50]  }
0xa2: {  	v26 =	vmul.f32 $6.931471820e-01, v7;
	v12 =	vadd.f32 $-2.099874260e+00, v12;
	v11 =	vsel vm2, v13, v11;
	v25 =	vld [tilespmem:s30+$0x4060]  }
0xa3: {  	v10 =	vcvt.s32.f32 v10;
	v7 =	vadd.f32 $-2.099874260e+00, v14;
	v5 =	vsub.f32 v9, v5  }
0xa4: {  	v18 =	vmul.f32 v18, v12;
	v13 =	vor.u32 $0x3F800000, v24;
	v14 =	vand.u32 $0x7FFFFF, v11;
	v9 =	vld [tilespmem:s30+$0x4050]  }
0xa5: {  	v22 =	vsub.f32 $7.203588490e-01, v22;
	v8 =	vmul.f32 v8, v7;
	v7 =	vsel vm3, $0x0, v5;
	v24 =	vld [tilespmem:s30+$0x60]  }
0xa6: {  	v6 =	vadd.f32 v6, v16;
	v27 =	vmul.f32 $1.077468540e-01, v13;
	v14 =	vor.u32 $0x3F800000, v14  }
0xa7: {  	v12 =	vmul.f32 $6.931471820e-01, v10;
	v8 =	vadd.f32 $8.951705170e+01, v8;
	v28 =	vsub.f32 $1.000000000e+00, v15  }
0xa8: {  	v19 =	vcvt.s32.f32 v19;
	v10 =	vmul.f32 v23, v22;
	v18 =	vadd.f32 $8.951705170e+01, v18  }
0xa9: {  	v22 =	vmul.f32 $1.077468540e-01, v14;
	v16 =	vsub.f32 v8, v20;
	vm3 =	vgt.f32 v25, $5.000000000e-01  }
0xaa: {  	v8 =	vadd.f32 $-2.099874260e+00, v10;
	v10 =	vshra.s32 v11, $0x17;
	v11 =	vsub.f32 v18, v26  }
0xab: {  	v29 =	vshra.s32 v7, $0xF;
	v18 =	vsub.f32 $7.203588490e-01, v22;
	vm4 =	vgt.f32 v9, $5.000000000e-01  }
0xac: {  	v8 =	vmul.f32 v23, v8;
	v9 =	vadd.f32 v9, v21;
	v26 =	vsel vm4, v15, v28  }
0xad: {  	v21 =	vcvt.s32.f32 v10;
	v10 =	vadd.f32 v17, v25;
	v15 =	vsel vm6, $0x0, v11  }
0xae: {  	v23 =	vmul.f32 $6.931471820e-01, v19;
	v22 =	vadd.f32 $8.951705170e+01, v8;
	v17 =	vsub.f32 $1.000000000e+00, v24  }
0xaf: {  	v8 =	vadd.f32 v16, v11;
	v19 =	vand.u32 $0x7FFFFF, v26;
	v9 =	vadd.f32 v10, v9  }
0xb0: {  	v10 =	vsub.f32 v22, v23;
	v20 =	vsel vm3, v24, v17;
	v19 =	vor.u32 $0x3F800000, v19  }
.Ltmp1:
0xb1: {  	v23 =	vsub.f32 $7.203588490e-01, v27;
	v22 =	vmul.f32 v14, v18;
	v24 =	vmul.f32 $1.077468540e-01, v19;
	(pc) =	sbr.rel @p0 .LBB2_5-.Ltmp1, $4  }
0xb2: {  	v18 =	vmul.f32 $6.931471820e-01, v21;
	v17 =	vand.u32 $0x7FFFFF, v20;
	v11 =	vsel vm5, $0x0, v10  }
0xb3: {  	v25 =	vshra.s32 v26, $0x17;
	v17 =	vor.u32 $0x3F800000, v17;
	v24 =	vsub.f32 $7.203588490e-01, v24  }
0xb4: {  	v27 =	vshra.s32 v15, $0xF;
	v21 =	vand.u32 $0xFFFFFFF0, v29;
	v26 =	vmul.f32 v13, v23  }
0xb5: {  	v23 =	vcvt.s32.f32 v25;
	v25 =	vand.u32 $0xFFFFFFF0, v27;
	v24 =	vmul.f32 v19, v24  }
0xb6: {  	v26 =	vadd.f32 $-2.099874260e+00, v26;
	v27 =	vmul.f32 $1.077468540e-01, v17  }
0xb7: {  	v22 =	vadd.f32 $-2.099874260e+00, v22;
	v25 =	vor.u32 v1, v25;
	v20 =	vshra.s32 v20, $0x17  }
0xb8: {  	v16 =	vsel vm1, $0x0, v16;
	v13 =	vmul.f32 v13, v26;
	v26 =	vsub.f32 $7.203588490e-01, v27  }
0xb9: {  	v21 =	vor.u32 v1, v21;
	v24 =	vadd.f32 $-2.099874260e+00, v24;
	v14 =	vmul.f32 v14, v22  }
0xba: {  	v23 =	vmul.f32 $6.931471820e-01, v23;
	v13 =	vadd.f32 $8.951705170e+01, v13;
	v22 =	vmul.f32 v17, v26  }
0xbb: {  	v19 =	vmul.f32 v19, v24;
	v24 =	vshra.s32 v16, $0xF;
	v14 =	vadd.f32 $8.951705170e+01, v14  }
0xbc: {  	v12 =	vsub.f32 v13, v12;
	v13 =	vand.u32 $0xFFFFFFF0, v24;
	v22 =	vadd.f32 $-2.099874260e+00, v22  }
0xbd: {  	v20 =	vcvt.s32.f32 v20;
	v19 =	vadd.f32 $8.951705170e+01, v19;
	v13 =	vor.u32 v1, v13  }
0xbe: {  	v14 =	vsub.f32 v14, v18;
	v18 =	vsel vm0, $0x0, v12;
	v17 =	vmul.f32 v17, v22  }
0xbf: {  	v20 =	vmul.f32 $6.931471820e-01, v20;
	v19 =	vsub.f32 v19, v23;
	v22 =	vshra.s32 v18, $0xF  }
0xc0: {  	[tilespmem:v25+s18+$0x0] =	vst.idx.add.f32.msk $0xffff, v0;
	v23 =	vsel vm2, $0x0, v14;
	v17 =	vadd.f32 $8.951705170e+01, v17;
	v22 =	vand.u32 $0xFFFFFFF0, v22  }
0xc1: {  	[tilespmem:v25+s19+$0x0] =	vst.idx.add.f32.msk $0xffff, v15;
	v15 =	vshra.s32 v23, $0xF;
	v22 =	vor.u32 v1, v22  }
0xc2: {  	v24 =	vsel vm4, $0x0, v19;
	v15 =	vand.u32 $0xFFFFFFF0, v15;
	v17 =	vsub.f32 v17, v20;
	[tilespmem:v13+s18+$0x0] =	vst.idx.add.f32.msk $0xffff, v0  }
0xc3: {  	v20 =	vshra.s32 v24, $0xF;
	[tilespmem:v13+s19+$0x0] =	vst.idx.add.f32.msk $0xffff, v16;
	v13 =	vor.u32 v1, v15  }
0xc4: {  	v15 =	vand.u32 $0xFFFFFFF0, v20;
	v16 =	vsel vm3, $0x0, v17;
	[tilespmem:v21+s18+$0x0] =	vst.idx.add.f32.msk $0xffff, v0  }
0xc5: {  	v20 =	vshra.s32 v16, $0xF;
	[tilespmem:v21+s19+$0x0] =	vst.idx.add.f32.msk $0xffff, v7;
	v7 =	vor.u32 v1, v15  }
0xc6: {  	[tilespmem:v22+s18+$0x0] =	vst.idx.add.f32.msk $0xffff, v0;
	v15 =	vand.u32 $0xFFFFFFF0, v20  }
0xc7: {  	v20 =	vshra.s32 v11, $0xF;
	[tilespmem:v22+s19+$0x0] =	vst.idx.add.f32.msk $0xffff, v18;
	v15 =	vor.u32 v1, v15  }
0xc8: {  	v18 =	vand.u32 $0xFFFFFFF0, v20;
	[tilespmem:v13+s18+$0x0] =	vst.idx.add.f32.msk $0xffff, v0  }
0xc9: {  	[tilespmem:v13+s19+$0x0] =	vst.idx.add.f32.msk $0xffff, v23;
	v13 =	vor.u32 v1, v18  }
0xca: {  	[tilespmem:v7+s18+$0x0] =	vst.idx.add.f32.msk $0xffff, v0  }
0xcb: {  	[tilespmem:v7+s19+$0x0] =	vst.idx.add.f32.msk $0xffff, v24  }
0xcc: {  	[tilespmem:v15+s18+$0x0] =	vst.idx.add.f32.msk $0xffff, v0  }
0xcd: {  	s28 =	sshll.u32 s26, $0xB;
	p0 =	seq.s32 s26, $0xF;
	[tilespmem:v15+s19+$0x0] =	vst.idx.add.f32.msk $0xffff, v16  }
0xce: {  	s1 =	sadd.s32 @!p0 s28, s9;
	[tilespmem:v13+s18+$0x0] =	vst.idx.add.f32.msk $0xffff, v0  }
0xcf: {  	s30 =	simm.s32 @!p0 $0x0;
	s29 =	sadd.s32 @!p0 s0, s1;
	[tilespmem:v13+s19+$0x0] =	vst.idx.add.f32.msk $0xffff, v11  }
0xd0: {  	[tilespmem:s30], [sflag:$0x1] =	stream.linear.gather @!p0 [hbm4b:s29+s30], $0x2000, $0x38;
	[tilespmem:$0x1A800] =	vst v63  }
0xd1: {  	s1 =	sadd.s32 @!p0 s3, s1;
	s29 =	simm.s32 @!p0 $0x4000  }
0xd2: {  	[tilespmem:s29], [sflag:$0x2] =	stream.linear.gather @!p0 [hbm4b:s1+s30], $0x2000, $0x38;
	[tilespmem:$0x1A800] =	vst v63  }
0xd3: {  	_ =	swait.ge [sflag:s20], $0x2000  }
0xd4: {  	s31 =	simm.s32 $0x0;
	[sflag:s20] =	ssyncset.done $0x0  }
0xd5: {  	s29 =	simm.s32 $0x0;
	s1 =	sand.u32 $0x1000, s31;
	[sflag:s20] =	ssyncadd.s32 $0xFFFFE000  }
0xd6: {  	s31 =	simm.s32 $0x0;
	s30 =	sand.u32 $0xC00, s29;
	_ =	swait.ge [sflag:s21], $0x2000  }
0xd7: {  	s1 =	sor.u32 s30, s1;
	s30 =	sand.u32 $0x380, s31;
	[sflag:s21] =	ssyncset.done $0x0  }
0xd8: {  	s30 =	sor.u32 s30, s1;
	[sflag:s21] =	ssyncadd.s32 $0xFFFFE000  }
0xd9: {  	v7 =	vld [tilespmem:s30+$0x2020]  }
0xda: {  	v5 =	vadd.f32 v12, v5;
	v11 =	vld [tilespmem:s30+$0x6020]  }
0xdb: {  	v12 =	vadd.f32 v19, v14;
	v10 =	vadd.f32 v10, v17;
	v13 =	vld [tilespmem:s30+$0x6010]  }
0xdc: {  	v14 =	vld [tilespmem:s30+$0x2010]  }
0xdd: {  	v5 =	vadd.f32 v5, v8;
	v8 =	vadd.f32 v10, v12;
	v10 =	vld [tilespmem:s30+$0x6000]  }
0xde: {  	v6 =	vadd.f32 v9, v6;
	v9 =	vld [tilespmem:s30+$0x2000]  }
0xdf: {  	v5 =	vadd.f32 v8, v5;
	v8 =	vld [tilespmem:s30+$0x6030]  }
0xe0: {  	v12 =	vld [tilespmem:s30+$0x2030]  }
0xe1: {  	v17 =	vld [tilespmem:s30+$0x6070]  }
0xe2: {  	v20 =	vld [tilespmem:s30+$0x2040]  }
0xe3: {  	v3 =	vadd.f32 v6, v3;
	v22 =	vld [tilespmem:s30+$0x6040]  }
0xe4: {  	v4 =	vadd.f32 v5, v4;
	v6 =	vsub.f32 $1.000000000e+00, v7;
	vm1 =	vgt.f32 v13, $5.000000000e-01  }
0xe5: {  	vm3 =	vgt.f32 v11, $5.000000000e-01;
	v15 =	vsub.f32 $1.000000000e+00, v14;
	v16 =	vadd.f32 v13, v10  }
0xe6: {  	vm6 =	vgt.f32 v10, $5.000000000e-01;
	vm0 =	vgt.f32 v8, $5.000000000e-01;
	v18 =	vsub.f32 $1.000000000e+00, v12  }
0xe7: {  	v5 =	vld [tilespmem:s30+$0x2070];
	vm5 =	vgt.f32 v17, $5.000000000e-01;
	v8 =	vadd.f32 v8, v11;
	v11 =	vsub.f32 $1.000000000e+00, v20  }
0xe8: {  	vm2 =	vgt.f32 v22, $5.000000000e-01;
	v6 =	vsel vm3, v7, v6;
	v7 =	vsub.f32 $1.000000000e+00, v9  }
0xe9: {  	v12 =	vsel vm0, v12, v18;
	v11 =	vsel vm2, v20, v11;
	v10 =	vand.u32 $0x7FFFFF, v6  }
0xea: {  	v6 =	vshra.s32 v6, $0x17;
	v24 =	vand.u32 $0x7FFFFF, v12;
	v12 =	vshra.s32 v12, $0x17  }
0xeb: {  	v10 =	vor.u32 $0x3F800000, v10;
	v7 =	vsel vm6, v9, v7;
	v9 =	vsel vm1, v14, v15  }
0xec: {  	v14 =	vsub.f32 $1.000000000e+00, v5;
	v6 =	vcvt.s32.f32 v6;
	v12 =	vcvt.s32.f32 v12  }
0xed: {  	v13 =	vmul.f32 $1.077468540e-01, v10;
	v15 =	vand.u32 $0x7FFFFF, v7;
	v19 =	vshra.s32 v9, $0x17  }
0xee: {  	v9 =	vand.u32 $0x7FFFFF, v9;
	v7 =	vshra.s32 v7, $0x17;
	v15 =	vor.u32 $0x3F800000, v15  }
0xef: {  	v5 =	vsel vm5, v5, v14;
	v9 =	vor.u32 $0x3F800000, v9;
	v19 =	vcvt.s32.f32 v19  }
0xf0: {  	v7 =	vcvt.s32.f32 v7;
	v13 =	vsub.f32 $7.203588490e-01, v13;
	v14 =	vmul.f32 $1.077468540e-01, v15  }
0xf1: {  	v18 =	vshra.s32 v5, $0x17;
	v5 =	vand.u32 $0x7FFFFF, v5;
	v21 =	vmul.f32 $1.077468540e-01, v9  }
0xf2: {  	v6 =	vmul.f32 $6.931471820e-01, v6;
	v23 =	vor.u32 $0x3F800000, v5;
	v13 =	vmul.f32 v10, v13  }
0xf3: {  	v5 =	vsub.f32 $7.203588490e-01, v14;
	v14 =	vsub.f32 $7.203588490e-01, v21;
	v21 =	vmul.f32 $1.077468540e-01, v23  }
0xf4: {  	v12 =	vmul.f32 $6.931471820e-01, v12;
	v19 =	vmul.f32 $6.931471820e-01, v19;
	v13 =	vadd.f32 $-2.099874260e+00, v13  }
0xf5: {  	v20 =	vmul.f32 $6.931471820e-01, v7;
	v5 =	vmul.f32 v15, v5;
	v21 =	vsub.f32 $7.203588490e-01, v21  }
0xf6: {  	v10 =	vmul.f32 v10, v13;
	v13 =	vmul.f32 v9, v14  }
0xf7: {  	v25 =	vld [tilespmem:s30+$0x2050];
	v18 =	vcvt.s32.f32 v18;
	v14 =	vadd.f32 $-2.099874260e+00, v5;
	v21 =	vmul.f32 v23, v21  }
0xf8: {  	v10 =	vadd.f32 $8.951705170e+01, v10;
	v7 =	vadd.f32 $-2.099874260e+00, v13;
	v13 =	vor.u32 $0x3F800000, v24;
	v24 =	vld [tilespmem:s30+$0x6050]  }
0xf9: {  	v15 =	vmul.f32 v15, v14;
	v26 =	vmul.f32 $1.077468540e-01, v13  }
0xfa: {  	v5 =	vsub.f32 v10, v6;
	v6 =	vand.u32 $0x7FFFFF, v11;
	v9 =	vmul.f32 v9, v7  }
0xfb: {  	v10 =	vld [tilespmem:s30+$0x6060];
	v15 =	vadd.f32 $8.951705170e+01, v15;
	v14 =	vor.u32 $0x3F800000, v6;
	v6 =	vadd.f32 v8, v16  }
0xfc: {  	v11 =	vshra.s32 v11, $0x17;
	v8 =	vsub.f32 $1.000000000e+00, v25;
	v9 =	vadd.f32 $8.951705170e+01, v9  }
0xfd: {  	v7 =	vsel vm3, $0x0, v5;
	v28 =	vmul.f32 $1.077468540e-01, v14;
	vm4 =	vgt.f32 v24, $5.000000000e-01  }
0xfe: {  	v63 =	vshra.s32 v7, $0xF;
	v16 =	vsub.f32 v9, v19;
	v9 =	vadd.f32 $-2.099874260e+00, v21  }
0xff: {  	v27 =	vld [tilespmem:s30+$0x2060];
	v19 =	vsub.f32 v15, v20;
	v21 =	vsub.f32 $7.203588490e-01, v28;
	v25 =	vsel vm4, v25, v8  }
0x100: {  	v20 =	vadd.f32 v24, v22;
	v24 =	vsub.f32 $7.203588490e-01, v26;
	vm3 =	vgt.f32 v10, $5.000000000e-01  }
0x101: {  	v10 =	vadd.f32 v17, v10;
	v17 =	vmul.f32 $6.931471820e-01, v18;
	v18 =	vand.u32 $0x7FFFFF, v25  }
0x102: {  	v25 =	vshra.s32 v25, $0x17;
	v8 =	vmul.f32 v23, v9;
	v23 =	vcvt.s32.f32 v11  }
0x103: {  	v15 =	vsel vm6, $0x0, v19;
	v9 =	vadd.f32 v16, v19;
	v19 =	vor.u32 $0x3F800000, v18  }
0x104: {  	v11 =	vsub.f32 $1.000000000e+00, v27;
	v22 =	vmul.f32 v14, v21;
	v26 =	vmul.f32 $1.077468540e-01, v19  }
0x105: {  	v21 =	vand.u32 $0xFFFFFFF0, v63;
	v10 =	vadd.f32 v10, v20;
	v8 =	vadd.f32 $8.951705170e+01, v8  }
0x106: {  	v20 =	vsel vm3, v27, v11;
	v18 =	vmul.f32 $6.931471820e-01, v23;
	v23 =	vsub.f32 $7.203588490e-01, v26  }
0x107: {  	v27 =	vshra.s32 v15, $0xF;
	v11 =	vsub.f32 v8, v17;
	v17 =	vand.u32 $0x7FFFFF, v20  }
0x108: {  	v26 =	vmul.f32 v13, v24;
	v17 =	vor.u32 $0x3F800000, v17;
	v24 =	vmul.f32 v19, v23  }
0x109: {  	s30 =	simm.s32 $0x1;
	v23 =	vcvt.s32.f32 v25;
	v25 =	vand.u32 $0xFFFFFFF0, v27;
	v8 =	vsel vm5, $0x0, v11  }
.LBB2_7:
0x10a: {  	p1 =	sne.s32 s30, $0x3F  }
0x10b: {  	v26 =	vadd.f32 $-2.099874260e+00, v26;
	v22 =	vadd.f32 $-2.099874260e+00, v22;
	v27 =	vshra.s32 v8, $0xF;
	s29 =	sadd.s32 $0x400, s29;
	s31 =	smov.u32 s30;
	s30 =	sadd.s32 $0x1, s30  }
0x10c: {  	v28 =	vmul.f32 $1.077468540e-01, v17;
	v25 =	vor.u32 v1, v25;
	v24 =	vadd.f32 $-2.099874260e+00, v24  }
0x10d: {  	v20 =	vshra.s32 v20, $0x17;
	v23 =	vmul.f32 $6.931471820e-01, v23;
	v13 =	vmul.f32 v13, v26  }
0x10e: {  	v20 =	vcvt.s32.f32 v20;
	v26 =	vsub.f32 $7.203588490e-01, v28;
	v19 =	vmul.f32 v19, v24  }
0x10f: {  	v21 =	vor.u32 v1, v21;
	v14 =	vmul.f32 v14, v22;
	v13 =	vadd.f32 $8.951705170e+01, v13  }
0x110: {  	v16 =	vsel vm1, $0x0, v16;
	v22 =	vmul.f32 v17, v26;
	v19 =	vadd.f32 $8.951705170e+01, v19  }
0x111: {  	v20 =	vmul.f32 $6.931471820e-01, v20;
	v24 =	vshra.s32 v16, $0xF;
	v14 =	vadd.f32 $8.951705170e+01, v14;
	[tilespmem:v25+s18+$0x0] =	vst.idx.add.f32.msk $0xffff, v0  }
0x112: {  	v12 =	vsub.f32 v13, v12;
	v13 =	vsub.f32 v19, v23;
	v19 =	vand.u32 $0xFFFFFFF0, v24  }
0x113: {  	v22 =	vadd.f32 $-2.099874260e+00, v22;
	v14 =	vsub.f32 v14, v18;
	[tilespmem:v25+s19+$0x0] =	vst.idx.add.f32.msk $0xffff, v15;
	v15 =	vand.u32 $0xFFFFFFF0, v27  }
0x114: {  	v18 =	vsel vm0, $0x0, v12;
	v19 =	vor.u32 v1, v19;
	v23 =	vsel vm4, $0x0, v13  }
0x115: {  	v17 =	vmul.f32 v17, v22;
	v22 =	vshra.s32 v18, $0xF;
	v24 =	vshra.s32 v23, $0xF  }
0x116: {  	v25 =	vsel vm2, $0x0, v14;
	v5 =	vadd.f32 v12, v5;
	v24 =	vand.u32 $0xFFFFFFF0, v24  }
0x117: {  	v12 =	vadd.f32 $8.951705170e+01, v17;
	v17 =	vshra.s32 v25, $0xF;
	v22 =	vand.u32 $0xFFFFFFF0, v22  }
0x118: {  	v13 =	vadd.f32 v13, v14;
	v22 =	vor.u32 v1, v22;
	v17 =	vand.u32 $0xFFFFFFF0, v17  }
0x119: {  	v6 =	vadd.f32 v10, v6;
	v12 =	vsub.f32 v12, v20;
	[tilespmem:v19+s18+$0x0] =	vst.idx.add.f32.msk $0xffff, v0  }
0x11a: {  	v10 =	vor.u32 v1, v17;
	[tilespmem:v19+s19+$0x0] =	vst.idx.add.f32.msk $0xffff, v16  }
0x11b: {  	v3 =	vadd.f32 v6, v3;
	v5 =	vadd.f32 v5, v9;
	v14 =	vsel vm3, $0x0, v12;
	[tilespmem:v21+s18+$0x0] =	vst.idx.add.f32.msk $0xffff, v0  }
0x11c: {  	v9 =	vadd.f32 v11, v12;
	v6 =	vshra.s32 v14, $0xF;
	[tilespmem:v21+s19+$0x0] =	vst.idx.add.f32.msk $0xffff, v7;
	v7 =	vor.u32 v1, v24  }
0x11d: {  	v6 =	vand.u32 $0xFFFFFFF0, v6;
	[tilespmem:v22+s18+$0x0] =	vst.idx.add.f32.msk $0xffff, v0  }
0x11e: {  	v9 =	vadd.f32 v9, v13;
	v6 =	vor.u32 v1, v6;
	[tilespmem:v22+s19+$0x0] =	vst.idx.add.f32.msk $0xffff, v18  }
0x11f: {  	[tilespmem:v10+s18+$0x0] =	vst.idx.add.f32.msk $0xffff, v0  }
0x120: {  	v5 =	vadd.f32 v9, v5;
	[tilespmem:v10+s19+$0x0] =	vst.idx.add.f32.msk $0xffff, v25;
	v10 =	vor.u32 v1, v15  }
0x121: {  	s1 =	sshll.u32 s31, $0x7;
	[tilespmem:v7+s18+$0x0] =	vst.idx.add.f32.msk $0xffff, v0  }
0x122: {  	s2 =	sand.u32 $0xC00, s29;
	s31 =	sshll.u32 s31, $0x5;
	s1 =	sand.u32 $0x1000, s1;
	v4 =	vadd.f32 v5, v4;
	[tilespmem:v7+s19+$0x0] =	vst.idx.add.f32.msk $0xffff, v23  }
0x123: {  	s1 =	sor.u32 s2, s1;
	s2 =	sand.u32 $0x380, s31;
	[tilespmem:v6+s18+$0x0] =	vst.idx.add.f32.msk $0xffff, v0  }
0x124: {  	s31 =	sor.u32 s2, s1;
	[tilespmem:v6+s19+$0x0] =	vst.idx.add.f32.msk $0xffff, v14  }
0x125: {  	[tilespmem:v10+s18+$0x0] =	vst.idx.add.f32.msk $0xffff, v0  }
0x126: {  	[tilespmem:v10+s19+$0x0] =	vst.idx.add.f32.msk $0xffff, v8  }
0x127: {  	v5 =	vld [tilespmem:s31+$0x2020]  }
0x128: {  	v6 =	vld [tilespmem:s31+$0x6020]  }
0x129: {  	v7 =	vld [tilespmem:s31+$0x6010]  }
0x12a: {  	v8 =	vld [tilespmem:s31+$0x2010]  }
0x12b: {  	v9 =	vld [tilespmem:s31+$0x6000]  }
0x12c: {  	v10 =	vld [tilespmem:s31+$0x2000]  }
0x12d: {  	v11 =	vld [tilespmem:s31+$0x6030]  }
0x12e: {  	v13 =	vsub.f32 $1.000000000e+00, v5;
	v12 =	vld [tilespmem:s31+$0x2070]  }
0x12f: {  	vm3 =	vgt.f32 v6, $5.000000000e-01;
	vm1 =	vgt.f32 v7, $5.000000000e-01;
	v17 =	vld [tilespmem:s31+$0x6070]  }
0x130: {  	v5 =	vsel vm3, v5, v13;
	v15 =	vsub.f32 $1.000000000e+00, v8;
	v14 =	vld [tilespmem:s31+$0x2030];
	v16 =	vadd.f32 v7, v9  }
0x131: {  	vm6 =	vgt.f32 v9, $5.000000000e-01;
	v9 =	vand.u32 $0x7FFFFF, v5;
	v7 =	vsub.f32 $1.000000000e+00, v10  }
0x132: {  	v5 =	vshra.s32 v5, $0x17;
	v9 =	vor.u32 $0x3F800000, v9;
	vm0 =	vgt.f32 v11, $5.000000000e-01  }
0x133: {  	v8 =	vsel vm1, v8, v15;
	v7 =	vsel vm6, v10, v7;
	v10 =	vmul.f32 $1.077468540e-01, v9  }
0x134: {  	v5 =	vcvt.s32.f32 v5;
	v15 =	vsub.f32 $1.000000000e+00, v12;
	v13 =	vld [tilespmem:s31+$0x2040];
	v18 =	vand.u32 $0x7FFFFF, v7  }
0x135: {  	v20 =	vshra.s32 v8, $0x17;
	v19 =	vsub.f32 $1.000000000e+00, v14;
	v10 =	vsub.f32 $7.203588490e-01, v10  }
0x136: {  	v8 =	vand.u32 $0x7FFFFF, v8;
	vm5 =	vgt.f32 v17, $5.000000000e-01;
	v18 =	vor.u32 $0x3F800000, v18  }
0x137: {  	v12 =	vsel vm5, v12, v15;
	v15 =	vmul.f32 $1.077468540e-01, v18;
	v14 =	vsel vm0, v14, v19  }
0x138: {  	v8 =	vor.u32 $0x3F800000, v8;
	v10 =	vmul.f32 v9, v10;
	v19 =	vshra.s32 v12, $0x17  }
0x139: {  	v22 =	vmul.f32 $1.077468540e-01, v8;
	v7 =	vshra.s32 v7, $0x17;
	v12 =	vand.u32 $0x7FFFFF, v12;
	v21 =	vld [tilespmem:s31+$0x6040]  }
0x13a: {  	v23 =	vor.u32 $0x3F800000, v12;
	v12 =	vsub.f32 $7.203588490e-01, v15;
	v10 =	vadd.f32 $-2.099874260e+00, v10  }
0x13b: {  	v20 =	vcvt.s32.f32 v20;
	v15 =	vsub.f32 $7.203588490e-01, v22;
	v22 =	vmul.f32 $1.077468540e-01, v23  }
0x13c: {  	v24 =	vand.u32 $0x7FFFFF, v14;
	v12 =	vmul.f32 v18, v12;
	v9 =	vmul.f32 v9, v10  }
0x13d: {  	v6 =	vadd.f32 v11, v6;
	v7 =	vcvt.s32.f32 v7;
	v10 =	vshra.s32 v14, $0x17  }
0x13e: {  	v5 =	vmul.f32 $6.931471820e-01, v5;
	v11 =	vsub.f32 $1.000000000e+00, v13;
	v14 =	vmul.f32 v8, v15  }
0x13f: {  	v20 =	vmul.f32 $6.931471820e-01, v20;
	v9 =	vadd.f32 $8.951705170e+01, v9;
	vm2 =	vgt.f32 v21, $5.000000000e-01;
	v15 =	vld [tilespmem:s31+$0x2050]  }
0x140: {  	v26 =	vmul.f32 $6.931471820e-01, v7;
	v12 =	vadd.f32 $-2.099874260e+00, v12;
	v11 =	vsel vm2, v13, v11;
	v25 =	vld [tilespmem:s31+$0x6060]  }
0x141: {  	v10 =	vcvt.s32.f32 v10;
	v7 =	vadd.f32 $-2.099874260e+00, v14;
	v5 =	vsub.f32 v9, v5  }
0x142: {  	v18 =	vmul.f32 v18, v12;
	v13 =	vor.u32 $0x3F800000, v24;
	v14 =	vand.u32 $0x7FFFFF, v11;
	v9 =	vld [tilespmem:s31+$0x6050]  }
0x143: {  	v22 =	vsub.f32 $7.203588490e-01, v22;
	v8 =	vmul.f32 v8, v7;
	v7 =	vsel vm3, $0x0, v5;
	v24 =	vld [tilespmem:s31+$0x2060]  }
0x144: {  	v6 =	vadd.f32 v6, v16;
	v27 =	vmul.f32 $1.077468540e-01, v13;
	v14 =	vor.u32 $0x3F800000, v14  }
0x145: {  	v12 =	vmul.f32 $6.931471820e-01, v10;
	v8 =	vadd.f32 $8.951705170e+01, v8;
	v28 =	vsub.f32 $1.000000000e+00, v15  }
0x146: {  	v19 =	vcvt.s32.f32 v19;
	v10 =	vmul.f32 v23, v22;
	v18 =	vadd.f32 $8.951705170e+01, v18  }
0x147: {  	v22 =	vmul.f32 $1.077468540e-01, v14;
	v16 =	vsub.f32 v8, v20;
	vm3 =	vgt.f32 v25, $5.000000000e-01  }
0x148: {  	v8 =	vadd.f32 $-2.099874260e+00, v10;
	v10 =	vshra.s32 v11, $0x17;
	v11 =	vsub.f32 v18, v26  }
0x149: {  	v29 =	vshra.s32 v7, $0xF;
	v18 =	vsub.f32 $7.203588490e-01, v22;
	vm4 =	vgt.f32 v9, $5.000000000e-01  }
0x14a: {  	v8 =	vmul.f32 v23, v8;
	v20 =	vadd.f32 v9, v21;
	v26 =	vsel vm4, v15, v28  }
0x14b: {  	v21 =	vcvt.s32.f32 v10;
	v10 =	vadd.f32 v17, v25;
	v15 =	vsel vm6, $0x0, v11  }
0x14c: {  	v22 =	vmul.f32 $6.931471820e-01, v19;
	v8 =	vadd.f32 $8.951705170e+01, v8;
	v17 =	vsub.f32 $1.000000000e+00, v24  }
0x14d: {  	v9 =	vadd.f32 v16, v11;
	v19 =	vand.u32 $0x7FFFFF, v26;
	v10 =	vadd.f32 v10, v20  }
0x14e: {  	v11 =	vsub.f32 v8, v22;
	v20 =	vsel vm3, v24, v17;
	v19 =	vor.u32 $0x3F800000, v19  }
.Ltmp2:
0x14f: {  	v23 =	vsub.f32 $7.203588490e-01, v27;
	v22 =	vmul.f32 v14, v18;
	v24 =	vmul.f32 $1.077468540e-01, v19;
	(pc) =	sbr.rel @p1 .LBB2_7-.Ltmp2, $4  }
0x150: {  	v18 =	vmul.f32 $6.931471820e-01, v21;
	v17 =	vand.u32 $0x7FFFFF, v20;
	v8 =	vsel vm5, $0x0, v11  }
0x151: {  	v25 =	vshra.s32 v26, $0x17;
	v17 =	vor.u32 $0x3F800000, v17;
	v24 =	vsub.f32 $7.203588490e-01, v24  }
0x152: {  	v26 =	vmul.f32 v13, v23;
	v27 =	vshra.s32 v15, $0xF;
	v21 =	vand.u32 $0xFFFFFFF0, v29  }
0x153: {  	v23 =	vcvt.s32.f32 v25;
	v25 =	vand.u32 $0xFFFFFFF0, v27;
	v24 =	vmul.f32 v19, v24  }
0x154: {  	v26 =	vadd.f32 $-2.099874260e+00, v26;
	v27 =	vmul.f32 $1.077468540e-01, v17  }
0x155: {  	v22 =	vadd.f32 $-2.099874260e+00, v22;
	v25 =	vor.u32 v1, v25;
	v20 =	vshra.s32 v20, $0x17  }
0x156: {  	v16 =	vsel vm1, $0x0, v16;
	v13 =	vmul.f32 v13, v26;
	v43 =	vsub.f32 $7.203588490e-01, v27  }
0x157: {  	v21 =	vor.u32 v1, v21;
	v24 =	vadd.f32 $-2.099874260e+00, v24;
	v14 =	vmul.f32 v14, v22  }
0x158: {  	v23 =	vmul.f32 $6.931471820e-01, v23;
	v13 =	vadd.f32 $8.951705170e+01, v13;
	v44 =	vmul.f32 v17, v43  }
0x159: {  	v45 =	vshra.s32 v16, $0xF;
	v19 =	vmul.f32 v19, v24;
	v14 =	vadd.f32 $8.951705170e+01, v14  }
0x15a: {  	v46 =	vand.u32 $0xFFFFFFF0, v45;
	v12 =	vsub.f32 v13, v12;
	v22 =	vadd.f32 $-2.099874260e+00, v44  }
0x15b: {  	v20 =	vcvt.s32.f32 v20;
	v19 =	vadd.f32 $8.951705170e+01, v19;
	v13 =	vor.u32 v1, v46  }
0x15c: {  	v14 =	vsub.f32 v14, v18;
	v47 =	vsel vm0, $0x0, v12;
	v48 =	vmul.f32 v17, v22  }
0x15d: {  	v20 =	vmul.f32 $6.931471820e-01, v20;
	v19 =	vsub.f32 v19, v23;
	v49 =	vshra.s32 v47, $0xF  }
0x15e: {  	[tilespmem:v25+s18+$0x0] =	vst.idx.add.f32.msk $0xffff, v0;
	v50 =	vsel vm2, $0x0, v14;
	v17 =	vadd.f32 $8.951705170e+01, v48;
	v22 =	vand.u32 $0xFFFFFFF0, v49  }
0x15f: {  	[tilespmem:v25+s19+$0x0] =	vst.idx.add.f32.msk $0xffff, v15;
	v51 =	vshra.s32 v50, $0xF;
	v22 =	vor.u32 v1, v22  }
0x160: {  	v52 =	vsel vm4, $0x0, v19;
	v15 =	vand.u32 $0xFFFFFFF0, v51;
	[tilespmem:v13+s18+$0x0] =	vst.idx.add.f32.msk $0xffff, v0;
	v17 =	vsub.f32 v17, v20  }
0x161: {  	v53 =	vshra.s32 v52, $0xF;
	v54 =	vor.u32 v1, v15;
	[tilespmem:v13+s19+$0x0] =	vst.idx.add.f32.msk $0xffff, v16  }
0x162: {  	v55 =	vand.u32 $0xFFFFFFF0, v53;
	[tilespmem:v21+s18+$0x0] =	vst.idx.add.f32.msk $0xffff, v0;
	v56 =	vsel vm3, $0x0, v17  }
0x163: {  	[tilespmem:v21+s19+$0x0] =	vst.idx.add.f32.msk $0xffff, v7;
	v7 =	vor.u32 v1, v55;
	v57 =	vshra.s32 v56, $0xF  }
0x164: {  	v59 =	vshra.s32 v8, $0xF;
	[tilespmem:v22+s18+$0x0] =	vst.idx.add.f32.msk $0xffff, v0;
	v58 =	vand.u32 $0xFFFFFFF0, v57  }
0x165: {  	v60 =	vand.u32 $0xFFFFFFF0, v59;
	[tilespmem:v22+s19+$0x0] =	vst.idx.add.f32.msk $0xffff, v47;
	v15 =	vor.u32 v1, v58  }
0x166: {  	v62 =	vor.u32 v1, v60;
	v5 =	vadd.f32 v12, v5;
	[tilespmem:v54+s18+$0x0] =	vst.idx.add.f32.msk $0xffff, v0  }
0x167: {  	v61 =	vadd.f32 v19, v14;
	v11 =	vadd.f32 v11, v17;
	[tilespmem:v54+s19+$0x0] =	vst.idx.add.f32.msk $0xffff, v50  }
0x168: {  	[tilespmem:v7+s18+$0x0] =	vst.idx.add.f32.msk $0xffff, v0  }
.Ltmp3:
0x169: {  	v5 =	vadd.f32 v5, v9;
	v63 =	vadd.f32 v11, v61;
	[tilespmem:v7+s19+$0x0] =	vst.idx.add.f32.msk $0xffff, v52;
	(pc) =	sbr.rel @p0 .LBB2_9-.Ltmp3, $4  }
0x16a: {  	[tilespmem:v15+s18+$0x0] =	vst.idx.add.f32.msk $0xffff, v0  }
0x16b: {  	v6 =	vadd.f32 v10, v6;
	v5 =	vadd.f32 v63, v5;
	[tilespmem:v15+s19+$0x0] =	vst.idx.add.f32.msk $0xffff, v56  }
0x16c: {  	[tilespmem:v62+s18+$0x0] =	vst.idx.add.f32.msk $0xffff, v0  }
0x16d: {  	v3 =	vadd.f32 v6, v3;
	v4 =	vadd.f32 v5, v4;
	[tilespmem:v62+s19+$0x0] =	vst.idx.add.f32.msk $0xffff, v8  }
.Ltmp4:
0x16e: {  	s1 =	sadd.s32 s28, s10;
	(pc) =	sbr.rel .LBB2_4-.Ltmp4, $4  }
0x16f: {  	s2 =	sadd.s32 s0, s1  }
0x170: {  	[tilespmem:s14], [sflag:$0x3] =	stream.linear.gather [hbm4b:s2+s4], $0x2000, $0x38;
	[tilespmem:$0x1A800] =	vst v63  }
0x171: {  	s26 =	sadd.s32 $0x1, s26;
	s1 =	sadd.s32 s3, s1  }
0x172: {  	[tilespmem:s15], [sflag:$0x4] =	stream.linear.gather [hbm4b:s1+s4], $0x2000, $0x38;
	[tilespmem:$0x1A800] =	vst v63  }
.LBB2_9:
0x173: {  	s28 =	simm.s32 $0x0  }
0x174: {  	v5 =	vmul.u32 $0x10, v1;
	v6 =	vmov s28  }
0x175: {  	v6 =	vshll.u32 v6, $0x4  }
0x176: {  	v6 =	vor.u32 v5, v6;
	_ =	sdelay $0x1  }
0x177: {  	v7 =	vor.u32 $0x1, v6;
	_ =	sdelay $0x1  }
0x178: {  	v8 =	vor.u32 $0x2, v6  }
0x179: {  	v9 =	vld.idx.msk [tilespmem:v6+s18+$0x0], $0xffff  }
0x17a: {  	v11 =	vor.u32 $0x3, v6;
	v10 =	vld.idx.msk [tilespmem:v6+s19+$0x0], $0xffff  }
0x17b: {  	v12 =	vld.idx.msk [tilespmem:v7+s18+$0x0], $0xffff  }
0x17c: {  	v13 =	vor.u32 $0x4, v6;
	v7 =	vld.idx.msk [tilespmem:v7+s19+$0x0], $0xffff  }
0x17d: {  	v14 =	vld.idx.msk [tilespmem:v8+s18+$0x0], $0xffff  }
0x17e: {  	v15 =	vor.u32 $0x5, v6;
	v8 =	vld.idx.msk [tilespmem:v8+s19+$0x0], $0xffff;
	v9 =	vadd.f32 $0.0e+00, v9  }
0x17f: {  	v16 =	vld.idx.msk [tilespmem:v11+s18+$0x0], $0xffff;
	v10 =	vadd.f32 $0.0e+00, v10  }
0x180: {  	v17 =	vor.u32 $0x6, v6;
	v11 =	vld.idx.msk [tilespmem:v11+s19+$0x0], $0xffff;
	v9 =	vadd.f32 v12, v9  }
0x181: {  	v62 =	vld.idx.msk [tilespmem:v13+s18+$0x0], $0xffff;
	v7 =	vadd.f32 v7, v10  }
0x182: {  	v63 =	vor.u32 $0x7, v6;
	v10 =	vld.idx.msk [tilespmem:v13+s19+$0x0], $0xffff;
	v9 =	vadd.f32 v14, v9  }
0x183: {  	v20 =	vld.idx.msk [tilespmem:v15+s18+$0x0], $0xffff;
	v7 =	vadd.f32 v8, v7  }
0x184: {  	v21 =	vor.u32 $0x8, v6;
	v8 =	vld.idx.msk [tilespmem:v15+s19+$0x0], $0xffff;
	v9 =	vadd.f32 v16, v9  }
0x185: {  	v22 =	vld.idx.msk [tilespmem:v17+s18+$0x0], $0xffff;
	v7 =	vadd.f32 v11, v7  }
0x186: {  	v23 =	vor.u32 $0x9, v6;
	v11 =	vld.idx.msk [tilespmem:v17+s19+$0x0], $0xffff;
	v9 =	vadd.f32 v62, v9  }
0x187: {  	v24 =	vld.idx.msk [tilespmem:v63+s18+$0x0], $0xffff;
	v7 =	vadd.f32 v10, v7  }
0x188: {  	v25 =	vor.u32 $0xA, v6;
	v10 =	vld.idx.msk [tilespmem:v63+s19+$0x0], $0xffff;
	v9 =	vadd.f32 v20, v9  }
0x189: {  	v26 =	vld.idx.msk [tilespmem:v21+s18+$0x0], $0xffff;
	v7 =	vadd.f32 v8, v7  }
0x18a: {  	v27 =	vor.u32 $0xB, v6;
	v8 =	vld.idx.msk [tilespmem:v21+s19+$0x0], $0xffff;
	v9 =	vadd.f32 v22, v9  }
0x18b: {  	v28 =	vld.idx.msk [tilespmem:v23+s18+$0x0], $0xffff;
	v7 =	vadd.f32 v11, v7  }
0x18c: {  	v29 =	vor.u32 $0xC, v6;
	v11 =	vld.idx.msk [tilespmem:v23+s19+$0x0], $0xffff;
	v9 =	vadd.f32 v24, v9  }
0x18d: {  	v30 =	vld.idx.msk [tilespmem:v25+s18+$0x0], $0xffff;
	v7 =	vadd.f32 v10, v7  }
0x18e: {  	v31 =	vor.u32 $0xD, v6;
	v10 =	vld.idx.msk [tilespmem:v25+s19+$0x0], $0xffff;
	v9 =	vadd.f32 v26, v9  }
0x18f: {  	v32 =	vld.idx.msk [tilespmem:v27+s18+$0x0], $0xffff;
	v7 =	vadd.f32 v8, v7  }
0x190: {  	v33 =	vor.u32 $0xE, v6;
	v8 =	vld.idx.msk [tilespmem:v27+s19+$0x0], $0xffff;
	v9 =	vadd.f32 v28, v9  }
0x191: {  	v34 =	vld.idx.msk [tilespmem:v29+s18+$0x0], $0xffff;
	v7 =	vadd.f32 v11, v7  }
0x192: {  	v6 =	vor.u32 $0xF, v6;
	v11 =	vld.idx.msk [tilespmem:v29+s19+$0x0], $0xffff;
	v9 =	vadd.f32 v30, v9  }
0x193: {  	v35 =	vld.idx.msk [tilespmem:v31+s18+$0x0], $0xffff;
	v7 =	vadd.f32 v10, v7  }
0x194: {  	v10 =	vld.idx.msk [tilespmem:v31+s19+$0x0], $0xffff;
	v9 =	vadd.f32 v32, v9  }
0x195: {  	v36 =	vld.idx.msk [tilespmem:v33+s18+$0x0], $0xffff;
	v7 =	vadd.f32 v8, v7  }
0x196: {  	v8 =	vld.idx.msk [tilespmem:v33+s19+$0x0], $0xffff;
	v9 =	vadd.f32 v34, v9  }
0x197: {  	v37 =	vld.idx.msk [tilespmem:v6+s18+$0x0], $0xffff;
	v7 =	vadd.f32 v11, v7  }
0x198: {  	s26 =	simm.s32 $0x10;
	v6 =	vld.idx.msk [tilespmem:v6+s19+$0x0], $0xffff;
	v9 =	vadd.f32 v35, v9  }
0x199: {  	v11 =	vmov s26;
	v7 =	vadd.f32 v10, v7  }
0x19a: {  	v10 =	vshll.u32 v11, $0x4;
	v9 =	vadd.f32 v36, v9  }
0x19b: {  	v10 =	vor.u32 v5, v10;
	v7 =	vadd.f32 v8, v7  }
0x19c: {  	v8 =	vadd.f32 v37, v9  }
0x19d: {  	s25 =	simm.s32 $0x19000;
	v9 =	vor.u32 $0x1, v10;
	v6 =	vadd.f32 v6, v7  }
0x19e: {  	s1 =	sand.u32 $0xFF0, s28;
	[tilespmem:s25+$0x0] =	vst v8  }
0x19f: {  	v7 =	vor.u32 $0x2, v10;
	[tilespmem:s1+$0x19880] =	vst v6  }
0x1a0: {  	v6 =	vld.idx.msk [tilespmem:v10+s18+$0x0], $0xffff  }
0x1a1: {  	v11 =	vor.u32 $0x3, v10;
	v8 =	vld.idx.msk [tilespmem:v10+s19+$0x0], $0xffff  }
0x1a2: {  	v38 =	vld.idx.msk [tilespmem:v9+s18+$0x0], $0xffff  }
0x1a3: {  	v39 =	vor.u32 $0x4, v10;
	v9 =	vld.idx.msk [tilespmem:v9+s19+$0x0], $0xffff  }
0x1a4: {  	v40 =	vld.idx.msk [tilespmem:v7+s18+$0x0], $0xffff  }
0x1a5: {  	v41 =	vor.u32 $0x5, v10;
	v7 =	vld.idx.msk [tilespmem:v7+s19+$0x0], $0xffff;
	v6 =	vadd.f32 $0.0e+00, v6  }
0x1a6: {  	v42 =	vld.idx.msk [tilespmem:v11+s18+$0x0], $0xffff;
	v8 =	vadd.f32 $0.0e+00, v8  }
0x1a7: {  	v43 =	vor.u32 $0x6, v10;
	v11 =	vld.idx.msk [tilespmem:v11+s19+$0x0], $0xffff;
	v6 =	vadd.f32 v38, v6  }
0x1a8: {  	v44 =	vld.idx.msk [tilespmem:v39+s18+$0x0], $0xffff;
	v8 =	vadd.f32 v9, v8  }
0x1a9: {  	v45 =	vor.u32 $0x7, v10;
	v9 =	vld.idx.msk [tilespmem:v39+s19+$0x0], $0xffff;
	v6 =	vadd.f32 v40, v6  }
0x1aa: {  	v46 =	vld.idx.msk [tilespmem:v41+s18+$0x0], $0xffff;
	v7 =	vadd.f32 v7, v8  }
0x1ab: {  	v47 =	vor.u32 $0x8, v10;
	v8 =	vld.idx.msk [tilespmem:v41+s19+$0x0], $0xffff;
	v6 =	vadd.f32 v42, v6  }
0x1ac: {  	v48 =	vld.idx.msk [tilespmem:v43+s18+$0x0], $0xffff;
	v7 =	vadd.f32 v11, v7  }
0x1ad: {  	v49 =	vor.u32 $0x9, v10;
	v11 =	vld.idx.msk [tilespmem:v43+s19+$0x0], $0xffff;
	v6 =	vadd.f32 v44, v6  }
0x1ae: {  	v50 =	vld.idx.msk [tilespmem:v45+s18+$0x0], $0xffff;
	v7 =	vadd.f32 v9, v7  }
0x1af: {  	v51 =	vor.u32 $0xA, v10;
	v9 =	vld.idx.msk [tilespmem:v45+s19+$0x0], $0xffff;
	v6 =	vadd.f32 v46, v6  }
0x1b0: {  	v52 =	vld.idx.msk [tilespmem:v47+s18+$0x0], $0xffff;
	v7 =	vadd.f32 v8, v7  }
0x1b1: {  	v53 =	vor.u32 $0xB, v10;
	v8 =	vld.idx.msk [tilespmem:v47+s19+$0x0], $0xffff;
	v6 =	vadd.f32 v48, v6  }
0x1b2: {  	v54 =	vld.idx.msk [tilespmem:v49+s18+$0x0], $0xffff;
	v7 =	vadd.f32 v11, v7  }
0x1b3: {  	v55 =	vor.u32 $0xC, v10;
	v11 =	vld.idx.msk [tilespmem:v49+s19+$0x0], $0xffff;
	v6 =	vadd.f32 v50, v6  }
0x1b4: {  	v56 =	vld.idx.msk [tilespmem:v51+s18+$0x0], $0xffff;
	v7 =	vadd.f32 v9, v7  }
0x1b5: {  	v57 =	vor.u32 $0xD, v10;
	v9 =	vld.idx.msk [tilespmem:v51+s19+$0x0], $0xffff;
	v6 =	vadd.f32 v52, v6  }
0x1b6: {  	v58 =	vld.idx.msk [tilespmem:v53+s18+$0x0], $0xffff;
	v7 =	vadd.f32 v8, v7  }
0x1b7: {  	v59 =	vor.u32 $0xE, v10;
	v8 =	vld.idx.msk [tilespmem:v53+s19+$0x0], $0xffff;
	v6 =	vadd.f32 v54, v6  }
0x1b8: {  	v60 =	vld.idx.msk [tilespmem:v55+s18+$0x0], $0xffff;
	v7 =	vadd.f32 v11, v7  }
0x1b9: {  	v10 =	vor.u32 $0xF, v10;
	v11 =	vld.idx.msk [tilespmem:v55+s19+$0x0], $0xffff;
	v6 =	vadd.f32 v56, v6  }
0x1ba: {  	v61 =	vld.idx.msk [tilespmem:v57+s18+$0x0], $0xffff;
	v7 =	vadd.f32 v9, v7  }
0x1bb: {  	v9 =	vld.idx.msk [tilespmem:v57+s19+$0x0], $0xffff;
	v6 =	vadd.f32 v58, v6  }
0x1bc: {  	v62 =	vld.idx.msk [tilespmem:v59+s18+$0x0], $0xffff;
	v7 =	vadd.f32 v8, v7  }
0x1bd: {  	v8 =	vadd.f32 v60, v6;
	v6 =	vld.idx.msk [tilespmem:v59+s19+$0x0], $0xffff  }
0x1be: {  	v11 =	vadd.f32 v11, v7;
	v7 =	vld.idx.msk [tilespmem:v10+s18+$0x0], $0xffff  }
0x1bf: {  	s28 =	simm.s32 $0x20;
	v12 =	vadd.f32 v61, v8;
	v8 =	vld.idx.msk [tilespmem:v10+s19+$0x0], $0xffff  }
0x1c0: {  	v63 =	vmov s28;
	v9 =	vadd.f32 v9, v11  }
0x1c1: {  	s29 =	simm.s32 $0x30;
	v11 =	vshll.u32 v63, $0x4;
	v10 =	vadd.f32 v62, v12  }
.LBB2_10:
0x1c2: {  	p0 =	sne.s32 s29, $0x870;
	v11 =	vor.u32 v5, v11;
	v6 =	vadd.f32 v6, v9  }
0x1c3: {  	v7 =	vadd.f32 v7, v10  }
0x1c4: {  	s25 =	sadd.s32 $0x10, s25;
	v9 =	vor.u32 $0x1, v11;
	v6 =	vadd.f32 v8, v6  }
0x1c5: {  	s1 =	sand.u32 $0xFF0, s26;
	s26 =	smov.u32 s28;
	s28 =	smov.u32 s29;
	[tilespmem:s25+$0x0] =	vst v7  }
0x1c6: {  	v7 =	vor.u32 $0x2, v11;
	[tilespmem:s1+$0x19880] =	vst v6  }
0x1c7: {  	v6 =	vld.idx.msk [tilespmem:v11+s18+$0x0], $0xffff  }
0x1c8: {  	v10 =	vor.u32 $0x3, v11;
	v8 =	vld.idx.msk [tilespmem:v11+s19+$0x0], $0xffff  }
0x1c9: {  	v12 =	vld.idx.msk [tilespmem:v9+s18+$0x0], $0xffff  }
0x1ca: {  	v13 =	vor.u32 $0x4, v11;
	v9 =	vld.idx.msk [tilespmem:v9+s19+$0x0], $0xffff  }
0x1cb: {  	v14 =	vld.idx.msk [tilespmem:v7+s18+$0x0], $0xffff  }
0x1cc: {  	v15 =	vor.u32 $0x5, v11;
	v7 =	vld.idx.msk [tilespmem:v7+s19+$0x0], $0xffff  }
0x1cd: {  	v6 =	vadd.f32 $0.0e+00, v6;
	v16 =	vld.idx.msk [tilespmem:v10+s18+$0x0], $0xffff  }
0x1ce: {  	v17 =	vor.u32 $0x6, v11;
	v8 =	vadd.f32 $0.0e+00, v8;
	v10 =	vld.idx.msk [tilespmem:v10+s19+$0x0], $0xffff  }
0x1cf: {  	v6 =	vadd.f32 v12, v6;
	v12 =	vld.idx.msk [tilespmem:v13+s18+$0x0], $0xffff  }
0x1d0: {  	v8 =	vadd.f32 v9, v8;
	v9 =	vld.idx.msk [tilespmem:v13+s19+$0x0], $0xffff;
	v13 =	vor.u32 $0x7, v11  }
0x1d1: {  	v6 =	vadd.f32 v14, v6;
	v14 =	vld.idx.msk [tilespmem:v15+s18+$0x0], $0xffff  }
0x1d2: {  	v7 =	vadd.f32 v7, v8;
	v8 =	vld.idx.msk [tilespmem:v15+s19+$0x0], $0xffff;
	v15 =	vor.u32 $0x8, v11  }
0x1d3: {  	v6 =	vadd.f32 v16, v6;
	v16 =	vld.idx.msk [tilespmem:v17+s18+$0x0], $0xffff  }
0x1d4: {  	v7 =	vadd.f32 v10, v7;
	v10 =	vld.idx.msk [tilespmem:v17+s19+$0x0], $0xffff;
	v17 =	vor.u32 $0x9, v11  }
0x1d5: {  	v6 =	vadd.f32 v12, v6;
	v12 =	vld.idx.msk [tilespmem:v13+s18+$0x0], $0xffff  }
0x1d6: {  	v7 =	vadd.f32 v9, v7;
	v9 =	vld.idx.msk [tilespmem:v13+s19+$0x0], $0xffff;
	v13 =	vor.u32 $0xA, v11  }
0x1d7: {  	v6 =	vadd.f32 v14, v6;
	v14 =	vld.idx.msk [tilespmem:v15+s18+$0x0], $0xffff  }
0x1d8: {  	v7 =	vadd.f32 v8, v7;
	v8 =	vld.idx.msk [tilespmem:v15+s19+$0x0], $0xffff;
	v15 =	vor.u32 $0xB, v11  }
0x1d9: {  	v6 =	vadd.f32 v16, v6;
	v16 =	vld.idx.msk [tilespmem:v17+s18+$0x0], $0xffff  }
0x1da: {  	v7 =	vadd.f32 v10, v7;
	v10 =	vld.idx.msk [tilespmem:v17+s19+$0x0], $0xffff;
	v17 =	vor.u32 $0xC, v11  }
0x1db: {  	v6 =	vadd.f32 v12, v6;
	v12 =	vld.idx.msk [tilespmem:v13+s18+$0x0], $0xffff  }
0x1dc: {  	v7 =	vadd.f32 v9, v7;
	v9 =	vld.idx.msk [tilespmem:v13+s19+$0x0], $0xffff;
	v13 =	vor.u32 $0xD, v11  }
0x1dd: {  	v6 =	vadd.f32 v14, v6;
	v14 =	vld.idx.msk [tilespmem:v15+s18+$0x0], $0xffff  }
0x1de: {  	v7 =	vadd.f32 v8, v7;
	v8 =	vld.idx.msk [tilespmem:v15+s19+$0x0], $0xffff;
	v15 =	vor.u32 $0xE, v11  }
0x1df: {  	v6 =	vadd.f32 v16, v6;
	v16 =	vld.idx.msk [tilespmem:v17+s18+$0x0], $0xffff  }
0x1e0: {  	v11 =	vor.u32 $0xF, v11;
	v7 =	vadd.f32 v10, v7;
	v10 =	vld.idx.msk [tilespmem:v17+s19+$0x0], $0xffff  }
0x1e1: {  	v6 =	vadd.f32 v12, v6;
	v12 =	vld.idx.msk [tilespmem:v13+s18+$0x0], $0xffff  }
0x1e2: {  	v7 =	vadd.f32 v9, v7;
	v9 =	vld.idx.msk [tilespmem:v13+s19+$0x0], $0xffff  }
0x1e3: {  	v13 =	vadd.f32 v14, v6;
	v14 =	vld.idx.msk [tilespmem:v15+s18+$0x0], $0xffff  }
0x1e4: {  	v8 =	vadd.f32 v8, v7;
	v6 =	vld.idx.msk [tilespmem:v15+s19+$0x0], $0xffff  }
.Ltmp5:
0x1e5: {  	v13 =	vadd.f32 v16, v13;
	v7 =	vld.idx.msk [tilespmem:v11+s18+$0x0], $0xffff;
	(pc) =	sbr.rel @p0 .LBB2_10-.Ltmp5, $4  }
0x1e6: {  	v10 =	vadd.f32 v10, v8;
	v8 =	vld.idx.msk [tilespmem:v11+s19+$0x0], $0xffff  }
0x1e7: {  	v12 =	vadd.f32 v12, v13  }
0x1e8: {  	v11 =	vmov s29;
	v9 =	vadd.f32 v9, v10  }
0x1e9: {  	s29 =	sadd.s32 $0x10, s29;
	v11 =	vshll.u32 v11, $0x4;
	v10 =	vadd.f32 v14, v12  }
0x1ea: {  	v5 =	vor.u32 v5, v11;
	v6 =	vadd.f32 v6, v9  }
0x1eb: {  	v7 =	vadd.f32 v7, v10  }
0x1ec: {  	s25 =	sadd.s32 $0x10, s25;
	v28 =	vor.u32 $0x1, v5;
	v6 =	vadd.f32 v8, v6  }
0x1ed: {  	s1 =	sand.u32 $0xFF0, s26;
	[tilespmem:s25+$0x0] =	vst v7  }
0x1ee: {  	v29 =	vor.u32 $0x2, v5;
	[tilespmem:s1+$0x19880] =	vst v6  }
0x1ef: {  	v6 =	vld.idx.msk [tilespmem:v5+s18+$0x0], $0xffff  }
0x1f0: {  	v31 =	vor.u32 $0x3, v5;
	v30 =	vld.idx.msk [tilespmem:v5+s19+$0x0], $0xffff  }
0x1f1: {  	v32 =	vld.idx.msk [tilespmem:v28+s18+$0x0], $0xffff  }
0x1f2: {  	v12 =	vor.u32 $0x4, v5;
	v9 =	vld.idx.msk [tilespmem:v28+s19+$0x0], $0xffff  }
0x1f3: {  	v13 =	vld.idx.msk [tilespmem:v29+s18+$0x0], $0xffff  }
0x1f4: {  	v14 =	vor.u32 $0x5, v5;
	v7 =	vld.idx.msk [tilespmem:v29+s19+$0x0], $0xffff;
	v6 =	vadd.f32 $0.0e+00, v6  }
0x1f5: {  	v15 =	vld.idx.msk [tilespmem:v31+s18+$0x0], $0xffff;
	v8 =	vadd.f32 $0.0e+00, v30  }
0x1f6: {  	v16 =	vor.u32 $0x6, v5;
	v10 =	vld.idx.msk [tilespmem:v31+s19+$0x0], $0xffff;
	v6 =	vadd.f32 v32, v6  }
0x1f7: {  	v33 =	vld.idx.msk [tilespmem:v12+s18+$0x0], $0xffff;
	v8 =	vadd.f32 v9, v8  }
0x1f8: {  	v35 =	vor.u32 $0x7, v5;
	v34 =	vld.idx.msk [tilespmem:v12+s19+$0x0], $0xffff;
	v6 =	vadd.f32 v13, v6  }
0x1f9: {  	v36 =	vld.idx.msk [tilespmem:v14+s18+$0x0], $0xffff;
	v7 =	vadd.f32 v7, v8  }
0x1fa: {  	v38 =	vor.u32 $0x8, v5;
	v37 =	vld.idx.msk [tilespmem:v14+s19+$0x0], $0xffff;
	v6 =	vadd.f32 v15, v6  }
0x1fb: {  	v39 =	vld.idx.msk [tilespmem:v16+s18+$0x0], $0xffff;
	v7 =	vadd.f32 v10, v7  }
0x1fc: {  	v41 =	vor.u32 $0x9, v5;
	v40 =	vld.idx.msk [tilespmem:v16+s19+$0x0], $0xffff;
	v6 =	vadd.f32 v33, v6  }
0x1fd: {  	v42 =	vld.idx.msk [tilespmem:v35+s18+$0x0], $0xffff;
	v7 =	vadd.f32 v34, v7  }
0x1fe: {  	v44 =	vor.u32 $0xA, v5;
	v43 =	vld.idx.msk [tilespmem:v35+s19+$0x0], $0xffff;
	v6 =	vadd.f32 v36, v6  }
0x1ff: {  	v45 =	vld.idx.msk [tilespmem:v38+s18+$0x0], $0xffff;
	v7 =	vadd.f32 v37, v7  }
0x200: {  	v47 =	vor.u32 $0xB, v5;
	v46 =	vld.idx.msk [tilespmem:v38+s19+$0x0], $0xffff;
	v6 =	vadd.f32 v39, v6  }
0x201: {  	v48 =	vld.idx.msk [tilespmem:v41+s18+$0x0], $0xffff;
	v7 =	vadd.f32 v40, v7  }
0x202: {  	v50 =	vor.u32 $0xC, v5;
	v49 =	vld.idx.msk [tilespmem:v41+s19+$0x0], $0xffff;
	v6 =	vadd.f32 v42, v6  }
0x203: {  	v51 =	vld.idx.msk [tilespmem:v44+s18+$0x0], $0xffff;
	v7 =	vadd.f32 v43, v7  }
0x204: {  	v53 =	vor.u32 $0xD, v5;
	v52 =	vld.idx.msk [tilespmem:v44+s19+$0x0], $0xffff;
	v6 =	vadd.f32 v45, v6  }
0x205: {  	v54 =	vld.idx.msk [tilespmem:v47+s18+$0x0], $0xffff;
	v7 =	vadd.f32 v46, v7  }
0x206: {  	v56 =	vor.u32 $0xE, v5;
	v55 =	vld.idx.msk [tilespmem:v47+s19+$0x0], $0xffff;
	v6 =	vadd.f32 v48, v6  }
0x207: {  	v57 =	vld.idx.msk [tilespmem:v50+s18+$0x0], $0xffff;
	v7 =	vadd.f32 v49, v7  }
0x208: {  	v5 =	vor.u32 $0xF, v5;
	v58 =	vld.idx.msk [tilespmem:v50+s19+$0x0], $0xffff;
	v6 =	vadd.f32 v51, v6  }
0x209: {  	v59 =	vld.idx.msk [tilespmem:v53+s18+$0x0], $0xffff;
	v7 =	vadd.f32 v52, v7  }
0x20a: {  	v60 =	vld.idx.msk [tilespmem:v53+s19+$0x0], $0xffff;
	v6 =	vadd.f32 v54, v6  }
0x20b: {  	v61 =	vld.idx.msk [tilespmem:v56+s18+$0x0], $0xffff;
	v7 =	vadd.f32 v55, v7  }
0x20c: {  	v62 =	vld.idx.msk [tilespmem:v56+s19+$0x0], $0xffff;
	v6 =	vadd.f32 v57, v6  }
0x20d: {  	v63 =	vld.idx.msk [tilespmem:v5+s18+$0x0], $0xffff;
	v7 =	vadd.f32 v58, v7  }
0x20e: {  	v5 =	vld.idx.msk [tilespmem:v5+s19+$0x0], $0xffff;
	v6 =	vadd.f32 v59, v6  }
0x20f: {  	v7 =	vadd.f32 v60, v7  }
0x210: {  	v6 =	vadd.f32 v61, v6  }
0x211: {  	v7 =	vadd.f32 v62, v7  }
0x212: {  	v6 =	vadd.f32 v63, v6  }
0x213: {  	s30 =	sadd.s32 $0x10, s25;
	v5 =	vadd.f32 v5, v7  }
0x214: {  	s31 =	sand.u32 $0xFF0, s28;
	[tilespmem:s30+$0x0] =	vst v6  }
0x215: {  	[tilespmem:s31+$0x19880] =	vst v5  }
0x216: {  	[tilespmem:$0x1A100] =	vst v4  }
0x217: {  	[tilespmem:$0x1A110] =	vst v3  }
0x218: {  	[tilespmem:$0x1A120] =	vst v2  }
0x219: {  	[tilespmem:$0x1A130] =	vst v2  }
0x21a: {  	[tilespmem:$0x1A140] =	vst v2  }
0x21b: {  	[tilespmem:$0x1A150] =	vst v2  }
0x21c: {  	[tilespmem:$0x1A160] =	vst v2  }
0x21d: {  	[tilespmem:$0x1A170] =	vst v2  }
0x21e: {  	[tilespmem:$0x1A180] =	vst v2  }
0x21f: {  	[tilespmem:$0x1A190] =	vst v2  }
0x220: {  	[tilespmem:$0x1A1A0] =	vst v2  }
0x221: {  	[tilespmem:$0x1A1B0] =	vst v2  }
0x222: {  	[tilespmem:$0x1A1C0] =	vst v2  }
0x223: {  	[tilespmem:$0x1A1D0] =	vst v2  }
0x224: {  	[tilespmem:$0x1A1E0] =	vst v2  }
0x225: {  	[tilespmem:$0x1A1F0] =	vst v2  }
0x226: {  	[tilespmem:$0x1A200] =	vst v2  }
0x227: {  	[tilespmem:$0x1A210] =	vst v2  }
0x228: {  	[tilespmem:$0x1A220] =	vst v2  }
0x229: {  	[tilespmem:$0x1A230] =	vst v2  }
0x22a: {  	[tilespmem:$0x1A240] =	vst v2  }
0x22b: {  	[tilespmem:$0x1A250] =	vst v2  }
0x22c: {  	[tilespmem:$0x1A260] =	vst v2  }
0x22d: {  	[tilespmem:$0x1A270] =	vst v2  }
0x22e: {  	[tilespmem:$0x1A280] =	vst v2  }
0x22f: {  	[tilespmem:$0x1A290] =	vst v2  }
0x230: {  	[tilespmem:$0x1A2A0] =	vst v2  }
0x231: {  	[tilespmem:$0x1A2B0] =	vst v2  }
0x232: {  	[tilespmem:$0x1A2C0] =	vst v2  }
0x233: {  	[tilespmem:$0x1A2D0] =	vst v2  }
0x234: {  	[tilespmem:$0x1A2E0] =	vst v2  }
0x235: {  	[tilespmem:$0x1A2F0] =	vst v2  }
0x236: {  	[tilespmem:$0x1A300] =	vst v2  }
0x237: {  	[tilespmem:$0x1A310] =	vst v2  }
0x238: {  	[tilespmem:$0x1A320] =	vst v2  }
0x239: {  	[tilespmem:$0x1A330] =	vst v2  }
0x23a: {  	[tilespmem:$0x1A340] =	vst v2  }
0x23b: {  	[tilespmem:$0x1A350] =	vst v2  }
0x23c: {  	[tilespmem:$0x1A360] =	vst v2  }
0x23d: {  	[tilespmem:$0x1A370] =	vst v2  }
0x23e: {  	[tilespmem:$0x1A380] =	vst v2  }
0x23f: {  	[tilespmem:$0x1A390] =	vst v2  }
0x240: {  	[tilespmem:$0x1A3A0] =	vst v2  }
0x241: {  	[tilespmem:$0x1A3B0] =	vst v2  }
0x242: {  	[tilespmem:$0x1A3C0] =	vst v2  }
0x243: {  	[tilespmem:$0x1A3D0] =	vst v2  }
0x244: {  	[tilespmem:$0x1A3E0] =	vst v2  }
0x245: {  	[tilespmem:$0x1A3F0] =	vst v2  }
0x246: {  	[tilespmem:$0x1A400] =	vst v2  }
0x247: {  	[tilespmem:$0x1A410] =	vst v2  }
0x248: {  	[tilespmem:$0x1A420] =	vst v2  }
0x249: {  	[tilespmem:$0x1A430] =	vst v2  }
0x24a: {  	[tilespmem:$0x1A440] =	vst v2  }
0x24b: {  	[tilespmem:$0x1A450] =	vst v2  }
0x24c: {  	[tilespmem:$0x1A460] =	vst v2  }
0x24d: {  	[tilespmem:$0x1A470] =	vst v2  }
0x24e: {  	[tilespmem:$0x1A480] =	vst v2  }
0x24f: {  	[tilespmem:$0x1A490] =	vst v2  }
0x250: {  	[tilespmem:$0x1A4A0] =	vst v2  }
0x251: {  	[tilespmem:$0x1A4B0] =	vst v2  }
0x252: {  	[tilespmem:$0x1A4C0] =	vst v2  }
0x253: {  	[tilespmem:$0x1A4D0] =	vst v2  }
0x254: {  	[tilespmem:$0x1A4E0] =	vst v2  }
0x255: {  	[tilespmem:$0x1A4F0] =	vst v2  }
0x256: {  	[tilespmem:$0x1A500] =	vst v2  }
0x257: {  	[tilespmem:$0x1A510] =	vst v2  }
0x258: {  	[tilespmem:$0x1A520] =	vst v2  }
0x259: {  	[tilespmem:$0x1A530] =	vst v2  }
0x25a: {  	[tilespmem:$0x1A540] =	vst v2  }
0x25b: {  	[tilespmem:$0x1A550] =	vst v2  }
0x25c: {  	[tilespmem:$0x1A560] =	vst v2  }
0x25d: {  	[tilespmem:$0x1A570] =	vst v2  }
0x25e: {  	[tilespmem:$0x1A580] =	vst v2  }
0x25f: {  	[tilespmem:$0x1A590] =	vst v2  }
0x260: {  	[tilespmem:$0x1A5A0] =	vst v2  }
0x261: {  	[tilespmem:$0x1A5B0] =	vst v2  }
0x262: {  	[tilespmem:$0x1A5C0] =	vst v2  }
0x263: {  	[tilespmem:$0x1A5D0] =	vst v2  }
0x264: {  	[tilespmem:$0x1A5E0] =	vst v2  }
0x265: {  	[tilespmem:$0x1A5F0] =	vst v2  }
0x266: {  	[tilespmem:$0x1A600] =	vst v2  }
0x267: {  	[tilespmem:$0x1A610] =	vst v2  }
0x268: {  	[tilespmem:$0x1A620] =	vst v2  }
0x269: {  	[tilespmem:$0x1A630] =	vst v2  }
0x26a: {  	[tilespmem:$0x1A640] =	vst v2  }
0x26b: {  	[tilespmem:$0x1A650] =	vst v2  }
0x26c: {  	[tilespmem:$0x1A660] =	vst v2  }
0x26d: {  	[tilespmem:$0x1A670] =	vst v2  }
0x26e: {  	[tilespmem:$0x1A680] =	vst v2  }
0x26f: {  	[tilespmem:$0x1A690] =	vst v2  }
0x270: {  	[tilespmem:$0x1A6A0] =	vst v2  }
0x271: {  	[tilespmem:$0x1A6B0] =	vst v2  }
0x272: {  	[tilespmem:$0x1A6C0] =	vst v2  }
0x273: {  	[tilespmem:$0x1A6D0] =	vst v2  }
0x274: {  	[tilespmem:$0x1A6E0] =	vst v2  }
0x275: {  	[tilespmem:$0x1A6F0] =	vst v2  }
0x276: {  	[tilespmem:$0x1A700] =	vst v2  }
0x277: {  	[tilespmem:$0x1A710] =	vst v2  }
0x278: {  	[tilespmem:$0x1A720] =	vst v2  }
0x279: {  	[tilespmem:$0x1A730] =	vst v2  }
0x27a: {  	[tilespmem:$0x1A740] =	vst v2  }
0x27b: {  	[tilespmem:$0x1A750] =	vst v2  }
0x27c: {  	[tilespmem:$0x1A760] =	vst v2  }
0x27d: {  	[tilespmem:$0x1A770] =	vst v2  }
0x27e: {  	[tilespmem:$0x1A780] =	vst v2  }
0x27f: {  	[tilespmem:$0x1A790] =	vst v2  }
0x280: {  	[tilespmem:$0x1A7A0] =	vst v2  }
0x281: {  	[tilespmem:$0x1A7B0] =	vst v2  }
0x282: {  	[tilespmem:$0x1A7C0] =	vst v2  }
0x283: {  	s24 =	sadd.s32 $0x1, s24;
	[tilespmem:$0x1A7D0] =	vst v2  }
0x284: {  	p0 =	sne.s32 s24, s12;
	[tilespmem:$0x1A7E0] =	vst v2  }
.Ltmp6:
0x285: {  	[tilespmem:$0x1A7F0] =	vst v2;
	(pc) =	sbr.rel @p0 .LBB2_1-.Ltmp6, $4  }
0x286: {  	[hbm4b:s11+s4] =	stream.linear.scatter [tilespmem:s22], [sflag:$0x5], $0x1800, $0x38;
	[tilespmem:$0x1A800] =	vst v63  }
0x287: {  	_ =	swait.ge [sflag:s23], $0x1800  }
0x288: {  	[sflag:s23] =	ssyncset.done $0x0  }
0x289: {  	[sflag:s23] =	ssyncadd.s32 $0xFFFFE800  }
0x28a: {  	_ =	sfence.sel $0x180000  }
0x28b: {  	[bflag:$0x0] =	sbarrier.arrive $0xFFFF  }
0x28c: {  	_ =	strace $0x90000047  }
0x28d: {  	s0 =	stileid.u32;
	[bflag:$0x2] =	sbarrier.arrive $0xFFFF  }
0x28e: {  	p0 =	sne.s32 s0, $0x0;
	s0 =	rddreg [dreg:$0x3]  }
0x28f: {  	s0 =	sadd.s32 @!p0 $0x100000, s0  }
0x290: {  	[sflag:s0] =	ssyncadd.tile.s32 @!p0 $0x1;
	_ =	shalt  }
.Lfunc_end2:
_tile_overlayer_lowered:
.L_overlay_start_2:
0x291: {  	(tag) =	ssettag $0x2  }
0x292: {  	s0 =	rddreg [dreg:$0x0];
	s2 =	stileid.u32  }
0x293: {  	s1 =	rddreg [dreg:$0x1];
	p0 =	sne.s32 s2, $0x0  }
0x294: {  	s3 =	rddreg [dreg:$0x2];
	[bflag:$0x3] =	sbarrier.arrive $0xFFFF;
	s2 =	simm.s32 @!p0 $0x1C05  }
0x295: {  	[timem:s3], [sflag:s2] =	dma.local @!p0 [hbm:s0], s1  }
0x296: {  	s0 =	simm.s32 @!p0 $0x5  }
0x297: {  	_ =	swait.ge @!p0 [sflag:s0], s1  }
0x298: {  	s1 =	ssub.s32 @!p0 $0x0, s1;
	[sflag:s0] =	ssyncset.done @!p0 $0x0  }
0x299: {  	[sflag:s0] =	ssyncadd.s32 @!p0 s1  }
0x29a: {  	[bflag:$0x3] =	sbarrier.arrive $0xFFFF  }
0x29b: {  	_ =	shalt  }

// kernel: kernel.7.cloned.1.call-start
scs
__scs_entry_jumppad:
0x0: {  	(pc) =	sbr.rel $0x88, $3  }
0x1: {  	(tag) =	ssettag $0x0;
	lr =	simm.s32 $0x1  }
0x2: {  	[smem:$0x3F9F] =	sst lr;
	_ =	strace $0xD0000000  }
0x3: {  	_ = 	snop  }
0x4: {  	_ = 	snop  }
0x5: {  	_ = 	snop  }
0x6: {  	_ = 	snop  }
0x7: {  	_ = 	snop  }
__scs_overlays_trampoline_lowered:
0x8: {  	[smem:$0x3FAE] =	sst s0  }
0x9: {  	[smem:$0x3FAF] =	sst s1  }
0xa: {  	[smem:$0x3FB0] =	sst s2  }
0xb: {  	[smem:$0x3FB1] =	sst s3  }
0xc: {  	[smem:$0x3FB2] =	sst s4  }
0xd: {  	[smem:$0x3FB3] =	sst s5  }
0xe: {  	[smem:$0x3FB4] =	sst s6  }
0xf: {  	[smem:$0x3FB5] =	sst s7  }
0x10: {  	[smem:$0x3FB6] =	sst s8  }
0x11: {  	[smem:$0x3FB7] =	sst s9;
	s0 =	simm.s32 @!p0 $0x0  }
0x12: {  	s1 =	sld [smem:$0x3F9D];
	s0 =	simm.s32 @p0 $0x1  }
0x13: {  	[smem:$0x3FB8] =	sst s0;
	s0 =	simm.s32 @!p1 $0x0  }
0x14: {  	s2 =	sld [smem:$0x3F9C];
	s0 =	simm.s32 @p1 $0x1  }
0x15: {  	[smem:$0x3FB9] =	sst s0;
	s0 =	simm.s32 @!p2 $0x0  }
0x16: {  	s3 =	sld [smem:$0x3FDB];
	s0 =	simm.s32 @p2 $0x1  }
0x17: {  	s4 =	simm.s32 $0x1BF5;
	[smem:$0x3FBB] =	sst s0  }
0x18: {  	s0 =	sld [smem:$0x3F9E];
	_ =	swait.ge [sflag:s4], $0x0  }
0x19: {  	s7 =	sld [smem:$0x3F9F]  }
0x1a: {  	s8 =	sadd.s32 $0xFFFFE003, lr  }
0x1b: {  	s9 =	sadd.s32 $0xFFFFFEF7, lr;
	s5 =	simm.s32 $0xFFFFFFFF;
	p2 =	slt.u32 s8, $0xFFFFF086  }
0x1c: {  	p1 =	slt.u32 s9, $0xF7A;
	s5 =	simm.s32 @!p2 $0x0  }
0x1d: {  	s5 =	simm.s32 @p1 $0x1;
	p0 =	seq.s32 s7, s2  }
0x1e: {  	s7 =	smul.u32 @!p0 $0xF7A, s2;
	p2 =	seq.s32 @!p0 s5, $0x0  }
0x1f: {  	s9 =	smul.u32 $0xF7A, s1;
	s8 =	simm.s32 @!p0 $0x1BF5;
	p2 =	por !p2, p0  }
0x20: {  	[sflag:s8] =	ssyncset.s32 @!p0 $0xFFFFF086;
	s6 =	sadd.s32 @!p0 s3, s7;
	s7 =	simm.s32 @!p0 $0x108  }
0x21: {  	s3 =	sadd.s32 s3, s9;
	s6 =	sadd.s32 @!p0 $0x88, s6;
	s7 =	simm.s32 @p2 $0x1082  }
0x22: {  	[simem:s7], [sflag:s8] =	dma.local @!p0 [hbm:s6], $0xF7A  }
0x23: {  	s9 =	sor.u32 $0xD0000000, s2;
	s6 =	simm.s32 $0x108;
	_ =	swait.ge @!p0 [sflag:s8], $0x0  }
0x24: {  	s3 =	sadd.s32 $0x88, s3;
	s6 =	simm.s32 @!p1 $0x1082;
	[sflag:s4] =	ssyncset.s32 $0xFFFFF086  }
0x25: {  	[simem:s6], [sflag:s4] =	dma.local [hbm:s3], $0xF7A  }
0x26: {  	[smem:$0x3F9F] =	sst s1;
	(tag) =	ssettag s2;
	_ =	strace s9  }
0x27: {  	s1 =	sld [smem:$0x3FAF]  }
0x28: {  	s2 =	sld [smem:$0x3FB0]  }
0x29: {  	s4 =	sld [smem:$0x3FB2]  }
0x2a: {  	p0 =	seq.s32 s5, $0x0;
	s5 =	sld [smem:$0x3FB3]  }
0x2b: {  	s6 =	sld [smem:$0x3FB4]  }
0x2c: {  	s7 =	sld [smem:$0x3FB5]  }
0x2d: {  	s3 =	simm.s32 $0x108;
	s8 =	sld [smem:$0x3FB6]  }
0x2e: {  	s3 =	simm.s32 @!p0 $0x1082;
	s9 =	sld [smem:$0x3FB7]  }
0x2f: {  	lr =	sadd.s32 s0, s3;
	s0 =	sld [smem:$0x3FAE]  }
0x30: {  	s3 =	sld [smem:$0x3FB1]  }
0x31: {  	[smem:$0x3FBA] =	sst s10  }
0x32: {  	s10 =	sld [smem:$0x3FB8];
	_ =	sdelay $0x3  }
0x33: {  	p0 =	seq.s32 s10, $0x1;
	s10 =	sld [smem:$0x3FBA];
	_ =	sdelay $0x3  }
0x34: {  	[smem:$0x3FBA] =	sst s10  }
0x35: {  	s10 =	sld [smem:$0x3FB9];
	_ =	sdelay $0x3  }
0x36: {  	p1 =	seq.s32 s10, $0x1;
	s10 =	sld [smem:$0x3FBA];
	_ =	sdelay $0x3  }
0x37: {  	[smem:$0x3FBA] =	sst s10  }
0x38: {  	s10 =	sld [smem:$0x3FBB]  }
0x39: {  	_ = 	snop;
	(pc) =	sbr.ind lr, $3  }
0x3a: {  	_ = 	snop  }
0x3b: {  	_ = 	snop  }
0x3c: {  	p2 =	seq.s32 s10, $0x1;
	s10 =	sld [smem:$0x3FBA]  }
0x3d: {  	_ =	shalt  }
0x3e: {  	_ =	shalt  }
0x3f: {  	_ =	shalt  }
0x40: {  	_ =	shalt  }
0x41: {  	_ =	shalt  }
0x42: {  	_ =	shalt  }
0x43: {  	_ =	shalt  }
0x44: {  	_ =	shalt  }
0x45: {  	_ =	shalt  }
0x46: {  	_ =	shalt  }
0x47: {  	_ =	shalt  }
0x48: {  	_ =	shalt  }
0x49: {  	_ =	shalt  }
0x4a: {  	_ =	shalt  }
0x4b: {  	_ =	shalt  }
0x4c: {  	_ =	shalt  }
0x4d: {  	_ =	shalt  }
0x4e: {  	_ =	shalt  }
0x4f: {  	_ =	shalt  }
0x50: {  	_ =	shalt  }
0x51: {  	_ =	shalt  }
0x52: {  	_ =	shalt  }
0x53: {  	_ =	shalt  }
0x54: {  	_ =	shalt  }
0x55: {  	_ =	shalt  }
0x56: {  	_ =	shalt  }
0x57: {  	_ =	shalt  }
0x58: {  	_ =	shalt  }
0x59: {  	_ =	shalt  }
0x5a: {  	_ =	shalt  }
0x5b: {  	_ =	shalt  }
0x5c: {  	_ =	shalt  }
0x5d: {  	_ =	shalt  }
0x5e: {  	_ =	shalt  }
0x5f: {  	_ =	shalt  }
0x60: {  	_ =	shalt  }
0x61: {  	_ =	shalt  }
0x62: {  	_ =	shalt  }
0x63: {  	_ =	shalt  }
0x64: {  	_ =	shalt  }
0x65: {  	_ =	shalt  }
0x66: {  	_ =	shalt  }
0x67: {  	_ =	shalt  }
0x68: {  	_ =	shalt  }
0x69: {  	_ =	shalt  }
0x6a: {  	_ =	shalt  }
0x6b: {  	_ =	shalt  }
0x6c: {  	_ =	shalt  }
0x6d: {  	_ =	shalt  }
0x6e: {  	_ =	shalt  }
0x6f: {  	_ =	shalt  }
0x70: {  	_ =	shalt  }
0x71: {  	_ =	shalt  }
0x72: {  	_ =	shalt  }
0x73: {  	_ =	shalt  }
0x74: {  	_ =	shalt  }
0x75: {  	_ =	shalt  }
0x76: {  	_ =	shalt  }
0x77: {  	_ =	shalt  }
0x78: {  	_ =	shalt  }
0x79: {  	_ =	shalt  }
0x7a: {  	_ =	shalt  }
0x7b: {  	_ =	shalt  }
0x7c: {  	_ =	shalt  }
0x7d: {  	_ =	shalt  }
0x7e: {  	_ =	shalt  }
0x7f: {  	_ =	shalt  }
0x80: {  	_ =	shalt  }
0x81: {  	_ =	shalt  }
0x82: {  	_ =	shalt  }
0x83: {  	_ =	shalt  }
0x84: {  	_ =	shalt  }
0x85: {  	_ =	shalt  }
0x86: {  	_ =	shalt  }
0x87: {  	_ =	shalt  }
.Lfunc_end0:
.L_simem_size_0:
called_computation.1_lowered:
.L_overlay_start_0:
0x88: {  	s2 =	sld [smem:$0x3FD9]  }
0x89: {  	s3 =	sld [smem:$0x3FFE];
	_ =	sdelay $0x1  }
0x8a: {  	s1 =	srdreg.scid  }
0x8b: {  	s0 =	sand.u32 $0x1, s1  }
0x8c: {  	s17 =	sshll.u32 s0, $0xA;
	s2 =	sadd.s32 s3, s2  }
0x8d: {  	s2 =	sadd.s32 s2, s17  }
0x8e: {  	[smem:$0x3FC6] =	sst s2  }
0x8f: {  	_ = 	snop  }
0x90: {  	s2 =	sld [smem:$0x3FD0];
	(tm) =	ssettm $0x1  }
0x91: {  	s18 =	sld [smem:$0x3FFB];
	_ =	sdelay $0x3  }
0x92: {  	_ =	strace s18  }
0x93: {  	s3 =	sld [smem:$0x3FFC];
	_ =	sdelay $0x3  }
0x94: {  	_ =	strace s3  }
0x95: {  	s3 =	sld [smem:$0x3FFD];
	_ =	sdelay $0x3  }
0x96: {  	_ =	strace s3  }
0x97: {  	_ =	strace $0x8FFFFFFF  }
0x98: {  	s19 =	sld [smem:$0x3FDB];
	_ =	sdelay $0x1  }
0x99: {  	s4 =	simm.s32 $_scs_section_size  }
0x9a: {  	s5 =	simm.s32 $_size__tile_overlayer_lowered;
	s6 =	simm.s32 $_tile_overlayer_lowered  }
0x9b: {  	s22 =	simm.s32 $0x1BFF;
	s21 =	sshll.u32 s6, $0x1;
	s3 =	sadd.s32 s4, s19  }
0x9c: {  	s7 =	simm.s32 $0x0;
	s20 =	sshll.u32 s5, $0x1;
	s5 =	sadd.s32 s21, s3  }
0x9d: {  	[timem:s7], [sflag:s22] =	dma.local [hbm:s5], s20  }
0x9e: {  	_ =	swait.ge [sflag:s22], s20  }
0x9f: {  	s4 =	ssub.s32 $0x0, s20;
	[sflag:s22] =	ssyncset.done $0x0  }
0xa0: {  	[sflag:s22] =	ssyncadd.s32 s4;
	_ =	sdelay $0x1  }
0xa1: {  	s23 =	simm.s32 $0x1B8B  }
0xa2: {  	_ =	swait.ge [sflag:s23], $0x1  }
0xa3: {  	[sflag:s23] =	ssyncset.done $0x0  }
0xa4: {  	s25 =	simm.s32 $0x1B8E;
	s24 =	sld [smem:$0x3FFE];
	[sflag:s23] =	ssyncadd.s32 $0xFFFFFFFF  }
0xa5: {  	s26 =	simm.s32 $execute0_lowered;
	[smem:$0x3FD2] =	sst s25  }
0xa6: {  	s5 =	sshll.u32 s26, $0x1;
	_ =	strace $0x80000049;
	[dreg:$0x1] =	wrdreg $0xFFFFFFFF  }
0xa7: {  	s28 =	simm.s32 $_size_execute0_lowered;
	s3 =	sadd.s32 s3, s5;
	[dreg:$0x0] =	wrdreg $0x0  }
0xa8: {  	s5 =	sshll.u32 s28, $0x1;
	[dreg:$0x2] =	wrdreg s3  }
0xa9: {  	[dreg:$0x3] =	wrdreg s5  }
0xaa: {  	[dreg:$0x4] =	wrdreg $0xC0  }
0xab: {  	_ =	task [dreg:s7], $0x5FFFF  }
0xac: {  	[dreg:$0x1] =	wrdreg $0xFFFFFFFF  }
0xad: {  	[dreg:$0x0] =	wrdreg $0x60  }
0xae: {  	[dreg:$0x2] =	wrdreg s24  }
0xaf: {  	[dreg:$0x3] =	wrdreg s2  }
0xb0: {  	[dreg:$0x4] =	wrdreg $0x49800  }
0xb1: {  	[dreg:$0x5] =	wrdreg $0x9  }
0xb2: {  	_ =	task.clear_ibuf [dreg:s7], $0x6FFFF;
	_ =	strace $0x90000049  }
0xb3: {  	s29 =	simm.s32 $0x9;
	_ =	strace $0x8000004B  }
0xb4: {  	_ =	swait.ge [sflag:s29], $0x1  }
0xb5: {  	[sflag:s29] =	ssyncadd.s32 $0xFFFFFFFF  }
0xb6: {  	_ =	strace $0x9000004B  }
0xb7: {  	_ =	sfence  }
0xb8: {  	s30 =	sld [smem:$0x0];
	_ =	sdelay $0x2  }
0xb9: {  	s31 =	sshll.u32 s1, $0xD;
	s1 =	sshrl.u32 s1, $0x2  }
0xba: {  	s3 =	sand.u32 $0x4000, s31;
	s1 =	sadd.s32 s1, s30  }
0xbb: {  	s0 =	sor.u32 s3, s0;
	s1 =	sshll.u32 s1, $0x11  }
0xbc: {  	s0 =	sor.u32 s1, s0  }
0xbd: {  	s0 =	sadd.s32 $0x8F2B, s0  }
0xbe: {  	[sflag:s0] =	ssyncadd.remote.s32 $0x1  }
0xbf: {  	_ =	sfence.sel $0xFFFF  }
0xc0: {  	[dreg:$0x0] =	wrdreg $0xFFFFFFFF;
	(pc) =	sbr.abs _section_cstart, $3  }
0xc1: {  	[dreg:$0x1] =	wrdreg $0xFFFFFFFF  }
0xc2: {  	_ =	task.clear_ibuf [dreg:s7], $0x2FFFF;
	_ =	strace $0x9FFFFFFF  }
0xc3: {  	(tm) =	ssettm $0x7FFFFFFF  }
tec
execute0_lowered:
.L_overlay_start_1:
0x0: {  	(tag) =	ssettag $0x1  }
0x1: {  	s7 =	stileid.u32  }
0x2: {  	s2 =	smul.u32 $0x180, s7  }
0x3: {  	s0 =	rddreg [dreg:$0x0];
	s1 =	srdreg.scid  }
0x4: {  	s8 =	rddreg [dreg:$0x2];
	s4 =	simm.s32 $0x0;
	s5 =	sshrl.u32 s2, $0x3  }
0x5: {  	[smem:$0x7FF] =	sst s4;
	s2 =	sadd.s32 s2, s8;
	s12 =	sadd.s32 s5, s0  }
0x6: {  	_ =	strace $0x8000004A;
	[dreg:$0x7] =	wrdreg s2;
	s14 =	sadd.s32 $0x4400, s12  }
0x7: {  	s1 =	sand.u32 $0x1, s1;
	s19 =	sadd.s32 $0x4700, s12;
	[dreg:$0xb] =	wrdreg s14  }
0x8: {  	s3 =	ssub.s32 $0x2, s1;
	s20 =	sadd.s32 $0x4A00, s12;
	[dreg:$0xc] =	wrdreg s19  }
0x9: {  	s1 =	sor.u32 s7, s1;
	s15 =	sadd.s32 $0x4D00, s12;
	[dreg:$0xd] =	wrdreg s20  }
0xa: {  	s6 =	sshrl.u32 s3, $0x1;
	s16 =	sadd.s32 $0x5000, s12;
	[dreg:$0xe] =	wrdreg s15  }
0xb: {  	s18 =	ssub.s32 s3, s6;
	s17 =	sadd.s32 $0x5300, s12;
	[dreg:$0xf] =	wrdreg s16  }
0xc: {  	s7 =	smax.u32 s18, $0x1;
	s18 =	sadd.s32 $0x5600, s12;
	[dreg:$0x10] =	wrdreg s17  }
0xd: {  	s31 =	sadd.s32 $0x3500, s12;
	[dreg:$0x11] =	wrdreg s18  }
0xe: {  	p0 =	sne.s32 s1, $0x0;
	s1 =	sadd.s32 $0x3B00, s12;
	[dreg:$0x4] =	wrdreg s31  }
0xf: {  	[dreg:$0x6] =	wrdreg s1  }
0x10: {  	s8 =	sadd.s32 $0x3E00, s12;
	[dreg:$0x8] =	wrdreg s7  }
0x11: {  	s19 =	sadd.s32 $0x5900, s12;
	[dreg:$0x9] =	wrdreg s8  }
0x12: {  	s20 =	sadd.s32 $0x5C00, s12;
	[dreg:$0x12] =	wrdreg s19  }
0x13: {  	s15 =	sadd.s32 $0x5F00, s12;
	[dreg:$0x13] =	wrdreg s20  }
0x14: {  	s16 =	sadd.s32 $0x6200, s12;
	[dreg:$0x14] =	wrdreg s15  }
0x15: {  	s17 =	sadd.s32 $0x6500, s12;
	[dreg:$0x15] =	wrdreg s16  }
0x16: {  	s13 =	sadd.s32 $0x3800, s12;
	s18 =	sadd.s32 $0x810, s12;
	[dreg:$0x16] =	wrdreg s17  }
0x17: {  	s0 =	smov.u32 s13;
	[dreg:$0x17] =	wrdreg s18  }
0x18: {  	s19 =	sadd.s32 $0x820, s12;
	[dreg:$0x5] =	wrdreg s0  }
0x19: {  	s20 =	sadd.s32 $0xB10, s12;
	[dreg:$0x18] =	wrdreg s19  }
0x1a: {  	s15 =	sadd.s32 $0xB20, s12;
	[dreg:$0x19] =	wrdreg s20  }
0x1b: {  	s16 =	sadd.s32 $0xE10, s12;
	[dreg:$0x1a] =	wrdreg s15  }
0x1c: {  	s17 =	sadd.s32 $0xE20, s12;
	[dreg:$0x1b] =	wrdreg s16  }
0x1d: {  	s18 =	sadd.s32 $0x1110, s12;
	[dreg:$0x1c] =	wrdreg s17  }
0x1e: {  	[dreg:$0x1d] =	wrdreg s18;
	s19 =	sadd.s32 $0x1120, s12  }
0x1f: {  	s20 =	sadd.s32 $0x1410, s12;
	[dreg:$0x1e] =	wrdreg s19  }
0x20: {  	s15 =	sadd.s32 $0x1420, s12;
	[dreg:$0x1f] =	wrdreg s20  }
0x21: {  	s16 =	sadd.s32 $0x1710, s12;
	[smem:$0x7C7] =	sst s15  }
0x22: {  	s17 =	sadd.s32 $0x1720, s12;
	[smem:$0x7C8] =	sst s16  }
0x23: {  	s18 =	sadd.s32 $0x1A10, s12;
	[smem:$0x7C9] =	sst s17  }
0x24: {  	[smem:$0x7CA] =	sst s18;
	s19 =	sadd.s32 $0x1A20, s12  }
0x25: {  	s20 =	sadd.s32 $0x1D10, s12;
	[smem:$0x7CB] =	sst s19  }
0x26: {  	s15 =	sadd.s32 $0x1D20, s12;
	[smem:$0x7CC] =	sst s20  }
0x27: {  	s16 =	sadd.s32 $0x2010, s12;
	[smem:$0x7CD] =	sst s15  }
0x28: {  	s17 =	sadd.s32 $0x2020, s12;
	[smem:$0x7CE] =	sst s16  }
0x29: {  	s18 =	sadd.s32 $0x2310, s12;
	[smem:$0x7CF] =	sst s17  }
0x2a: {  	[smem:$0x7D0] =	sst s18;
	s19 =	sadd.s32 $0x2320, s12  }
0x2b: {  	s20 =	sadd.s32 $0x2610, s12;
	[smem:$0x7D1] =	sst s19  }
0x2c: {  	s15 =	sadd.s32 $0x2620, s12;
	[smem:$0x7D2] =	sst s20  }
0x2d: {  	s16 =	sadd.s32 $0x2910, s12;
	[smem:$0x7D3] =	sst s15  }
0x2e: {  	s17 =	sadd.s32 $0x2920, s12;
	[smem:$0x7D4] =	sst s16  }
0x2f: {  	s18 =	sadd.s32 $0x2C10, s12;
	[smem:$0x7D5] =	sst s17  }
0x30: {  	[smem:$0x7D6] =	sst s18;
	s19 =	sadd.s32 $0x2C20, s12  }
0x31: {  	s20 =	sadd.s32 $0x2F10, s12;
	[smem:$0x7D7] =	sst s19  }
0x32: {  	s15 =	sadd.s32 $0x2F20, s12;
	[smem:$0x7D8] =	sst s20  }
0x33: {  	s16 =	sadd.s32 $0x3210, s12;
	[smem:$0x7D9] =	sst s15  }
0x34: {  	s17 =	sadd.s32 $0x3220, s12;
	[smem:$0x7DA] =	sst s16  }
0x35: {  	s18 =	sadd.s32 $0x3510, s12;
	[smem:$0x7DB] =	sst s17  }
0x36: {  	[smem:$0x7DC] =	sst s18;
	s19 =	sadd.s32 $0x3520, s12  }
0x37: {  	s20 =	sadd.s32 $0x3810, s12;
	[smem:$0x7DD] =	sst s19  }
0x38: {  	s15 =	sadd.s32 $0x3820, s12;
	[smem:$0x7DE] =	sst s20  }
0x39: {  	s16 =	sadd.s32 $0x3B10, s12;
	[smem:$0x7DF] =	sst s15  }
0x3a: {  	s17 =	sadd.s32 $0x3B20, s12;
	[smem:$0x7E0] =	sst s16  }
0x3b: {  	s18 =	sadd.s32 $0x3E10, s12;
	[smem:$0x7E1] =	sst s17  }
0x3c: {  	[smem:$0x7E2] =	sst s18;
	s19 =	sadd.s32 $0x3E20, s12  }
0x3d: {  	s20 =	sadd.s32 $0x4110, s12;
	[smem:$0x7E3] =	sst s19  }
0x3e: {  	s15 =	sadd.s32 $0x4120, s12;
	[smem:$0x7E4] =	sst s20  }
0x3f: {  	s16 =	sadd.s32 $0x4410, s12;
	[smem:$0x7E5] =	sst s15  }
0x40: {  	s17 =	sadd.s32 $0x4420, s12;
	[smem:$0x7E6] =	sst s16  }
0x41: {  	s18 =	sadd.s32 $0x4710, s12;
	[smem:$0x7E7] =	sst s17  }
0x42: {  	[smem:$0x7E8] =	sst s18;
	s19 =	sadd.s32 $0x4720, s12  }
0x43: {  	s20 =	sadd.s32 $0x4A10, s12;
	[smem:$0x7E9] =	sst s19  }
0x44: {  	s15 =	sadd.s32 $0x4A20, s12;
	[smem:$0x7EA] =	sst s20  }
0x45: {  	s16 =	sadd.s32 $0x4D10, s12;
	[smem:$0x7EB] =	sst s15  }
0x46: {  	s21 =	sadd.s32 $0x800, s12;
	s17 =	sadd.s32 $0x4D20, s12;
	[smem:$0x7EC] =	sst s16  }
0x47: {  	s22 =	sadd.s32 $0xB00, s12;
	s18 =	sadd.s32 $0x5010, s12;
	[smem:$0x7ED] =	sst s17  }
0x48: {  	s23 =	sadd.s32 $0xE00, s12;
	[smem:$0x7EE] =	sst s18;
	s19 =	sadd.s32 $0x5020, s12  }
0x49: {  	s24 =	sadd.s32 $0x1100, s12;
	s20 =	sadd.s32 $0x5310, s12;
	[smem:$0x7EF] =	sst s19  }
0x4a: {  	s25 =	sadd.s32 $0x1400, s12;
	s15 =	sadd.s32 $0x5320, s12;
	[smem:$0x7F0] =	sst s20  }
0x4b: {  	s26 =	sadd.s32 $0x1700, s12;
	s16 =	sadd.s32 $0x5610, s12;
	[smem:$0x7F1] =	sst s15  }
0x4c: {  	s28 =	sadd.s32 $0x1A00, s12;
	s17 =	sadd.s32 $0x5620, s12;
	[smem:$0x7F2] =	sst s16  }
0x4d: {  	s3 =	sadd.s32 $0x1D00, s12;
	s18 =	sadd.s32 $0x5910, s12;
	[smem:$0x7F3] =	sst s17  }
0x4e: {  	s5 =	sadd.s32 $0x2000, s12;
	[smem:$0x7F4] =	sst s18;
	s19 =	sadd.s32 $0x5920, s12  }
0x4f: {  	s6 =	sadd.s32 $0x2300, s12;
	s20 =	sadd.s32 $0x5C10, s12;
	[smem:$0x7F5] =	sst s19  }
0x50: {  	s29 =	sadd.s32 $0x2600, s12;
	s15 =	sadd.s32 $0x5C20, s12;
	[smem:$0x7F6] =	sst s20  }
0x51: {  	s30 =	sadd.s32 $0x2900, s12;
	s16 =	sadd.s32 $0x5F10, s12;
	[smem:$0x7F7] =	sst s15  }
0x52: {  	s9 =	sadd.s32 $0x2C00, s12;
	s17 =	sadd.s32 $0x5F20, s12;
	[smem:$0x7F8] =	sst s16  }
0x53: {  	s10 =	sadd.s32 $0x2F00, s12;
	s18 =	sadd.s32 $0x6210, s12;
	[smem:$0x7F9] =	sst s17  }
.Ltmp0:
0x54: {  	[smem:$0x7FA] =	sst s18;
	s19 =	sadd.s32 $0x6220, s12;
	(pc) =	sbr.rel .LBB2_1-.Ltmp0, $4  }
0x55: {  	v0 =	vlaneseq.u32;
	s11 =	sadd.s32 $0x3200, s12;
	s20 =	sadd.s32 $0x6510, s12;
	[smem:$0x7FB] =	sst s19  }
0x56: {  	v0 =	vmul.u32 $0xFFFFFFFF, v0;
	s13 =	sadd.s32 $0x4100, s12;
	s12 =	sadd.s32 $0x6520, s12;
	[smem:$0x7FC] =	sst s20  }
0x57: {  	s14 =	simm.s32 $0x2;
	[smem:$0x7FD] =	sst s12;
	s12 =	smov.u32 s13  }
0x58: {  	v0 =	vadd.s32 $0xF, v0;
	s15 =	simm.s32 $0x0;
	s13 =	simm.s32 $0x1;
	[dreg:$0xa] =	wrdreg s12  }
.LBB2_6:
0x59: {  	v7, _, _ =	vpop (xrf2)  }
0x5a: {  	(v2sf) =	vpush v7, $0xF;
	_ =	sdelay $0x2  }
0x5b: {  	v56 =	vperm.xlane v5, v0  }
0x5c: {  	(xrf2) =	vadd.scan.msk.f32 $0xffff, v5  }
0x5d: {  	(xrf2) =	vadd.scan.msk.f32 $0xffff, v56;
	_ =	sdelay $0x5  }
0x5e: {  	s24 =	spop (v2sf);
	v57, _, _ =	vpop (xrf2)  }
0x5f: {  	s26 =	spop (v2sf);
	v8, _, _ =	vpop (xrf2)  }
0x60: {  	v10 =	vmax.f32 v3, $1.000000000e+00;
	v9, _, _ =	vpop (xrf2);
	s25 =	spop (v2sf)  }
0x61: {  	(erf) = vrcp.f32 v10;
	s26 =	sadd.f32 s26, s22;
	v7 =	vperm.xlane v57, v0;
	s22 =	spop (v2sf);
	v11, _, _ =	vpop (xrf2)  }
0x62: {  	v12 =	vmax.f32 v5, $1.000000000e+00;
	v58, _, _ =	vpop (xrf2);
	s28 =	spop (v2sf)  }
0x63: {  	(erf) = vrcp.f32 v12;
	v7 =	vadd.f32 s26, v7;
	v10 =	vperm.xlane v58, v0;
	s28 =	sadd.f32 s28, s26  }
0x64: {  	v6 =	vsub.f32 v1, v6  }
0x65: {  	v7 =	vsub.f32 v7, v3;
	v10 =	vadd.f32 s28, v10  }
0x66: {  	v59 =	vld [tilespmem:s19+$0x4270]  }
0x67: {  	v6 =	vmax.f32 v6, $0.0e+00;
	v7 =	vsub.f32 v1, v7;
	v10 =	vsub.f32 v10, v5  }
0x68: {  	v13 =	vld [tilespmem:s21+$0x4270];
	v14 =	vpop (erf);
	v2 =	vmin.f32 v2, v6  }
0x69: {  	v2 =	vmul.f32 v2, v14;
	v60 =	vmax.f32 v7, $0.0e+00;
	v1 =	vsub.f32 v1, v10  }
0x6a: {  	v62 =	vld [tilespmem:s23+$0x4270];
	v61 =	vpop (erf);
	v3 =	vmin.f32 v3, v60  }
0x6b: {  	v2 =	vmul.f32 v2, v59;
	v3 =	vmul.f32 v3, v61;
	v1 =	vmax.f32 v1, $0.0e+00  }
0x6c: {  	v63 =	vpop (erf);
	v1 =	vmin.f32 v5, v1  }
0x6d: {  	(xrf2) =	vadd.scan.msk.f32 $0xffff, v2;
	v2 =	vmul.f32 v3, v13;
	v1 =	vmul.f32 v1, v63  }
0x6e: {  	(xrf2) =	vadd.scan.msk.f32 $0xffff, v59  }
0x6f: {  	(xrf2) =	vadd.scan.msk.f32 $0xffff, v2;
	v1 =	vmul.f32 v1, v62  }
0x70: {  	(xrf2) =	vadd.scan.msk.f32 $0xffff, v13  }
0x71: {  	(xrf2) =	vadd.scan.msk.f32 $0xffff, v1  }
0x72: {  	(xrf2) =	vadd.scan.msk.f32 $0xffff, v62;
	_ =	sdelay $0x1  }
0x73: {  	(xrf2) =	vadd.scan.msk.f32 $0xffff, v4  }
0x74: {  	(v2sf) =	vpush v8, $0xF  }
0x75: {  	(v2sf) =	vpush v9, $0xF  }
0x76: {  	(v2sf) =	vpush v11, $0xF;
	v1, _, _ =	vpop (xrf2)  }
0x77: {  	v2, _, _ =	vpop (xrf2);
	(v2sf) =	vpush v1, $0xF  }
0x78: {  	v1, _, _ =	vpop (xrf2);
	(v2sf) =	vpush v2, $0xF  }
0x79: {  	(v2sf) =	vpush v1, $0xF;
	v1, _, _ =	vpop (xrf2)  }
0x7a: {  	(v2sf) =	vpush v1, $0xF;
	v1, _, _ =	vpop (xrf2)  }
0x7b: {  	(v2sf) =	vpush v1, $0xF;
	v1, _, _ =	vpop (xrf2)  }
0x7c: {  	(v2sf) =	vpush v1, $0xF  }
0x7d: {  	v1, _, _ =	vpop (xrf2)  }
0x7e: {  	(v2sf) =	vpush v1, $0xF;
	_ =	sdelay $0x2  }
0x7f: {  	s16 =	sadd.f32 s18, s16  }
0x80: {  	s17 =	sadd.f32 s24, s17  }
0x81: {  	s16 =	sadd.f32 $9.999999740e-06, s16;
	s23 =	spop (v2sf)  }
0x82: {  	s17 =	sadd.f32 s22, s17;
	s24 =	spop (v2sf)  }
0x83: {  	s20 =	sadd.f32 s25, s20;
	s25 =	spop (v2sf)  }
0x84: {  	s17 =	sadd.f32 s24, s17;
	s21 =	spop (v2sf)  }
0x85: {  	s19 =	sadd.f32 s23, s20;
	v1 =	vmov s16;
	s26 =	spop (v2sf)  }
0x86: {  	(erf) = vrcp.f32 v1;
	s17 =	sadd.f32 s26, s17;
	s18 =	spop (v2sf)  }
0x87: {  	s20 =	sadd.f32 s21, s19;
	s21 =	spop (v2sf)  }
0x88: {  	s16 =	sadd.f32 s21, s17;
	s22 =	spop (v2sf)  }
0x89: {  	s17 =	sadd.f32 s18, s20;
	s23 =	spop (v2sf)  }
0x8a: {  	s16 =	sadd.f32 s23, s16  }
0x8b: {  	s17 =	sadd.f32 s22, s17;
	s24 =	spop (v2sf)  }
0x8c: {  	s16 =	ssub.f32 s24, s16;
	_ =	sdelay $0x1  }
0x8d: {  	s16 =	sadd.f32 s16, s17  }
0x8e: {  	v1 =	vpop (erf)  }
0x8f: {  	v1 =	vmul.f32 s16, v1;
	_ =	sdelay $0x1  }
0x90: {  	s28 =	smov.u32 s3;
	s25 =	rddreg [dreg:$0x1];
	s26 =	simm.s32 $0x4B00;
	[tilespmem:$0x4B00] =	vst v1  }
0x91: {  	[hbm4b:s25+s4] =	stream.linear.scatter [tilespmem:s26], [sflag:$0x2], $0x80, $0x38;
	[tilespmem:$0x4B80] =	vst v63  }
0x92: {  	s3 =	smov.u32 s5;
	s5 =	smov.u32 s6;
	_ =	swait.ge [sflag:s14], $0x80  }
0x93: {  	s6 =	smov.u32 s7;
	s23 =	smov.u32 s31;
	s31 =	rddreg [dreg:$0x4]  }
0x94: {  	s21 =	smov.u32 s29;
	s25 =	smov.u32 s0;
	s0 =	rddreg [dreg:$0x5]  }
0x95: {  	s29 =	smov.u32 s8;
	s24 =	smov.u32 s1;
	s1 =	rddreg [dreg:$0x6]  }
0x96: {  	s22 =	smov.u32 s30;
	s26 =	smov.u32 s2;
	s2 =	rddreg [dreg:$0x7]  }
0x97: {  	s30 =	smov.u32 s9;
	s9 =	smov.u32 s10;
	s7 =	rddreg [dreg:$0x8]  }
0x98: {  	s10 =	smov.u32 s11;
	[sflag:s14] =	ssyncset.done $0x0;
	s8 =	rddreg [dreg:$0x9]  }
0x99: {  	s11 =	smov.u32 s12;
	s12 =	rddreg [dreg:$0xa];
	[sflag:s14] =	ssyncadd.s32 $0xFFFFFF80  }
.LBB2_7:
0x9a: {  	s15 =	sadd.s32 $0x1, s15  }
0x9b: {  	p1 =	sne.s32 s15, s7  }
.Ltmp1:
0x9c: {  	_ = 	snop;
	(pc) =	sbr.rel @!p1 .LBB2_8-.Ltmp1, $1  }
0x9d: {  	_ =	sdelay $0x3  }
.LBB2_1:
0x9e: {  	[tilespmem:s4], [sflag:$0x1] =	stream.linear.gather [hbm4b:s21+s4], $0x80, $0x38;
	[tilespmem:$0x4B80] =	vst v63  }
0x9f: {  	s16 =	rddreg [dreg:$0x17];
	s17 =	simm.s32 $0x400  }
0xa0: {  	[tilespmem:s17], [sflag:$0x1] =	stream.linear.gather [hbm4b:s16+s4], $0x80, $0x38;
	[tilespmem:$0x4B80] =	vst v63  }
0xa1: {  	s19 =	rddreg [dreg:$0x18];
	s20 =	simm.s32 $0x800  }
0xa2: {  	[tilespmem:s20], [sflag:$0x1] =	stream.linear.gather [hbm4b:s19+s4], $0x80, $0x38;
	[tilespmem:$0x4B80] =	vst v63  }
0xa3: {  	s18 =	simm.s32 $0x80  }
0xa4: {  	[tilespmem:s18], [sflag:$0x1] =	stream.linear.gather [hbm4b:s22+s4], $0x80, $0x38;
	[tilespmem:$0x4B80] =	vst v63  }
0xa5: {  	s19 =	rddreg [dreg:$0x19];
	s20 =	simm.s32 $0x480  }
0xa6: {  	[tilespmem:s20], [sflag:$0x1] =	stream.linear.gather [hbm4b:s19+s4], $0x80, $0x38;
	[tilespmem:$0x4B80] =	vst v63  }
0xa7: {  	s18 =	rddreg [dreg:$0x1a];
	s19 =	simm.s32 $0x880  }
0xa8: {  	[tilespmem:s19], [sflag:$0x1] =	stream.linear.gather [hbm4b:s18+s4], $0x80, $0x38;
	[tilespmem:$0x4B80] =	vst v63  }
0xa9: {  	s20 =	simm.s32 $0x100  }
0xaa: {  	[tilespmem:s20], [sflag:$0x1] =	stream.linear.gather [hbm4b:s23+s4], $0x80, $0x38;
	[tilespmem:$0x4B80] =	vst v63  }
0xab: {  	s17 =	rddreg [dreg:$0x1b];
	s18 =	simm.s32 $0x500  }
0xac: {  	[tilespmem:s18], [sflag:$0x1] =	stream.linear.gather [hbm4b:s17+s4], $0x80, $0x38;
	[tilespmem:$0x4B80] =	vst v63  }
0xad: {  	s19 =	rddreg [dreg:$0x1c];
	s20 =	simm.s32 $0x900  }
0xae: {  	[tilespmem:s20], [sflag:$0x1] =	stream.linear.gather [hbm4b:s19+s4], $0x80, $0x38;
	[tilespmem:$0x4B80] =	vst v63  }
0xaf: {  	s18 =	simm.s32 $0x180  }
0xb0: {  	[tilespmem:s18], [sflag:$0x1] =	stream.linear.gather [hbm4b:s24+s4], $0x80, $0x38;
	[tilespmem:$0x4B80] =	vst v63  }
0xb1: {  	s19 =	rddreg [dreg:$0x1d];
	s20 =	simm.s32 $0x580  }
0xb2: {  	[tilespmem:s20], [sflag:$0x1] =	stream.linear.gather [hbm4b:s19+s4], $0x80, $0x38;
	[tilespmem:$0x4B80] =	vst v63  }
0xb3: {  	s18 =	rddreg [dreg:$0x1e];
	s19 =	simm.s32 $0x980  }
0xb4: {  	[tilespmem:s19], [sflag:$0x1] =	stream.linear.gather [hbm4b:s18+s4], $0x80, $0x38;
	[tilespmem:$0x4B80] =	vst v63  }
0xb5: {  	s17 =	rddreg [dreg:$0x1f];
	s20 =	simm.s32 $0x200  }
0xb6: {  	[tilespmem:s20], [sflag:$0x1] =	stream.linear.gather [hbm4b:s25+s4], $0x80, $0x38;
	[tilespmem:$0x4B80] =	vst v63  }
0xb7: {  	s18 =	simm.s32 $0x600;
	s19 =	sld [smem:$0x7C7]  }
0xb8: {  	[tilespmem:s18], [sflag:$0x1] =	stream.linear.gather [hbm4b:s17+s4], $0x80, $0x38;
	[tilespmem:$0x4B80] =	vst v63  }
0xb9: {  	s20 =	simm.s32 $0xA00  }
0xba: {  	[tilespmem:s20], [sflag:$0x1] =	stream.linear.gather [hbm4b:s19+s4], $0x80, $0x38;
	[tilespmem:$0x4B80] =	vst v63  }
0xbb: {  	s18 =	simm.s32 $0x280;
	s19 =	sld [smem:$0x7C8]  }
0xbc: {  	[tilespmem:s18], [sflag:$0x1] =	stream.linear.gather [hbm4b:s26+s4], $0x80, $0x38;
	[tilespmem:$0x4B80] =	vst v63  }
0xbd: {  	s20 =	simm.s32 $0x680;
	s18 =	sld [smem:$0x7C9]  }
0xbe: {  	[tilespmem:s20], [sflag:$0x1] =	stream.linear.gather [hbm4b:s19+s4], $0x80, $0x38;
	[tilespmem:$0x4B80] =	vst v63  }
0xbf: {  	s19 =	simm.s32 $0xA80  }
0xc0: {  	[tilespmem:s19], [sflag:$0x1] =	stream.linear.gather [hbm4b:s18+s4], $0x80, $0x38;
	[tilespmem:$0x4B80] =	vst v63  }
0xc1: {  	s17 =	sld [smem:$0x7CA];
	s20 =	simm.s32 $0x300  }
0xc2: {  	[tilespmem:s20], [sflag:$0x1] =	stream.linear.gather [hbm4b:s28+s4], $0x80, $0x38;
	[tilespmem:$0x4B80] =	vst v63  }
0xc3: {  	s18 =	simm.s32 $0x700;
	s19 =	sld [smem:$0x7CB]  }
0xc4: {  	[tilespmem:s18], [sflag:$0x1] =	stream.linear.gather [hbm4b:s17+s4], $0x80, $0x38;
	[tilespmem:$0x4B80] =	vst v63  }
0xc5: {  	s20 =	simm.s32 $0xB00  }
0xc6: {  	[tilespmem:s20], [sflag:$0x1] =	stream.linear.gather [hbm4b:s19+s4], $0x80, $0x38;
	[tilespmem:$0x4B80] =	vst v63  }
0xc7: {  	s18 =	simm.s32 $0x380;
	s19 =	sld [smem:$0x7CC]  }
0xc8: {  	[tilespmem:s18], [sflag:$0x1] =	stream.linear.gather [hbm4b:s3+s4], $0x80, $0x38;
	[tilespmem:$0x4B80] =	vst v63  }
0xc9: {  	s20 =	simm.s32 $0x780;
	s18 =	sld [smem:$0x7CD]  }
0xca: {  	[tilespmem:s20], [sflag:$0x1] =	stream.linear.gather [hbm4b:s19+s4], $0x80, $0x38;
	[tilespmem:$0x4B80] =	vst v63  }
0xcb: {  	s19 =	simm.s32 $0xB80  }
0xcc: {  	[tilespmem:s19], [sflag:$0x1] =	stream.linear.gather [hbm4b:s18+s4], $0x80, $0x38;
	[tilespmem:$0x4B80] =	vst v63  }
0xcd: {  	s17 =	sld [smem:$0x7CE];
	s20 =	simm.s32 $0xC00  }
0xce: {  	[tilespmem:s20], [sflag:$0x1] =	stream.linear.gather [hbm4b:s5+s4], $0x80, $0x38;
	[tilespmem:$0x4B80] =	vst v63  }
0xcf: {  	s18 =	simm.s32 $0x1000;
	s19 =	sld [smem:$0x7CF]  }
0xd0: {  	[tilespmem:s18], [sflag:$0x1] =	stream.linear.gather [hbm4b:s17+s4], $0x80, $0x38;
	[tilespmem:$0x4B80] =	vst v63  }
0xd1: {  	s20 =	simm.s32 $0x1400  }
0xd2: {  	[tilespmem:s20], [sflag:$0x1] =	stream.linear.gather [hbm4b:s19+s4], $0x80, $0x38;
	[tilespmem:$0x4B80] =	vst v63  }
0xd3: {  	s18 =	simm.s32 $0xC80;
	s19 =	sld [smem:$0x7D0]  }
0xd4: {  	[tilespmem:s18], [sflag:$0x1] =	stream.linear.gather [hbm4b:s6+s4], $0x80, $0x38;
	[tilespmem:$0x4B80] =	vst v63  }
0xd5: {  	s20 =	simm.s32 $0x1080;
	s18 =	sld [smem:$0x7D1]  }
0xd6: {  	[tilespmem:s20], [sflag:$0x1] =	stream.linear.gather [hbm4b:s19+s4], $0x80, $0x38;
	[tilespmem:$0x4B80] =	vst v63  }
0xd7: {  	s19 =	simm.s32 $0x1480  }
0xd8: {  	[tilespmem:s19], [sflag:$0x1] =	stream.linear.gather [hbm4b:s18+s4], $0x80, $0x38;
	[tilespmem:$0x4B80] =	vst v63  }
0xd9: {  	s17 =	sld [smem:$0x7D2];
	s20 =	simm.s32 $0xD00  }
0xda: {  	[tilespmem:s20], [sflag:$0x1] =	stream.linear.gather [hbm4b:s29+s4], $0x80, $0x38;
	[tilespmem:$0x4B80] =	vst v63  }
0xdb: {  	s18 =	simm.s32 $0x1100;
	s19 =	sld [smem:$0x7D3]  }
0xdc: {  	[tilespmem:s18], [sflag:$0x1] =	stream.linear.gather [hbm4b:s17+s4], $0x80, $0x38;
	[tilespmem:$0x4B80] =	vst v63  }
0xdd: {  	s20 =	simm.s32 $0x1500  }
0xde: {  	[tilespmem:s20], [sflag:$0x1] =	stream.linear.gather [hbm4b:s19+s4], $0x80, $0x38;
	[tilespmem:$0x4B80] =	vst v63  }
0xdf: {  	s18 =	simm.s32 $0xD80;
	s19 =	sld [smem:$0x7D4]  }
0xe0: {  	[tilespmem:s18], [sflag:$0x1] =	stream.linear.gather [hbm4b:s30+s4], $0x80, $0x38;
	[tilespmem:$0x4B80] =	vst v63  }
0xe1: {  	s20 =	simm.s32 $0x1180;
	s18 =	sld [smem:$0x7D5]  }
0xe2: {  	[tilespmem:s20], [sflag:$0x1] =	stream.linear.gather [hbm4b:s19+s4], $0x80, $0x38;
	[tilespmem:$0x4B80] =	vst v63  }
0xe3: {  	s19 =	simm.s32 $0x1580  }
0xe4: {  	[tilespmem:s19], [sflag:$0x1] =	stream.linear.gather [hbm4b:s18+s4], $0x80, $0x38;
	[tilespmem:$0x4B80] =	vst v63  }
0xe5: {  	s17 =	sld [smem:$0x7D6];
	s20 =	simm.s32 $0xE00  }
0xe6: {  	[tilespmem:s20], [sflag:$0x1] =	stream.linear.gather [hbm4b:s9+s4], $0x80, $0x38;
	[tilespmem:$0x4B80] =	vst v63  }
0xe7: {  	s18 =	simm.s32 $0x1200;
	s19 =	sld [smem:$0x7D7]  }
0xe8: {  	[tilespmem:s18], [sflag:$0x1] =	stream.linear.gather [hbm4b:s17+s4], $0x80, $0x38;
	[tilespmem:$0x4B80] =	vst v63  }
0xe9: {  	s20 =	simm.s32 $0x1600  }
0xea: {  	[tilespmem:s20], [sflag:$0x1] =	stream.linear.gather [hbm4b:s19+s4], $0x80, $0x38;
	[tilespmem:$0x4B80] =	vst v63  }
0xeb: {  	s18 =	simm.s32 $0xE80;
	s19 =	sld [smem:$0x7D8]  }
0xec: {  	[tilespmem:s18], [sflag:$0x1] =	stream.linear.gather [hbm4b:s10+s4], $0x80, $0x38;
	[tilespmem:$0x4B80] =	vst v63  }
0xed: {  	s20 =	simm.s32 $0x1280;
	s18 =	sld [smem:$0x7D9]  }
0xee: {  	[tilespmem:s20], [sflag:$0x1] =	stream.linear.gather [hbm4b:s19+s4], $0x80, $0x38;
	[tilespmem:$0x4B80] =	vst v63  }
0xef: {  	s19 =	simm.s32 $0x1680  }
0xf0: {  	[tilespmem:s19], [sflag:$0x1] =	stream.linear.gather [hbm4b:s18+s4], $0x80, $0x38;
	[tilespmem:$0x4B80] =	vst v63  }
0xf1: {  	s17 =	sld [smem:$0x7DA];
	s20 =	simm.s32 $0xF00  }
0xf2: {  	[tilespmem:s20], [sflag:$0x1] =	stream.linear.gather [hbm4b:s11+s4], $0x80, $0x38;
	[tilespmem:$0x4B80] =	vst v63  }
0xf3: {  	s18 =	simm.s32 $0x1300;
	s19 =	sld [smem:$0x7DB]  }
0xf4: {  	[tilespmem:s18], [sflag:$0x1] =	stream.linear.gather [hbm4b:s17+s4], $0x80, $0x38;
	[tilespmem:$0x4B80] =	vst v63  }
0xf5: {  	s20 =	simm.s32 $0x1700  }
0xf6: {  	[tilespmem:s20], [sflag:$0x1] =	stream.linear.gather [hbm4b:s19+s4], $0x80, $0x38;
	[tilespmem:$0x4B80] =	vst v63  }
0xf7: {  	s18 =	simm.s32 $0xF80;
	s19 =	sld [smem:$0x7DC]  }
0xf8: {  	[tilespmem:s18], [sflag:$0x1] =	stream.linear.gather [hbm4b:s31+s4], $0x80, $0x38;
	[tilespmem:$0x4B80] =	vst v63  }
0xf9: {  	s20 =	simm.s32 $0x1380;
	s18 =	sld [smem:$0x7DD]  }
0xfa: {  	[tilespmem:s20], [sflag:$0x1] =	stream.linear.gather [hbm4b:s19+s4], $0x80, $0x38;
	[tilespmem:$0x4B80] =	vst v63  }
0xfb: {  	s19 =	simm.s32 $0x1780  }
0xfc: {  	[tilespmem:s19], [sflag:$0x1] =	stream.linear.gather [hbm4b:s18+s4], $0x80, $0x38;
	[tilespmem:$0x4B80] =	vst v63  }
0xfd: {  	s17 =	sld [smem:$0x7DE];
	s20 =	simm.s32 $0x1800  }
0xfe: {  	[tilespmem:s20], [sflag:$0x1] =	stream.linear.gather [hbm4b:s0+s4], $0x80, $0x38;
	[tilespmem:$0x4B80] =	vst v63  }
0xff: {  	s18 =	simm.s32 $0x1C00;
	s19 =	sld [smem:$0x7DF]  }
0x100: {  	[tilespmem:s18], [sflag:$0x1] =	stream.linear.gather [hbm4b:s17+s4], $0x80, $0x38;
	[tilespmem:$0x4B80] =	vst v63  }
0x101: {  	s20 =	simm.s32 $0x2000  }
0x102: {  	[tilespmem:s20], [sflag:$0x1] =	stream.linear.gather [hbm4b:s19+s4], $0x80, $0x38;
	[tilespmem:$0x4B80] =	vst v63  }
0x103: {  	s18 =	simm.s32 $0x1880;
	s19 =	sld [smem:$0x7E0]  }
0x104: {  	[tilespmem:s18], [sflag:$0x1] =	stream.linear.gather [hbm4b:s1+s4], $0x80, $0x38;
	[tilespmem:$0x4B80] =	vst v63  }
0x105: {  	s20 =	simm.s32 $0x1C80;
	s18 =	sld [smem:$0x7E1]  }
0x106: {  	[tilespmem:s20], [sflag:$0x1] =	stream.linear.gather [hbm4b:s19+s4], $0x80, $0x38;
	[tilespmem:$0x4B80] =	vst v63  }
0x107: {  	s19 =	simm.s32 $0x2080  }
0x108: {  	[tilespmem:s19], [sflag:$0x1] =	stream.linear.gather [hbm4b:s18+s4], $0x80, $0x38;
	[tilespmem:$0x4B80] =	vst v63  }
0x109: {  	s17 =	sld [smem:$0x7E2];
	s20 =	simm.s32 $0x1900  }
0x10a: {  	[tilespmem:s20], [sflag:$0x1] =	stream.linear.gather [hbm4b:s8+s4], $0x80, $0x38;
	[tilespmem:$0x4B80] =	vst v63  }
0x10b: {  	s18 =	simm.s32 $0x1D00;
	s19 =	sld [smem:$0x7E3]  }
0x10c: {  	[tilespmem:s18], [sflag:$0x1] =	stream.linear.gather [hbm4b:s17+s4], $0x80, $0x38;
	[tilespmem:$0x4B80] =	vst v63  }
0x10d: {  	s20 =	simm.s32 $0x2100  }
0x10e: {  	[tilespmem:s20], [sflag:$0x1] =	stream.linear.gather [hbm4b:s19+s4], $0x80, $0x38;
	[tilespmem:$0x4B80] =	vst v63  }
0x10f: {  	s18 =	simm.s32 $0x1980;
	s19 =	sld [smem:$0x7E4]  }
0x110: {  	[tilespmem:s18], [sflag:$0x1] =	stream.linear.gather [hbm4b:s12+s4], $0x80, $0x38;
	[tilespmem:$0x4B80] =	vst v63  }
0x111: {  	s17 =	sld [smem:$0x7E5];
	s20 =	simm.s32 $0x1D80  }
0x112: {  	[tilespmem:s20], [sflag:$0x1] =	stream.linear.gather [hbm4b:s19+s4], $0x80, $0x38;
	[tilespmem:$0x4B80] =	vst v63  }
0x113: {  	s18 =	simm.s32 $0x2180;
	s19 =	rddreg [dreg:$0xb]  }
0x114: {  	[tilespmem:s18], [sflag:$0x1] =	stream.linear.gather [hbm4b:s17+s4], $0x80, $0x38;
	[tilespmem:$0x4B80] =	vst v63  }
0x115: {  	s20 =	simm.s32 $0x1A00;
	s17 =	sld [smem:$0x7E6]  }
0x116: {  	[tilespmem:s20], [sflag:$0x1] =	stream.linear.gather [hbm4b:s19+s4], $0x80, $0x38;
	[tilespmem:$0x4B80] =	vst v63  }
0x117: {  	s18 =	simm.s32 $0x1E00;
	s19 =	sld [smem:$0x7E7]  }
0x118: {  	[tilespmem:s18], [sflag:$0x1] =	stream.linear.gather [hbm4b:s17+s4], $0x80, $0x38;
	[tilespmem:$0x4B80] =	vst v63  }
0x119: {  	s20 =	simm.s32 $0x2200;
	s17 =	rddreg [dreg:$0xc]  }
0x11a: {  	[tilespmem:s20], [sflag:$0x1] =	stream.linear.gather [hbm4b:s19+s4], $0x80, $0x38;
	[tilespmem:$0x4B80] =	vst v63  }
0x11b: {  	s18 =	simm.s32 $0x1A80;
	s19 =	sld [smem:$0x7E8]  }
0x11c: {  	[tilespmem:s18], [sflag:$0x1] =	stream.linear.gather [hbm4b:s17+s4], $0x80, $0x38;
	[tilespmem:$0x4B80] =	vst v63  }
0x11d: {  	s20 =	simm.s32 $0x1E80;
	s17 =	sld [smem:$0x7E9]  }
0x11e: {  	[tilespmem:s20], [sflag:$0x1] =	stream.linear.gather [hbm4b:s19+s4], $0x80, $0x38;
	[tilespmem:$0x4B80] =	vst v63  }
0x11f: {  	s18 =	simm.s32 $0x2280;
	s19 =	rddreg [dreg:$0xd]  }
0x120: {  	[tilespmem:s18], [sflag:$0x1] =	stream.linear.gather [hbm4b:s17+s4], $0x80, $0x38;
	[tilespmem:$0x4B80] =	vst v63  }
0x121: {  	s20 =	simm.s32 $0x1B00;
	s17 =	sld [smem:$0x7EA]  }
0x122: {  	[tilespmem:s20], [sflag:$0x1] =	stream.linear.gather [hbm4b:s19+s4], $0x80, $0x38;
	[tilespmem:$0x4B80] =	vst v63  }
0x123: {  	s18 =	simm.s32 $0x1F00;
	s19 =	sld [smem:$0x7EB]  }
0x124: {  	[tilespmem:s18], [sflag:$0x1] =	stream.linear.gather [hbm4b:s17+s4], $0x80, $0x38;
	[tilespmem:$0x4B80] =	vst v63  }
0x125: {  	s20 =	simm.s32 $0x2300;
	s17 =	rddreg [dreg:$0xe]  }
0x126: {  	[tilespmem:s20], [sflag:$0x1] =	stream.linear.gather [hbm4b:s19+s4], $0x80, $0x38;
	[tilespmem:$0x4B80] =	vst v63  }
0x127: {  	s18 =	simm.s32 $0x1B80;
	s19 =	sld [smem:$0x7EC]  }
0x128: {  	[tilespmem:s18], [sflag:$0x1] =	stream.linear.gather [hbm4b:s17+s4], $0x80, $0x38;
	[tilespmem:$0x4B80] =	vst v63  }
0x129: {  	s20 =	simm.s32 $0x1F80;
	s17 =	sld [smem:$0x7ED]  }
0x12a: {  	[tilespmem:s20], [sflag:$0x1] =	stream.linear.gather [hbm4b:s19+s4], $0x80, $0x38;
	[tilespmem:$0x4B80] =	vst v63  }
0x12b: {  	s18 =	simm.s32 $0x2380;
	s19 =	rddreg [dreg:$0xf]  }
0x12c: {  	[tilespmem:s18], [sflag:$0x1] =	stream.linear.gather [hbm4b:s17+s4], $0x80, $0x38;
	[tilespmem:$0x4B80] =	vst v63  }
0x12d: {  	s20 =	simm.s32 $0x2400;
	s17 =	sld [smem:$0x7EE]  }
0x12e: {  	[tilespmem:s20], [sflag:$0x1] =	stream.linear.gather [hbm4b:s19+s4], $0x80, $0x38;
	[tilespmem:$0x4B80] =	vst v63  }
0x12f: {  	s18 =	simm.s32 $0x2800;
	s19 =	sld [smem:$0x7EF]  }
0x130: {  	[tilespmem:s18], [sflag:$0x1] =	stream.linear.gather [hbm4b:s17+s4], $0x80, $0x38;
	[tilespmem:$0x4B80] =	vst v63  }
0x131: {  	s20 =	simm.s32 $0x2C00;
	s17 =	rddreg [dreg:$0x10]  }
0x132: {  	[tilespmem:s20], [sflag:$0x1] =	stream.linear.gather [hbm4b:s19+s4], $0x80, $0x38;
	[tilespmem:$0x4B80] =	vst v63  }
0x133: {  	s18 =	simm.s32 $0x2480;
	s19 =	sld [smem:$0x7F0]  }
0x134: {  	[tilespmem:s18], [sflag:$0x1] =	stream.linear.gather [hbm4b:s17+s4], $0x80, $0x38;
	[tilespmem:$0x4B80] =	vst v63  }
0x135: {  	s20 =	simm.s32 $0x2880;
	s17 =	sld [smem:$0x7F1]  }
0x136: {  	[tilespmem:s20], [sflag:$0x1] =	stream.linear.gather [hbm4b:s19+s4], $0x80, $0x38;
	[tilespmem:$0x4B80] =	vst v63  }
0x137: {  	s18 =	simm.s32 $0x2C80;
	s19 =	rddreg [dreg:$0x11]  }
0x138: {  	[tilespmem:s18], [sflag:$0x1] =	stream.linear.gather [hbm4b:s17+s4], $0x80, $0x38;
	[tilespmem:$0x4B80] =	vst v63  }
0x139: {  	s20 =	simm.s32 $0x2500;
	s17 =	sld [smem:$0x7F2]  }
0x13a: {  	[tilespmem:s20], [sflag:$0x1] =	stream.linear.gather [hbm4b:s19+s4], $0x80, $0x38;
	[tilespmem:$0x4B80] =	vst v63  }
0x13b: {  	s18 =	simm.s32 $0x2900;
	s19 =	sld [smem:$0x7F3]  }
0x13c: {  	[tilespmem:s18], [sflag:$0x1] =	stream.linear.gather [hbm4b:s17+s4], $0x80, $0x38;
	[tilespmem:$0x4B80] =	vst v63  }
0x13d: {  	s20 =	simm.s32 $0x2D00;
	s17 =	rddreg [dreg:$0x12]  }
0x13e: {  	[tilespmem:s20], [sflag:$0x1] =	stream.linear.gather [hbm4b:s19+s4], $0x80, $0x38;
	[tilespmem:$0x4B80] =	vst v63  }
0x13f: {  	s18 =	simm.s32 $0x2580;
	s19 =	sld [smem:$0x7F4]  }
0x140: {  	[tilespmem:s18], [sflag:$0x1] =	stream.linear.gather [hbm4b:s17+s4], $0x80, $0x38;
	[tilespmem:$0x4B80] =	vst v63  }
0x141: {  	s20 =	simm.s32 $0x2980;
	s17 =	sld [smem:$0x7F5]  }
0x142: {  	[tilespmem:s20], [sflag:$0x1] =	stream.linear.gather [hbm4b:s19+s4], $0x80, $0x38;
	[tilespmem:$0x4B80] =	vst v63  }
0x143: {  	s18 =	simm.s32 $0x2D80;
	s19 =	rddreg [dreg:$0x13]  }
0x144: {  	[tilespmem:s18], [sflag:$0x1] =	stream.linear.gather [hbm4b:s17+s4], $0x80, $0x38;
	[tilespmem:$0x4B80] =	vst v63  }
0x145: {  	s20 =	simm.s32 $0x2600;
	s17 =	sld [smem:$0x7F6]  }
0x146: {  	[tilespmem:s20], [sflag:$0x1] =	stream.linear.gather [hbm4b:s19+s4], $0x80, $0x38;
	[tilespmem:$0x4B80] =	vst v63  }
0x147: {  	s18 =	simm.s32 $0x2A00;
	s19 =	sld [smem:$0x7F7]  }
0x148: {  	[tilespmem:s18], [sflag:$0x1] =	stream.linear.gather [hbm4b:s17+s4], $0x80, $0x38;
	[tilespmem:$0x4B80] =	vst v63  }
0x149: {  	s20 =	simm.s32 $0x2E00;
	s17 =	rddreg [dreg:$0x14]  }
0x14a: {  	[tilespmem:s20], [sflag:$0x1] =	stream.linear.gather [hbm4b:s19+s4], $0x80, $0x38;
	[tilespmem:$0x4B80] =	vst v63  }
0x14b: {  	s18 =	simm.s32 $0x2680;
	s19 =	sld [smem:$0x7F8]  }
0x14c: {  	[tilespmem:s18], [sflag:$0x1] =	stream.linear.gather [hbm4b:s17+s4], $0x80, $0x38;
	[tilespmem:$0x4B80] =	vst v63  }
0x14d: {  	s20 =	simm.s32 $0x2A80;
	s17 =	sld [smem:$0x7F9]  }
0x14e: {  	[tilespmem:s20], [sflag:$0x1] =	stream.linear.gather [hbm4b:s19+s4], $0x80, $0x38;
	[tilespmem:$0x4B80] =	vst v63  }
0x14f: {  	s18 =	simm.s32 $0x2E80;
	s19 =	rddreg [dreg:$0x15]  }
0x150: {  	[tilespmem:s18], [sflag:$0x1] =	stream.linear.gather [hbm4b:s17+s4], $0x80, $0x38;
	[tilespmem:$0x4B80] =	vst v63  }
0x151: {  	s20 =	simm.s32 $0x2700;
	s17 =	sld [smem:$0x7FA]  }
0x152: {  	[tilespmem:s20], [sflag:$0x1] =	stream.linear.gather [hbm4b:s19+s4], $0x80, $0x38;
	[tilespmem:$0x4B80] =	vst v63  }
0x153: {  	s18 =	simm.s32 $0x2B00;
	s19 =	sld [smem:$0x7FB]  }
0x154: {  	[tilespmem:s18], [sflag:$0x1] =	stream.linear.gather [hbm4b:s17+s4], $0x80, $0x38;
	[tilespmem:$0x4B80] =	vst v63  }
0x155: {  	s20 =	simm.s32 $0x2F00;
	s17 =	rddreg [dreg:$0x16]  }
0x156: {  	[tilespmem:s20], [sflag:$0x1] =	stream.linear.gather [hbm4b:s19+s4], $0x80, $0x38;
	[tilespmem:$0x4B80] =	vst v63  }
0x157: {  	s18 =	simm.s32 $0x2780;
	s19 =	sld [smem:$0x7FC]  }
0x158: {  	[tilespmem:s18], [sflag:$0x1] =	stream.linear.gather [hbm4b:s17+s4], $0x80, $0x38;
	[tilespmem:$0x4B80] =	vst v63  }
0x159: {  	s20 =	simm.s32 $0x2B80;
	s17 =	sld [smem:$0x7FD]  }
0x15a: {  	[tilespmem:s20], [sflag:$0x1] =	stream.linear.gather [hbm4b:s19+s4], $0x80, $0x38;
	[tilespmem:$0x4B80] =	vst v63  }
0x15b: {  	s18 =	simm.s32 $0x2F80  }
0x15c: {  	[tilespmem:s18], [sflag:$0x1] =	stream.linear.gather [hbm4b:s17+s4], $0x80, $0x38;
	[tilespmem:$0x4B80] =	vst v63  }
0x15d: {  	_ =	swait.ge [sflag:s13], $0x180  }
0x15e: {  	[sflag:s13] =	ssyncset.done $0x0  }
0x15f: {  	[sflag:s13] =	ssyncadd.s32 $0xFFFFFE80  }
0x160: {  	_ =	swait.ge [sflag:s13], $0x180  }
0x161: {  	[sflag:s13] =	ssyncset.done $0x0  }
0x162: {  	[sflag:s13] =	ssyncadd.s32 $0xFFFFFE80  }
0x163: {  	_ =	swait.ge [sflag:s13], $0x180  }
0x164: {  	[sflag:s13] =	ssyncset.done $0x0  }
0x165: {  	[sflag:s13] =	ssyncadd.s32 $0xFFFFFE80  }
0x166: {  	_ =	swait.ge [sflag:s13], $0x180  }
0x167: {  	[sflag:s13] =	ssyncset.done $0x0  }
0x168: {  	[sflag:s13] =	ssyncadd.s32 $0xFFFFFE80  }
0x169: {  	_ =	swait.ge [sflag:s13], $0x180  }
0x16a: {  	[sflag:s13] =	ssyncset.done $0x0  }
0x16b: {  	[sflag:s13] =	ssyncadd.s32 $0xFFFFFE80  }
0x16c: {  	_ =	swait.ge [sflag:s13], $0x180  }
0x16d: {  	[sflag:s13] =	ssyncset.done $0x0  }
0x16e: {  	[sflag:s13] =	ssyncadd.s32 $0xFFFFFE80  }
0x16f: {  	_ =	swait.ge [sflag:s13], $0x180  }
0x170: {  	[sflag:s13] =	ssyncset.done $0x0  }
0x171: {  	[sflag:s13] =	ssyncadd.s32 $0xFFFFFE80  }
0x172: {  	_ =	swait.ge [sflag:s13], $0x180  }
0x173: {  	[sflag:s13] =	ssyncset.done $0x0  }
0x174: {  	[sflag:s13] =	ssyncadd.s32 $0xFFFFFE80  }
0x175: {  	_ =	swait.ge [sflag:s13], $0x180  }
0x176: {  	[sflag:s13] =	ssyncset.done $0x0  }
0x177: {  	[sflag:s13] =	ssyncadd.s32 $0xFFFFFE80  }
0x178: {  	_ =	swait.ge [sflag:s13], $0x180  }
0x179: {  	[sflag:s13] =	ssyncset.done $0x0  }
0x17a: {  	[sflag:s13] =	ssyncadd.s32 $0xFFFFFE80  }
0x17b: {  	_ =	swait.ge [sflag:s13], $0x180  }
0x17c: {  	[sflag:s13] =	ssyncset.done $0x0  }
0x17d: {  	[sflag:s13] =	ssyncadd.s32 $0xFFFFFE80  }
0x17e: {  	_ =	swait.ge [sflag:s13], $0x180  }
0x17f: {  	[sflag:s13] =	ssyncset.done $0x0  }
0x180: {  	[sflag:s13] =	ssyncadd.s32 $0xFFFFFE80  }
0x181: {  	_ =	swait.ge [sflag:s13], $0x180  }
0x182: {  	[sflag:s13] =	ssyncset.done $0x0  }
0x183: {  	[sflag:s13] =	ssyncadd.s32 $0xFFFFFE80  }
0x184: {  	_ =	swait.ge [sflag:s13], $0x180  }
0x185: {  	[sflag:s13] =	ssyncset.done $0x0  }
0x186: {  	[sflag:s13] =	ssyncadd.s32 $0xFFFFFE80  }
0x187: {  	_ =	swait.ge [sflag:s13], $0x180  }
0x188: {  	[sflag:s13] =	ssyncset.done $0x0  }
0x189: {  	[sflag:s13] =	ssyncadd.s32 $0xFFFFFE80  }
0x18a: {  	_ =	swait.ge [sflag:s13], $0x180  }
0x18b: {  	[sflag:s13] =	ssyncset.done $0x0  }
0x18c: {  	[sflag:s13] =	ssyncadd.s32 $0xFFFFFE80  }
0x18d: {  	_ =	swait.ge [sflag:s13], $0x180  }
0x18e: {  	[sflag:s13] =	ssyncset.done $0x0  }
0x18f: {  	[sflag:s13] =	ssyncadd.s32 $0xFFFFFE80  }
0x190: {  	_ =	swait.ge [sflag:s13], $0x180  }
0x191: {  	[sflag:s13] =	ssyncset.done $0x0  }
0x192: {  	[sflag:s13] =	ssyncadd.s32 $0xFFFFFE80  }
0x193: {  	_ =	swait.ge [sflag:s13], $0x180  }
0x194: {  	[sflag:s13] =	ssyncset.done $0x0  }
0x195: {  	[sflag:s13] =	ssyncadd.s32 $0xFFFFFE80  }
0x196: {  	_ =	swait.ge [sflag:s13], $0x180  }
0x197: {  	[sflag:s13] =	ssyncset.done $0x0  }
0x198: {  	[sflag:s13] =	ssyncadd.s32 $0xFFFFFE80  }
0x199: {  	_ =	swait.ge [sflag:s13], $0x180  }
0x19a: {  	[sflag:s13] =	ssyncset.done $0x0  }
0x19b: {  	[sflag:s13] =	ssyncadd.s32 $0xFFFFFE80  }
0x19c: {  	_ =	swait.ge [sflag:s13], $0x180  }
0x19d: {  	[sflag:s13] =	ssyncset.done $0x0  }
0x19e: {  	[sflag:s13] =	ssyncadd.s32 $0xFFFFFE80  }
0x19f: {  	_ =	swait.ge [sflag:s13], $0x180  }
0x1a0: {  	[sflag:s13] =	ssyncset.done $0x0  }
0x1a1: {  	[sflag:s13] =	ssyncadd.s32 $0xFFFFFE80  }
0x1a2: {  	_ =	swait.ge [sflag:s13], $0x180  }
0x1a3: {  	[sflag:s13] =	ssyncset.done $0x0  }
0x1a4: {  	[sflag:s13] =	ssyncadd.s32 $0xFFFFFE80  }
0x1a5: {  	_ =	swait.ge [sflag:s13], $0x180  }
0x1a6: {  	[sflag:s13] =	ssyncset.done $0x0  }
0x1a7: {  	[sflag:s13] =	ssyncadd.s32 $0xFFFFFE80  }
0x1a8: {  	_ =	swait.ge [sflag:s13], $0x180  }
0x1a9: {  	[sflag:s13] =	ssyncset.done $0x0  }
0x1aa: {  	[sflag:s13] =	ssyncadd.s32 $0xFFFFFE80  }
0x1ab: {  	_ =	swait.ge [sflag:s13], $0x180  }
0x1ac: {  	[sflag:s13] =	ssyncset.done $0x0  }
0x1ad: {  	[sflag:s13] =	ssyncadd.s32 $0xFFFFFE80  }
0x1ae: {  	_ =	swait.ge [sflag:s13], $0x180  }
0x1af: {  	[sflag:s13] =	ssyncset.done $0x0  }
0x1b0: {  	[sflag:s13] =	ssyncadd.s32 $0xFFFFFE80  }
0x1b1: {  	_ =	swait.ge [sflag:s13], $0x180  }
0x1b2: {  	[sflag:s13] =	ssyncset.done $0x0  }
0x1b3: {  	[sflag:s13] =	ssyncadd.s32 $0xFFFFFE80  }
0x1b4: {  	_ =	swait.ge [sflag:s13], $0x180  }
0x1b5: {  	[sflag:s13] =	ssyncset.done $0x0  }
0x1b6: {  	[sflag:s13] =	ssyncadd.s32 $0xFFFFFE80  }
0x1b7: {  	_ =	swait.ge [sflag:s13], $0x180  }
0x1b8: {  	s19 =	simm.s32 $0x0;
	[sflag:s13] =	ssyncset.done $0x0  }
0x1b9: {  	s16 =	smul.u32 $0x3000, s19;
	[sflag:s13] =	ssyncadd.s32 $0xFFFFFE80  }
0x1ba: {  	_ =	swait.ge [sflag:s13], $0x180  }
0x1bb: {  	s20 =	sand.u32 $0x380, s4;
	s16 =	sshra.s32 s16, $0x2;
	[sflag:s13] =	ssyncset.done $0x0  }
0x1bc: {  	s16 =	sor.u32 s20, s16;
	[sflag:s13] =	ssyncadd.s32 $0xFFFFFE80  }
0x1bd: {  	v1 =	vld [tilespmem:s16+$0x870]  }
0x1be: {  	v3 =	vld [tilespmem:s16+$0x0]  }
0x1bf: {  	v4 =	vld [tilespmem:s16+$0x10]  }
0x1c0: {  	v5 =	vld [tilespmem:s16+$0x20]  }
0x1c1: {  	v6 =	vld [tilespmem:s16+$0x30]  }
0x1c2: {  	v7 =	vld [tilespmem:s16+$0x40]  }
0x1c3: {  	v8 =	vld [tilespmem:s16+$0x50]  }
0x1c4: {  	v9 =	vld [tilespmem:s16+$0x60]  }
0x1c5: {  	v10 =	vld [tilespmem:s16+$0x70]  }
0x1c6: {  	v11 =	vld [tilespmem:s16+$0x400]  }
0x1c7: {  	v2 =	vimm.f32 $0.0e+00;
	v12 =	vld [tilespmem:s16+$0x410]  }
0x1c8: {  	v14 =	vld [tilespmem:s16+$0x420];
	v1 =	vadd.f32 v1, v2  }
0x1c9: {  	v23 =	vadd.f32 v3, v2;
	v3 =	vld [tilespmem:s16+$0x430];
	v24 =	vadd.f32 v4, v2  }
0x1ca: {  	v21 =	vadd.f32 v5, v2;
	v4 =	vld [tilespmem:s16+$0x440];
	v22 =	vadd.f32 v6, v2  }
0x1cb: {  	v19 =	vadd.f32 v7, v2;
	v5 =	vld [tilespmem:s16+$0x450];
	v20 =	vadd.f32 v8, v2  }
0x1cc: {  	v18 =	vadd.f32 v9, v2;
	v17 =	vadd.f32 v10, v2  }
0x1cd: {  	v28 =	vld [tilespmem:s16+$0x460];
	v16 =	vadd.f32 v11, v2;
	v13 =	vadd.f32 v12, v2  }
0x1ce: {  	v27 =	vld [tilespmem:s16+$0x470];
	v14 =	vadd.f32 v14, v2;
	v12 =	vimm.f32 $0.0e+00;
	v9 =	vimm.f32 $0.0e+00  }
0x1cf: {  	v25 =	vld [tilespmem:s16+$0x800];
	v8 =	vimm.f32 $0.0e+00;
	v6 =	vimm.f32 $0.0e+00;
	v15 =	vadd.f32 v3, v2  }
0x1d0: {  	v26 =	vld [tilespmem:s16+$0x810];
	v7 =	vimm.f32 $0.0e+00;
	v11 =	vadd.f32 v4, v2;
	v10 =	vadd.f32 v5, v2  }
0x1d1: {  	s19 =	simm.s32 $0x0;
	s18 =	simm.s32 $0x2;
	s17 =	simm.s32 $0x0;
	v29 =	vld [tilespmem:s16+$0x820];
	v4 =	vimm.f32 $0.0e+00;
	v5 =	vimm.f32 $0.0e+00;
	v3 =	vimm.f32 $0.0e+00  }
.LBB2_2:
0x1d2: {  	p1 =	sne.s32 s18, $0x1F;
	s19 =	smul.u32 $0x3000, s19;
	v2 =	vadd.f32 v28, v2;
	v28 =	vld [tilespmem:s16+$0x830]  }
0x1d3: {  	s17 =	sadd.s32 $0x80, s17;
	v12 =	vadd.f32 v27, v12;
	v27 =	vld [tilespmem:s16+$0x840]  }
0x1d4: {  	s20 =	sand.u32 $0x380, s17;
	s19 =	sshra.s32 s19, $0x2;
	v9 =	vadd.f32 v25, v9;
	v25 =	vld [tilespmem:s16+$0x850]  }
0x1d5: {  	v8 =	vadd.f32 v26, v8;
	v26 =	vld [tilespmem:s16+$0x860];
	s16 =	sor.u32 s20, s19  }
0x1d6: {  	v30 =	vld [tilespmem:s16+$0x870];
	v6 =	vadd.f32 v29, v6  }
0x1d7: {  	v29 =	vld [tilespmem:s16+$0x0];
	v4 =	vadd.f32 v28, v4  }
0x1d8: {  	v28 =	vld [tilespmem:s16+$0x10];
	v7 =	vadd.f32 v27, v7  }
0x1d9: {  	v27 =	vld [tilespmem:s16+$0x20];
	v5 =	vadd.f32 v25, v5  }
0x1da: {  	v25 =	vld [tilespmem:s16+$0x30];
	v3 =	vadd.f32 v26, v3  }
0x1db: {  	v26 =	vld [tilespmem:s16+$0x40];
	v1 =	vadd.f32 v30, v1  }
0x1dc: {  	v23 =	vadd.f32 v29, v23;
	v29 =	vld [tilespmem:s16+$0x50]  }
0x1dd: {  	v24 =	vadd.f32 v28, v24;
	v28 =	vld [tilespmem:s16+$0x60]  }
0x1de: {  	v21 =	vadd.f32 v27, v21;
	v27 =	vld [tilespmem:s16+$0x70]  }
0x1df: {  	v22 =	vadd.f32 v25, v22;
	v25 =	vld [tilespmem:s16+$0x400]  }
0x1e0: {  	v19 =	vadd.f32 v26, v19;
	v26 =	vld [tilespmem:s16+$0x410]  }
0x1e1: {  	v20 =	vadd.f32 v29, v20;
	v29 =	vld [tilespmem:s16+$0x420]  }
0x1e2: {  	v18 =	vadd.f32 v28, v18;
	v30 =	vld [tilespmem:s16+$0x430]  }
0x1e3: {  	v17 =	vadd.f32 v27, v17;
	v31 =	vld [tilespmem:s16+$0x440]  }
0x1e4: {  	v16 =	vadd.f32 v25, v16;
	v32 =	vld [tilespmem:s16+$0x450]  }
.Ltmp2:
0x1e5: {  	v13 =	vadd.f32 v26, v13;
	v28 =	vld [tilespmem:s16+$0x460];
	(pc) =	sbr.rel @p1 .LBB2_2-.Ltmp2, $4  }
0x1e6: {  	v14 =	vadd.f32 v29, v14;
	v27 =	vld [tilespmem:s16+$0x470]  }
0x1e7: {  	v15 =	vadd.f32 v30, v15;
	v25 =	vld [tilespmem:s16+$0x800]  }
0x1e8: {  	v11 =	vadd.f32 v31, v11;
	v26 =	vld [tilespmem:s16+$0x810]  }
0x1e9: {  	s19 =	sshrl.u32 s18, $0x3;
	s18 =	sadd.s32 $0x1, s18;
	v10 =	vadd.f32 v32, v10;
	v29 =	vld [tilespmem:s16+$0x820]  }
0x1ea: {  	s18 =	smul.u32 $0x3000, s19;
	v30 =	vld [tilespmem:s16+$0x830]  }
0x1eb: {  	v31 =	vld [tilespmem:s16+$0x840];
	s17 =	sadd.s32 $0x80, s17  }
0x1ec: {  	v32 =	vld [tilespmem:s16+$0x850];
	s17 =	sand.u32 $0x380, s17;
	s18 =	sshra.s32 s18, $0x2  }
0x1ed: {  	v33 =	vld [tilespmem:s16+$0x860];
	s17 =	sor.u32 s17, s18  }
0x1ee: {  	v34 =	vld [tilespmem:s17+$0x870]  }
0x1ef: {  	v35 =	vld [tilespmem:s17+$0x0]  }
0x1f0: {  	v36 =	vld [tilespmem:s17+$0x10]  }
0x1f1: {  	v37 =	vld [tilespmem:s17+$0x20]  }
0x1f2: {  	v38 =	vld [tilespmem:s17+$0x30]  }
0x1f3: {  	v39 =	vld [tilespmem:s17+$0x40]  }
0x1f4: {  	v40 =	vld [tilespmem:s17+$0x50]  }
0x1f5: {  	v41 =	vld [tilespmem:s17+$0x60]  }
0x1f6: {  	v42 =	vld [tilespmem:s17+$0x70]  }
0x1f7: {  	v43 =	vld [tilespmem:s17+$0x400]  }
0x1f8: {  	v44 =	vld [tilespmem:s17+$0x410]  }
0x1f9: {  	v45 =	vld [tilespmem:s17+$0x420]  }
0x1fa: {  	v46 =	vld [tilespmem:s17+$0x430]  }
0x1fb: {  	v47 =	vld [tilespmem:s17+$0x440]  }
0x1fc: {  	v48 =	vld [tilespmem:s17+$0x450]  }
0x1fd: {  	v49 =	vld [tilespmem:s17+$0x460]  }
0x1fe: {  	v50 =	vld [tilespmem:s17+$0x470]  }
0x1ff: {  	v51 =	vld [tilespmem:s17+$0x800]  }
0x200: {  	v52 =	vld [tilespmem:s17+$0x810]  }
0x201: {  	v53 =	vld [tilespmem:s17+$0x820]  }
0x202: {  	v54 =	vld [tilespmem:s17+$0x830]  }
0x203: {  	v55 =	vld [tilespmem:s17+$0x840];
	v23 =	vadd.f32 v35, v23  }
0x204: {  	v59 =	vld [tilespmem:s17+$0x850];
	v24 =	vadd.f32 v36, v24  }
0x205: {  	v60 =	vld [tilespmem:s17+$0x860];
	v21 =	vadd.f32 v37, v21;
	[tilespmem:$0x3000] =	vst v23  }
0x206: {  	v22 =	vadd.f32 v38, v22;
	[tilespmem:$0x3010] =	vst v24  }
0x207: {  	v19 =	vadd.f32 v39, v19;
	[tilespmem:$0x3020] =	vst v21  }
0x208: {  	v20 =	vadd.f32 v40, v20;
	[tilespmem:$0x3030] =	vst v22  }
0x209: {  	v18 =	vadd.f32 v41, v18;
	[tilespmem:$0x3040] =	vst v19  }
0x20a: {  	v17 =	vadd.f32 v42, v17;
	[tilespmem:$0x3050] =	vst v20  }
0x20b: {  	v16 =	vadd.f32 v43, v16;
	[tilespmem:$0x3060] =	vst v18  }
0x20c: {  	v13 =	vadd.f32 v44, v13;
	[tilespmem:$0x3070] =	vst v17  }
0x20d: {  	v14 =	vadd.f32 v45, v14;
	[tilespmem:$0x3080] =	vst v16  }
0x20e: {  	v15 =	vadd.f32 v46, v15;
	[tilespmem:$0x3090] =	vst v13  }
0x20f: {  	v2 =	vadd.f32 v28, v2;
	v11 =	vadd.f32 v47, v11;
	[tilespmem:$0x30A0] =	vst v14  }
0x210: {  	v12 =	vadd.f32 v27, v12;
	v10 =	vadd.f32 v48, v10;
	[tilespmem:$0x30B0] =	vst v15  }
0x211: {  	v9 =	vadd.f32 v25, v9;
	v2 =	vadd.f32 v49, v2;
	[tilespmem:$0x30C0] =	vst v11  }
0x212: {  	v8 =	vadd.f32 v26, v8;
	v61 =	vadd.f32 v50, v12;
	[tilespmem:$0x30D0] =	vst v10  }
0x213: {  	v6 =	vadd.f32 v29, v6;
	v9 =	vadd.f32 v51, v9;
	[tilespmem:$0x30E0] =	vst v2  }
0x214: {  	v7 =	vadd.f32 v31, v7;
	v62 =	vadd.f32 v52, v8;
	[tilespmem:$0x30F0] =	vst v61  }
0x215: {  	v5 =	vadd.f32 v32, v5;
	v6 =	vadd.f32 v53, v6;
	[tilespmem:$0x3100] =	vst v9  }
0x216: {  	v63 =	vadd.f32 v55, v7;
	v2 =	vadd.f32 v30, v4;
	[tilespmem:$0x3110] =	vst v62  }
0x217: {  	v5 =	vadd.f32 v59, v5;
	[tilespmem:$0x3120] =	vst v6  }
0x218: {  	v3 =	vadd.f32 v33, v3;
	[tilespmem:$0x3140] =	vst v63;
	v2 =	vadd.f32 v54, v2  }
0x219: {  	v1 =	vadd.f32 v34, v1;
	[tilespmem:$0x3150] =	vst v5  }
0x21a: {  	[tilespmem:$0x3130] =	vst v2;
	v2 =	vadd.f32 v60, v3  }
0x21b: {  	[tilespmem:$0x3170] =	vst v1  }
0x21c: {  	s20 =	simm.s32 $0x3000;
	[tilespmem:$0x3160] =	vst v2  }
0x21d: {  	[spmem:s2] =	stream.linear.scatter [tilespmem:s20], [sflag:$0x2], $0x180, $0x38;
	[tilespmem:$0x4B80] =	vst v63  }
.Ltmp3:
0x21e: {  	_ =	swait.ge [sflag:s14], $0x180;
	(pc) =	sbr.rel @p0 .LBB2_7-.Ltmp3, $3  }
0x21f: {  	[sflag:s14] =	ssyncset.done $0x0  }
0x220: {  	[sflag:s14] =	ssyncadd.s32 $0xFFFFFE80  }
0x221: {  	[bflag:$0x0] =	sbarrier.arrive $0xFFFF;
	_ =	sdelay $0x1  }
0x222: {  	s16 =	rddreg [dreg:$0x2];
	s17 =	simm.s32 $0x3180  }
0x223: {  	[tilespmem:s17], [sflag:$0x2] =	stream.linear.gather [spmem:s16], $0x1800, $0x38;
	[tilespmem:$0x4B80] =	vst v63  }
0x224: {  	_ =	swait.ge [sflag:s14], $0x1800  }
0x225: {  	[sflag:s14] =	ssyncset.done $0x0  }
0x226: {  	[sflag:s14] =	ssyncadd.s32 $0xFFFFE800  }
0x227: {  	v1 =	vld [tilespmem:$0x4290];
	_ =	sdelay $0x4  }
0x228: {  	(xrf2) =	vadd.scan.msk.f32 $0xffff, v1;
	_ =	sdelay $0x5  }
0x229: {  	s19 =	simm.s32 $0x0  }
0x22a: {  	v2 =	vld [tilespmem:s19+$0x39F0];
	_ =	sdelay $0x2  }
0x22b: {  	v1, _, _ =	vpop (xrf2)  }
0x22c: {  	(v2sf) =	vpush v1, $0xF  }
0x22d: {  	(xrf2) =	vadd.scan.msk.f32 $0xffff, v2;
	v1 =	vperm.xlane v2, v0;
	_ =	sdelay $0x1  }
0x22e: {  	(xrf2) =	vadd.scan.msk.f32 $0xffff, v1;
	_ =	sdelay $0x3  }
0x22f: {  	s20 =	simm.s32 $0xFFFFFFF0  }
0x230: {  	v3 =	vld [tilespmem:s20+$0x39F0];
	_ =	sdelay $0x2  }
0x231: {  	v1, _, _ =	vpop (xrf2)  }
0x232: {  	v4 =	vmax.f32 v2, $1.000000000e+00;
	(v2sf) =	vpush v1, $0xF  }
0x233: {  	(erf) = vrcp.f32 v4;
	(xrf2) =	vadd.scan.msk.f32 $0xffff, v3;
	v1, _, _ =	vpop (xrf2)  }
0x234: {  	v1 =	vperm.xlane v1, v0  }
0x235: {  	s17 =	simm.f32 $0.0e+00;
	v4 =	vperm.xlane v3, v0;
	s16 =	spop (v2sf)  }
0x236: {  	s7 =	smov.u32 s6;
	s6 =	smov.u32 s5;
	v1 =	vadd.f32 s17, v1;
	s18 =	ssub.f32 $8.388608000e+06, s16  }
0x237: {  	s5 =	smov.u32 s3;
	s3 =	smov.u32 s28;
	s28 =	simm.s32 $0xFFFFFFE0;
	(xrf2) =	vadd.scan.msk.f32 $0xffff, v4  }
0x238: {  	v5 =	vld [tilespmem:s28+$0x39F0];
	v4 =	vsub.f32 v1, v2;
	s18 =	smin.f32 s18, s16  }
0x239: {  	v1 =	vmov s18  }
0x23a: {  	v4 =	vsub.f32 v1, v4  }
0x23b: {  	v6 =	vld [tilespmem:s19+$0x4270]  }
0x23c: {  	v8 =	vpop (erf);
	v4 =	vmax.f32 v4, $0.0e+00  }
0x23d: {  	v7, _, _ =	vpop (xrf2);
	(xrf2) =	vadd.scan.msk.f32 $0xffff, v5;
	v2 =	vmin.f32 v2, v4;
	v4 =	vperm.xlane v5, v0  }
0x23e: {  	(v2sf) =	vpush v7, $0xF;
	v2 =	vmul.f32 v2, v8;
	_ =	sdelay $0x1  }
0x23f: {  	v2 =	vmul.f32 v2, v6  }
0x240: {  	s31 =	smov.u32 s23;
	v7 =	vmax.f32 v3, $1.000000000e+00;
	s23 =	spop (v2sf);
	(xrf2) =	vadd.scan.msk.f32 $0xffff, v4;
	v4, _, _ =	vpop (xrf2)  }
0x241: {  	s1 =	smov.u32 s24;
	(erf) = vrcp.f32 v7;
	s24 =	sadd.f32 s23, s17;
	(xrf2) =	vadd.scan.msk.f32 $0xffff, v2;
	v2 =	vperm.xlane v4, v0;
	_ =	sdelay $0x1  }
0x242: {  	v4 =	vadd.f32 s24, v2  }
0x243: {  	s19 =	simm.s32 $0xFFFFFFD0  }
0x244: {  	v2 =	vld [tilespmem:s19+$0x39F0];
	v4 =	vsub.f32 v4, v3  }
0x245: {  	v7, _, _ =	vpop (xrf2)  }
0x246: {  	(v2sf) =	vpush v7, $0xF;
	v4 =	vsub.f32 v1, v4  }
0x247: {  	(xrf2) =	vadd.scan.msk.f32 $0xffff, v6  }
0x248: {  	v4 =	vmax.f32 v4, $0.0e+00  }
0x249: {  	v8 =	vpop (erf);
	v7 =	vld [tilespmem:s20+$0x4270];
	v9 =	vperm.xlane v2, v0  }
0x24a: {  	v6, _, _ =	vpop (xrf2);
	(xrf2) =	vadd.scan.msk.f32 $0xffff, v2  }
0x24b: {  	s0 =	smov.u32 s25;
	s25 =	spop (v2sf);
	v3 =	vmin.f32 v3, v4;
	(xrf2) =	vadd.scan.msk.f32 $0xffff, v9;
	v4, _, _ =	vpop (xrf2)  }
0x24c: {  	s20 =	sadd.f32 s25, s24;
	v3 =	vmul.f32 v3, v8;
	(v2sf) =	vpush v4, $0xF;
	v4 =	vperm.xlane v6, v0  }
0x24d: {  	v10 =	vmax.f32 v5, $1.000000000e+00  }
0x24e: {  	(erf) = vrcp.f32 v10;
	v3 =	vmul.f32 v3, v7;
	v4 =	vadd.f32 s20, v4;
	_ =	sdelay $0x1  }
0x24f: {  	s8 =	smov.u32 s29;
	s29 =	smov.u32 s21;
	s21 =	simm.s32 $0xFFFFFFC0;
	(xrf2) =	vadd.scan.msk.f32 $0xffff, v3;
	v4 =	vsub.f32 v4, v5  }
0x250: {  	v6, _, _ =	vpop (xrf2);
	v3 =	vld [tilespmem:s21+$0x39F0]  }
0x251: {  	(v2sf) =	vpush v6, $0xF;
	v4 =	vsub.f32 v1, v4;
	_ =	sdelay $0x1  }
0x252: {  	s12 =	smov.u32 s11;
	s11 =	smov.u32 s10;
	(xrf2) =	vadd.scan.msk.f32 $0xffff, v7;
	v8, _, _ =	vpop (xrf2);
	v4 =	vmax.f32 v4, $0.0e+00  }
0x253: {  	s10 =	smov.u32 s9;
	s2 =	smov.u32 s26;
	v7 =	vld [tilespmem:s28+$0x4270];
	s26 =	spop (v2sf);
	v4 =	vmin.f32 v5, v4;
	v5, _, _ =	vpop (xrf2)  }
0x254: {  	s9 =	smov.u32 s30;
	s30 =	smov.u32 s22;
	s22 =	sadd.f32 s26, s20;
	(v2sf) =	vpush v8, $0xF;
	(xrf2) =	vadd.scan.msk.f32 $0xffff, v3;
	v5 =	vperm.xlane v5, v0  }
0x255: {  	v61 =	vpop (erf);
	v62 =	vperm.xlane v3, v0  }
0x256: {  	v4 =	vmul.f32 v4, v61;
	v63 =	vadd.f32 s22, v5;
	v5 =	vmax.f32 v2, $1.000000000e+00  }
0x257: {  	(xrf2) =	vadd.scan.msk.f32 $0xffff, v62;
	(erf) = vrcp.f32 v5  }
0x258: {  	v6 =	vmul.f32 v4, v7;
	v8, _, _ =	vpop (xrf2)  }
0x259: {  	(v2sf) =	vpush v8, $0xF  }
0x25a: {  	s23 =	simm.s32 $0xFFFFFFB0;
	(xrf2) =	vadd.scan.msk.f32 $0xffff, v6  }
0x25b: {  	v5 =	vld [tilespmem:s23+$0x39F0]  }
0x25c: {  	v8, _, _ =	vpop (xrf2);
	v6 =	vsub.f32 v63, v2;
	s28 =	spop (v2sf)  }
0x25d: {  	s24 =	simm.s32 $0xFFFFFE80;
	v4 =	vld [tilespmem:$0x4280];
	(v2sf) =	vpush v8, $0xF;
	(xrf2) =	vadd.scan.msk.f32 $0xffff, v7;
	s20 =	sadd.f32 s28, s17  }
.LBB2_5:
0x25e: {  	p1 =	sne.s32 s24, $0xFFFFDE40;
	v7, _, _ =	vpop (xrf2);
	v6 =	vsub.f32 v1, v6  }
0x25f: {  	v8 =	vld [tilespmem:s19+$0x4270];
	s25 =	spop (v2sf);
	s19 =	smov.u32 s21;
	s21 =	smov.u32 s23  }
0x260: {  	(xrf2) =	vadd.scan.msk.f32 $0xffff, v5;
	(v2sf) =	vpush v7, $0xF;
	v6 =	vmax.f32 v6, $0.0e+00;
	v7 =	vpop (erf);
	s17 =	sadd.f32 s25, s17  }
0x261: {  	v9 =	vperm.xlane v5, v0;
	v10, _, _ =	vpop (xrf2);
	v6 =	vmin.f32 v2, v6;
	v2 =	vmov v3  }
0x262: {  	v3 =	vmov v5;
	v11 =	vmax.f32 v2, $1.000000000e+00;
	v6 =	vmul.f32 v6, v7  }
0x263: {  	(xrf2) =	vadd.scan.msk.f32 $0xffff, v9;
	(erf) = vrcp.f32 v11;
	s23 =	spop (v2sf)  }
0x264: {  	v5 =	vperm.xlane v10, v0;
	v6 =	vmul.f32 v6, v8;
	s22 =	sadd.f32 s23, s22;
	v7, _, _ =	vpop (xrf2)  }
.Ltmp4:
0x265: {  	(v2sf) =	vpush v7, $0xF;
	(pc) =	sbr.rel @p1 .LBB2_5-.Ltmp4, $4  }
0x266: {  	s23 =	sshra.s32 s24, $0x2;
	v7 =	vadd.f32 s22, v5;
	(xrf2) =	vadd.scan.msk.f32 $0xffff, v6  }
0x267: {  	v5 =	vld [tilespmem:s23+$0x39F0];
	v9, _, _ =	vpop (xrf2)  }
0x268: {  	v6 =	vsub.f32 v7, v2;
	(v2sf) =	vpush v9, $0xF;
	s25 =	spop (v2sf)  }
0x269: {  	s24 =	sadd.s32 $0xFFFFFFC0, s24;
	(xrf2) =	vadd.scan.msk.f32 $0xffff, v8;
	s20 =	sadd.f32 s25, s20  }
.Ltmp5:
0x26a: {  	_ = 	snop;
	(pc) =	sbr.rel .LBB2_6-.Ltmp5, $1  }
0x26b: {  	_ =	sdelay $0x3  }
.LBB2_8:
0x26c: {  	_ =	sfence.sel $0x180000  }
0x26d: {  	[bflag:$0x0] =	sbarrier.arrive $0xFFFF  }
0x26e: {  	_ =	strace $0x9000004A  }
0x26f: {  	s0 =	stileid.u32;
	[bflag:$0x2] =	sbarrier.arrive $0xFFFF  }
0x270: {  	p0 =	sne.s32 s0, $0x0;
	s0 =	rddreg [dreg:$0x3]  }
0x271: {  	s0 =	sadd.s32 @!p0 $0x100000, s0  }
0x272: {  	[sflag:s0] =	ssyncadd.tile.s32 @!p0 $0x1;
	_ =	shalt  }
.Lfunc_end2:
_tile_overlayer_lowered:
.L_overlay_start_2:
0x273: {  	(tag) =	ssettag $0x2  }
0x274: {  	s0 =	rddreg [dreg:$0x0];
	s2 =	stileid.u32  }
0x275: {  	s1 =	rddreg [dreg:$0x1];
	p0 =	sne.s32 s2, $0x0  }
0x276: {  	s3 =	rddreg [dreg:$0x2];
	[bflag:$0x3] =	sbarrier.arrive $0xFFFF;
	s2 =	simm.s32 @!p0 $0x1C02  }
0x277: {  	[timem:s3], [sflag:s2] =	dma.local @!p0 [hbm:s0], s1  }
0x278: {  	s0 =	simm.s32 @!p0 $0x2  }
0x279: {  	_ =	swait.ge @!p0 [sflag:s0], s1  }
0x27a: {  	s1 =	ssub.s32 @!p0 $0x0, s1;
	[sflag:s0] =	ssyncset.done @!p0 $0x0  }
0x27b: {  	[sflag:s0] =	ssyncadd.s32 @!p0 s1  }
0x27c: {  	[bflag:$0x3] =	sbarrier.arrive $0xFFFF  }
0x27d: {  	_ =	shalt  }

</sc_bundles>
